<compile_context>
chip_gen: v7x
topology: tpu7x:2x2x1
jax: 0.10.2.dev20260603
libtpu: 0.0.44.dev20260713+nightly
codegen_flags: <defaults>
</compile_context>

<pallas_src>
import functools

import jax
import jax.numpy as jnp
from jax import lax
from jax.experimental import pallas as pl
from jax.experimental.pallas import tpu as pltpu
from jax.experimental.pallas import tpu_sc as plsc

N = 10000
E = 320000
D = 128
NC = 2
NS = 16
NW = NC * NS
EPW = E // NW
K = 80
NCHUNK = EPW // K
RPT = 624
RREM = N - NS * RPT
CW = 128
CPR = 25
NRF = NCHUNK // CPR

_mesh = plsc.VectorSubcoreMesh(core_axis_name="c", subcore_axis_name="s")


def _lane_perm(v, idx):
    return lax.gather(
        v, idx[:, None],
        lax.GatherDimensionNumbers(offset_dims=(), collapsed_slice_dims=(0,),
                                   start_index_map=(0,)),
        slice_sizes=(1,),
        mode=lax.GatherScatterMode.PROMISE_IN_BOUNDS)


def _seg_body(h_hbm, src_hbm, dst_hbm, z_hbm, parts_out,
              src_v, dst_v, rows, sem0, acc_sh):
    cid = lax.axis_index("c")
    sid = lax.axis_index("s")
    wid = sid * NC + cid
    r0 = sid * RPT

    def _rowcopy(src_mem, dst_mem):
        pltpu.sync_copy(src_mem.at[pl.ds(r0, RPT)], dst_mem.at[pl.ds(r0, RPT)])

        @pl.when(sid == NS - 1)
        def _():
            pltpu.sync_copy(src_mem.at[pl.ds(NS * RPT, RREM)],
                            dst_mem.at[pl.ds(NS * RPT, RREM)])

    _rowcopy(z_hbm, acc_sh)
    plsc.subcore_barrier()

    @pl.loop(0, NCHUNK + 1)
    def _chunk(i):
        @pl.when(i < NCHUNK)
        def _start():
            @pl.when(i % CPR == 0)
            def _():
                pltpu.sync_copy(src_hbm.at[wid, i // CPR], src_v)

            pltpu.async_copy(h_hbm.at[src_v.at[i % CPR]], rows.at[i % 2], sem0)

        @pl.when(i > 0)
        def _drain():
            j = i - 1

            @pl.when(j % CPR == 0)
            def _():
                pltpu.sync_copy(dst_hbm.at[wid, j // CPR], dst_v)

            pltpu.make_async_copy(h_hbm.at[src_v.at[j % CPR]],
                                  rows.at[j % 2], sem0).wait()
            pltpu.sync_copy(rows.at[j % 2], acc_sh.at[dst_v.at[j % CPR]],
                            add=True)

    plsc.subcore_barrier()
    _rowcopy(acc_sh, parts_out.at[cid])


_seg_sum = functools.partial(
    pl.kernel,
    _seg_body,
    out_type=jax.ShapeDtypeStruct((NC, N, D), jnp.float32),
    mesh=_mesh,
    scratch_types=[
        pltpu.VMEM((CPR, K), jnp.int32),
        pltpu.VMEM((CPR, K), jnp.int32),
        pltpu.VMEM((2, K, D), jnp.float32),
        pltpu.SemaphoreType.DMA,
        pltpu.VMEM_SHARED((N, D), jnp.float32),
    ],
)()


def _cnt_body(dst_hbm, zc_hbm, ones_hbm, cnt_out,
              dst_v, ones_v, cnt_sh):
    cid = lax.axis_index("c")
    sid = lax.axis_index("s")
    wid = sid * NC + cid
    r0 = sid * RPT

    def _rowcopy(src_mem, dst_mem):
        pltpu.sync_copy(src_mem.at[pl.ds(r0, RPT)], dst_mem.at[pl.ds(r0, RPT)])

        @pl.when(sid == NS - 1)
        def _():
            pltpu.sync_copy(src_mem.at[pl.ds(NS * RPT, RREM)],
                            dst_mem.at[pl.ds(NS * RPT, RREM)])

    _rowcopy(zc_hbm, cnt_sh)
    pltpu.sync_copy(dst_hbm.at[wid], dst_v)
    pltpu.sync_copy(ones_hbm, ones_v)
    plsc.subcore_barrier()

    @pl.loop(0, NCHUNK)
    def _chunk(i):
        pltpu.sync_copy(ones_v, cnt_sh.at[dst_v.at[i]], add=True)

    plsc.subcore_barrier()
    _rowcopy(cnt_sh, cnt_out.at[cid])


_cnt_sum = functools.partial(
    pl.kernel,
    _cnt_body,
    out_type=jax.ShapeDtypeStruct((NC, N, CW), jnp.float32),
    mesh=_mesh,
    scratch_types=[
        pltpu.VMEM((NCHUNK, K), jnp.int32),
        pltpu.VMEM((K, CW), jnp.float32),
        pltpu.VMEM_SHARED((N, CW), jnp.float32),
    ],
)()


BN = 400


def _tc_layer_body(p_ref, c_ref, h_ref, wl_ref, bl_ref, wr_ref, o_ref):
    cnt = c_ref[0, :, 0:1] + c_ref[1, :, 0:1]
    aggr = (p_ref[0] + p_ref[1]) / jnp.maximum(cnt, 1.0)
    o_ref[...] = jnp.maximum(
        jnp.dot(aggr, wl_ref[...], preferred_element_type=jnp.float32)
        + bl_ref[...]
        + jnp.dot(h_ref[...], wr_ref[...], preferred_element_type=jnp.float32),
        0.0)


def _tc_layer(parts, cnt_parts, h, WlT, bl, WrT):
    return pl.pallas_call(
        _tc_layer_body,
        grid=(N // BN,),
        in_specs=[
            pl.BlockSpec((NC, BN, D), lambda i: (0, i, 0)),
            pl.BlockSpec((NC, BN, CW), lambda i: (0, i, 0)),
            pl.BlockSpec((BN, D), lambda i: (i, 0)),
            pl.BlockSpec((D, D), lambda i: (0, 0)),
            pl.BlockSpec((1, D), lambda i: (0, 0)),
            pl.BlockSpec((D, D), lambda i: (0, 0)),
        ],
        out_specs=pl.BlockSpec((BN, D), lambda i: (i, 0)),
        out_shape=jax.ShapeDtypeStruct((N, D), jnp.float32),
    )(parts, cnt_parts, h, WlT, bl, WrT)


def _tc_final_body(p_ref, c_ref, h_ref, wl_ref, bl_ref, wr_ref,
                   w1a_ref, w1b_ref, b1_ref, a_ref, b_ref):
    cnt = c_ref[0, :, 0:1] + c_ref[1, :, 0:1]
    aggr = (p_ref[0] + p_ref[1]) / jnp.maximum(cnt, 1.0)
    h3 = jnp.maximum(
        jnp.dot(aggr, wl_ref[...], preferred_element_type=jnp.float32)
        + bl_ref[...]
        + jnp.dot(h_ref[...], wr_ref[...], preferred_element_type=jnp.float32),
        0.0)
    a_ref[...] = jnp.dot(h3, w1a_ref[...], preferred_element_type=jnp.float32) + b1_ref[...]
    b_ref[...] = jnp.dot(h3, w1b_ref[...], preferred_element_type=jnp.float32)


def _tc_final(parts, cnt_parts, h, WlT, bl, WrT, W1aT, W1bT, b1):
    return pl.pallas_call(
        _tc_final_body,
        grid=(N // BN,),
        in_specs=[
            pl.BlockSpec((NC, BN, D), lambda i: (0, i, 0)),
            pl.BlockSpec((NC, BN, CW), lambda i: (0, i, 0)),
            pl.BlockSpec((BN, D), lambda i: (i, 0)),
            pl.BlockSpec((D, D), lambda i: (0, 0)),
            pl.BlockSpec((1, D), lambda i: (0, 0)),
            pl.BlockSpec((D, D), lambda i: (0, 0)),
            pl.BlockSpec((D, D), lambda i: (0, 0)),
            pl.BlockSpec((D, D), lambda i: (0, 0)),
            pl.BlockSpec((1, D), lambda i: (0, 0)),
        ],
        out_specs=[pl.BlockSpec((BN, D), lambda i: (i, 0)),
                   pl.BlockSpec((BN, D), lambda i: (i, 0))],
        out_shape=[jax.ShapeDtypeStruct((N, D), jnp.float32),
                   jax.ShapeDtypeStruct((N, D), jnp.float32)],
    )(parts, cnt_parts, h, WlT, bl, WrT, W1aT, W1bT, b1)


def _edge_body(a_hbm, b_hbm, src_hbm, dst_hbm, w2_hbm, b2_hbm, out_hbm,
               src_v, dst_v, a0, b0, a1, b1, w2_v, b2_v, out_v,
               sa0, sb0, sa1, sb1):
    cid = lax.axis_index("c")
    sid = lax.axis_index("s")
    wid = sid * NC + cid
    pltpu.sync_copy(src_hbm.at[wid], src_v)
    pltpu.sync_copy(dst_hbm.at[wid], dst_v)
    pltpu.sync_copy(w2_hbm, w2_v)
    pltpu.sync_copy(b2_hbm, b2_v)
    w2r = [w2_v[pl.ds(k * 16, 16)] for k in range(D // 16)]
    lane = lax.iota(jnp.int32, 16)
    pltpu.async_copy(a_hbm.at[src_v.at[0]], a0, sa0)
    pltpu.async_copy(b_hbm.at[dst_v.at[0]], b0, sb0)

    @pl.loop(0, NCHUNK)
    def _chunk(c):
        def _step(ar, br, sa, sb, oa, ob, osa, osb):
            pltpu.make_async_copy(a_hbm.at[src_v.at[c]], ar, sa).wait()
            pltpu.make_async_copy(b_hbm.at[dst_v.at[c]], br, sb).wait()

            @pl.when(c + 1 < NCHUNK)
            def _():
                pltpu.async_copy(a_hbm.at[src_v.at[c + 1]], oa, osa)
                pltpu.async_copy(b_hbm.at[dst_v.at[c + 1]], ob, osb)

            for g in range(K // 16):
                def _edge(j, acc):
                    e = g * 16 + j
                    t = jnp.zeros((16,), jnp.float32)
                    for k in range(D // 16):
                        av = ar[e, pl.ds(k * 16, 16)]
                        bv = br[e, pl.ds(k * 16, 16)]
                        t = t + jnp.maximum(av + bv, 0.0) * w2r[k]
                    for sh in (8, 4, 2, 1):
                        t = t + _lane_perm(t, jnp.bitwise_xor(lane, sh))
                    return jnp.where(lane == j, t, acc)

                acc = lax.fori_loop(0, 16, _edge, jnp.zeros((16,), jnp.float32))
                out_v[pl.ds(c * K + g * 16, 16)] = acc + b2_v[...]

        @pl.when(c % 2 == 0)
        def _even():
            _step(a0, b0, sa0, sb0, a1, b1, sa1, sb1)

        @pl.when(c % 2 == 1)
        def _odd():
            _step(a1, b1, sa1, sb1, a0, b0, sa0, sb0)

    pltpu.sync_copy(out_v, out_hbm.at[pl.ds(wid * EPW, EPW)])


_edge_mlp = functools.partial(
    pl.kernel,
    _edge_body,
    out_type=jax.ShapeDtypeStruct((E,), jnp.float32),
    mesh=_mesh,
    scratch_types=[
        pltpu.VMEM((NCHUNK, K), jnp.int32),
        pltpu.VMEM((NCHUNK, K), jnp.int32),
        pltpu.VMEM((K, D), jnp.float32),
        pltpu.VMEM((K, D), jnp.float32),
        pltpu.VMEM((K, D), jnp.float32),
        pltpu.VMEM((K, D), jnp.float32),
        pltpu.VMEM((D,), jnp.float32),
        pltpu.VMEM((16,), jnp.float32),
        pltpu.VMEM((EPW,), jnp.float32),
        pltpu.SemaphoreType.DMA,
        pltpu.SemaphoreType.DMA,
        pltpu.SemaphoreType.DMA,
        pltpu.SemaphoreType.DMA,
    ],
)()


def kernel(x, edge_index, Wl0, bl0, Wr0, Wl1, bl1, Wr1, Wl2, bl2, Wr2, W1, b1, W2, b2):
    src = edge_index[0].reshape(NW, NCHUNK, K)
    dst = edge_index[1].reshape(NW, NCHUNK, K)
    src4 = edge_index[0].reshape(NW, NRF, CPR, K)
    dst4 = edge_index[1].reshape(NW, NRF, CPR, K)
    z = jnp.zeros((N, D), jnp.float32)
    zc = jnp.zeros((N, CW), jnp.float32)
    ones = jnp.ones((K, CW), jnp.float32)

    cnt_parts = _cnt_sum(dst, zc, ones)
    parts0 = _seg_sum(x, src4, dst4, z)
    h1 = _tc_layer(parts0, cnt_parts, x, Wl0.T, bl0.reshape(1, D), Wr0.T)
    parts1 = _seg_sum(h1, src4, dst4, z)
    h2 = _tc_layer(parts1, cnt_parts, h1, Wl1.T, bl1.reshape(1, D), Wr1.T)
    parts2 = _seg_sum(h2, src4, dst4, z)
    W1T = W1.T
    A, B = _tc_final(parts2, cnt_parts, h2, Wl2.T, bl2.reshape(1, D), Wr2.T,
                     W1T[:D], W1T[D:], b1.reshape(1, D))
    out = _edge_mlp(A, B, src, dst, W2.reshape(D), jnp.broadcast_to(b2, (16,)))
    return out

# --- scband reference (transcript-rebuilt; emitter-appended) ---
"""Pipeline reference for scband-travel-time-gnn-40355512714128 (READ-ONLY COPY).

The authoritative reference and input builder live on the scoring server;
editing this copy changes nothing except your own understanding.
"""

import jax, jax.numpy as jnp
import numpy as np

N = 10000
E = 320000
D = 128
H = 128

def _init(key, shape, fan_in):
    return jax.random.normal(key, shape, jnp.float32) * (1.0 / np.sqrt(fan_in))

def setup_inputs(seed: int = 0):
    key = jax.random.key(seed)
    ks = jax.random.split(key, 16)
    inp = {}
    inp["x"] = jax.random.normal(ks[0], (N, D), jnp.float32)
    inp["edge_index"] = jax.random.randint(ks[1], (2, E), 0, N, jnp.int32)
    inp["Wl0"] = _init(ks[2], (H, D), D); inp["bl0"] = jnp.zeros((H,), jnp.float32); inp["Wr0"] = _init(ks[3], (H, D), D)
    inp["Wl1"] = _init(ks[4], (H, H), H); inp["bl1"] = jnp.zeros((H,), jnp.float32); inp["Wr1"] = _init(ks[5], (H, H), H)
    inp["Wl2"] = _init(ks[6], (H, H), H); inp["bl2"] = jnp.zeros((H,), jnp.float32); inp["Wr2"] = _init(ks[7], (H, H), H)
    inp["W1"] = _init(ks[8], (H, 2 * H), 2 * H); inp["b1"] = jnp.zeros((H,), jnp.float32)
    inp["W2"] = _init(ks[9], (1, H), H); inp["b2"] = jnp.zeros((1,), jnp.float32)
    return inp

def _sage(x, src, dst, Wl, bl, Wr):
    n = x.shape[0]
    msg = jnp.take(x, src, axis=0)
    aggr = jax.ops.segment_sum(msg, dst, num_segments=n)
    cnt = jax.ops.segment_sum(jnp.ones((src.shape[0],), x.dtype), dst, num_segments=n)
    aggr = aggr / jnp.clip(cnt, 1.0)[:, None]
    return aggr @ Wl.T + bl + x @ Wr.T

def reference(x, edge_index, Wl0, bl0, Wr0, Wl1, bl1, Wr1, Wl2, bl2, Wr2, W1, b1, W2, b2):
    src = edge_index[0]
    dst = edge_index[1]
    h = jax.nn.relu(_sage(x, src, dst, Wl0, bl0, Wr0))
    h = jax.nn.relu(_sage(h, src, dst, Wl1, bl1, Wr1))
    h = jax.nn.relu(_sage(h, src, dst, Wl2, bl2, Wr2))
    ef = jnp.concatenate([jnp.take(h, src, axis=0), jnp.take(h, dst, axis=0)], axis=-1)
    hmid = jax.nn.relu(ef @ W1.T + b1)
    out = hmid @ W2.T + b2
    return jnp.squeeze(out, -1)

if __name__ == "__main__":
    import jax
    _d = setup_inputs()
    print(jax.jit(kernel)(*tuple(_d.values())))

</pallas_src>

<mosaic_0001>
#map = affine_map<(d0, d1) -> (0, 0, 0)>
#map1 = affine_map<(d0, d1) -> (0, 0)>
module attributes {stable_mosaic.version = 14 : i64} {
  func.func @_cnt_body(%arg0: i32, %arg1: i32, %arg2: memref<32x125x80xi32, #tpu.memory_space<hbm>>, %arg3: memref<10000x128xf32, #tpu.memory_space<hbm>>, %arg4: memref<80x128xf32, #tpu.memory_space<hbm>>, %arg5: memref<2x10000x128xf32, #tpu.memory_space<hbm>>, %arg6: memref<125x80xi32, #tpu.memory_space<vmem>>, %arg7: memref<80x128xf32, #tpu.memory_space<vmem>>, %arg8: memref<10000x128xf32, #tpu.memory_space<vmem_shared>>) attributes {dimension_semantics = [#tpu.dimension_semantics<core_parallel>, #tpu.dimension_semantics<subcore_parallel>], iteration_bounds = array<i64: 2, 16>, scalar_prefetch = 0 : i64, scratch_operands = 3 : i64, tpu.core_type = #tpu.core_type<sc_vector_subcore>, window_params = [{transform_indices = #map}, {transform_indices = #map1}, {transform_indices = #map1}, {transform_indices = #map}]} {
    %mul3A = arith.constant 2 : i32
    %mul3A_0 = arith.muli %arg1, %mul3A : i32
    %add3A = arith.addi %mul3A_0, %arg0 : i32
    %mul3A_1 = arith.constant 624 : i32
    %mul3A_2 = arith.muli %arg1, %mul3A_1 : i32
    "tpu.region"() ({
      %run_scoped3A = tpu.sem_alloc : memref<!tpu.dma_semaphore, #tpu.memory_space<semaphore_mem>>
      %dma_start3A = arith.constant 0 : i32
      %dma_start3A_15 = tpu.memref_slice %arg8[%mul3A_2, %dma_start3A] : memref<10000x128xf32, #tpu.memory_space<vmem_shared>> -> memref<624x128xf32, #tpu.memory_space<vmem_shared>>
      %dma_start3A_16 = arith.constant 0 : i32
      %dma_start3A_17 = tpu.memref_slice %arg3[%mul3A_2, %dma_start3A_16] : memref<10000x128xf32, #tpu.memory_space<hbm>> -> memref<624x128xf32, #tpu.memory_space<hbm>>
      tpu.enqueue_dma source(%dma_start3A_17 : memref<624x128xf32, #tpu.memory_space<hbm>>) target(%dma_start3A_15 : memref<624x128xf32, #tpu.memory_space<vmem_shared>>) target_semaphore(%run_scoped3A : memref<!tpu.dma_semaphore, #tpu.memory_space<semaphore_mem>>)
      %dma_wait3A = arith.constant 0 : i32
      %dma_wait3A_18 = tpu.memref_slice %arg8[%mul3A_2, %dma_wait3A] : memref<10000x128xf32, #tpu.memory_space<vmem_shared>> -> memref<624x128xf32, #tpu.memory_space<vmem_shared>>
      %dma_wait3A_19 = arith.constant 0 : i32
      %dma_wait3A_20 = tpu.memref_slice %arg3[%mul3A_2, %dma_wait3A_19] : memref<10000x128xf32, #tpu.memory_space<hbm>> -> memref<624x128xf32, #tpu.memory_space<hbm>>
      tpu.wait_dma2 semaphore(%run_scoped3A : memref<!tpu.dma_semaphore, #tpu.memory_space<semaphore_mem>>) src(%dma_wait3A_20 : memref<624x128xf32, #tpu.memory_space<hbm>>) dst(%dma_wait3A_18 : memref<624x128xf32, #tpu.memory_space<vmem_shared>>)
      tpu.yield
    }) : () -> ()
    %eq3A = arith.constant 15 : i32
    %eq3A_3 = arith.cmpi eq, %arg1, %eq3A : i32
    %convert_element_type3A = arith.extui %eq3A_3 : i1 to i32
    %cond3A = arith.constant 0 : i32
    %cond3A_4 = arith.cmpi ne, %convert_element_type3A, %cond3A : i32
    scf.if %cond3A_4 {
      "tpu.region"() ({
        %run_scoped3A = tpu.sem_alloc : memref<!tpu.dma_semaphore, #tpu.memory_space<semaphore_mem>>
        %dma_start3A = arith.constant 9984 : i32
        %dma_start3A_15 = arith.constant 0 : i32
        %dma_start3A_16 = tpu.memref_slice %arg8[%dma_start3A, %dma_start3A_15] : memref<10000x128xf32, #tpu.memory_space<vmem_shared>> -> memref<16x128xf32, #tpu.memory_space<vmem_shared>>
        %dma_start3A_17 = arith.constant 9984 : i32
        %dma_start3A_18 = arith.constant 0 : i32
        %dma_start3A_19 = tpu.memref_slice %arg3[%dma_start3A_17, %dma_start3A_18] : memref<10000x128xf32, #tpu.memory_space<hbm>> -> memref<16x128xf32, #tpu.memory_space<hbm>>
        tpu.enqueue_dma source(%dma_start3A_19 : memref<16x128xf32, #tpu.memory_space<hbm>>) target(%dma_start3A_16 : memref<16x128xf32, #tpu.memory_space<vmem_shared>>) target_semaphore(%run_scoped3A : memref<!tpu.dma_semaphore, #tpu.memory_space<semaphore_mem>>)
        %dma_wait3A = arith.constant 9984 : i32
        %dma_wait3A_20 = arith.constant 0 : i32
        %dma_wait3A_21 = tpu.memref_slice %arg8[%dma_wait3A, %dma_wait3A_20] : memref<10000x128xf32, #tpu.memory_space<vmem_shared>> -> memref<16x128xf32, #tpu.memory_space<vmem_shared>>
        %dma_wait3A_22 = arith.constant 9984 : i32
        %dma_wait3A_23 = arith.constant 0 : i32
        %dma_wait3A_24 = tpu.memref_slice %arg3[%dma_wait3A_22, %dma_wait3A_23] : memref<10000x128xf32, #tpu.memory_space<hbm>> -> memref<16x128xf32, #tpu.memory_space<hbm>>
        tpu.wait_dma2 semaphore(%run_scoped3A : memref<!tpu.dma_semaphore, #tpu.memory_space<semaphore_mem>>) src(%dma_wait3A_24 : memref<16x128xf32, #tpu.memory_space<hbm>>) dst(%dma_wait3A_21 : memref<16x128xf32, #tpu.memory_space<vmem_shared>>)
        tpu.yield
      }) : () -> ()
    } else {
    }
    "tpu.region"() ({
      %run_scoped3A = tpu.sem_alloc : memref<!tpu.dma_semaphore, #tpu.memory_space<semaphore_mem>>
      %dma_start3A = arith.constant 0 : i32
      %dma_start3A_15 = arith.constant 0 : i32
      %dma_start3A_16 = tpu.memref_slice %arg2[%add3A, %dma_start3A, %dma_start3A_15] : memref<32x125x80xi32, #tpu.memory_space<hbm>> -> memref<1x125x80xi32, #tpu.memory_space<hbm>>
      %dma_start3A_17 = tpu.memref_squeeze %dma_start3A_16 : memref<1x125x80xi32, #tpu.memory_space<hbm>> -> memref<125x80xi32, #tpu.memory_space<hbm>>
      %dma_start3A_18 = arith.constant 0 : i32
      %dma_start3A_19 = arith.constant 0 : i32
      %dma_start3A_20 = tpu.memref_slice %arg2[%add3A, %dma_start3A_18, %dma_start3A_19] : memref<32x125x80xi32, #tpu.memory_space<hbm>> -> memref<1x125x80xi32, #tpu.memory_space<hbm>>
      %dma_start3A_21 = tpu.memref_squeeze %dma_start3A_20 : memref<1x125x80xi32, #tpu.memory_space<hbm>> -> memref<125x80xi32, #tpu.memory_space<hbm>>
      tpu.enqueue_dma source(%dma_start3A_21 : memref<125x80xi32, #tpu.memory_space<hbm>>) target(%arg6 : memref<125x80xi32, #tpu.memory_space<vmem>>) target_semaphore(%run_scoped3A : memref<!tpu.dma_semaphore, #tpu.memory_space<semaphore_mem>>)
      %dma_wait3A = arith.constant 0 : i32
      %dma_wait3A_22 = arith.constant 0 : i32
      %dma_wait3A_23 = tpu.memref_slice %arg2[%add3A, %dma_wait3A, %dma_wait3A_22] : memref<32x125x80xi32, #tpu.memory_space<hbm>> -> memref<1x125x80xi32, #tpu.memory_space<hbm>>
      %dma_wait3A_24 = tpu.memref_squeeze %dma_wait3A_23 : memref<1x125x80xi32, #tpu.memory_space<hbm>> -> memref<125x80xi32, #tpu.memory_space<hbm>>
      %dma_wait3A_25 = arith.constant 0 : i32
      %dma_wait3A_26 = arith.constant 0 : i32
      %dma_wait3A_27 = tpu.memref_slice %arg2[%add3A, %dma_wait3A_25, %dma_wait3A_26] : memref<32x125x80xi32, #tpu.memory_space<hbm>> -> memref<1x125x80xi32, #tpu.memory_space<hbm>>
      %dma_wait3A_28 = tpu.memref_squeeze %dma_wait3A_27 : memref<1x125x80xi32, #tpu.memory_space<hbm>> -> memref<125x80xi32, #tpu.memory_space<hbm>>
      tpu.wait_dma2 semaphore(%run_scoped3A : memref<!tpu.dma_semaphore, #tpu.memory_space<semaphore_mem>>) src(%dma_wait3A_28 : memref<125x80xi32, #tpu.memory_space<hbm>>) dst(%arg6 : memref<125x80xi32, #tpu.memory_space<vmem>>)
      tpu.yield
    }) : () -> ()
    "tpu.region"() ({
      %run_scoped3A = tpu.sem_alloc : memref<!tpu.dma_semaphore, #tpu.memory_space<semaphore_mem>>
      tpu.enqueue_dma source(%arg4 : memref<80x128xf32, #tpu.memory_space<hbm>>) target(%arg7 : memref<80x128xf32, #tpu.memory_space<vmem>>) target_semaphore(%run_scoped3A : memref<!tpu.dma_semaphore, #tpu.memory_space<semaphore_mem>>)
      tpu.wait_dma2 semaphore(%run_scoped3A : memref<!tpu.dma_semaphore, #tpu.memory_space<semaphore_mem>>) src(%arg4 : memref<80x128xf32, #tpu.memory_space<hbm>>) dst(%arg7 : memref<80x128xf32, #tpu.memory_space<vmem>>)
      tpu.yield
    }) : () -> ()
    %barrier3A = arith.constant 0 : index
    tpu.barrier barrier_id(%barrier3A)
    %scan3A = arith.constant 0 : i32
    %scan3A_5 = arith.constant 125 : i32
    %scan3A_6 = arith.addi %scan3A, %scan3A_5 : i32
    %scan3A_7 = arith.constant 1 : i32
    scf.for %scan3A_15 = %scan3A to %scan3A_6 step %scan3A_7  : i32 {
      %mul3A_16 = arith.constant 1 : i32
      %mul3A_17 = arith.muli %scan3A_15, %mul3A_16 : i32
      %add3A_18 = arith.constant 0 : i32
      %add3A_19 = arith.addi %add3A_18, %mul3A_17 : i32
      "tpu.region"() ({
        %run_scoped3A = tpu.sem_alloc : memref<!tpu.dma_semaphore, #tpu.memory_space<semaphore_mem>>
        %dma_start3A = arith.constant 0 : i32
        %dma_start3A_20 = tpu.memref_slice %arg6[%add3A_19, %dma_start3A] : memref<125x80xi32, #tpu.memory_space<vmem>> -> memref<1x80xi32, #tpu.memory_space<vmem>>
        %dma_start3A_21 = tpu.memref_squeeze %dma_start3A_20 : memref<1x80xi32, #tpu.memory_space<vmem>> -> memref<80xi32, #tpu.memory_space<vmem>>
        %dma_start3A_22 = arith.constant 0 : i32
        %dma_start3A_23 = arith.constant 0 : i32
        %dma_start3A_24 = tpu.memref_slice %arg8[%dma_start3A_22, %dma_start3A_23] : memref<10000x128xf32, #tpu.memory_space<vmem_shared>> -> memref<10000x128xf32, #tpu.memory_space<vmem_shared>>
        tpu.enqueue_indirect_dma source(%arg7 : memref<80x128xf32, #tpu.memory_space<vmem>>) target(%dma_start3A_24 : memref<10000x128xf32, #tpu.memory_space<vmem_shared>>) offsets(%dma_start3A_21 : memref<80xi32, #tpu.memory_space<vmem>>) semaphore(%run_scoped3A : memref<!tpu.dma_semaphore, #tpu.memory_space<semaphore_mem>>) {add = true}
        %dma_wait3A = arith.constant 0 : i32
        %dma_wait3A_25 = tpu.memref_slice %arg6[%add3A_19, %dma_wait3A] : memref<125x80xi32, #tpu.memory_space<vmem>> -> memref<1x80xi32, #tpu.memory_space<vmem>>
        %dma_wait3A_26 = tpu.memref_squeeze %dma_wait3A_25 : memref<1x80xi32, #tpu.memory_space<vmem>> -> memref<80xi32, #tpu.memory_space<vmem>>
        %dma_wait3A_27 = arith.constant 0 : i32
        %dma_wait3A_28 = arith.constant 0 : i32
        %dma_wait3A_29 = tpu.memref_slice %arg8[%dma_wait3A_27, %dma_wait3A_28] : memref<10000x128xf32, #tpu.memory_space<vmem_shared>> -> memref<10000x128xf32, #tpu.memory_space<vmem_shared>>
        tpu.wait_indirect_dma semaphore(%run_scoped3A : memref<!tpu.dma_semaphore, #tpu.memory_space<semaphore_mem>>) src(%arg7 : memref<80x128xf32, #tpu.memory_space<vmem>>) dst(%dma_wait3A_29 : memref<10000x128xf32, #tpu.memory_space<vmem_shared>>)
        tpu.yield
      }) : () -> ()
    }
    %scan3A_8 = arith.constant 125 : i32
    %barrier3A_9 = arith.constant 0 : index
    tpu.barrier barrier_id(%barrier3A_9)
    "tpu.region"() ({
      %run_scoped3A = tpu.sem_alloc : memref<!tpu.dma_semaphore, #tpu.memory_space<semaphore_mem>>
      %dma_start3A = arith.constant 0 : i32
      %dma_start3A_15 = arith.constant 0 : i32
      %dma_start3A_16 = tpu.memref_slice %arg5[%arg0, %dma_start3A, %dma_start3A_15] : memref<2x10000x128xf32, #tpu.memory_space<hbm>> -> memref<1x10000x128xf32, #tpu.memory_space<hbm>>
      %dma_start3A_17 = tpu.memref_squeeze %dma_start3A_16 : memref<1x10000x128xf32, #tpu.memory_space<hbm>> -> memref<10000x128xf32, #tpu.memory_space<hbm>>
      %dma_start3A_18 = arith.constant 0 : i32
      %dma_start3A_19 = tpu.memref_slice %dma_start3A_17[%mul3A_2, %dma_start3A_18] : memref<10000x128xf32, #tpu.memory_space<hbm>> -> memref<624x128xf32, #tpu.memory_space<hbm>>
      %dma_start3A_20 = arith.constant 0 : i32
      %dma_start3A_21 = tpu.memref_slice %arg8[%mul3A_2, %dma_start3A_20] : memref<10000x128xf32, #tpu.memory_space<vmem_shared>> -> memref<624x128xf32, #tpu.memory_space<vmem_shared>>
      tpu.enqueue_dma source(%dma_start3A_21 : memref<624x128xf32, #tpu.memory_space<vmem_shared>>) target(%dma_start3A_19 : memref<624x128xf32, #tpu.memory_space<hbm>>) target_semaphore(%run_scoped3A : memref<!tpu.dma_semaphore, #tpu.memory_space<semaphore_mem>>)
      %dma_wait3A = arith.constant 0 : i32
      %dma_wait3A_22 = arith.constant 0 : i32
      %dma_wait3A_23 = tpu.memref_slice %arg5[%arg0, %dma_wait3A, %dma_wait3A_22] : memref<2x10000x128xf32, #tpu.memory_space<hbm>> -> memref<1x10000x128xf32, #tpu.memory_space<hbm>>
      %dma_wait3A_24 = tpu.memref_squeeze %dma_wait3A_23 : memref<1x10000x128xf32, #tpu.memory_space<hbm>> -> memref<10000x128xf32, #tpu.memory_space<hbm>>
      %dma_wait3A_25 = arith.constant 0 : i32
      %dma_wait3A_26 = tpu.memref_slice %dma_wait3A_24[%mul3A_2, %dma_wait3A_25] : memref<10000x128xf32, #tpu.memory_space<hbm>> -> memref<624x128xf32, #tpu.memory_space<hbm>>
      %dma_wait3A_27 = arith.constant 0 : i32
      %dma_wait3A_28 = tpu.memref_slice %arg8[%mul3A_2, %dma_wait3A_27] : memref<10000x128xf32, #tpu.memory_space<vmem_shared>> -> memref<624x128xf32, #tpu.memory_space<vmem_shared>>
      tpu.wait_dma2 semaphore(%run_scoped3A : memref<!tpu.dma_semaphore, #tpu.memory_space<semaphore_mem>>) src(%dma_wait3A_28 : memref<624x128xf32, #tpu.memory_space<vmem_shared>>) dst(%dma_wait3A_26 : memref<624x128xf32, #tpu.memory_space<hbm>>)
      tpu.yield
    }) : () -> ()
    %eq3A_10 = arith.constant 15 : i32
    %eq3A_11 = arith.cmpi eq, %arg1, %eq3A_10 : i32
    %convert_element_type3A_12 = arith.extui %eq3A_11 : i1 to i32
    %cond3A_13 = arith.constant 0 : i32
    %cond3A_14 = arith.cmpi ne, %convert_element_type3A_12, %cond3A_13 : i32
    scf.if %cond3A_14 {
      "tpu.region"() ({
        %run_scoped3A = tpu.sem_alloc : memref<!tpu.dma_semaphore, #tpu.memory_space<semaphore_mem>>
        %dma_start3A = arith.constant 0 : i32
        %dma_start3A_15 = arith.constant 0 : i32
        %dma_start3A_16 = tpu.memref_slice %arg5[%arg0, %dma_start3A, %dma_start3A_15] : memref<2x10000x128xf32, #tpu.memory_space<hbm>> -> memref<1x10000x128xf32, #tpu.memory_space<hbm>>
        %dma_start3A_17 = tpu.memref_squeeze %dma_start3A_16 : memref<1x10000x128xf32, #tpu.memory_space<hbm>> -> memref<10000x128xf32, #tpu.memory_space<hbm>>
        %dma_start3A_18 = arith.constant 9984 : i32
        %dma_start3A_19 = arith.constant 0 : i32
        %dma_start3A_20 = tpu.memref_slice %dma_start3A_17[%dma_start3A_18, %dma_start3A_19] : memref<10000x128xf32, #tpu.memory_space<hbm>> -> memref<16x128xf32, #tpu.memory_space<hbm>>
        %dma_start3A_21 = arith.constant 9984 : i32
        %dma_start3A_22 = arith.constant 0 : i32
        %dma_start3A_23 = tpu.memref_slice %arg8[%dma_start3A_21, %dma_start3A_22] : memref<10000x128xf32, #tpu.memory_space<vmem_shared>> -> memref<16x128xf32, #tpu.memory_space<vmem_shared>>
        tpu.enqueue_dma source(%dma_start3A_23 : memref<16x128xf32, #tpu.memory_space<vmem_shared>>) target(%dma_start3A_20 : memref<16x128xf32, #tpu.memory_space<hbm>>) target_semaphore(%run_scoped3A : memref<!tpu.dma_semaphore, #tpu.memory_space<semaphore_mem>>)
        %dma_wait3A = arith.constant 0 : i32
        %dma_wait3A_24 = arith.constant 0 : i32
        %dma_wait3A_25 = tpu.memref_slice %arg5[%arg0, %dma_wait3A, %dma_wait3A_24] : memref<2x10000x128xf32, #tpu.memory_space<hbm>> -> memref<1x10000x128xf32, #tpu.memory_space<hbm>>
        %dma_wait3A_26 = tpu.memref_squeeze %dma_wait3A_25 : memref<1x10000x128xf32, #tpu.memory_space<hbm>> -> memref<10000x128xf32, #tpu.memory_space<hbm>>
        %dma_wait3A_27 = arith.constant 9984 : i32
        %dma_wait3A_28 = arith.constant 0 : i32
        %dma_wait3A_29 = tpu.memref_slice %dma_wait3A_26[%dma_wait3A_27, %dma_wait3A_28] : memref<10000x128xf32, #tpu.memory_space<hbm>> -> memref<16x128xf32, #tpu.memory_space<hbm>>
        %dma_wait3A_30 = arith.constant 9984 : i32
        %dma_wait3A_31 = arith.constant 0 : i32
        %dma_wait3A_32 = tpu.memref_slice %arg8[%dma_wait3A_30, %dma_wait3A_31] : memref<10000x128xf32, #tpu.memory_space<vmem_shared>> -> memref<16x128xf32, #tpu.memory_space<vmem_shared>>
        tpu.wait_dma2 semaphore(%run_scoped3A : memref<!tpu.dma_semaphore, #tpu.memory_space<semaphore_mem>>) src(%dma_wait3A_32 : memref<16x128xf32, #tpu.memory_space<vmem_shared>>) dst(%dma_wait3A_29 : memref<16x128xf32, #tpu.memory_space<hbm>>)
        tpu.yield
      }) : () -> ()
    } else {
    }
    return
  }
}

#map = affine_map<(d0, d1) -> (0, 0)>
#map1 = affine_map<(d0, d1) -> (0, 0, 0, 0)>
#map2 = affine_map<(d0, d1) -> (0, 0, 0)>
module attributes {stable_mosaic.version = 14 : i64} {
  func.func @_seg_body(%arg0: i32, %arg1: i32, %arg2: memref<10000x128xf32, #tpu.memory_space<hbm>>, %arg3: memref<32x5x25x80xi32, #tpu.memory_space<hbm>>, %arg4: memref<32x5x25x80xi32, #tpu.memory_space<hbm>>, %arg5: memref<10000x128xf32, #tpu.memory_space<hbm>>, %arg6: memref<2x10000x128xf32, #tpu.memory_space<hbm>>, %arg7: memref<25x80xi32, #tpu.memory_space<vmem>>, %arg8: memref<25x80xi32, #tpu.memory_space<vmem>>, %arg9: memref<2x80x128xf32, #tpu.memory_space<vmem>>, %arg10: memref<!tpu.dma_semaphore, #tpu.memory_space<semaphore_mem>>, %arg11: memref<10000x128xf32, #tpu.memory_space<vmem_shared>>) attributes {dimension_semantics = [#tpu.dimension_semantics<core_parallel>, #tpu.dimension_semantics<subcore_parallel>], iteration_bounds = array<i64: 2, 16>, scalar_prefetch = 0 : i64, scratch_operands = 5 : i64, tpu.core_type = #tpu.core_type<sc_vector_subcore>, window_params = [{transform_indices = #map}, {transform_indices = #map1}, {transform_indices = #map1}, {transform_indices = #map}, {transform_indices = #map2}]} {
    %mul3A = arith.constant 2 : i32
    %mul3A_0 = arith.muli %arg1, %mul3A : i32
    %add3A = arith.addi %mul3A_0, %arg0 : i32
    %mul3A_1 = arith.constant 624 : i32
    %mul3A_2 = arith.muli %arg1, %mul3A_1 : i32
    "tpu.region"() ({
      %run_scoped3A = tpu.sem_alloc : memref<!tpu.dma_semaphore, #tpu.memory_space<semaphore_mem>>
      %dma_start3A = arith.constant 0 : i32
      %dma_start3A_15 = tpu.memref_slice %arg11[%mul3A_2, %dma_start3A] : memref<10000x128xf32, #tpu.memory_space<vmem_shared>> -> memref<624x128xf32, #tpu.memory_space<vmem_shared>>
      %dma_start3A_16 = arith.constant 0 : i32
      %dma_start3A_17 = tpu.memref_slice %arg5[%mul3A_2, %dma_start3A_16] : memref<10000x128xf32, #tpu.memory_space<hbm>> -> memref<624x128xf32, #tpu.memory_space<hbm>>
      tpu.enqueue_dma source(%dma_start3A_17 : memref<624x128xf32, #tpu.memory_space<hbm>>) target(%dma_start3A_15 : memref<624x128xf32, #tpu.memory_space<vmem_shared>>) target_semaphore(%run_scoped3A : memref<!tpu.dma_semaphore, #tpu.memory_space<semaphore_mem>>)
      %dma_wait3A = arith.constant 0 : i32
      %dma_wait3A_18 = tpu.memref_slice %arg11[%mul3A_2, %dma_wait3A] : memref<10000x128xf32, #tpu.memory_space<vmem_shared>> -> memref<624x128xf32, #tpu.memory_space<vmem_shared>>
      %dma_wait3A_19 = arith.constant 0 : i32
      %dma_wait3A_20 = tpu.memref_slice %arg5[%mul3A_2, %dma_wait3A_19] : memref<10000x128xf32, #tpu.memory_space<hbm>> -> memref<624x128xf32, #tpu.memory_space<hbm>>
      tpu.wait_dma2 semaphore(%run_scoped3A : memref<!tpu.dma_semaphore, #tpu.memory_space<semaphore_mem>>) src(%dma_wait3A_20 : memref<624x128xf32, #tpu.memory_space<hbm>>) dst(%dma_wait3A_18 : memref<624x128xf32, #tpu.memory_space<vmem_shared>>)
      tpu.yield
    }) : () -> ()
    %eq3A = arith.constant 15 : i32
    %eq3A_3 = arith.cmpi eq, %arg1, %eq3A : i32
    %convert_element_type3A = arith.extui %eq3A_3 : i1 to i32
    %cond3A = arith.constant 0 : i32
    %cond3A_4 = arith.cmpi ne, %convert_element_type3A, %cond3A : i32
    scf.if %cond3A_4 {
      "tpu.region"() ({
        %run_scoped3A = tpu.sem_alloc : memref<!tpu.dma_semaphore, #tpu.memory_space<semaphore_mem>>
        %dma_start3A = arith.constant 9984 : i32
        %dma_start3A_15 = arith.constant 0 : i32
        %dma_start3A_16 = tpu.memref_slice %arg11[%dma_start3A, %dma_start3A_15] : memref<10000x128xf32, #tpu.memory_space<vmem_shared>> -> memref<16x128xf32, #tpu.memory_space<vmem_shared>>
        %dma_start3A_17 = arith.constant 9984 : i32
        %dma_start3A_18 = arith.constant 0 : i32
        %dma_start3A_19 = tpu.memref_slice %arg5[%dma_start3A_17, %dma_start3A_18] : memref<10000x128xf32, #tpu.memory_space<hbm>> -> memref<16x128xf32, #tpu.memory_space<hbm>>
        tpu.enqueue_dma source(%dma_start3A_19 : memref<16x128xf32, #tpu.memory_space<hbm>>) target(%dma_start3A_16 : memref<16x128xf32, #tpu.memory_space<vmem_shared>>) target_semaphore(%run_scoped3A : memref<!tpu.dma_semaphore, #tpu.memory_space<semaphore_mem>>)
        %dma_wait3A = arith.constant 9984 : i32
        %dma_wait3A_20 = arith.constant 0 : i32
        %dma_wait3A_21 = tpu.memref_slice %arg11[%dma_wait3A, %dma_wait3A_20] : memref<10000x128xf32, #tpu.memory_space<vmem_shared>> -> memref<16x128xf32, #tpu.memory_space<vmem_shared>>
        %dma_wait3A_22 = arith.constant 9984 : i32
        %dma_wait3A_23 = arith.constant 0 : i32
        %dma_wait3A_24 = tpu.memref_slice %arg5[%dma_wait3A_22, %dma_wait3A_23] : memref<10000x128xf32, #tpu.memory_space<hbm>> -> memref<16x128xf32, #tpu.memory_space<hbm>>
        tpu.wait_dma2 semaphore(%run_scoped3A : memref<!tpu.dma_semaphore, #tpu.memory_space<semaphore_mem>>) src(%dma_wait3A_24 : memref<16x128xf32, #tpu.memory_space<hbm>>) dst(%dma_wait3A_21 : memref<16x128xf32, #tpu.memory_space<vmem_shared>>)
        tpu.yield
      }) : () -> ()
    } else {
    }
    %barrier3A = arith.constant 0 : index
    tpu.barrier barrier_id(%barrier3A)
    %scan3A = arith.constant 0 : i32
    %scan3A_5 = arith.constant 126 : i32
    %scan3A_6 = arith.addi %scan3A, %scan3A_5 : i32
    %scan3A_7 = arith.constant 1 : i32
    scf.for %scan3A_15 = %scan3A to %scan3A_6 step %scan3A_7  : i32 {
      %mul3A_16 = arith.constant 1 : i32
      %mul3A_17 = arith.muli %scan3A_15, %mul3A_16 : i32
      %add3A_18 = arith.constant 0 : i32
      %add3A_19 = arith.addi %add3A_18, %mul3A_17 : i32
      %lt3A = arith.constant 125 : i32
      %lt3A_20 = arith.cmpi slt, %add3A_19, %lt3A : i32
      %convert_element_type3A_21 = arith.extui %lt3A_20 : i1 to i32
      %cond3A_22 = arith.constant 0 : i32
      %cond3A_23 = arith.cmpi ne, %convert_element_type3A_21, %cond3A_22 : i32
      scf.if %cond3A_23 {
        %jit3A = arith.constant 25 : i32
        %eq3A_28 = arith.constant 0 : i32
        %eq3A_29 = arith.cmpi eq, %jit3A, %eq3A_28 : i32
        %jit3A_30 = arith.constant 1 : i32
        %select_n3A = arith.select %eq3A_29, %jit3A_30, %jit3A : i32
        %rem3A = arith.remsi %add3A_19, %select_n3A : i32
        %ne3A = arith.constant 0 : i32
        %ne3A_31 = arith.cmpi ne, %rem3A, %ne3A : i32
        %lt3A_32 = arith.constant 0 : i32
        %lt3A_33 = arith.cmpi slt, %rem3A, %lt3A_32 : i32
        %lt3A_34 = arith.constant 0 : i32
        %lt3A_35 = arith.cmpi slt, %select_n3A, %lt3A_34 : i32
        %ne3A_36 = arith.xori %lt3A_33, %lt3A_35 : i1
        %and3A = arith.andi %ne3A_36, %ne3A_31 : i1
        %add3A_37 = arith.addi %rem3A, %select_n3A : i32
        %select_n3A_38 = arith.select %and3A, %add3A_37, %rem3A : i32
        %eq3A_39 = arith.constant 0 : i32
        %eq3A_40 = arith.cmpi eq, %select_n3A_38, %eq3A_39 : i32
        %convert_element_type3A_41 = arith.extui %eq3A_40 : i1 to i32
        %cond3A_42 = arith.constant 0 : i32
        %cond3A_43 = arith.cmpi ne, %convert_element_type3A_41, %cond3A_42 : i32
        scf.if %cond3A_43 {
          %jit3A_85 = arith.constant 25 : i32
          %div3A = arith.divsi %add3A_19, %jit3A_85 : i32
          %sign3A = arith.constant 0 : i32
          %sign3A_86 = arith.cmpi sgt, %add3A_19, %sign3A : i32
          %sign3A_87 = arith.extui %sign3A_86 : i1 to i32
          %sign3A_88 = arith.constant 0 : i32
          %sign3A_89 = arith.cmpi slt, %add3A_19, %sign3A_88 : i32
          %sign3A_90 = arith.extui %sign3A_89 : i1 to i32
          %sign3A_91 = arith.subi %sign3A_87, %sign3A_90 : i32
          %sign3A_92 = arith.constant 0 : i32
          %sign3A_93 = arith.cmpi sgt, %jit3A_85, %sign3A_92 : i32
          %sign3A_94 = arith.extui %sign3A_93 : i1 to i32
          %sign3A_95 = arith.constant 0 : i32
          %sign3A_96 = arith.cmpi slt, %jit3A_85, %sign3A_95 : i32
          %sign3A_97 = arith.extui %sign3A_96 : i1 to i32
          %sign3A_98 = arith.subi %sign3A_94, %sign3A_97 : i32
          %ne3A_99 = arith.cmpi ne, %sign3A_91, %sign3A_98 : i32
          %rem3A_100 = arith.remsi %add3A_19, %jit3A_85 : i32
          %ne3A_101 = arith.constant 0 : i32
          %ne3A_102 = arith.cmpi ne, %rem3A_100, %ne3A_101 : i32
          %and3A_103 = arith.andi %ne3A_99, %ne3A_102 : i1
          %sub3A = arith.constant 1 : i32
          %sub3A_104 = arith.subi %div3A, %sub3A : i32
          %select_n3A_105 = arith.select %and3A_103, %sub3A_104, %div3A : i32
          "tpu.region"() ({
            %run_scoped3A = tpu.sem_alloc : memref<!tpu.dma_semaphore, #tpu.memory_space<semaphore_mem>>
            %dma_start3A_106 = arith.constant 0 : i32
            %dma_start3A_107 = arith.constant 0 : i32
            %dma_start3A_108 = tpu.memref_slice %arg3[%add3A, %select_n3A_105, %dma_start3A_106, %dma_start3A_107] : memref<32x5x25x80xi32, #tpu.memory_space<hbm>> -> memref<1x1x25x80xi32, #tpu.memory_space<hbm>>
            %dma_start3A_109 = tpu.memref_squeeze %dma_start3A_108 : memref<1x1x25x80xi32, #tpu.memory_space<hbm>> -> memref<25x80xi32, #tpu.memory_space<hbm>>
            %dma_start3A_110 = arith.constant 0 : i32
            %dma_start3A_111 = arith.constant 0 : i32
            %dma_start3A_112 = tpu.memref_slice %arg3[%add3A, %select_n3A_105, %dma_start3A_110, %dma_start3A_111] : memref<32x5x25x80xi32, #tpu.memory_space<hbm>> -> memref<1x1x25x80xi32, #tpu.memory_space<hbm>>
            %dma_start3A_113 = tpu.memref_squeeze %dma_start3A_112 : memref<1x1x25x80xi32, #tpu.memory_space<hbm>> -> memref<25x80xi32, #tpu.memory_space<hbm>>
            tpu.enqueue_dma source(%dma_start3A_113 : memref<25x80xi32, #tpu.memory_space<hbm>>) target(%arg7 : memref<25x80xi32, #tpu.memory_space<vmem>>) target_semaphore(%run_scoped3A : memref<!tpu.dma_semaphore, #tpu.memory_space<semaphore_mem>>)
            %dma_wait3A = arith.constant 0 : i32
            %dma_wait3A_114 = arith.constant 0 : i32
            %dma_wait3A_115 = tpu.memref_slice %arg3[%add3A, %select_n3A_105, %dma_wait3A, %dma_wait3A_114] : memref<32x5x25x80xi32, #tpu.memory_space<hbm>> -> memref<1x1x25x80xi32, #tpu.memory_space<hbm>>
            %dma_wait3A_116 = tpu.memref_squeeze %dma_wait3A_115 : memref<1x1x25x80xi32, #tpu.memory_space<hbm>> -> memref<25x80xi32, #tpu.memory_space<hbm>>
            %dma_wait3A_117 = arith.constant 0 : i32
            %dma_wait3A_118 = arith.constant 0 : i32
            %dma_wait3A_119 = tpu.memref_slice %arg3[%add3A, %select_n3A_105, %dma_wait3A_117, %dma_wait3A_118] : memref<32x5x25x80xi32, #tpu.memory_space<hbm>> -> memref<1x1x25x80xi32, #tpu.memory_space<hbm>>
            %dma_wait3A_120 = tpu.memref_squeeze %dma_wait3A_119 : memref<1x1x25x80xi32, #tpu.memory_space<hbm>> -> memref<25x80xi32, #tpu.memory_space<hbm>>
            tpu.wait_dma2 semaphore(%run_scoped3A : memref<!tpu.dma_semaphore, #tpu.memory_space<semaphore_mem>>) src(%dma_wait3A_120 : memref<25x80xi32, #tpu.memory_space<hbm>>) dst(%arg7 : memref<25x80xi32, #tpu.memory_space<vmem>>)
            tpu.yield
          }) : () -> ()
        } else {
        }
        %jit3A_44 = arith.constant 25 : i32
        %eq3A_45 = arith.constant 0 : i32
        %eq3A_46 = arith.cmpi eq, %jit3A_44, %eq3A_45 : i32
        %jit3A_47 = arith.constant 1 : i32
        %select_n3A_48 = arith.select %eq3A_46, %jit3A_47, %jit3A_44 : i32
        %rem3A_49 = arith.remsi %add3A_19, %select_n3A_48 : i32
        %ne3A_50 = arith.constant 0 : i32
        %ne3A_51 = arith.cmpi ne, %rem3A_49, %ne3A_50 : i32
        %lt3A_52 = arith.constant 0 : i32
        %lt3A_53 = arith.cmpi slt, %rem3A_49, %lt3A_52 : i32
        %lt3A_54 = arith.constant 0 : i32
        %lt3A_55 = arith.cmpi slt, %select_n3A_48, %lt3A_54 : i32
        %ne3A_56 = arith.xori %lt3A_53, %lt3A_55 : i1
        %and3A_57 = arith.andi %ne3A_56, %ne3A_51 : i1
        %add3A_58 = arith.addi %rem3A_49, %select_n3A_48 : i32
        %select_n3A_59 = arith.select %and3A_57, %add3A_58, %rem3A_49 : i32
        %jit3A_60 = arith.constant 2 : i32
        %eq3A_61 = arith.constant 0 : i32
        %eq3A_62 = arith.cmpi eq, %jit3A_60, %eq3A_61 : i32
        %jit3A_63 = arith.constant 1 : i32
        %select_n3A_64 = arith.select %eq3A_62, %jit3A_63, %jit3A_60 : i32
        %rem3A_65 = arith.remsi %add3A_19, %select_n3A_64 : i32
        %ne3A_66 = arith.constant 0 : i32
        %ne3A_67 = arith.cmpi ne, %rem3A_65, %ne3A_66 : i32
        %lt3A_68 = arith.constant 0 : i32
        %lt3A_69 = arith.cmpi slt, %rem3A_65, %lt3A_68 : i32
        %lt3A_70 = arith.constant 0 : i32
        %lt3A_71 = arith.cmpi slt, %select_n3A_64, %lt3A_70 : i32
        %ne3A_72 = arith.xori %lt3A_69, %lt3A_71 : i1
        %and3A_73 = arith.andi %ne3A_72, %ne3A_67 : i1
        %add3A_74 = arith.addi %rem3A_65, %select_n3A_64 : i32
        %select_n3A_75 = arith.select %and3A_73, %add3A_74, %rem3A_65 : i32
        %dma_start3A = arith.constant 0 : i32
        %dma_start3A_76 = arith.constant 0 : i32
        %dma_start3A_77 = tpu.memref_slice %arg9[%select_n3A_75, %dma_start3A, %dma_start3A_76] : memref<2x80x128xf32, #tpu.memory_space<vmem>> -> memref<1x80x128xf32, #tpu.memory_space<vmem>>
        %dma_start3A_78 = tpu.memref_squeeze %dma_start3A_77 : memref<1x80x128xf32, #tpu.memory_space<vmem>> -> memref<80x128xf32, #tpu.memory_space<vmem>>
        %dma_start3A_79 = arith.constant 0 : i32
        %dma_start3A_80 = tpu.memref_slice %arg7[%select_n3A_59, %dma_start3A_79] : memref<25x80xi32, #tpu.memory_space<vmem>> -> memref<1x80xi32, #tpu.memory_space<vmem>>
        %dma_start3A_81 = tpu.memref_squeeze %dma_start3A_80 : memref<1x80xi32, #tpu.memory_space<vmem>> -> memref<80xi32, #tpu.memory_space<vmem>>
        %dma_start3A_82 = arith.constant 0 : i32
        %dma_start3A_83 = arith.constant 0 : i32
        %dma_start3A_84 = tpu.memref_slice %arg2[%dma_start3A_82, %dma_start3A_83] : memref<10000x128xf32, #tpu.memory_space<hbm>> -> memref<10000x128xf32, #tpu.memory_space<hbm>>
        tpu.enqueue_indirect_dma source(%dma_start3A_84 : memref<10000x128xf32, #tpu.memory_space<hbm>>) target(%dma_start3A_78 : memref<80x128xf32, #tpu.memory_space<vmem>>) offsets(%dma_start3A_81 : memref<80xi32, #tpu.memory_space<vmem>>) semaphore(%arg10 : memref<!tpu.dma_semaphore, #tpu.memory_space<semaphore_mem>>)
      } else {
      }
      %gt3A = arith.constant 0 : i32
      %gt3A_24 = arith.cmpi sgt, %add3A_19, %gt3A : i32
      %convert_element_type3A_25 = arith.extui %gt3A_24 : i1 to i32
      %cond3A_26 = arith.constant 0 : i32
      %cond3A_27 = arith.cmpi ne, %convert_element_type3A_25, %cond3A_26 : i32
      scf.if %cond3A_27 {
        %sub3A = arith.constant 1 : i32
        %sub3A_28 = arith.subi %add3A_19, %sub3A : i32
        %jit3A = arith.constant 25 : i32
        %eq3A_29 = arith.constant 0 : i32
        %eq3A_30 = arith.cmpi eq, %jit3A, %eq3A_29 : i32
        %jit3A_31 = arith.constant 1 : i32
        %select_n3A = arith.select %eq3A_30, %jit3A_31, %jit3A : i32
        %rem3A = arith.remsi %sub3A_28, %select_n3A : i32
        %ne3A = arith.constant 0 : i32
        %ne3A_32 = arith.cmpi ne, %rem3A, %ne3A : i32
        %lt3A_33 = arith.constant 0 : i32
        %lt3A_34 = arith.cmpi slt, %rem3A, %lt3A_33 : i32
        %lt3A_35 = arith.constant 0 : i32
        %lt3A_36 = arith.cmpi slt, %select_n3A, %lt3A_35 : i32
        %ne3A_37 = arith.xori %lt3A_34, %lt3A_36 : i1
        %and3A = arith.andi %ne3A_37, %ne3A_32 : i1
        %add3A_38 = arith.addi %rem3A, %select_n3A : i32
        %select_n3A_39 = arith.select %and3A, %add3A_38, %rem3A : i32
        %eq3A_40 = arith.constant 0 : i32
        %eq3A_41 = arith.cmpi eq, %select_n3A_39, %eq3A_40 : i32
        %convert_element_type3A_42 = arith.extui %eq3A_41 : i1 to i32
        %cond3A_43 = arith.constant 0 : i32
        %cond3A_44 = arith.cmpi ne, %convert_element_type3A_42, %cond3A_43 : i32
        scf.if %cond3A_44 {
          %jit3A_118 = arith.constant 25 : i32
          %div3A = arith.divsi %sub3A_28, %jit3A_118 : i32
          %sign3A = arith.constant 0 : i32
          %sign3A_119 = arith.cmpi sgt, %sub3A_28, %sign3A : i32
          %sign3A_120 = arith.extui %sign3A_119 : i1 to i32
          %sign3A_121 = arith.constant 0 : i32
          %sign3A_122 = arith.cmpi slt, %sub3A_28, %sign3A_121 : i32
          %sign3A_123 = arith.extui %sign3A_122 : i1 to i32
          %sign3A_124 = arith.subi %sign3A_120, %sign3A_123 : i32
          %sign3A_125 = arith.constant 0 : i32
          %sign3A_126 = arith.cmpi sgt, %jit3A_118, %sign3A_125 : i32
          %sign3A_127 = arith.extui %sign3A_126 : i1 to i32
          %sign3A_128 = arith.constant 0 : i32
          %sign3A_129 = arith.cmpi slt, %jit3A_118, %sign3A_128 : i32
          %sign3A_130 = arith.extui %sign3A_129 : i1 to i32
          %sign3A_131 = arith.subi %sign3A_127, %sign3A_130 : i32
          %ne3A_132 = arith.cmpi ne, %sign3A_124, %sign3A_131 : i32
          %rem3A_133 = arith.remsi %sub3A_28, %jit3A_118 : i32
          %ne3A_134 = arith.constant 0 : i32
          %ne3A_135 = arith.cmpi ne, %rem3A_133, %ne3A_134 : i32
          %and3A_136 = arith.andi %ne3A_132, %ne3A_135 : i1
          %sub3A_137 = arith.constant 1 : i32
          %sub3A_138 = arith.subi %div3A, %sub3A_137 : i32
          %select_n3A_139 = arith.select %and3A_136, %sub3A_138, %div3A : i32
          "tpu.region"() ({
            %run_scoped3A = tpu.sem_alloc : memref<!tpu.dma_semaphore, #tpu.memory_space<semaphore_mem>>
            %dma_start3A = arith.constant 0 : i32
            %dma_start3A_140 = arith.constant 0 : i32
            %dma_start3A_141 = tpu.memref_slice %arg4[%add3A, %select_n3A_139, %dma_start3A, %dma_start3A_140] : memref<32x5x25x80xi32, #tpu.memory_space<hbm>> -> memref<1x1x25x80xi32, #tpu.memory_space<hbm>>
            %dma_start3A_142 = tpu.memref_squeeze %dma_start3A_141 : memref<1x1x25x80xi32, #tpu.memory_space<hbm>> -> memref<25x80xi32, #tpu.memory_space<hbm>>
            %dma_start3A_143 = arith.constant 0 : i32
            %dma_start3A_144 = arith.constant 0 : i32
            %dma_start3A_145 = tpu.memref_slice %arg4[%add3A, %select_n3A_139, %dma_start3A_143, %dma_start3A_144] : memref<32x5x25x80xi32, #tpu.memory_space<hbm>> -> memref<1x1x25x80xi32, #tpu.memory_space<hbm>>
            %dma_start3A_146 = tpu.memref_squeeze %dma_start3A_145 : memref<1x1x25x80xi32, #tpu.memory_space<hbm>> -> memref<25x80xi32, #tpu.memory_space<hbm>>
            tpu.enqueue_dma source(%dma_start3A_146 : memref<25x80xi32, #tpu.memory_space<hbm>>) target(%arg8 : memref<25x80xi32, #tpu.memory_space<vmem>>) target_semaphore(%run_scoped3A : memref<!tpu.dma_semaphore, #tpu.memory_space<semaphore_mem>>)
            %dma_wait3A_147 = arith.constant 0 : i32
            %dma_wait3A_148 = arith.constant 0 : i32
            %dma_wait3A_149 = tpu.memref_slice %arg4[%add3A, %select_n3A_139, %dma_wait3A_147, %dma_wait3A_148] : memref<32x5x25x80xi32, #tpu.memory_space<hbm>> -> memref<1x1x25x80xi32, #tpu.memory_space<hbm>>
            %dma_wait3A_150 = tpu.memref_squeeze %dma_wait3A_149 : memref<1x1x25x80xi32, #tpu.memory_space<hbm>> -> memref<25x80xi32, #tpu.memory_space<hbm>>
            %dma_wait3A_151 = arith.constant 0 : i32
            %dma_wait3A_152 = arith.constant 0 : i32
            %dma_wait3A_153 = tpu.memref_slice %arg4[%add3A, %select_n3A_139, %dma_wait3A_151, %dma_wait3A_152] : memref<32x5x25x80xi32, #tpu.memory_space<hbm>> -> memref<1x1x25x80xi32, #tpu.memory_space<hbm>>
            %dma_wait3A_154 = tpu.memref_squeeze %dma_wait3A_153 : memref<1x1x25x80xi32, #tpu.memory_space<hbm>> -> memref<25x80xi32, #tpu.memory_space<hbm>>
            tpu.wait_dma2 semaphore(%run_scoped3A : memref<!tpu.dma_semaphore, #tpu.memory_space<semaphore_mem>>) src(%dma_wait3A_154 : memref<25x80xi32, #tpu.memory_space<hbm>>) dst(%arg8 : memref<25x80xi32, #tpu.memory_space<vmem>>)
            tpu.yield
          }) : () -> ()
        } else {
        }
        %jit3A_45 = arith.constant 25 : i32
        %eq3A_46 = arith.constant 0 : i32
        %eq3A_47 = arith.cmpi eq, %jit3A_45, %eq3A_46 : i32
        %jit3A_48 = arith.constant 1 : i32
        %select_n3A_49 = arith.select %eq3A_47, %jit3A_48, %jit3A_45 : i32
        %rem3A_50 = arith.remsi %sub3A_28, %select_n3A_49 : i32
        %ne3A_51 = arith.constant 0 : i32
        %ne3A_52 = arith.cmpi ne, %rem3A_50, %ne3A_51 : i32
        %lt3A_53 = arith.constant 0 : i32
        %lt3A_54 = arith.cmpi slt, %rem3A_50, %lt3A_53 : i32
        %lt3A_55 = arith.constant 0 : i32
        %lt3A_56 = arith.cmpi slt, %select_n3A_49, %lt3A_55 : i32
        %ne3A_57 = arith.xori %lt3A_54, %lt3A_56 : i1
        %and3A_58 = arith.andi %ne3A_57, %ne3A_52 : i1
        %add3A_59 = arith.addi %rem3A_50, %select_n3A_49 : i32
        %select_n3A_60 = arith.select %and3A_58, %add3A_59, %rem3A_50 : i32
        %jit3A_61 = arith.constant 2 : i32
        %eq3A_62 = arith.constant 0 : i32
        %eq3A_63 = arith.cmpi eq, %jit3A_61, %eq3A_62 : i32
        %jit3A_64 = arith.constant 1 : i32
        %select_n3A_65 = arith.select %eq3A_63, %jit3A_64, %jit3A_61 : i32
        %rem3A_66 = arith.remsi %sub3A_28, %select_n3A_65 : i32
        %ne3A_67 = arith.constant 0 : i32
        %ne3A_68 = arith.cmpi ne, %rem3A_66, %ne3A_67 : i32
        %lt3A_69 = arith.constant 0 : i32
        %lt3A_70 = arith.cmpi slt, %rem3A_66, %lt3A_69 : i32
        %lt3A_71 = arith.constant 0 : i32
        %lt3A_72 = arith.cmpi slt, %select_n3A_65, %lt3A_71 : i32
        %ne3A_73 = arith.xori %lt3A_70, %lt3A_72 : i1
        %and3A_74 = arith.andi %ne3A_73, %ne3A_68 : i1
        %add3A_75 = arith.addi %rem3A_66, %select_n3A_65 : i32
        %select_n3A_76 = arith.select %and3A_74, %add3A_75, %rem3A_66 : i32
        %dma_wait3A = arith.constant 0 : i32
        %dma_wait3A_77 = arith.constant 0 : i32
        %dma_wait3A_78 = tpu.memref_slice %arg9[%select_n3A_76, %dma_wait3A, %dma_wait3A_77] : memref<2x80x128xf32, #tpu.memory_space<vmem>> -> memref<1x80x128xf32, #tpu.memory_space<vmem>>
        %dma_wait3A_79 = tpu.memref_squeeze %dma_wait3A_78 : memref<1x80x128xf32, #tpu.memory_space<vmem>> -> memref<80x128xf32, #tpu.memory_space<vmem>>
        %dma_wait3A_80 = arith.constant 0 : i32
        %dma_wait3A_81 = tpu.memref_slice %arg7[%select_n3A_60, %dma_wait3A_80] : memref<25x80xi32, #tpu.memory_space<vmem>> -> memref<1x80xi32, #tpu.memory_space<vmem>>
        %dma_wait3A_82 = tpu.memref_squeeze %dma_wait3A_81 : memref<1x80xi32, #tpu.memory_space<vmem>> -> memref<80xi32, #tpu.memory_space<vmem>>
        %dma_wait3A_83 = arith.constant 0 : i32
        %dma_wait3A_84 = arith.constant 0 : i32
        %dma_wait3A_85 = tpu.memref_slice %arg2[%dma_wait3A_83, %dma_wait3A_84] : memref<10000x128xf32, #tpu.memory_space<hbm>> -> memref<10000x128xf32, #tpu.memory_space<hbm>>
        tpu.wait_indirect_dma semaphore(%arg10 : memref<!tpu.dma_semaphore, #tpu.memory_space<semaphore_mem>>) src(%dma_wait3A_85 : memref<10000x128xf32, #tpu.memory_space<hbm>>) dst(%dma_wait3A_79 : memref<80x128xf32, #tpu.memory_space<vmem>>)
        %jit3A_86 = arith.constant 2 : i32
        %eq3A_87 = arith.constant 0 : i32
        %eq3A_88 = arith.cmpi eq, %jit3A_86, %eq3A_87 : i32
        %jit3A_89 = arith.constant 1 : i32
        %select_n3A_90 = arith.select %eq3A_88, %jit3A_89, %jit3A_86 : i32
        %rem3A_91 = arith.remsi %sub3A_28, %select_n3A_90 : i32
        %ne3A_92 = arith.constant 0 : i32
        %ne3A_93 = arith.cmpi ne, %rem3A_91, %ne3A_92 : i32
        %lt3A_94 = arith.constant 0 : i32
        %lt3A_95 = arith.cmpi slt, %rem3A_91, %lt3A_94 : i32
        %lt3A_96 = arith.constant 0 : i32
        %lt3A_97 = arith.cmpi slt, %select_n3A_90, %lt3A_96 : i32
        %ne3A_98 = arith.xori %lt3A_95, %lt3A_97 : i1
        %and3A_99 = arith.andi %ne3A_98, %ne3A_93 : i1
        %add3A_100 = arith.addi %rem3A_91, %select_n3A_90 : i32
        %select_n3A_101 = arith.select %and3A_99, %add3A_100, %rem3A_91 : i32
        %jit3A_102 = arith.constant 25 : i32
        %eq3A_103 = arith.constant 0 : i32
        %eq3A_104 = arith.cmpi eq, %jit3A_102, %eq3A_103 : i32
        %jit3A_105 = arith.constant 1 : i32
        %select_n3A_106 = arith.select %eq3A_104, %jit3A_105, %jit3A_102 : i32
        %rem3A_107 = arith.remsi %sub3A_28, %select_n3A_106 : i32
        %ne3A_108 = arith.constant 0 : i32
        %ne3A_109 = arith.cmpi ne, %rem3A_107, %ne3A_108 : i32
        %lt3A_110 = arith.constant 0 : i32
        %lt3A_111 = arith.cmpi slt, %rem3A_107, %lt3A_110 : i32
        %lt3A_112 = arith.constant 0 : i32
        %lt3A_113 = arith.cmpi slt, %select_n3A_106, %lt3A_112 : i32
        %ne3A_114 = arith.xori %lt3A_111, %lt3A_113 : i1
        %and3A_115 = arith.andi %ne3A_114, %ne3A_109 : i1
        %add3A_116 = arith.addi %rem3A_107, %select_n3A_106 : i32
        %select_n3A_117 = arith.select %and3A_115, %add3A_116, %rem3A_107 : i32
        "tpu.region"() ({
          %run_scoped3A = tpu.sem_alloc : memref<!tpu.dma_semaphore, #tpu.memory_space<semaphore_mem>>
          %dma_start3A = arith.constant 0 : i32
          %dma_start3A_118 = arith.constant 0 : i32
          %dma_start3A_119 = tpu.memref_slice %arg9[%select_n3A_101, %dma_start3A, %dma_start3A_118] : memref<2x80x128xf32, #tpu.memory_space<vmem>> -> memref<1x80x128xf32, #tpu.memory_space<vmem>>
          %dma_start3A_120 = tpu.memref_squeeze %dma_start3A_119 : memref<1x80x128xf32, #tpu.memory_space<vmem>> -> memref<80x128xf32, #tpu.memory_space<vmem>>
          %dma_start3A_121 = arith.constant 0 : i32
          %dma_start3A_122 = tpu.memref_slice %arg8[%select_n3A_117, %dma_start3A_121] : memref<25x80xi32, #tpu.memory_space<vmem>> -> memref<1x80xi32, #tpu.memory_space<vmem>>
          %dma_start3A_123 = tpu.memref_squeeze %dma_start3A_122 : memref<1x80xi32, #tpu.memory_space<vmem>> -> memref<80xi32, #tpu.memory_space<vmem>>
          %dma_start3A_124 = arith.constant 0 : i32
          %dma_start3A_125 = arith.constant 0 : i32
          %dma_start3A_126 = tpu.memref_slice %arg11[%dma_start3A_124, %dma_start3A_125] : memref<10000x128xf32, #tpu.memory_space<vmem_shared>> -> memref<10000x128xf32, #tpu.memory_space<vmem_shared>>
          tpu.enqueue_indirect_dma source(%dma_start3A_120 : memref<80x128xf32, #tpu.memory_space<vmem>>) target(%dma_start3A_126 : memref<10000x128xf32, #tpu.memory_space<vmem_shared>>) offsets(%dma_start3A_123 : memref<80xi32, #tpu.memory_space<vmem>>) semaphore(%run_scoped3A : memref<!tpu.dma_semaphore, #tpu.memory_space<semaphore_mem>>) {add = true}
          %dma_wait3A_127 = arith.constant 0 : i32
          %dma_wait3A_128 = arith.constant 0 : i32
          %dma_wait3A_129 = tpu.memref_slice %arg9[%select_n3A_101, %dma_wait3A_127, %dma_wait3A_128] : memref<2x80x128xf32, #tpu.memory_space<vmem>> -> memref<1x80x128xf32, #tpu.memory_space<vmem>>
          %dma_wait3A_130 = tpu.memref_squeeze %dma_wait3A_129 : memref<1x80x128xf32, #tpu.memory_space<vmem>> -> memref<80x128xf32, #tpu.memory_space<vmem>>
          %dma_wait3A_131 = arith.constant 0 : i32
          %dma_wait3A_132 = tpu.memref_slice %arg8[%select_n3A_117, %dma_wait3A_131] : memref<25x80xi32, #tpu.memory_space<vmem>> -> memref<1x80xi32, #tpu.memory_space<vmem>>
          %dma_wait3A_133 = tpu.memref_squeeze %dma_wait3A_132 : memref<1x80xi32, #tpu.memory_space<vmem>> -> memref<80xi32, #tpu.memory_space<vmem>>
          %dma_wait3A_134 = arith.constant 0 : i32
          %dma_wait3A_135 = arith.constant 0 : i32
          %dma_wait3A_136 = tpu.memref_slice %arg11[%dma_wait3A_134, %dma_wait3A_135] : memref<10000x128xf32, #tpu.memory_space<vmem_shared>> -> memref<10000x128xf32, #tpu.memory_space<vmem_shared>>
          tpu.wait_indirect_dma semaphore(%run_scoped3A : memref<!tpu.dma_semaphore, #tpu.memory_space<semaphore_mem>>) src(%dma_wait3A_130 : memref<80x128xf32, #tpu.memory_space<vmem>>) dst(%dma_wait3A_136 : memref<10000x128xf32, #tpu.memory_space<vmem_shared>>)
          tpu.yield
        }) : () -> ()
      } else {
      }
    }
    %scan3A_8 = arith.constant 126 : i32
    %barrier3A_9 = arith.constant 0 : index
    tpu.barrier barrier_id(%barrier3A_9)
    "tpu.region"() ({
      %run_scoped3A = tpu.sem_alloc : memref<!tpu.dma_semaphore, #tpu.memory_space<semaphore_mem>>
      %dma_start3A = arith.constant 0 : i32
      %dma_start3A_15 = arith.constant 0 : i32
      %dma_start3A_16 = tpu.memref_slice %arg6[%arg0, %dma_start3A, %dma_start3A_15] : memref<2x10000x128xf32, #tpu.memory_space<hbm>> -> memref<1x10000x128xf32, #tpu.memory_space<hbm>>
      %dma_start3A_17 = tpu.memref_squeeze %dma_start3A_16 : memref<1x10000x128xf32, #tpu.memory_space<hbm>> -> memref<10000x128xf32, #tpu.memory_space<hbm>>
      %dma_start3A_18 = arith.constant 0 : i32
      %dma_start3A_19 = tpu.memref_slice %dma_start3A_17[%mul3A_2, %dma_start3A_18] : memref<10000x128xf32, #tpu.memory_space<hbm>> -> memref<624x128xf32, #tpu.memory_space<hbm>>
      %dma_start3A_20 = arith.constant 0 : i32
      %dma_start3A_21 = tpu.memref_slice %arg11[%mul3A_2, %dma_start3A_20] : memref<10000x128xf32, #tpu.memory_space<vmem_shared>> -> memref<624x128xf32, #tpu.memory_space<vmem_shared>>
      tpu.enqueue_dma source(%dma_start3A_21 : memref<624x128xf32, #tpu.memory_space<vmem_shared>>) target(%dma_start3A_19 : memref<624x128xf32, #tpu.memory_space<hbm>>) target_semaphore(%run_scoped3A : memref<!tpu.dma_semaphore, #tpu.memory_space<semaphore_mem>>)
      %dma_wait3A = arith.constant 0 : i32
      %dma_wait3A_22 = arith.constant 0 : i32
      %dma_wait3A_23 = tpu.memref_slice %arg6[%arg0, %dma_wait3A, %dma_wait3A_22] : memref<2x10000x128xf32, #tpu.memory_space<hbm>> -> memref<1x10000x128xf32, #tpu.memory_space<hbm>>
      %dma_wait3A_24 = tpu.memref_squeeze %dma_wait3A_23 : memref<1x10000x128xf32, #tpu.memory_space<hbm>> -> memref<10000x128xf32, #tpu.memory_space<hbm>>
      %dma_wait3A_25 = arith.constant 0 : i32
      %dma_wait3A_26 = tpu.memref_slice %dma_wait3A_24[%mul3A_2, %dma_wait3A_25] : memref<10000x128xf32, #tpu.memory_space<hbm>> -> memref<624x128xf32, #tpu.memory_space<hbm>>
      %dma_wait3A_27 = arith.constant 0 : i32
      %dma_wait3A_28 = tpu.memref_slice %arg11[%mul3A_2, %dma_wait3A_27] : memref<10000x128xf32, #tpu.memory_space<vmem_shared>> -> memref<624x128xf32, #tpu.memory_space<vmem_shared>>
      tpu.wait_dma2 semaphore(%run_scoped3A : memref<!tpu.dma_semaphore, #tpu.memory_space<semaphore_mem>>) src(%dma_wait3A_28 : memref<624x128xf32, #tpu.memory_space<vmem_shared>>) dst(%dma_wait3A_26 : memref<624x128xf32, #tpu.memory_space<hbm>>)
      tpu.yield
    }) : () -> ()
    %eq3A_10 = arith.constant 15 : i32
    %eq3A_11 = arith.cmpi eq, %arg1, %eq3A_10 : i32
    %convert_element_type3A_12 = arith.extui %eq3A_11 : i1 to i32
    %cond3A_13 = arith.constant 0 : i32
    %cond3A_14 = arith.cmpi ne, %convert_element_type3A_12, %cond3A_13 : i32
    scf.if %cond3A_14 {
      "tpu.region"() ({
        %run_scoped3A = tpu.sem_alloc : memref<!tpu.dma_semaphore, #tpu.memory_space<semaphore_mem>>
        %dma_start3A = arith.constant 0 : i32
        %dma_start3A_15 = arith.constant 0 : i32
        %dma_start3A_16 = tpu.memref_slice %arg6[%arg0, %dma_start3A, %dma_start3A_15] : memref<2x10000x128xf32, #tpu.memory_space<hbm>> -> memref<1x10000x128xf32, #tpu.memory_space<hbm>>
        %dma_start3A_17 = tpu.memref_squeeze %dma_start3A_16 : memref<1x10000x128xf32, #tpu.memory_space<hbm>> -> memref<10000x128xf32, #tpu.memory_space<hbm>>
        %dma_start3A_18 = arith.constant 9984 : i32
        %dma_start3A_19 = arith.constant 0 : i32
        %dma_start3A_20 = tpu.memref_slice %dma_start3A_17[%dma_start3A_18, %dma_start3A_19] : memref<10000x128xf32, #tpu.memory_space<hbm>> -> memref<16x128xf32, #tpu.memory_space<hbm>>
        %dma_start3A_21 = arith.constant 9984 : i32
        %dma_start3A_22 = arith.constant 0 : i32
        %dma_start3A_23 = tpu.memref_slice %arg11[%dma_start3A_21, %dma_start3A_22] : memref<10000x128xf32, #tpu.memory_space<vmem_shared>> -> memref<16x128xf32, #tpu.memory_space<vmem_shared>>
        tpu.enqueue_dma source(%dma_start3A_23 : memref<16x128xf32, #tpu.memory_space<vmem_shared>>) target(%dma_start3A_20 : memref<16x128xf32, #tpu.memory_space<hbm>>) target_semaphore(%run_scoped3A : memref<!tpu.dma_semaphore, #tpu.memory_space<semaphore_mem>>)
        %dma_wait3A = arith.constant 0 : i32
        %dma_wait3A_24 = arith.constant 0 : i32
        %dma_wait3A_25 = tpu.memref_slice %arg6[%arg0, %dma_wait3A, %dma_wait3A_24] : memref<2x10000x128xf32, #tpu.memory_space<hbm>> -> memref<1x10000x128xf32, #tpu.memory_space<hbm>>
        %dma_wait3A_26 = tpu.memref_squeeze %dma_wait3A_25 : memref<1x10000x128xf32, #tpu.memory_space<hbm>> -> memref<10000x128xf32, #tpu.memory_space<hbm>>
        %dma_wait3A_27 = arith.constant 9984 : i32
        %dma_wait3A_28 = arith.constant 0 : i32
        %dma_wait3A_29 = tpu.memref_slice %dma_wait3A_26[%dma_wait3A_27, %dma_wait3A_28] : memref<10000x128xf32, #tpu.memory_space<hbm>> -> memref<16x128xf32, #tpu.memory_space<hbm>>
        %dma_wait3A_30 = arith.constant 9984 : i32
        %dma_wait3A_31 = arith.constant 0 : i32
        %dma_wait3A_32 = tpu.memref_slice %arg11[%dma_wait3A_30, %dma_wait3A_31] : memref<10000x128xf32, #tpu.memory_space<vmem_shared>> -> memref<16x128xf32, #tpu.memory_space<vmem_shared>>
        tpu.wait_dma2 semaphore(%run_scoped3A : memref<!tpu.dma_semaphore, #tpu.memory_space<semaphore_mem>>) src(%dma_wait3A_32 : memref<16x128xf32, #tpu.memory_space<vmem_shared>>) dst(%dma_wait3A_29 : memref<16x128xf32, #tpu.memory_space<hbm>>)
        tpu.yield
      }) : () -> ()
    } else {
    }
    return
  }
}

#map = affine_map<(d0, d1) -> (0, 0)>
#map1 = affine_map<(d0, d1) -> (0, 0, 0, 0)>
#map2 = affine_map<(d0, d1) -> (0, 0, 0)>
module attributes {stable_mosaic.version = 14 : i64} {
  func.func @_seg_body(%arg0: i32, %arg1: i32, %arg2: memref<10000x128xf32, #tpu.memory_space<hbm>>, %arg3: memref<32x5x25x80xi32, #tpu.memory_space<hbm>>, %arg4: memref<32x5x25x80xi32, #tpu.memory_space<hbm>>, %arg5: memref<10000x128xf32, #tpu.memory_space<hbm>>, %arg6: memref<2x10000x128xf32, #tpu.memory_space<hbm>>, %arg7: memref<25x80xi32, #tpu.memory_space<vmem>>, %arg8: memref<25x80xi32, #tpu.memory_space<vmem>>, %arg9: memref<2x80x128xf32, #tpu.memory_space<vmem>>, %arg10: memref<!tpu.dma_semaphore, #tpu.memory_space<semaphore_mem>>, %arg11: memref<10000x128xf32, #tpu.memory_space<vmem_shared>>) attributes {dimension_semantics = [#tpu.dimension_semantics<core_parallel>, #tpu.dimension_semantics<subcore_parallel>], iteration_bounds = array<i64: 2, 16>, scalar_prefetch = 0 : i64, scratch_operands = 5 : i64, tpu.core_type = #tpu.core_type<sc_vector_subcore>, window_params = [{transform_indices = #map}, {transform_indices = #map1}, {transform_indices = #map1}, {transform_indices = #map}, {transform_indices = #map2}]} {
    %mul3A = arith.constant 2 : i32
    %mul3A_0 = arith.muli %arg1, %mul3A : i32
    %add3A = arith.addi %mul3A_0, %arg0 : i32
    %mul3A_1 = arith.constant 624 : i32
    %mul3A_2 = arith.muli %arg1, %mul3A_1 : i32
    "tpu.region"() ({
      %run_scoped3A = tpu.sem_alloc : memref<!tpu.dma_semaphore, #tpu.memory_space<semaphore_mem>>
      %dma_start3A = arith.constant 0 : i32
      %dma_start3A_15 = tpu.memref_slice %arg11[%mul3A_2, %dma_start3A] : memref<10000x128xf32, #tpu.memory_space<vmem_shared>> -> memref<624x128xf32, #tpu.memory_space<vmem_shared>>
      %dma_start3A_16 = arith.constant 0 : i32
      %dma_start3A_17 = tpu.memref_slice %arg5[%mul3A_2, %dma_start3A_16] : memref<10000x128xf32, #tpu.memory_space<hbm>> -> memref<624x128xf32, #tpu.memory_space<hbm>>
      tpu.enqueue_dma source(%dma_start3A_17 : memref<624x128xf32, #tpu.memory_space<hbm>>) target(%dma_start3A_15 : memref<624x128xf32, #tpu.memory_space<vmem_shared>>) target_semaphore(%run_scoped3A : memref<!tpu.dma_semaphore, #tpu.memory_space<semaphore_mem>>)
      %dma_wait3A = arith.constant 0 : i32
      %dma_wait3A_18 = tpu.memref_slice %arg11[%mul3A_2, %dma_wait3A] : memref<10000x128xf32, #tpu.memory_space<vmem_shared>> -> memref<624x128xf32, #tpu.memory_space<vmem_shared>>
      %dma_wait3A_19 = arith.constant 0 : i32
      %dma_wait3A_20 = tpu.memref_slice %arg5[%mul3A_2, %dma_wait3A_19] : memref<10000x128xf32, #tpu.memory_space<hbm>> -> memref<624x128xf32, #tpu.memory_space<hbm>>
      tpu.wait_dma2 semaphore(%run_scoped3A : memref<!tpu.dma_semaphore, #tpu.memory_space<semaphore_mem>>) src(%dma_wait3A_20 : memref<624x128xf32, #tpu.memory_space<hbm>>) dst(%dma_wait3A_18 : memref<624x128xf32, #tpu.memory_space<vmem_shared>>)
      tpu.yield
    }) : () -> ()
    %eq3A = arith.constant 15 : i32
    %eq3A_3 = arith.cmpi eq, %arg1, %eq3A : i32
    %convert_element_type3A = arith.extui %eq3A_3 : i1 to i32
    %cond3A = arith.constant 0 : i32
    %cond3A_4 = arith.cmpi ne, %convert_element_type3A, %cond3A : i32
    scf.if %cond3A_4 {
      "tpu.region"() ({
        %run_scoped3A = tpu.sem_alloc : memref<!tpu.dma_semaphore, #tpu.memory_space<semaphore_mem>>
        %dma_start3A = arith.constant 9984 : i32
        %dma_start3A_15 = arith.constant 0 : i32
        %dma_start3A_16 = tpu.memref_slice %arg11[%dma_start3A, %dma_start3A_15] : memref<10000x128xf32, #tpu.memory_space<vmem_shared>> -> memref<16x128xf32, #tpu.memory_space<vmem_shared>>
        %dma_start3A_17 = arith.constant 9984 : i32
        %dma_start3A_18 = arith.constant 0 : i32
        %dma_start3A_19 = tpu.memref_slice %arg5[%dma_start3A_17, %dma_start3A_18] : memref<10000x128xf32, #tpu.memory_space<hbm>> -> memref<16x128xf32, #tpu.memory_space<hbm>>
        tpu.enqueue_dma source(%dma_start3A_19 : memref<16x128xf32, #tpu.memory_space<hbm>>) target(%dma_start3A_16 : memref<16x128xf32, #tpu.memory_space<vmem_shared>>) target_semaphore(%run_scoped3A : memref<!tpu.dma_semaphore, #tpu.memory_space<semaphore_mem>>)
        %dma_wait3A = arith.constant 9984 : i32
        %dma_wait3A_20 = arith.constant 0 : i32
        %dma_wait3A_21 = tpu.memref_slice %arg11[%dma_wait3A, %dma_wait3A_20] : memref<10000x128xf32, #tpu.memory_space<vmem_shared>> -> memref<16x128xf32, #tpu.memory_space<vmem_shared>>
        %dma_wait3A_22 = arith.constant 9984 : i32
        %dma_wait3A_23 = arith.constant 0 : i32
        %dma_wait3A_24 = tpu.memref_slice %arg5[%dma_wait3A_22, %dma_wait3A_23] : memref<10000x128xf32, #tpu.memory_space<hbm>> -> memref<16x128xf32, #tpu.memory_space<hbm>>
        tpu.wait_dma2 semaphore(%run_scoped3A : memref<!tpu.dma_semaphore, #tpu.memory_space<semaphore_mem>>) src(%dma_wait3A_24 : memref<16x128xf32, #tpu.memory_space<hbm>>) dst(%dma_wait3A_21 : memref<16x128xf32, #tpu.memory_space<vmem_shared>>)
        tpu.yield
      }) : () -> ()
    } else {
    }
    %barrier3A = arith.constant 0 : index
    tpu.barrier barrier_id(%barrier3A)
    %scan3A = arith.constant 0 : i32
    %scan3A_5 = arith.constant 126 : i32
    %scan3A_6 = arith.addi %scan3A, %scan3A_5 : i32
    %scan3A_7 = arith.constant 1 : i32
    scf.for %scan3A_15 = %scan3A to %scan3A_6 step %scan3A_7  : i32 {
      %mul3A_16 = arith.constant 1 : i32
      %mul3A_17 = arith.muli %scan3A_15, %mul3A_16 : i32
      %add3A_18 = arith.constant 0 : i32
      %add3A_19 = arith.addi %add3A_18, %mul3A_17 : i32
      %lt3A = arith.constant 125 : i32
      %lt3A_20 = arith.cmpi slt, %add3A_19, %lt3A : i32
      %convert_element_type3A_21 = arith.extui %lt3A_20 : i1 to i32
      %cond3A_22 = arith.constant 0 : i32
      %cond3A_23 = arith.cmpi ne, %convert_element_type3A_21, %cond3A_22 : i32
      scf.if %cond3A_23 {
        %jit3A = arith.constant 25 : i32
        %eq3A_28 = arith.constant 0 : i32
        %eq3A_29 = arith.cmpi eq, %jit3A, %eq3A_28 : i32
        %jit3A_30 = arith.constant 1 : i32
        %select_n3A = arith.select %eq3A_29, %jit3A_30, %jit3A : i32
        %rem3A = arith.remsi %add3A_19, %select_n3A : i32
        %ne3A = arith.constant 0 : i32
        %ne3A_31 = arith.cmpi ne, %rem3A, %ne3A : i32
        %lt3A_32 = arith.constant 0 : i32
        %lt3A_33 = arith.cmpi slt, %rem3A, %lt3A_32 : i32
        %lt3A_34 = arith.constant 0 : i32
        %lt3A_35 = arith.cmpi slt, %select_n3A, %lt3A_34 : i32
        %ne3A_36 = arith.xori %lt3A_33, %lt3A_35 : i1
        %and3A = arith.andi %ne3A_36, %ne3A_31 : i1
        %add3A_37 = arith.addi %rem3A, %select_n3A : i32
        %select_n3A_38 = arith.select %and3A, %add3A_37, %rem3A : i32
        %eq3A_39 = arith.constant 0 : i32
        %eq3A_40 = arith.cmpi eq, %select_n3A_38, %eq3A_39 : i32
        %convert_element_type3A_41 = arith.extui %eq3A_40 : i1 to i32
        %cond3A_42 = arith.constant 0 : i32
        %cond3A_43 = arith.cmpi ne, %convert_element_type3A_41, %cond3A_42 : i32
        scf.if %cond3A_43 {
          %jit3A_85 = arith.constant 25 : i32
          %div3A = arith.divsi %add3A_19, %jit3A_85 : i32
          %sign3A = arith.constant 0 : i32
          %sign3A_86 = arith.cmpi sgt, %add3A_19, %sign3A : i32
          %sign3A_87 = arith.extui %sign3A_86 : i1 to i32
          %sign3A_88 = arith.constant 0 : i32
          %sign3A_89 = arith.cmpi slt, %add3A_19, %sign3A_88 : i32
          %sign3A_90 = arith.extui %sign3A_89 : i1 to i32
          %sign3A_91 = arith.subi %sign3A_87, %sign3A_90 : i32
          %sign3A_92 = arith.constant 0 : i32
          %sign3A_93 = arith.cmpi sgt, %jit3A_85, %sign3A_92 : i32
          %sign3A_94 = arith.extui %sign3A_93 : i1 to i32
          %sign3A_95 = arith.constant 0 : i32
          %sign3A_96 = arith.cmpi slt, %jit3A_85, %sign3A_95 : i32
          %sign3A_97 = arith.extui %sign3A_96 : i1 to i32
          %sign3A_98 = arith.subi %sign3A_94, %sign3A_97 : i32
          %ne3A_99 = arith.cmpi ne, %sign3A_91, %sign3A_98 : i32
          %rem3A_100 = arith.remsi %add3A_19, %jit3A_85 : i32
          %ne3A_101 = arith.constant 0 : i32
          %ne3A_102 = arith.cmpi ne, %rem3A_100, %ne3A_101 : i32
          %and3A_103 = arith.andi %ne3A_99, %ne3A_102 : i1
          %sub3A = arith.constant 1 : i32
          %sub3A_104 = arith.subi %div3A, %sub3A : i32
          %select_n3A_105 = arith.select %and3A_103, %sub3A_104, %div3A : i32
          "tpu.region"() ({
            %run_scoped3A = tpu.sem_alloc : memref<!tpu.dma_semaphore, #tpu.memory_space<semaphore_mem>>
            %dma_start3A_106 = arith.constant 0 : i32
            %dma_start3A_107 = arith.constant 0 : i32
            %dma_start3A_108 = tpu.memref_slice %arg3[%add3A, %select_n3A_105, %dma_start3A_106, %dma_start3A_107] : memref<32x5x25x80xi32, #tpu.memory_space<hbm>> -> memref<1x1x25x80xi32, #tpu.memory_space<hbm>>
            %dma_start3A_109 = tpu.memref_squeeze %dma_start3A_108 : memref<1x1x25x80xi32, #tpu.memory_space<hbm>> -> memref<25x80xi32, #tpu.memory_space<hbm>>
            %dma_start3A_110 = arith.constant 0 : i32
            %dma_start3A_111 = arith.constant 0 : i32
            %dma_start3A_112 = tpu.memref_slice %arg3[%add3A, %select_n3A_105, %dma_start3A_110, %dma_start3A_111] : memref<32x5x25x80xi32, #tpu.memory_space<hbm>> -> memref<1x1x25x80xi32, #tpu.memory_space<hbm>>
            %dma_start3A_113 = tpu.memref_squeeze %dma_start3A_112 : memref<1x1x25x80xi32, #tpu.memory_space<hbm>> -> memref<25x80xi32, #tpu.memory_space<hbm>>
            tpu.enqueue_dma source(%dma_start3A_113 : memref<25x80xi32, #tpu.memory_space<hbm>>) target(%arg7 : memref<25x80xi32, #tpu.memory_space<vmem>>) target_semaphore(%run_scoped3A : memref<!tpu.dma_semaphore, #tpu.memory_space<semaphore_mem>>)
            %dma_wait3A = arith.constant 0 : i32
            %dma_wait3A_114 = arith.constant 0 : i32
            %dma_wait3A_115 = tpu.memref_slice %arg3[%add3A, %select_n3A_105, %dma_wait3A, %dma_wait3A_114] : memref<32x5x25x80xi32, #tpu.memory_space<hbm>> -> memref<1x1x25x80xi32, #tpu.memory_space<hbm>>
            %dma_wait3A_116 = tpu.memref_squeeze %dma_wait3A_115 : memref<1x1x25x80xi32, #tpu.memory_space<hbm>> -> memref<25x80xi32, #tpu.memory_space<hbm>>
            %dma_wait3A_117 = arith.constant 0 : i32
            %dma_wait3A_118 = arith.constant 0 : i32
            %dma_wait3A_119 = tpu.memref_slice %arg3[%add3A, %select_n3A_105, %dma_wait3A_117, %dma_wait3A_118] : memref<32x5x25x80xi32, #tpu.memory_space<hbm>> -> memref<1x1x25x80xi32, #tpu.memory_space<hbm>>
            %dma_wait3A_120 = tpu.memref_squeeze %dma_wait3A_119 : memref<1x1x25x80xi32, #tpu.memory_space<hbm>> -> memref<25x80xi32, #tpu.memory_space<hbm>>
            tpu.wait_dma2 semaphore(%run_scoped3A : memref<!tpu.dma_semaphore, #tpu.memory_space<semaphore_mem>>) src(%dma_wait3A_120 : memref<25x80xi32, #tpu.memory_space<hbm>>) dst(%arg7 : memref<25x80xi32, #tpu.memory_space<vmem>>)
            tpu.yield
          }) : () -> ()
        } else {
        }
        %jit3A_44 = arith.constant 25 : i32
        %eq3A_45 = arith.constant 0 : i32
        %eq3A_46 = arith.cmpi eq, %jit3A_44, %eq3A_45 : i32
        %jit3A_47 = arith.constant 1 : i32
        %select_n3A_48 = arith.select %eq3A_46, %jit3A_47, %jit3A_44 : i32
        %rem3A_49 = arith.remsi %add3A_19, %select_n3A_48 : i32
        %ne3A_50 = arith.constant 0 : i32
        %ne3A_51 = arith.cmpi ne, %rem3A_49, %ne3A_50 : i32
        %lt3A_52 = arith.constant 0 : i32
        %lt3A_53 = arith.cmpi slt, %rem3A_49, %lt3A_52 : i32
        %lt3A_54 = arith.constant 0 : i32
        %lt3A_55 = arith.cmpi slt, %select_n3A_48, %lt3A_54 : i32
        %ne3A_56 = arith.xori %lt3A_53, %lt3A_55 : i1
        %and3A_57 = arith.andi %ne3A_56, %ne3A_51 : i1
        %add3A_58 = arith.addi %rem3A_49, %select_n3A_48 : i32
        %select_n3A_59 = arith.select %and3A_57, %add3A_58, %rem3A_49 : i32
        %jit3A_60 = arith.constant 2 : i32
        %eq3A_61 = arith.constant 0 : i32
        %eq3A_62 = arith.cmpi eq, %jit3A_60, %eq3A_61 : i32
        %jit3A_63 = arith.constant 1 : i32
        %select_n3A_64 = arith.select %eq3A_62, %jit3A_63, %jit3A_60 : i32
        %rem3A_65 = arith.remsi %add3A_19, %select_n3A_64 : i32
        %ne3A_66 = arith.constant 0 : i32
        %ne3A_67 = arith.cmpi ne, %rem3A_65, %ne3A_66 : i32
        %lt3A_68 = arith.constant 0 : i32
        %lt3A_69 = arith.cmpi slt, %rem3A_65, %lt3A_68 : i32
        %lt3A_70 = arith.constant 0 : i32
        %lt3A_71 = arith.cmpi slt, %select_n3A_64, %lt3A_70 : i32
        %ne3A_72 = arith.xori %lt3A_69, %lt3A_71 : i1
        %and3A_73 = arith.andi %ne3A_72, %ne3A_67 : i1
        %add3A_74 = arith.addi %rem3A_65, %select_n3A_64 : i32
        %select_n3A_75 = arith.select %and3A_73, %add3A_74, %rem3A_65 : i32
        %dma_start3A = arith.constant 0 : i32
        %dma_start3A_76 = arith.constant 0 : i32
        %dma_start3A_77 = tpu.memref_slice %arg9[%select_n3A_75, %dma_start3A, %dma_start3A_76] : memref<2x80x128xf32, #tpu.memory_space<vmem>> -> memref<1x80x128xf32, #tpu.memory_space<vmem>>
        %dma_start3A_78 = tpu.memref_squeeze %dma_start3A_77 : memref<1x80x128xf32, #tpu.memory_space<vmem>> -> memref<80x128xf32, #tpu.memory_space<vmem>>
        %dma_start3A_79 = arith.constant 0 : i32
        %dma_start3A_80 = tpu.memref_slice %arg7[%select_n3A_59, %dma_start3A_79] : memref<25x80xi32, #tpu.memory_space<vmem>> -> memref<1x80xi32, #tpu.memory_space<vmem>>
        %dma_start3A_81 = tpu.memref_squeeze %dma_start3A_80 : memref<1x80xi32, #tpu.memory_space<vmem>> -> memref<80xi32, #tpu.memory_space<vmem>>
        %dma_start3A_82 = arith.constant 0 : i32
        %dma_start3A_83 = arith.constant 0 : i32
        %dma_start3A_84 = tpu.memref_slice %arg2[%dma_start3A_82, %dma_start3A_83] : memref<10000x128xf32, #tpu.memory_space<hbm>> -> memref<10000x128xf32, #tpu.memory_space<hbm>>
        tpu.enqueue_indirect_dma source(%dma_start3A_84 : memref<10000x128xf32, #tpu.memory_space<hbm>>) target(%dma_start3A_78 : memref<80x128xf32, #tpu.memory_space<vmem>>) offsets(%dma_start3A_81 : memref<80xi32, #tpu.memory_space<vmem>>) semaphore(%arg10 : memref<!tpu.dma_semaphore, #tpu.memory_space<semaphore_mem>>)
      } else {
      }
      %gt3A = arith.constant 0 : i32
      %gt3A_24 = arith.cmpi sgt, %add3A_19, %gt3A : i32
      %convert_element_type3A_25 = arith.extui %gt3A_24 : i1 to i32
      %cond3A_26 = arith.constant 0 : i32
      %cond3A_27 = arith.cmpi ne, %convert_element_type3A_25, %cond3A_26 : i32
      scf.if %cond3A_27 {
        %sub3A = arith.constant 1 : i32
        %sub3A_28 = arith.subi %add3A_19, %sub3A : i32
        %jit3A = arith.constant 25 : i32
        %eq3A_29 = arith.constant 0 : i32
        %eq3A_30 = arith.cmpi eq, %jit3A, %eq3A_29 : i32
        %jit3A_31 = arith.constant 1 : i32
        %select_n3A = arith.select %eq3A_30, %jit3A_31, %jit3A : i32
        %rem3A = arith.remsi %sub3A_28, %select_n3A : i32
        %ne3A = arith.constant 0 : i32
        %ne3A_32 = arith.cmpi ne, %rem3A, %ne3A : i32
        %lt3A_33 = arith.constant 0 : i32
        %lt3A_34 = arith.cmpi slt, %rem3A, %lt3A_33 : i32
        %lt3A_35 = arith.constant 0 : i32
        %lt3A_36 = arith.cmpi slt, %select_n3A, %lt3A_35 : i32
        %ne3A_37 = arith.xori %lt3A_34, %lt3A_36 : i1
        %and3A = arith.andi %ne3A_37, %ne3A_32 : i1
        %add3A_38 = arith.addi %rem3A, %select_n3A : i32
        %select_n3A_39 = arith.select %and3A, %add3A_38, %rem3A : i32
        %eq3A_40 = arith.constant 0 : i32
        %eq3A_41 = arith.cmpi eq, %select_n3A_39, %eq3A_40 : i32
        %convert_element_type3A_42 = arith.extui %eq3A_41 : i1 to i32
        %cond3A_43 = arith.constant 0 : i32
        %cond3A_44 = arith.cmpi ne, %convert_element_type3A_42, %cond3A_43 : i32
        scf.if %cond3A_44 {
          %jit3A_118 = arith.constant 25 : i32
          %div3A = arith.divsi %sub3A_28, %jit3A_118 : i32
          %sign3A = arith.constant 0 : i32
          %sign3A_119 = arith.cmpi sgt, %sub3A_28, %sign3A : i32
          %sign3A_120 = arith.extui %sign3A_119 : i1 to i32
          %sign3A_121 = arith.constant 0 : i32
          %sign3A_122 = arith.cmpi slt, %sub3A_28, %sign3A_121 : i32
          %sign3A_123 = arith.extui %sign3A_122 : i1 to i32
          %sign3A_124 = arith.subi %sign3A_120, %sign3A_123 : i32
          %sign3A_125 = arith.constant 0 : i32
          %sign3A_126 = arith.cmpi sgt, %jit3A_118, %sign3A_125 : i32
          %sign3A_127 = arith.extui %sign3A_126 : i1 to i32
          %sign3A_128 = arith.constant 0 : i32
          %sign3A_129 = arith.cmpi slt, %jit3A_118, %sign3A_128 : i32
          %sign3A_130 = arith.extui %sign3A_129 : i1 to i32
          %sign3A_131 = arith.subi %sign3A_127, %sign3A_130 : i32
          %ne3A_132 = arith.cmpi ne, %sign3A_124, %sign3A_131 : i32
          %rem3A_133 = arith.remsi %sub3A_28, %jit3A_118 : i32
          %ne3A_134 = arith.constant 0 : i32
          %ne3A_135 = arith.cmpi ne, %rem3A_133, %ne3A_134 : i32
          %and3A_136 = arith.andi %ne3A_132, %ne3A_135 : i1
          %sub3A_137 = arith.constant 1 : i32
          %sub3A_138 = arith.subi %div3A, %sub3A_137 : i32
          %select_n3A_139 = arith.select %and3A_136, %sub3A_138, %div3A : i32
          "tpu.region"() ({
            %run_scoped3A = tpu.sem_alloc : memref<!tpu.dma_semaphore, #tpu.memory_space<semaphore_mem>>
            %dma_start3A = arith.constant 0 : i32
            %dma_start3A_140 = arith.constant 0 : i32
            %dma_start3A_141 = tpu.memref_slice %arg4[%add3A, %select_n3A_139, %dma_start3A, %dma_start3A_140] : memref<32x5x25x80xi32, #tpu.memory_space<hbm>> -> memref<1x1x25x80xi32, #tpu.memory_space<hbm>>
            %dma_start3A_142 = tpu.memref_squeeze %dma_start3A_141 : memref<1x1x25x80xi32, #tpu.memory_space<hbm>> -> memref<25x80xi32, #tpu.memory_space<hbm>>
            %dma_start3A_143 = arith.constant 0 : i32
            %dma_start3A_144 = arith.constant 0 : i32
            %dma_start3A_145 = tpu.memref_slice %arg4[%add3A, %select_n3A_139, %dma_start3A_143, %dma_start3A_144] : memref<32x5x25x80xi32, #tpu.memory_space<hbm>> -> memref<1x1x25x80xi32, #tpu.memory_space<hbm>>
            %dma_start3A_146 = tpu.memref_squeeze %dma_start3A_145 : memref<1x1x25x80xi32, #tpu.memory_space<hbm>> -> memref<25x80xi32, #tpu.memory_space<hbm>>
            tpu.enqueue_dma source(%dma_start3A_146 : memref<25x80xi32, #tpu.memory_space<hbm>>) target(%arg8 : memref<25x80xi32, #tpu.memory_space<vmem>>) target_semaphore(%run_scoped3A : memref<!tpu.dma_semaphore, #tpu.memory_space<semaphore_mem>>)
            %dma_wait3A_147 = arith.constant 0 : i32
            %dma_wait3A_148 = arith.constant 0 : i32
            %dma_wait3A_149 = tpu.memref_slice %arg4[%add3A, %select_n3A_139, %dma_wait3A_147, %dma_wait3A_148] : memref<32x5x25x80xi32, #tpu.memory_space<hbm>> -> memref<1x1x25x80xi32, #tpu.memory_space<hbm>>
            %dma_wait3A_150 = tpu.memref_squeeze %dma_wait3A_149 : memref<1x1x25x80xi32, #tpu.memory_space<hbm>> -> memref<25x80xi32, #tpu.memory_space<hbm>>
            %dma_wait3A_151 = arith.constant 0 : i32
            %dma_wait3A_152 = arith.constant 0 : i32
            %dma_wait3A_153 = tpu.memref_slice %arg4[%add3A, %select_n3A_139, %dma_wait3A_151, %dma_wait3A_152] : memref<32x5x25x80xi32, #tpu.memory_space<hbm>> -> memref<1x1x25x80xi32, #tpu.memory_space<hbm>>
            %dma_wait3A_154 = tpu.memref_squeeze %dma_wait3A_153 : memref<1x1x25x80xi32, #tpu.memory_space<hbm>> -> memref<25x80xi32, #tpu.memory_space<hbm>>
            tpu.wait_dma2 semaphore(%run_scoped3A : memref<!tpu.dma_semaphore, #tpu.memory_space<semaphore_mem>>) src(%dma_wait3A_154 : memref<25x80xi32, #tpu.memory_space<hbm>>) dst(%arg8 : memref<25x80xi32, #tpu.memory_space<vmem>>)
            tpu.yield
          }) : () -> ()
        } else {
        }
        %jit3A_45 = arith.constant 25 : i32
        %eq3A_46 = arith.constant 0 : i32
        %eq3A_47 = arith.cmpi eq, %jit3A_45, %eq3A_46 : i32
        %jit3A_48 = arith.constant 1 : i32
        %select_n3A_49 = arith.select %eq3A_47, %jit3A_48, %jit3A_45 : i32
        %rem3A_50 = arith.remsi %sub3A_28, %select_n3A_49 : i32
        %ne3A_51 = arith.constant 0 : i32
        %ne3A_52 = arith.cmpi ne, %rem3A_50, %ne3A_51 : i32
        %lt3A_53 = arith.constant 0 : i32
        %lt3A_54 = arith.cmpi slt, %rem3A_50, %lt3A_53 : i32
        %lt3A_55 = arith.constant 0 : i32
        %lt3A_56 = arith.cmpi slt, %select_n3A_49, %lt3A_55 : i32
        %ne3A_57 = arith.xori %lt3A_54, %lt3A_56 : i1
        %and3A_58 = arith.andi %ne3A_57, %ne3A_52 : i1
        %add3A_59 = arith.addi %rem3A_50, %select_n3A_49 : i32
        %select_n3A_60 = arith.select %and3A_58, %add3A_59, %rem3A_50 : i32
        %jit3A_61 = arith.constant 2 : i32
        %eq3A_62 = arith.constant 0 : i32
        %eq3A_63 = arith.cmpi eq, %jit3A_61, %eq3A_62 : i32
        %jit3A_64 = arith.constant 1 : i32
        %select_n3A_65 = arith.select %eq3A_63, %jit3A_64, %jit3A_61 : i32
        %rem3A_66 = arith.remsi %sub3A_28, %select_n3A_65 : i32
        %ne3A_67 = arith.constant 0 : i32
        %ne3A_68 = arith.cmpi ne, %rem3A_66, %ne3A_67 : i32
        %lt3A_69 = arith.constant 0 : i32
        %lt3A_70 = arith.cmpi slt, %rem3A_66, %lt3A_69 : i32
        %lt3A_71 = arith.constant 0 : i32
        %lt3A_72 = arith.cmpi slt, %select_n3A_65, %lt3A_71 : i32
        %ne3A_73 = arith.xori %lt3A_70, %lt3A_72 : i1
        %and3A_74 = arith.andi %ne3A_73, %ne3A_68 : i1
        %add3A_75 = arith.addi %rem3A_66, %select_n3A_65 : i32
        %select_n3A_76 = arith.select %and3A_74, %add3A_75, %rem3A_66 : i32
        %dma_wait3A = arith.constant 0 : i32
        %dma_wait3A_77 = arith.constant 0 : i32
        %dma_wait3A_78 = tpu.memref_slice %arg9[%select_n3A_76, %dma_wait3A, %dma_wait3A_77] : memref<2x80x128xf32, #tpu.memory_space<vmem>> -> memref<1x80x128xf32, #tpu.memory_space<vmem>>
        %dma_wait3A_79 = tpu.memref_squeeze %dma_wait3A_78 : memref<1x80x128xf32, #tpu.memory_space<vmem>> -> memref<80x128xf32, #tpu.memory_space<vmem>>
        %dma_wait3A_80 = arith.constant 0 : i32
        %dma_wait3A_81 = tpu.memref_slice %arg7[%select_n3A_60, %dma_wait3A_80] : memref<25x80xi32, #tpu.memory_space<vmem>> -> memref<1x80xi32, #tpu.memory_space<vmem>>
        %dma_wait3A_82 = tpu.memref_squeeze %dma_wait3A_81 : memref<1x80xi32, #tpu.memory_space<vmem>> -> memref<80xi32, #tpu.memory_space<vmem>>
        %dma_wait3A_83 = arith.constant 0 : i32
        %dma_wait3A_84 = arith.constant 0 : i32
        %dma_wait3A_85 = tpu.memref_slice %arg2[%dma_wait3A_83, %dma_wait3A_84] : memref<10000x128xf32, #tpu.memory_space<hbm>> -> memref<10000x128xf32, #tpu.memory_space<hbm>>
        tpu.wait_indirect_dma semaphore(%arg10 : memref<!tpu.dma_semaphore, #tpu.memory_space<semaphore_mem>>) src(%dma_wait3A_85 : memref<10000x128xf32, #tpu.memory_space<hbm>>) dst(%dma_wait3A_79 : memref<80x128xf32, #tpu.memory_space<vmem>>)
        %jit3A_86 = arith.constant 2 : i32
        %eq3A_87 = arith.constant 0 : i32
        %eq3A_88 = arith.cmpi eq, %jit3A_86, %eq3A_87 : i32
        %jit3A_89 = arith.constant 1 : i32
        %select_n3A_90 = arith.select %eq3A_88, %jit3A_89, %jit3A_86 : i32
        %rem3A_91 = arith.remsi %sub3A_28, %select_n3A_90 : i32
        %ne3A_92 = arith.constant 0 : i32
        %ne3A_93 = arith.cmpi ne, %rem3A_91, %ne3A_92 : i32
        %lt3A_94 = arith.constant 0 : i32
        %lt3A_95 = arith.cmpi slt, %rem3A_91, %lt3A_94 : i32
        %lt3A_96 = arith.constant 0 : i32
        %lt3A_97 = arith.cmpi slt, %select_n3A_90, %lt3A_96 : i32
        %ne3A_98 = arith.xori %lt3A_95, %lt3A_97 : i1
        %and3A_99 = arith.andi %ne3A_98, %ne3A_93 : i1
        %add3A_100 = arith.addi %rem3A_91, %select_n3A_90 : i32
        %select_n3A_101 = arith.select %and3A_99, %add3A_100, %rem3A_91 : i32
        %jit3A_102 = arith.constant 25 : i32
        %eq3A_103 = arith.constant 0 : i32
        %eq3A_104 = arith.cmpi eq, %jit3A_102, %eq3A_103 : i32
        %jit3A_105 = arith.constant 1 : i32
        %select_n3A_106 = arith.select %eq3A_104, %jit3A_105, %jit3A_102 : i32
        %rem3A_107 = arith.remsi %sub3A_28, %select_n3A_106 : i32
        %ne3A_108 = arith.constant 0 : i32
        %ne3A_109 = arith.cmpi ne, %rem3A_107, %ne3A_108 : i32
        %lt3A_110 = arith.constant 0 : i32
        %lt3A_111 = arith.cmpi slt, %rem3A_107, %lt3A_110 : i32
        %lt3A_112 = arith.constant 0 : i32
        %lt3A_113 = arith.cmpi slt, %select_n3A_106, %lt3A_112 : i32
        %ne3A_114 = arith.xori %lt3A_111, %lt3A_113 : i1
        %and3A_115 = arith.andi %ne3A_114, %ne3A_109 : i1
        %add3A_116 = arith.addi %rem3A_107, %select_n3A_106 : i32
        %select_n3A_117 = arith.select %and3A_115, %add3A_116, %rem3A_107 : i32
        "tpu.region"() ({
          %run_scoped3A = tpu.sem_alloc : memref<!tpu.dma_semaphore, #tpu.memory_space<semaphore_mem>>
          %dma_start3A = arith.constant 0 : i32
          %dma_start3A_118 = arith.constant 0 : i32
          %dma_start3A_119 = tpu.memref_slice %arg9[%select_n3A_101, %dma_start3A, %dma_start3A_118] : memref<2x80x128xf32, #tpu.memory_space<vmem>> -> memref<1x80x128xf32, #tpu.memory_space<vmem>>
          %dma_start3A_120 = tpu.memref_squeeze %dma_start3A_119 : memref<1x80x128xf32, #tpu.memory_space<vmem>> -> memref<80x128xf32, #tpu.memory_space<vmem>>
          %dma_start3A_121 = arith.constant 0 : i32
          %dma_start3A_122 = tpu.memref_slice %arg8[%select_n3A_117, %dma_start3A_121] : memref<25x80xi32, #tpu.memory_space<vmem>> -> memref<1x80xi32, #tpu.memory_space<vmem>>
          %dma_start3A_123 = tpu.memref_squeeze %dma_start3A_122 : memref<1x80xi32, #tpu.memory_space<vmem>> -> memref<80xi32, #tpu.memory_space<vmem>>
          %dma_start3A_124 = arith.constant 0 : i32
          %dma_start3A_125 = arith.constant 0 : i32
          %dma_start3A_126 = tpu.memref_slice %arg11[%dma_start3A_124, %dma_start3A_125] : memref<10000x128xf32, #tpu.memory_space<vmem_shared>> -> memref<10000x128xf32, #tpu.memory_space<vmem_shared>>
          tpu.enqueue_indirect_dma source(%dma_start3A_120 : memref<80x128xf32, #tpu.memory_space<vmem>>) target(%dma_start3A_126 : memref<10000x128xf32, #tpu.memory_space<vmem_shared>>) offsets(%dma_start3A_123 : memref<80xi32, #tpu.memory_space<vmem>>) semaphore(%run_scoped3A : memref<!tpu.dma_semaphore, #tpu.memory_space<semaphore_mem>>) {add = true}
          %dma_wait3A_127 = arith.constant 0 : i32
          %dma_wait3A_128 = arith.constant 0 : i32
          %dma_wait3A_129 = tpu.memref_slice %arg9[%select_n3A_101, %dma_wait3A_127, %dma_wait3A_128] : memref<2x80x128xf32, #tpu.memory_space<vmem>> -> memref<1x80x128xf32, #tpu.memory_space<vmem>>
          %dma_wait3A_130 = tpu.memref_squeeze %dma_wait3A_129 : memref<1x80x128xf32, #tpu.memory_space<vmem>> -> memref<80x128xf32, #tpu.memory_space<vmem>>
          %dma_wait3A_131 = arith.constant 0 : i32
          %dma_wait3A_132 = tpu.memref_slice %arg8[%select_n3A_117, %dma_wait3A_131] : memref<25x80xi32, #tpu.memory_space<vmem>> -> memref<1x80xi32, #tpu.memory_space<vmem>>
          %dma_wait3A_133 = tpu.memref_squeeze %dma_wait3A_132 : memref<1x80xi32, #tpu.memory_space<vmem>> -> memref<80xi32, #tpu.memory_space<vmem>>
          %dma_wait3A_134 = arith.constant 0 : i32
          %dma_wait3A_135 = arith.constant 0 : i32
          %dma_wait3A_136 = tpu.memref_slice %arg11[%dma_wait3A_134, %dma_wait3A_135] : memref<10000x128xf32, #tpu.memory_space<vmem_shared>> -> memref<10000x128xf32, #tpu.memory_space<vmem_shared>>
          tpu.wait_indirect_dma semaphore(%run_scoped3A : memref<!tpu.dma_semaphore, #tpu.memory_space<semaphore_mem>>) src(%dma_wait3A_130 : memref<80x128xf32, #tpu.memory_space<vmem>>) dst(%dma_wait3A_136 : memref<10000x128xf32, #tpu.memory_space<vmem_shared>>)
          tpu.yield
        }) : () -> ()
      } else {
      }
    }
    %scan3A_8 = arith.constant 126 : i32
    %barrier3A_9 = arith.constant 0 : index
    tpu.barrier barrier_id(%barrier3A_9)
    "tpu.region"() ({
      %run_scoped3A = tpu.sem_alloc : memref<!tpu.dma_semaphore, #tpu.memory_space<semaphore_mem>>
      %dma_start3A = arith.constant 0 : i32
      %dma_start3A_15 = arith.constant 0 : i32
      %dma_start3A_16 = tpu.memref_slice %arg6[%arg0, %dma_start3A, %dma_start3A_15] : memref<2x10000x128xf32, #tpu.memory_space<hbm>> -> memref<1x10000x128xf32, #tpu.memory_space<hbm>>
      %dma_start3A_17 = tpu.memref_squeeze %dma_start3A_16 : memref<1x10000x128xf32, #tpu.memory_space<hbm>> -> memref<10000x128xf32, #tpu.memory_space<hbm>>
      %dma_start3A_18 = arith.constant 0 : i32
      %dma_start3A_19 = tpu.memref_slice %dma_start3A_17[%mul3A_2, %dma_start3A_18] : memref<10000x128xf32, #tpu.memory_space<hbm>> -> memref<624x128xf32, #tpu.memory_space<hbm>>
      %dma_start3A_20 = arith.constant 0 : i32
      %dma_start3A_21 = tpu.memref_slice %arg11[%mul3A_2, %dma_start3A_20] : memref<10000x128xf32, #tpu.memory_space<vmem_shared>> -> memref<624x128xf32, #tpu.memory_space<vmem_shared>>
      tpu.enqueue_dma source(%dma_start3A_21 : memref<624x128xf32, #tpu.memory_space<vmem_shared>>) target(%dma_start3A_19 : memref<624x128xf32, #tpu.memory_space<hbm>>) target_semaphore(%run_scoped3A : memref<!tpu.dma_semaphore, #tpu.memory_space<semaphore_mem>>)
      %dma_wait3A = arith.constant 0 : i32
      %dma_wait3A_22 = arith.constant 0 : i32
      %dma_wait3A_23 = tpu.memref_slice %arg6[%arg0, %dma_wait3A, %dma_wait3A_22] : memref<2x10000x128xf32, #tpu.memory_space<hbm>> -> memref<1x10000x128xf32, #tpu.memory_space<hbm>>
      %dma_wait3A_24 = tpu.memref_squeeze %dma_wait3A_23 : memref<1x10000x128xf32, #tpu.memory_space<hbm>> -> memref<10000x128xf32, #tpu.memory_space<hbm>>
      %dma_wait3A_25 = arith.constant 0 : i32
      %dma_wait3A_26 = tpu.memref_slice %dma_wait3A_24[%mul3A_2, %dma_wait3A_25] : memref<10000x128xf32, #tpu.memory_space<hbm>> -> memref<624x128xf32, #tpu.memory_space<hbm>>
      %dma_wait3A_27 = arith.constant 0 : i32
      %dma_wait3A_28 = tpu.memref_slice %arg11[%mul3A_2, %dma_wait3A_27] : memref<10000x128xf32, #tpu.memory_space<vmem_shared>> -> memref<624x128xf32, #tpu.memory_space<vmem_shared>>
      tpu.wait_dma2 semaphore(%run_scoped3A : memref<!tpu.dma_semaphore, #tpu.memory_space<semaphore_mem>>) src(%dma_wait3A_28 : memref<624x128xf32, #tpu.memory_space<vmem_shared>>) dst(%dma_wait3A_26 : memref<624x128xf32, #tpu.memory_space<hbm>>)
      tpu.yield
    }) : () -> ()
    %eq3A_10 = arith.constant 15 : i32
    %eq3A_11 = arith.cmpi eq, %arg1, %eq3A_10 : i32
    %convert_element_type3A_12 = arith.extui %eq3A_11 : i1 to i32
    %cond3A_13 = arith.constant 0 : i32
    %cond3A_14 = arith.cmpi ne, %convert_element_type3A_12, %cond3A_13 : i32
    scf.if %cond3A_14 {
      "tpu.region"() ({
        %run_scoped3A = tpu.sem_alloc : memref<!tpu.dma_semaphore, #tpu.memory_space<semaphore_mem>>
        %dma_start3A = arith.constant 0 : i32
        %dma_start3A_15 = arith.constant 0 : i32
        %dma_start3A_16 = tpu.memref_slice %arg6[%arg0, %dma_start3A, %dma_start3A_15] : memref<2x10000x128xf32, #tpu.memory_space<hbm>> -> memref<1x10000x128xf32, #tpu.memory_space<hbm>>
        %dma_start3A_17 = tpu.memref_squeeze %dma_start3A_16 : memref<1x10000x128xf32, #tpu.memory_space<hbm>> -> memref<10000x128xf32, #tpu.memory_space<hbm>>
        %dma_start3A_18 = arith.constant 9984 : i32
        %dma_start3A_19 = arith.constant 0 : i32
        %dma_start3A_20 = tpu.memref_slice %dma_start3A_17[%dma_start3A_18, %dma_start3A_19] : memref<10000x128xf32, #tpu.memory_space<hbm>> -> memref<16x128xf32, #tpu.memory_space<hbm>>
        %dma_start3A_21 = arith.constant 9984 : i32
        %dma_start3A_22 = arith.constant 0 : i32
        %dma_start3A_23 = tpu.memref_slice %arg11[%dma_start3A_21, %dma_start3A_22] : memref<10000x128xf32, #tpu.memory_space<vmem_shared>> -> memref<16x128xf32, #tpu.memory_space<vmem_shared>>
        tpu.enqueue_dma source(%dma_start3A_23 : memref<16x128xf32, #tpu.memory_space<vmem_shared>>) target(%dma_start3A_20 : memref<16x128xf32, #tpu.memory_space<hbm>>) target_semaphore(%run_scoped3A : memref<!tpu.dma_semaphore, #tpu.memory_space<semaphore_mem>>)
        %dma_wait3A = arith.constant 0 : i32
        %dma_wait3A_24 = arith.constant 0 : i32
        %dma_wait3A_25 = tpu.memref_slice %arg6[%arg0, %dma_wait3A, %dma_wait3A_24] : memref<2x10000x128xf32, #tpu.memory_space<hbm>> -> memref<1x10000x128xf32, #tpu.memory_space<hbm>>
        %dma_wait3A_26 = tpu.memref_squeeze %dma_wait3A_25 : memref<1x10000x128xf32, #tpu.memory_space<hbm>> -> memref<10000x128xf32, #tpu.memory_space<hbm>>
        %dma_wait3A_27 = arith.constant 9984 : i32
        %dma_wait3A_28 = arith.constant 0 : i32
        %dma_wait3A_29 = tpu.memref_slice %dma_wait3A_26[%dma_wait3A_27, %dma_wait3A_28] : memref<10000x128xf32, #tpu.memory_space<hbm>> -> memref<16x128xf32, #tpu.memory_space<hbm>>
        %dma_wait3A_30 = arith.constant 9984 : i32
        %dma_wait3A_31 = arith.constant 0 : i32
        %dma_wait3A_32 = tpu.memref_slice %arg11[%dma_wait3A_30, %dma_wait3A_31] : memref<10000x128xf32, #tpu.memory_space<vmem_shared>> -> memref<16x128xf32, #tpu.memory_space<vmem_shared>>
        tpu.wait_dma2 semaphore(%run_scoped3A : memref<!tpu.dma_semaphore, #tpu.memory_space<semaphore_mem>>) src(%dma_wait3A_32 : memref<16x128xf32, #tpu.memory_space<vmem_shared>>) dst(%dma_wait3A_29 : memref<16x128xf32, #tpu.memory_space<hbm>>)
        tpu.yield
      }) : () -> ()
    } else {
    }
    return
  }
}

#map = affine_map<(d0, d1) -> (0, 0)>
#map1 = affine_map<(d0, d1) -> (0, 0, 0, 0)>
#map2 = affine_map<(d0, d1) -> (0, 0, 0)>
module attributes {stable_mosaic.version = 14 : i64} {
  func.func @_seg_body(%arg0: i32, %arg1: i32, %arg2: memref<10000x128xf32, #tpu.memory_space<hbm>>, %arg3: memref<32x5x25x80xi32, #tpu.memory_space<hbm>>, %arg4: memref<32x5x25x80xi32, #tpu.memory_space<hbm>>, %arg5: memref<10000x128xf32, #tpu.memory_space<hbm>>, %arg6: memref<2x10000x128xf32, #tpu.memory_space<hbm>>, %arg7: memref<25x80xi32, #tpu.memory_space<vmem>>, %arg8: memref<25x80xi32, #tpu.memory_space<vmem>>, %arg9: memref<2x80x128xf32, #tpu.memory_space<vmem>>, %arg10: memref<!tpu.dma_semaphore, #tpu.memory_space<semaphore_mem>>, %arg11: memref<10000x128xf32, #tpu.memory_space<vmem_shared>>) attributes {dimension_semantics = [#tpu.dimension_semantics<core_parallel>, #tpu.dimension_semantics<subcore_parallel>], iteration_bounds = array<i64: 2, 16>, scalar_prefetch = 0 : i64, scratch_operands = 5 : i64, tpu.core_type = #tpu.core_type<sc_vector_subcore>, window_params = [{transform_indices = #map}, {transform_indices = #map1}, {transform_indices = #map1}, {transform_indices = #map}, {transform_indices = #map2}]} {
    %mul3A = arith.constant 2 : i32
    %mul3A_0 = arith.muli %arg1, %mul3A : i32
    %add3A = arith.addi %mul3A_0, %arg0 : i32
    %mul3A_1 = arith.constant 624 : i32
    %mul3A_2 = arith.muli %arg1, %mul3A_1 : i32
    "tpu.region"() ({
      %run_scoped3A = tpu.sem_alloc : memref<!tpu.dma_semaphore, #tpu.memory_space<semaphore_mem>>
      %dma_start3A = arith.constant 0 : i32
      %dma_start3A_15 = tpu.memref_slice %arg11[%mul3A_2, %dma_start3A] : memref<10000x128xf32, #tpu.memory_space<vmem_shared>> -> memref<624x128xf32, #tpu.memory_space<vmem_shared>>
      %dma_start3A_16 = arith.constant 0 : i32
      %dma_start3A_17 = tpu.memref_slice %arg5[%mul3A_2, %dma_start3A_16] : memref<10000x128xf32, #tpu.memory_space<hbm>> -> memref<624x128xf32, #tpu.memory_space<hbm>>
      tpu.enqueue_dma source(%dma_start3A_17 : memref<624x128xf32, #tpu.memory_space<hbm>>) target(%dma_start3A_15 : memref<624x128xf32, #tpu.memory_space<vmem_shared>>) target_semaphore(%run_scoped3A : memref<!tpu.dma_semaphore, #tpu.memory_space<semaphore_mem>>)
      %dma_wait3A = arith.constant 0 : i32
      %dma_wait3A_18 = tpu.memref_slice %arg11[%mul3A_2, %dma_wait3A] : memref<10000x128xf32, #tpu.memory_space<vmem_shared>> -> memref<624x128xf32, #tpu.memory_space<vmem_shared>>
      %dma_wait3A_19 = arith.constant 0 : i32
      %dma_wait3A_20 = tpu.memref_slice %arg5[%mul3A_2, %dma_wait3A_19] : memref<10000x128xf32, #tpu.memory_space<hbm>> -> memref<624x128xf32, #tpu.memory_space<hbm>>
      tpu.wait_dma2 semaphore(%run_scoped3A : memref<!tpu.dma_semaphore, #tpu.memory_space<semaphore_mem>>) src(%dma_wait3A_20 : memref<624x128xf32, #tpu.memory_space<hbm>>) dst(%dma_wait3A_18 : memref<624x128xf32, #tpu.memory_space<vmem_shared>>)
      tpu.yield
    }) : () -> ()
    %eq3A = arith.constant 15 : i32
    %eq3A_3 = arith.cmpi eq, %arg1, %eq3A : i32
    %convert_element_type3A = arith.extui %eq3A_3 : i1 to i32
    %cond3A = arith.constant 0 : i32
    %cond3A_4 = arith.cmpi ne, %convert_element_type3A, %cond3A : i32
    scf.if %cond3A_4 {
      "tpu.region"() ({
        %run_scoped3A = tpu.sem_alloc : memref<!tpu.dma_semaphore, #tpu.memory_space<semaphore_mem>>
        %dma_start3A = arith.constant 9984 : i32
        %dma_start3A_15 = arith.constant 0 : i32
        %dma_start3A_16 = tpu.memref_slice %arg11[%dma_start3A, %dma_start3A_15] : memref<10000x128xf32, #tpu.memory_space<vmem_shared>> -> memref<16x128xf32, #tpu.memory_space<vmem_shared>>
        %dma_start3A_17 = arith.constant 9984 : i32
        %dma_start3A_18 = arith.constant 0 : i32
        %dma_start3A_19 = tpu.memref_slice %arg5[%dma_start3A_17, %dma_start3A_18] : memref<10000x128xf32, #tpu.memory_space<hbm>> -> memref<16x128xf32, #tpu.memory_space<hbm>>
        tpu.enqueue_dma source(%dma_start3A_19 : memref<16x128xf32, #tpu.memory_space<hbm>>) target(%dma_start3A_16 : memref<16x128xf32, #tpu.memory_space<vmem_shared>>) target_semaphore(%run_scoped3A : memref<!tpu.dma_semaphore, #tpu.memory_space<semaphore_mem>>)
        %dma_wait3A = arith.constant 9984 : i32
        %dma_wait3A_20 = arith.constant 0 : i32
        %dma_wait3A_21 = tpu.memref_slice %arg11[%dma_wait3A, %dma_wait3A_20] : memref<10000x128xf32, #tpu.memory_space<vmem_shared>> -> memref<16x128xf32, #tpu.memory_space<vmem_shared>>
        %dma_wait3A_22 = arith.constant 9984 : i32
        %dma_wait3A_23 = arith.constant 0 : i32
        %dma_wait3A_24 = tpu.memref_slice %arg5[%dma_wait3A_22, %dma_wait3A_23] : memref<10000x128xf32, #tpu.memory_space<hbm>> -> memref<16x128xf32, #tpu.memory_space<hbm>>
        tpu.wait_dma2 semaphore(%run_scoped3A : memref<!tpu.dma_semaphore, #tpu.memory_space<semaphore_mem>>) src(%dma_wait3A_24 : memref<16x128xf32, #tpu.memory_space<hbm>>) dst(%dma_wait3A_21 : memref<16x128xf32, #tpu.memory_space<vmem_shared>>)
        tpu.yield
      }) : () -> ()
    } else {
    }
    %barrier3A = arith.constant 0 : index
    tpu.barrier barrier_id(%barrier3A)
    %scan3A = arith.constant 0 : i32
    %scan3A_5 = arith.constant 126 : i32
    %scan3A_6 = arith.addi %scan3A, %scan3A_5 : i32
    %scan3A_7 = arith.constant 1 : i32
    scf.for %scan3A_15 = %scan3A to %scan3A_6 step %scan3A_7  : i32 {
      %mul3A_16 = arith.constant 1 : i32
      %mul3A_17 = arith.muli %scan3A_15, %mul3A_16 : i32
      %add3A_18 = arith.constant 0 : i32
      %add3A_19 = arith.addi %add3A_18, %mul3A_17 : i32
      %lt3A = arith.constant 125 : i32
      %lt3A_20 = arith.cmpi slt, %add3A_19, %lt3A : i32
      %convert_element_type3A_21 = arith.extui %lt3A_20 : i1 to i32
      %cond3A_22 = arith.constant 0 : i32
      %cond3A_23 = arith.cmpi ne, %convert_element_type3A_21, %cond3A_22 : i32
      scf.if %cond3A_23 {
        %jit3A = arith.constant 25 : i32
        %eq3A_28 = arith.constant 0 : i32
        %eq3A_29 = arith.cmpi eq, %jit3A, %eq3A_28 : i32
        %jit3A_30 = arith.constant 1 : i32
        %select_n3A = arith.select %eq3A_29, %jit3A_30, %jit3A : i32
        %rem3A = arith.remsi %add3A_19, %select_n3A : i32
        %ne3A = arith.constant 0 : i32
        %ne3A_31 = arith.cmpi ne, %rem3A, %ne3A : i32
        %lt3A_32 = arith.constant 0 : i32
        %lt3A_33 = arith.cmpi slt, %rem3A, %lt3A_32 : i32
        %lt3A_34 = arith.constant 0 : i32
        %lt3A_35 = arith.cmpi slt, %select_n3A, %lt3A_34 : i32
        %ne3A_36 = arith.xori %lt3A_33, %lt3A_35 : i1
        %and3A = arith.andi %ne3A_36, %ne3A_31 : i1
        %add3A_37 = arith.addi %rem3A, %select_n3A : i32
        %select_n3A_38 = arith.select %and3A, %add3A_37, %rem3A : i32
        %eq3A_39 = arith.constant 0 : i32
        %eq3A_40 = arith.cmpi eq, %select_n3A_38, %eq3A_39 : i32
        %convert_element_type3A_41 = arith.extui %eq3A_40 : i1 to i32
        %cond3A_42 = arith.constant 0 : i32
        %cond3A_43 = arith.cmpi ne, %convert_element_type3A_41, %cond3A_42 : i32
        scf.if %cond3A_43 {
          %jit3A_85 = arith.constant 25 : i32
          %div3A = arith.divsi %add3A_19, %jit3A_85 : i32
          %sign3A = arith.constant 0 : i32
          %sign3A_86 = arith.cmpi sgt, %add3A_19, %sign3A : i32
          %sign3A_87 = arith.extui %sign3A_86 : i1 to i32
          %sign3A_88 = arith.constant 0 : i32
          %sign3A_89 = arith.cmpi slt, %add3A_19, %sign3A_88 : i32
          %sign3A_90 = arith.extui %sign3A_89 : i1 to i32
          %sign3A_91 = arith.subi %sign3A_87, %sign3A_90 : i32
          %sign3A_92 = arith.constant 0 : i32
          %sign3A_93 = arith.cmpi sgt, %jit3A_85, %sign3A_92 : i32
          %sign3A_94 = arith.extui %sign3A_93 : i1 to i32
          %sign3A_95 = arith.constant 0 : i32
          %sign3A_96 = arith.cmpi slt, %jit3A_85, %sign3A_95 : i32
          %sign3A_97 = arith.extui %sign3A_96 : i1 to i32
          %sign3A_98 = arith.subi %sign3A_94, %sign3A_97 : i32
          %ne3A_99 = arith.cmpi ne, %sign3A_91, %sign3A_98 : i32
          %rem3A_100 = arith.remsi %add3A_19, %jit3A_85 : i32
          %ne3A_101 = arith.constant 0 : i32
          %ne3A_102 = arith.cmpi ne, %rem3A_100, %ne3A_101 : i32
          %and3A_103 = arith.andi %ne3A_99, %ne3A_102 : i1
          %sub3A = arith.constant 1 : i32
          %sub3A_104 = arith.subi %div3A, %sub3A : i32
          %select_n3A_105 = arith.select %and3A_103, %sub3A_104, %div3A : i32
          "tpu.region"() ({
            %run_scoped3A = tpu.sem_alloc : memref<!tpu.dma_semaphore, #tpu.memory_space<semaphore_mem>>
            %dma_start3A_106 = arith.constant 0 : i32
            %dma_start3A_107 = arith.constant 0 : i32
            %dma_start3A_108 = tpu.memref_slice %arg3[%add3A, %select_n3A_105, %dma_start3A_106, %dma_start3A_107] : memref<32x5x25x80xi32, #tpu.memory_space<hbm>> -> memref<1x1x25x80xi32, #tpu.memory_space<hbm>>
            %dma_start3A_109 = tpu.memref_squeeze %dma_start3A_108 : memref<1x1x25x80xi32, #tpu.memory_space<hbm>> -> memref<25x80xi32, #tpu.memory_space<hbm>>
            %dma_start3A_110 = arith.constant 0 : i32
            %dma_start3A_111 = arith.constant 0 : i32
            %dma_start3A_112 = tpu.memref_slice %arg3[%add3A, %select_n3A_105, %dma_start3A_110, %dma_start3A_111] : memref<32x5x25x80xi32, #tpu.memory_space<hbm>> -> memref<1x1x25x80xi32, #tpu.memory_space<hbm>>
            %dma_start3A_113 = tpu.memref_squeeze %dma_start3A_112 : memref<1x1x25x80xi32, #tpu.memory_space<hbm>> -> memref<25x80xi32, #tpu.memory_space<hbm>>
            tpu.enqueue_dma source(%dma_start3A_113 : memref<25x80xi32, #tpu.memory_space<hbm>>) target(%arg7 : memref<25x80xi32, #tpu.memory_space<vmem>>) target_semaphore(%run_scoped3A : memref<!tpu.dma_semaphore, #tpu.memory_space<semaphore_mem>>)
            %dma_wait3A = arith.constant 0 : i32
            %dma_wait3A_114 = arith.constant 0 : i32
            %dma_wait3A_115 = tpu.memref_slice %arg3[%add3A, %select_n3A_105, %dma_wait3A, %dma_wait3A_114] : memref<32x5x25x80xi32, #tpu.memory_space<hbm>> -> memref<1x1x25x80xi32, #tpu.memory_space<hbm>>
            %dma_wait3A_116 = tpu.memref_squeeze %dma_wait3A_115 : memref<1x1x25x80xi32, #tpu.memory_space<hbm>> -> memref<25x80xi32, #tpu.memory_space<hbm>>
            %dma_wait3A_117 = arith.constant 0 : i32
            %dma_wait3A_118 = arith.constant 0 : i32
            %dma_wait3A_119 = tpu.memref_slice %arg3[%add3A, %select_n3A_105, %dma_wait3A_117, %dma_wait3A_118] : memref<32x5x25x80xi32, #tpu.memory_space<hbm>> -> memref<1x1x25x80xi32, #tpu.memory_space<hbm>>
            %dma_wait3A_120 = tpu.memref_squeeze %dma_wait3A_119 : memref<1x1x25x80xi32, #tpu.memory_space<hbm>> -> memref<25x80xi32, #tpu.memory_space<hbm>>
            tpu.wait_dma2 semaphore(%run_scoped3A : memref<!tpu.dma_semaphore, #tpu.memory_space<semaphore_mem>>) src(%dma_wait3A_120 : memref<25x80xi32, #tpu.memory_space<hbm>>) dst(%arg7 : memref<25x80xi32, #tpu.memory_space<vmem>>)
            tpu.yield
          }) : () -> ()
        } else {
        }
        %jit3A_44 = arith.constant 25 : i32
        %eq3A_45 = arith.constant 0 : i32
        %eq3A_46 = arith.cmpi eq, %jit3A_44, %eq3A_45 : i32
        %jit3A_47 = arith.constant 1 : i32
        %select_n3A_48 = arith.select %eq3A_46, %jit3A_47, %jit3A_44 : i32
        %rem3A_49 = arith.remsi %add3A_19, %select_n3A_48 : i32
        %ne3A_50 = arith.constant 0 : i32
        %ne3A_51 = arith.cmpi ne, %rem3A_49, %ne3A_50 : i32
        %lt3A_52 = arith.constant 0 : i32
        %lt3A_53 = arith.cmpi slt, %rem3A_49, %lt3A_52 : i32
        %lt3A_54 = arith.constant 0 : i32
        %lt3A_55 = arith.cmpi slt, %select_n3A_48, %lt3A_54 : i32
        %ne3A_56 = arith.xori %lt3A_53, %lt3A_55 : i1
        %and3A_57 = arith.andi %ne3A_56, %ne3A_51 : i1
        %add3A_58 = arith.addi %rem3A_49, %select_n3A_48 : i32
        %select_n3A_59 = arith.select %and3A_57, %add3A_58, %rem3A_49 : i32
        %jit3A_60 = arith.constant 2 : i32
        %eq3A_61 = arith.constant 0 : i32
        %eq3A_62 = arith.cmpi eq, %jit3A_60, %eq3A_61 : i32
        %jit3A_63 = arith.constant 1 : i32
        %select_n3A_64 = arith.select %eq3A_62, %jit3A_63, %jit3A_60 : i32
        %rem3A_65 = arith.remsi %add3A_19, %select_n3A_64 : i32
        %ne3A_66 = arith.constant 0 : i32
        %ne3A_67 = arith.cmpi ne, %rem3A_65, %ne3A_66 : i32
        %lt3A_68 = arith.constant 0 : i32
        %lt3A_69 = arith.cmpi slt, %rem3A_65, %lt3A_68 : i32
        %lt3A_70 = arith.constant 0 : i32
        %lt3A_71 = arith.cmpi slt, %select_n3A_64, %lt3A_70 : i32
        %ne3A_72 = arith.xori %lt3A_69, %lt3A_71 : i1
        %and3A_73 = arith.andi %ne3A_72, %ne3A_67 : i1
        %add3A_74 = arith.addi %rem3A_65, %select_n3A_64 : i32
        %select_n3A_75 = arith.select %and3A_73, %add3A_74, %rem3A_65 : i32
        %dma_start3A = arith.constant 0 : i32
        %dma_start3A_76 = arith.constant 0 : i32
        %dma_start3A_77 = tpu.memref_slice %arg9[%select_n3A_75, %dma_start3A, %dma_start3A_76] : memref<2x80x128xf32, #tpu.memory_space<vmem>> -> memref<1x80x128xf32, #tpu.memory_space<vmem>>
        %dma_start3A_78 = tpu.memref_squeeze %dma_start3A_77 : memref<1x80x128xf32, #tpu.memory_space<vmem>> -> memref<80x128xf32, #tpu.memory_space<vmem>>
        %dma_start3A_79 = arith.constant 0 : i32
        %dma_start3A_80 = tpu.memref_slice %arg7[%select_n3A_59, %dma_start3A_79] : memref<25x80xi32, #tpu.memory_space<vmem>> -> memref<1x80xi32, #tpu.memory_space<vmem>>
        %dma_start3A_81 = tpu.memref_squeeze %dma_start3A_80 : memref<1x80xi32, #tpu.memory_space<vmem>> -> memref<80xi32, #tpu.memory_space<vmem>>
        %dma_start3A_82 = arith.constant 0 : i32
        %dma_start3A_83 = arith.constant 0 : i32
        %dma_start3A_84 = tpu.memref_slice %arg2[%dma_start3A_82, %dma_start3A_83] : memref<10000x128xf32, #tpu.memory_space<hbm>> -> memref<10000x128xf32, #tpu.memory_space<hbm>>
        tpu.enqueue_indirect_dma source(%dma_start3A_84 : memref<10000x128xf32, #tpu.memory_space<hbm>>) target(%dma_start3A_78 : memref<80x128xf32, #tpu.memory_space<vmem>>) offsets(%dma_start3A_81 : memref<80xi32, #tpu.memory_space<vmem>>) semaphore(%arg10 : memref<!tpu.dma_semaphore, #tpu.memory_space<semaphore_mem>>)
      } else {
      }
      %gt3A = arith.constant 0 : i32
      %gt3A_24 = arith.cmpi sgt, %add3A_19, %gt3A : i32
      %convert_element_type3A_25 = arith.extui %gt3A_24 : i1 to i32
      %cond3A_26 = arith.constant 0 : i32
      %cond3A_27 = arith.cmpi ne, %convert_element_type3A_25, %cond3A_26 : i32
      scf.if %cond3A_27 {
        %sub3A = arith.constant 1 : i32
        %sub3A_28 = arith.subi %add3A_19, %sub3A : i32
        %jit3A = arith.constant 25 : i32
        %eq3A_29 = arith.constant 0 : i32
        %eq3A_30 = arith.cmpi eq, %jit3A, %eq3A_29 : i32
        %jit3A_31 = arith.constant 1 : i32
        %select_n3A = arith.select %eq3A_30, %jit3A_31, %jit3A : i32
        %rem3A = arith.remsi %sub3A_28, %select_n3A : i32
        %ne3A = arith.constant 0 : i32
        %ne3A_32 = arith.cmpi ne, %rem3A, %ne3A : i32
        %lt3A_33 = arith.constant 0 : i32
        %lt3A_34 = arith.cmpi slt, %rem3A, %lt3A_33 : i32
        %lt3A_35 = arith.constant 0 : i32
        %lt3A_36 = arith.cmpi slt, %select_n3A, %lt3A_35 : i32
        %ne3A_37 = arith.xori %lt3A_34, %lt3A_36 : i1
        %and3A = arith.andi %ne3A_37, %ne3A_32 : i1
        %add3A_38 = arith.addi %rem3A, %select_n3A : i32
        %select_n3A_39 = arith.select %and3A, %add3A_38, %rem3A : i32
        %eq3A_40 = arith.constant 0 : i32
        %eq3A_41 = arith.cmpi eq, %select_n3A_39, %eq3A_40 : i32
        %convert_element_type3A_42 = arith.extui %eq3A_41 : i1 to i32
        %cond3A_43 = arith.constant 0 : i32
        %cond3A_44 = arith.cmpi ne, %convert_element_type3A_42, %cond3A_43 : i32
        scf.if %cond3A_44 {
          %jit3A_118 = arith.constant 25 : i32
          %div3A = arith.divsi %sub3A_28, %jit3A_118 : i32
          %sign3A = arith.constant 0 : i32
          %sign3A_119 = arith.cmpi sgt, %sub3A_28, %sign3A : i32
          %sign3A_120 = arith.extui %sign3A_119 : i1 to i32
          %sign3A_121 = arith.constant 0 : i32
          %sign3A_122 = arith.cmpi slt, %sub3A_28, %sign3A_121 : i32
          %sign3A_123 = arith.extui %sign3A_122 : i1 to i32
          %sign3A_124 = arith.subi %sign3A_120, %sign3A_123 : i32
          %sign3A_125 = arith.constant 0 : i32
          %sign3A_126 = arith.cmpi sgt, %jit3A_118, %sign3A_125 : i32
          %sign3A_127 = arith.extui %sign3A_126 : i1 to i32
          %sign3A_128 = arith.constant 0 : i32
          %sign3A_129 = arith.cmpi slt, %jit3A_118, %sign3A_128 : i32
          %sign3A_130 = arith.extui %sign3A_129 : i1 to i32
          %sign3A_131 = arith.subi %sign3A_127, %sign3A_130 : i32
          %ne3A_132 = arith.cmpi ne, %sign3A_124, %sign3A_131 : i32
          %rem3A_133 = arith.remsi %sub3A_28, %jit3A_118 : i32
          %ne3A_134 = arith.constant 0 : i32
          %ne3A_135 = arith.cmpi ne, %rem3A_133, %ne3A_134 : i32
          %and3A_136 = arith.andi %ne3A_132, %ne3A_135 : i1
          %sub3A_137 = arith.constant 1 : i32
          %sub3A_138 = arith.subi %div3A, %sub3A_137 : i32
          %select_n3A_139 = arith.select %and3A_136, %sub3A_138, %div3A : i32
          "tpu.region"() ({
            %run_scoped3A = tpu.sem_alloc : memref<!tpu.dma_semaphore, #tpu.memory_space<semaphore_mem>>
            %dma_start3A = arith.constant 0 : i32
            %dma_start3A_140 = arith.constant 0 : i32
            %dma_start3A_141 = tpu.memref_slice %arg4[%add3A, %select_n3A_139, %dma_start3A, %dma_start3A_140] : memref<32x5x25x80xi32, #tpu.memory_space<hbm>> -> memref<1x1x25x80xi32, #tpu.memory_space<hbm>>
            %dma_start3A_142 = tpu.memref_squeeze %dma_start3A_141 : memref<1x1x25x80xi32, #tpu.memory_space<hbm>> -> memref<25x80xi32, #tpu.memory_space<hbm>>
            %dma_start3A_143 = arith.constant 0 : i32
            %dma_start3A_144 = arith.constant 0 : i32
            %dma_start3A_145 = tpu.memref_slice %arg4[%add3A, %select_n3A_139, %dma_start3A_143, %dma_start3A_144] : memref<32x5x25x80xi32, #tpu.memory_space<hbm>> -> memref<1x1x25x80xi32, #tpu.memory_space<hbm>>
            %dma_start3A_146 = tpu.memref_squeeze %dma_start3A_145 : memref<1x1x25x80xi32, #tpu.memory_space<hbm>> -> memref<25x80xi32, #tpu.memory_space<hbm>>
            tpu.enqueue_dma source(%dma_start3A_146 : memref<25x80xi32, #tpu.memory_space<hbm>>) target(%arg8 : memref<25x80xi32, #tpu.memory_space<vmem>>) target_semaphore(%run_scoped3A : memref<!tpu.dma_semaphore, #tpu.memory_space<semaphore_mem>>)
            %dma_wait3A_147 = arith.constant 0 : i32
            %dma_wait3A_148 = arith.constant 0 : i32
            %dma_wait3A_149 = tpu.memref_slice %arg4[%add3A, %select_n3A_139, %dma_wait3A_147, %dma_wait3A_148] : memref<32x5x25x80xi32, #tpu.memory_space<hbm>> -> memref<1x1x25x80xi32, #tpu.memory_space<hbm>>
            %dma_wait3A_150 = tpu.memref_squeeze %dma_wait3A_149 : memref<1x1x25x80xi32, #tpu.memory_space<hbm>> -> memref<25x80xi32, #tpu.memory_space<hbm>>
            %dma_wait3A_151 = arith.constant 0 : i32
            %dma_wait3A_152 = arith.constant 0 : i32
            %dma_wait3A_153 = tpu.memref_slice %arg4[%add3A, %select_n3A_139, %dma_wait3A_151, %dma_wait3A_152] : memref<32x5x25x80xi32, #tpu.memory_space<hbm>> -> memref<1x1x25x80xi32, #tpu.memory_space<hbm>>
            %dma_wait3A_154 = tpu.memref_squeeze %dma_wait3A_153 : memref<1x1x25x80xi32, #tpu.memory_space<hbm>> -> memref<25x80xi32, #tpu.memory_space<hbm>>
            tpu.wait_dma2 semaphore(%run_scoped3A : memref<!tpu.dma_semaphore, #tpu.memory_space<semaphore_mem>>) src(%dma_wait3A_154 : memref<25x80xi32, #tpu.memory_space<hbm>>) dst(%arg8 : memref<25x80xi32, #tpu.memory_space<vmem>>)
            tpu.yield
          }) : () -> ()
        } else {
        }
        %jit3A_45 = arith.constant 25 : i32
        %eq3A_46 = arith.constant 0 : i32
        %eq3A_47 = arith.cmpi eq, %jit3A_45, %eq3A_46 : i32
        %jit3A_48 = arith.constant 1 : i32
        %select_n3A_49 = arith.select %eq3A_47, %jit3A_48, %jit3A_45 : i32
        %rem3A_50 = arith.remsi %sub3A_28, %select_n3A_49 : i32
        %ne3A_51 = arith.constant 0 : i32
        %ne3A_52 = arith.cmpi ne, %rem3A_50, %ne3A_51 : i32
        %lt3A_53 = arith.constant 0 : i32
        %lt3A_54 = arith.cmpi slt, %rem3A_50, %lt3A_53 : i32
        %lt3A_55 = arith.constant 0 : i32
        %lt3A_56 = arith.cmpi slt, %select_n3A_49, %lt3A_55 : i32
        %ne3A_57 = arith.xori %lt3A_54, %lt3A_56 : i1
        %and3A_58 = arith.andi %ne3A_57, %ne3A_52 : i1
        %add3A_59 = arith.addi %rem3A_50, %select_n3A_49 : i32
        %select_n3A_60 = arith.select %and3A_58, %add3A_59, %rem3A_50 : i32
        %jit3A_61 = arith.constant 2 : i32
        %eq3A_62 = arith.constant 0 : i32
        %eq3A_63 = arith.cmpi eq, %jit3A_61, %eq3A_62 : i32
        %jit3A_64 = arith.constant 1 : i32
        %select_n3A_65 = arith.select %eq3A_63, %jit3A_64, %jit3A_61 : i32
        %rem3A_66 = arith.remsi %sub3A_28, %select_n3A_65 : i32
        %ne3A_67 = arith.constant 0 : i32
        %ne3A_68 = arith.cmpi ne, %rem3A_66, %ne3A_67 : i32
        %lt3A_69 = arith.constant 0 : i32
        %lt3A_70 = arith.cmpi slt, %rem3A_66, %lt3A_69 : i32
        %lt3A_71 = arith.constant 0 : i32
        %lt3A_72 = arith.cmpi slt, %select_n3A_65, %lt3A_71 : i32
        %ne3A_73 = arith.xori %lt3A_70, %lt3A_72 : i1
        %and3A_74 = arith.andi %ne3A_73, %ne3A_68 : i1
        %add3A_75 = arith.addi %rem3A_66, %select_n3A_65 : i32
        %select_n3A_76 = arith.select %and3A_74, %add3A_75, %rem3A_66 : i32
        %dma_wait3A = arith.constant 0 : i32
        %dma_wait3A_77 = arith.constant 0 : i32
        %dma_wait3A_78 = tpu.memref_slice %arg9[%select_n3A_76, %dma_wait3A, %dma_wait3A_77] : memref<2x80x128xf32, #tpu.memory_space<vmem>> -> memref<1x80x128xf32, #tpu.memory_space<vmem>>
        %dma_wait3A_79 = tpu.memref_squeeze %dma_wait3A_78 : memref<1x80x128xf32, #tpu.memory_space<vmem>> -> memref<80x128xf32, #tpu.memory_space<vmem>>
        %dma_wait3A_80 = arith.constant 0 : i32
        %dma_wait3A_81 = tpu.memref_slice %arg7[%select_n3A_60, %dma_wait3A_80] : memref<25x80xi32, #tpu.memory_space<vmem>> -> memref<1x80xi32, #tpu.memory_space<vmem>>
        %dma_wait3A_82 = tpu.memref_squeeze %dma_wait3A_81 : memref<1x80xi32, #tpu.memory_space<vmem>> -> memref<80xi32, #tpu.memory_space<vmem>>
        %dma_wait3A_83 = arith.constant 0 : i32
        %dma_wait3A_84 = arith.constant 0 : i32
        %dma_wait3A_85 = tpu.memref_slice %arg2[%dma_wait3A_83, %dma_wait3A_84] : memref<10000x128xf32, #tpu.memory_space<hbm>> -> memref<10000x128xf32, #tpu.memory_space<hbm>>
        tpu.wait_indirect_dma semaphore(%arg10 : memref<!tpu.dma_semaphore, #tpu.memory_space<semaphore_mem>>) src(%dma_wait3A_85 : memref<10000x128xf32, #tpu.memory_space<hbm>>) dst(%dma_wait3A_79 : memref<80x128xf32, #tpu.memory_space<vmem>>)
        %jit3A_86 = arith.constant 2 : i32
        %eq3A_87 = arith.constant 0 : i32
        %eq3A_88 = arith.cmpi eq, %jit3A_86, %eq3A_87 : i32
        %jit3A_89 = arith.constant 1 : i32
        %select_n3A_90 = arith.select %eq3A_88, %jit3A_89, %jit3A_86 : i32
        %rem3A_91 = arith.remsi %sub3A_28, %select_n3A_90 : i32
        %ne3A_92 = arith.constant 0 : i32
        %ne3A_93 = arith.cmpi ne, %rem3A_91, %ne3A_92 : i32
        %lt3A_94 = arith.constant 0 : i32
        %lt3A_95 = arith.cmpi slt, %rem3A_91, %lt3A_94 : i32
        %lt3A_96 = arith.constant 0 : i32
        %lt3A_97 = arith.cmpi slt, %select_n3A_90, %lt3A_96 : i32
        %ne3A_98 = arith.xori %lt3A_95, %lt3A_97 : i1
        %and3A_99 = arith.andi %ne3A_98, %ne3A_93 : i1
        %add3A_100 = arith.addi %rem3A_91, %select_n3A_90 : i32
        %select_n3A_101 = arith.select %and3A_99, %add3A_100, %rem3A_91 : i32
        %jit3A_102 = arith.constant 25 : i32
        %eq3A_103 = arith.constant 0 : i32
        %eq3A_104 = arith.cmpi eq, %jit3A_102, %eq3A_103 : i32
        %jit3A_105 = arith.constant 1 : i32
        %select_n3A_106 = arith.select %eq3A_104, %jit3A_105, %jit3A_102 : i32
        %rem3A_107 = arith.remsi %sub3A_28, %select_n3A_106 : i32
        %ne3A_108 = arith.constant 0 : i32
        %ne3A_109 = arith.cmpi ne, %rem3A_107, %ne3A_108 : i32
        %lt3A_110 = arith.constant 0 : i32
        %lt3A_111 = arith.cmpi slt, %rem3A_107, %lt3A_110 : i32
        %lt3A_112 = arith.constant 0 : i32
        %lt3A_113 = arith.cmpi slt, %select_n3A_106, %lt3A_112 : i32
        %ne3A_114 = arith.xori %lt3A_111, %lt3A_113 : i1
        %and3A_115 = arith.andi %ne3A_114, %ne3A_109 : i1
        %add3A_116 = arith.addi %rem3A_107, %select_n3A_106 : i32
        %select_n3A_117 = arith.select %and3A_115, %add3A_116, %rem3A_107 : i32
        "tpu.region"() ({
          %run_scoped3A = tpu.sem_alloc : memref<!tpu.dma_semaphore, #tpu.memory_space<semaphore_mem>>
          %dma_start3A = arith.constant 0 : i32
          %dma_start3A_118 = arith.constant 0 : i32
          %dma_start3A_119 = tpu.memref_slice %arg9[%select_n3A_101, %dma_start3A, %dma_start3A_118] : memref<2x80x128xf32, #tpu.memory_space<vmem>> -> memref<1x80x128xf32, #tpu.memory_space<vmem>>
          %dma_start3A_120 = tpu.memref_squeeze %dma_start3A_119 : memref<1x80x128xf32, #tpu.memory_space<vmem>> -> memref<80x128xf32, #tpu.memory_space<vmem>>
          %dma_start3A_121 = arith.constant 0 : i32
          %dma_start3A_122 = tpu.memref_slice %arg8[%select_n3A_117, %dma_start3A_121] : memref<25x80xi32, #tpu.memory_space<vmem>> -> memref<1x80xi32, #tpu.memory_space<vmem>>
          %dma_start3A_123 = tpu.memref_squeeze %dma_start3A_122 : memref<1x80xi32, #tpu.memory_space<vmem>> -> memref<80xi32, #tpu.memory_space<vmem>>
          %dma_start3A_124 = arith.constant 0 : i32
          %dma_start3A_125 = arith.constant 0 : i32
          %dma_start3A_126 = tpu.memref_slice %arg11[%dma_start3A_124, %dma_start3A_125] : memref<10000x128xf32, #tpu.memory_space<vmem_shared>> -> memref<10000x128xf32, #tpu.memory_space<vmem_shared>>
          tpu.enqueue_indirect_dma source(%dma_start3A_120 : memref<80x128xf32, #tpu.memory_space<vmem>>) target(%dma_start3A_126 : memref<10000x128xf32, #tpu.memory_space<vmem_shared>>) offsets(%dma_start3A_123 : memref<80xi32, #tpu.memory_space<vmem>>) semaphore(%run_scoped3A : memref<!tpu.dma_semaphore, #tpu.memory_space<semaphore_mem>>) {add = true}
          %dma_wait3A_127 = arith.constant 0 : i32
          %dma_wait3A_128 = arith.constant 0 : i32
          %dma_wait3A_129 = tpu.memref_slice %arg9[%select_n3A_101, %dma_wait3A_127, %dma_wait3A_128] : memref<2x80x128xf32, #tpu.memory_space<vmem>> -> memref<1x80x128xf32, #tpu.memory_space<vmem>>
          %dma_wait3A_130 = tpu.memref_squeeze %dma_wait3A_129 : memref<1x80x128xf32, #tpu.memory_space<vmem>> -> memref<80x128xf32, #tpu.memory_space<vmem>>
          %dma_wait3A_131 = arith.constant 0 : i32
          %dma_wait3A_132 = tpu.memref_slice %arg8[%select_n3A_117, %dma_wait3A_131] : memref<25x80xi32, #tpu.memory_space<vmem>> -> memref<1x80xi32, #tpu.memory_space<vmem>>
          %dma_wait3A_133 = tpu.memref_squeeze %dma_wait3A_132 : memref<1x80xi32, #tpu.memory_space<vmem>> -> memref<80xi32, #tpu.memory_space<vmem>>
          %dma_wait3A_134 = arith.constant 0 : i32
          %dma_wait3A_135 = arith.constant 0 : i32
          %dma_wait3A_136 = tpu.memref_slice %arg11[%dma_wait3A_134, %dma_wait3A_135] : memref<10000x128xf32, #tpu.memory_space<vmem_shared>> -> memref<10000x128xf32, #tpu.memory_space<vmem_shared>>
          tpu.wait_indirect_dma semaphore(%run_scoped3A : memref<!tpu.dma_semaphore, #tpu.memory_space<semaphore_mem>>) src(%dma_wait3A_130 : memref<80x128xf32, #tpu.memory_space<vmem>>) dst(%dma_wait3A_136 : memref<10000x128xf32, #tpu.memory_space<vmem_shared>>)
          tpu.yield
        }) : () -> ()
      } else {
      }
    }
    %scan3A_8 = arith.constant 126 : i32
    %barrier3A_9 = arith.constant 0 : index
    tpu.barrier barrier_id(%barrier3A_9)
    "tpu.region"() ({
      %run_scoped3A = tpu.sem_alloc : memref<!tpu.dma_semaphore, #tpu.memory_space<semaphore_mem>>
      %dma_start3A = arith.constant 0 : i32
      %dma_start3A_15 = arith.constant 0 : i32
      %dma_start3A_16 = tpu.memref_slice %arg6[%arg0, %dma_start3A, %dma_start3A_15] : memref<2x10000x128xf32, #tpu.memory_space<hbm>> -> memref<1x10000x128xf32, #tpu.memory_space<hbm>>
      %dma_start3A_17 = tpu.memref_squeeze %dma_start3A_16 : memref<1x10000x128xf32, #tpu.memory_space<hbm>> -> memref<10000x128xf32, #tpu.memory_space<hbm>>
      %dma_start3A_18 = arith.constant 0 : i32
      %dma_start3A_19 = tpu.memref_slice %dma_start3A_17[%mul3A_2, %dma_start3A_18] : memref<10000x128xf32, #tpu.memory_space<hbm>> -> memref<624x128xf32, #tpu.memory_space<hbm>>
      %dma_start3A_20 = arith.constant 0 : i32
      %dma_start3A_21 = tpu.memref_slice %arg11[%mul3A_2, %dma_start3A_20] : memref<10000x128xf32, #tpu.memory_space<vmem_shared>> -> memref<624x128xf32, #tpu.memory_space<vmem_shared>>
      tpu.enqueue_dma source(%dma_start3A_21 : memref<624x128xf32, #tpu.memory_space<vmem_shared>>) target(%dma_start3A_19 : memref<624x128xf32, #tpu.memory_space<hbm>>) target_semaphore(%run_scoped3A : memref<!tpu.dma_semaphore, #tpu.memory_space<semaphore_mem>>)
      %dma_wait3A = arith.constant 0 : i32
      %dma_wait3A_22 = arith.constant 0 : i32
      %dma_wait3A_23 = tpu.memref_slice %arg6[%arg0, %dma_wait3A, %dma_wait3A_22] : memref<2x10000x128xf32, #tpu.memory_space<hbm>> -> memref<1x10000x128xf32, #tpu.memory_space<hbm>>
      %dma_wait3A_24 = tpu.memref_squeeze %dma_wait3A_23 : memref<1x10000x128xf32, #tpu.memory_space<hbm>> -> memref<10000x128xf32, #tpu.memory_space<hbm>>
      %dma_wait3A_25 = arith.constant 0 : i32
      %dma_wait3A_26 = tpu.memref_slice %dma_wait3A_24[%mul3A_2, %dma_wait3A_25] : memref<10000x128xf32, #tpu.memory_space<hbm>> -> memref<624x128xf32, #tpu.memory_space<hbm>>
      %dma_wait3A_27 = arith.constant 0 : i32
      %dma_wait3A_28 = tpu.memref_slice %arg11[%mul3A_2, %dma_wait3A_27] : memref<10000x128xf32, #tpu.memory_space<vmem_shared>> -> memref<624x128xf32, #tpu.memory_space<vmem_shared>>
      tpu.wait_dma2 semaphore(%run_scoped3A : memref<!tpu.dma_semaphore, #tpu.memory_space<semaphore_mem>>) src(%dma_wait3A_28 : memref<624x128xf32, #tpu.memory_space<vmem_shared>>) dst(%dma_wait3A_26 : memref<624x128xf32, #tpu.memory_space<hbm>>)
      tpu.yield
    }) : () -> ()
    %eq3A_10 = arith.constant 15 : i32
    %eq3A_11 = arith.cmpi eq, %arg1, %eq3A_10 : i32
    %convert_element_type3A_12 = arith.extui %eq3A_11 : i1 to i32
    %cond3A_13 = arith.constant 0 : i32
    %cond3A_14 = arith.cmpi ne, %convert_element_type3A_12, %cond3A_13 : i32
    scf.if %cond3A_14 {
      "tpu.region"() ({
        %run_scoped3A = tpu.sem_alloc : memref<!tpu.dma_semaphore, #tpu.memory_space<semaphore_mem>>
        %dma_start3A = arith.constant 0 : i32
        %dma_start3A_15 = arith.constant 0 : i32
        %dma_start3A_16 = tpu.memref_slice %arg6[%arg0, %dma_start3A, %dma_start3A_15] : memref<2x10000x128xf32, #tpu.memory_space<hbm>> -> memref<1x10000x128xf32, #tpu.memory_space<hbm>>
        %dma_start3A_17 = tpu.memref_squeeze %dma_start3A_16 : memref<1x10000x128xf32, #tpu.memory_space<hbm>> -> memref<10000x128xf32, #tpu.memory_space<hbm>>
        %dma_start3A_18 = arith.constant 9984 : i32
        %dma_start3A_19 = arith.constant 0 : i32
        %dma_start3A_20 = tpu.memref_slice %dma_start3A_17[%dma_start3A_18, %dma_start3A_19] : memref<10000x128xf32, #tpu.memory_space<hbm>> -> memref<16x128xf32, #tpu.memory_space<hbm>>
        %dma_start3A_21 = arith.constant 9984 : i32
        %dma_start3A_22 = arith.constant 0 : i32
        %dma_start3A_23 = tpu.memref_slice %arg11[%dma_start3A_21, %dma_start3A_22] : memref<10000x128xf32, #tpu.memory_space<vmem_shared>> -> memref<16x128xf32, #tpu.memory_space<vmem_shared>>
        tpu.enqueue_dma source(%dma_start3A_23 : memref<16x128xf32, #tpu.memory_space<vmem_shared>>) target(%dma_start3A_20 : memref<16x128xf32, #tpu.memory_space<hbm>>) target_semaphore(%run_scoped3A : memref<!tpu.dma_semaphore, #tpu.memory_space<semaphore_mem>>)
        %dma_wait3A = arith.constant 0 : i32
        %dma_wait3A_24 = arith.constant 0 : i32
        %dma_wait3A_25 = tpu.memref_slice %arg6[%arg0, %dma_wait3A, %dma_wait3A_24] : memref<2x10000x128xf32, #tpu.memory_space<hbm>> -> memref<1x10000x128xf32, #tpu.memory_space<hbm>>
        %dma_wait3A_26 = tpu.memref_squeeze %dma_wait3A_25 : memref<1x10000x128xf32, #tpu.memory_space<hbm>> -> memref<10000x128xf32, #tpu.memory_space<hbm>>
        %dma_wait3A_27 = arith.constant 9984 : i32
        %dma_wait3A_28 = arith.constant 0 : i32
        %dma_wait3A_29 = tpu.memref_slice %dma_wait3A_26[%dma_wait3A_27, %dma_wait3A_28] : memref<10000x128xf32, #tpu.memory_space<hbm>> -> memref<16x128xf32, #tpu.memory_space<hbm>>
        %dma_wait3A_30 = arith.constant 9984 : i32
        %dma_wait3A_31 = arith.constant 0 : i32
        %dma_wait3A_32 = tpu.memref_slice %arg11[%dma_wait3A_30, %dma_wait3A_31] : memref<10000x128xf32, #tpu.memory_space<vmem_shared>> -> memref<16x128xf32, #tpu.memory_space<vmem_shared>>
        tpu.wait_dma2 semaphore(%run_scoped3A : memref<!tpu.dma_semaphore, #tpu.memory_space<semaphore_mem>>) src(%dma_wait3A_32 : memref<16x128xf32, #tpu.memory_space<vmem_shared>>) dst(%dma_wait3A_29 : memref<16x128xf32, #tpu.memory_space<hbm>>)
        tpu.yield
      }) : () -> ()
    } else {
    }
    return
  }
}

#map = affine_map<(d0, d1) -> (0, 0)>
#map1 = affine_map<(d0, d1) -> (0, 0, 0)>
#map2 = affine_map<(d0, d1) -> (0)>
module attributes {stable_mosaic.version = 14 : i64} {
  func.func @_edge_body(%arg0: i32, %arg1: i32, %arg2: memref<10000x128xf32, #tpu.memory_space<hbm>>, %arg3: memref<10000x128xf32, #tpu.memory_space<hbm>>, %arg4: memref<32x125x80xi32, #tpu.memory_space<hbm>>, %arg5: memref<32x125x80xi32, #tpu.memory_space<hbm>>, %arg6: memref<128xf32, #tpu.memory_space<hbm>>, %arg7: memref<16xf32, #tpu.memory_space<hbm>>, %arg8: memref<320000xf32, #tpu.memory_space<hbm>>, %arg9: memref<125x80xi32, #tpu.memory_space<vmem>>, %arg10: memref<125x80xi32, #tpu.memory_space<vmem>>, %arg11: memref<80x128xf32, #tpu.memory_space<vmem>>, %arg12: memref<80x128xf32, #tpu.memory_space<vmem>>, %arg13: memref<80x128xf32, #tpu.memory_space<vmem>>, %arg14: memref<80x128xf32, #tpu.memory_space<vmem>>, %arg15: memref<128xf32, #tpu.memory_space<vmem>>, %arg16: memref<16xf32, #tpu.memory_space<vmem>>, %arg17: memref<10000xf32, #tpu.memory_space<vmem>>, %arg18: memref<!tpu.dma_semaphore, #tpu.memory_space<semaphore_mem>>, %arg19: memref<!tpu.dma_semaphore, #tpu.memory_space<semaphore_mem>>, %arg20: memref<!tpu.dma_semaphore, #tpu.memory_space<semaphore_mem>>, %arg21: memref<!tpu.dma_semaphore, #tpu.memory_space<semaphore_mem>>) attributes {dimension_semantics = [#tpu.dimension_semantics<core_parallel>, #tpu.dimension_semantics<subcore_parallel>], iteration_bounds = array<i64: 2, 16>, scalar_prefetch = 0 : i64, scratch_operands = 13 : i64, tpu.core_type = #tpu.core_type<sc_vector_subcore>, window_params = [{transform_indices = #map}, {transform_indices = #map}, {transform_indices = #map1}, {transform_indices = #map1}, {transform_indices = #map2}, {transform_indices = #map2}, {transform_indices = #map2}]} {
    %mul3A = arith.constant 2 : i32
    %mul3A_0 = arith.muli %arg1, %mul3A : i32
    %add3A = arith.addi %mul3A_0, %arg0 : i32
    "tpu.region"() ({
      %run_scoped3A = tpu.sem_alloc : memref<!tpu.dma_semaphore, #tpu.memory_space<semaphore_mem>>
      %dma_start3A_43 = arith.constant 0 : i32
      %dma_start3A_44 = arith.constant 0 : i32
      %dma_start3A_45 = tpu.memref_slice %arg4[%add3A, %dma_start3A_43, %dma_start3A_44] : memref<32x125x80xi32, #tpu.memory_space<hbm>> -> memref<1x125x80xi32, #tpu.memory_space<hbm>>
      %dma_start3A_46 = tpu.memref_squeeze %dma_start3A_45 : memref<1x125x80xi32, #tpu.memory_space<hbm>> -> memref<125x80xi32, #tpu.memory_space<hbm>>
      %dma_start3A_47 = arith.constant 0 : i32
      %dma_start3A_48 = arith.constant 0 : i32
      %dma_start3A_49 = tpu.memref_slice %arg4[%add3A, %dma_start3A_47, %dma_start3A_48] : memref<32x125x80xi32, #tpu.memory_space<hbm>> -> memref<1x125x80xi32, #tpu.memory_space<hbm>>
      %dma_start3A_50 = tpu.memref_squeeze %dma_start3A_49 : memref<1x125x80xi32, #tpu.memory_space<hbm>> -> memref<125x80xi32, #tpu.memory_space<hbm>>
      tpu.enqueue_dma source(%dma_start3A_50 : memref<125x80xi32, #tpu.memory_space<hbm>>) target(%arg9 : memref<125x80xi32, #tpu.memory_space<vmem>>) target_semaphore(%run_scoped3A : memref<!tpu.dma_semaphore, #tpu.memory_space<semaphore_mem>>)
      %dma_wait3A = arith.constant 0 : i32
      %dma_wait3A_51 = arith.constant 0 : i32
      %dma_wait3A_52 = tpu.memref_slice %arg4[%add3A, %dma_wait3A, %dma_wait3A_51] : memref<32x125x80xi32, #tpu.memory_space<hbm>> -> memref<1x125x80xi32, #tpu.memory_space<hbm>>
      %dma_wait3A_53 = tpu.memref_squeeze %dma_wait3A_52 : memref<1x125x80xi32, #tpu.memory_space<hbm>> -> memref<125x80xi32, #tpu.memory_space<hbm>>
      %dma_wait3A_54 = arith.constant 0 : i32
      %dma_wait3A_55 = arith.constant 0 : i32
      %dma_wait3A_56 = tpu.memref_slice %arg4[%add3A, %dma_wait3A_54, %dma_wait3A_55] : memref<32x125x80xi32, #tpu.memory_space<hbm>> -> memref<1x125x80xi32, #tpu.memory_space<hbm>>
      %dma_wait3A_57 = tpu.memref_squeeze %dma_wait3A_56 : memref<1x125x80xi32, #tpu.memory_space<hbm>> -> memref<125x80xi32, #tpu.memory_space<hbm>>
      tpu.wait_dma2 semaphore(%run_scoped3A : memref<!tpu.dma_semaphore, #tpu.memory_space<semaphore_mem>>) src(%dma_wait3A_57 : memref<125x80xi32, #tpu.memory_space<hbm>>) dst(%arg9 : memref<125x80xi32, #tpu.memory_space<vmem>>)
      tpu.yield
    }) : () -> ()
    "tpu.region"() ({
      %run_scoped3A = tpu.sem_alloc : memref<!tpu.dma_semaphore, #tpu.memory_space<semaphore_mem>>
      %dma_start3A_43 = arith.constant 0 : i32
      %dma_start3A_44 = arith.constant 0 : i32
      %dma_start3A_45 = tpu.memref_slice %arg5[%add3A, %dma_start3A_43, %dma_start3A_44] : memref<32x125x80xi32, #tpu.memory_space<hbm>> -> memref<1x125x80xi32, #tpu.memory_space<hbm>>
      %dma_start3A_46 = tpu.memref_squeeze %dma_start3A_45 : memref<1x125x80xi32, #tpu.memory_space<hbm>> -> memref<125x80xi32, #tpu.memory_space<hbm>>
      %dma_start3A_47 = arith.constant 0 : i32
      %dma_start3A_48 = arith.constant 0 : i32
      %dma_start3A_49 = tpu.memref_slice %arg5[%add3A, %dma_start3A_47, %dma_start3A_48] : memref<32x125x80xi32, #tpu.memory_space<hbm>> -> memref<1x125x80xi32, #tpu.memory_space<hbm>>
      %dma_start3A_50 = tpu.memref_squeeze %dma_start3A_49 : memref<1x125x80xi32, #tpu.memory_space<hbm>> -> memref<125x80xi32, #tpu.memory_space<hbm>>
      tpu.enqueue_dma source(%dma_start3A_50 : memref<125x80xi32, #tpu.memory_space<hbm>>) target(%arg10 : memref<125x80xi32, #tpu.memory_space<vmem>>) target_semaphore(%run_scoped3A : memref<!tpu.dma_semaphore, #tpu.memory_space<semaphore_mem>>)
      %dma_wait3A = arith.constant 0 : i32
      %dma_wait3A_51 = arith.constant 0 : i32
      %dma_wait3A_52 = tpu.memref_slice %arg5[%add3A, %dma_wait3A, %dma_wait3A_51] : memref<32x125x80xi32, #tpu.memory_space<hbm>> -> memref<1x125x80xi32, #tpu.memory_space<hbm>>
      %dma_wait3A_53 = tpu.memref_squeeze %dma_wait3A_52 : memref<1x125x80xi32, #tpu.memory_space<hbm>> -> memref<125x80xi32, #tpu.memory_space<hbm>>
      %dma_wait3A_54 = arith.constant 0 : i32
      %dma_wait3A_55 = arith.constant 0 : i32
      %dma_wait3A_56 = tpu.memref_slice %arg5[%add3A, %dma_wait3A_54, %dma_wait3A_55] : memref<32x125x80xi32, #tpu.memory_space<hbm>> -> memref<1x125x80xi32, #tpu.memory_space<hbm>>
      %dma_wait3A_57 = tpu.memref_squeeze %dma_wait3A_56 : memref<1x125x80xi32, #tpu.memory_space<hbm>> -> memref<125x80xi32, #tpu.memory_space<hbm>>
      tpu.wait_dma2 semaphore(%run_scoped3A : memref<!tpu.dma_semaphore, #tpu.memory_space<semaphore_mem>>) src(%dma_wait3A_57 : memref<125x80xi32, #tpu.memory_space<hbm>>) dst(%arg10 : memref<125x80xi32, #tpu.memory_space<vmem>>)
      tpu.yield
    }) : () -> ()
    "tpu.region"() ({
      %run_scoped3A = tpu.sem_alloc : memref<!tpu.dma_semaphore, #tpu.memory_space<semaphore_mem>>
      tpu.enqueue_dma source(%arg6 : memref<128xf32, #tpu.memory_space<hbm>>) target(%arg15 : memref<128xf32, #tpu.memory_space<vmem>>) target_semaphore(%run_scoped3A : memref<!tpu.dma_semaphore, #tpu.memory_space<semaphore_mem>>)
      tpu.wait_dma2 semaphore(%run_scoped3A : memref<!tpu.dma_semaphore, #tpu.memory_space<semaphore_mem>>) src(%arg6 : memref<128xf32, #tpu.memory_space<hbm>>) dst(%arg15 : memref<128xf32, #tpu.memory_space<vmem>>)
      tpu.yield
    }) : () -> ()
    "tpu.region"() ({
      %run_scoped3A = tpu.sem_alloc : memref<!tpu.dma_semaphore, #tpu.memory_space<semaphore_mem>>
      tpu.enqueue_dma source(%arg7 : memref<16xf32, #tpu.memory_space<hbm>>) target(%arg16 : memref<16xf32, #tpu.memory_space<vmem>>) target_semaphore(%run_scoped3A : memref<!tpu.dma_semaphore, #tpu.memory_space<semaphore_mem>>)
      tpu.wait_dma2 semaphore(%run_scoped3A : memref<!tpu.dma_semaphore, #tpu.memory_space<semaphore_mem>>) src(%arg7 : memref<16xf32, #tpu.memory_space<hbm>>) dst(%arg16 : memref<16xf32, #tpu.memory_space<vmem>>)
      tpu.yield
    }) : () -> ()
    %get3A = arith.constant 0 : index
    %get3A_1 = tpu.vector_load %arg15[%get3A] {strides = array<i32>} : memref<128xf32, #tpu.memory_space<vmem>>, vector<16xf32>,
    %get3A_2 = vector.shape_cast %get3A_1 : vector<16xf32> to vector<16xf32>
    %get3A_3 = arith.constant 16 : index
    %get3A_4 = tpu.vector_load %arg15[%get3A_3] {strides = array<i32>} : memref<128xf32, #tpu.memory_space<vmem>>, vector<16xf32>,
    %get3A_5 = vector.shape_cast %get3A_4 : vector<16xf32> to vector<16xf32>
    %get3A_6 = arith.constant 32 : index
    %get3A_7 = tpu.vector_load %arg15[%get3A_6] {strides = array<i32>} : memref<128xf32, #tpu.memory_space<vmem>>, vector<16xf32>,
    %get3A_8 = vector.shape_cast %get3A_7 : vector<16xf32> to vector<16xf32>
    %get3A_9 = arith.constant 48 : index
    %get3A_10 = tpu.vector_load %arg15[%get3A_9] {strides = array<i32>} : memref<128xf32, #tpu.memory_space<vmem>>, vector<16xf32>,
    %get3A_11 = vector.shape_cast %get3A_10 : vector<16xf32> to vector<16xf32>
    %get3A_12 = arith.constant 64 : index
    %get3A_13 = tpu.vector_load %arg15[%get3A_12] {strides = array<i32>} : memref<128xf32, #tpu.memory_space<vmem>>, vector<16xf32>,
    %get3A_14 = vector.shape_cast %get3A_13 : vector<16xf32> to vector<16xf32>
    %get3A_15 = arith.constant 80 : index
    %get3A_16 = tpu.vector_load %arg15[%get3A_15] {strides = array<i32>} : memref<128xf32, #tpu.memory_space<vmem>>, vector<16xf32>,
    %get3A_17 = vector.shape_cast %get3A_16 : vector<16xf32> to vector<16xf32>
    %get3A_18 = arith.constant 96 : index
    %get3A_19 = tpu.vector_load %arg15[%get3A_18] {strides = array<i32>} : memref<128xf32, #tpu.memory_space<vmem>>, vector<16xf32>,
    %get3A_20 = vector.shape_cast %get3A_19 : vector<16xf32> to vector<16xf32>
    %get3A_21 = arith.constant 112 : index
    %get3A_22 = tpu.vector_load %arg15[%get3A_21] {strides = array<i32>} : memref<128xf32, #tpu.memory_space<vmem>>, vector<16xf32>,
    %get3A_23 = vector.shape_cast %get3A_22 : vector<16xf32> to vector<16xf32>
    %iota3A = tpu.iota {dimensions = array<i32: 0>} : vector<16xi32>
    %dma_start3A = arith.constant 0 : i32
    %dma_start3A_24 = arith.constant 0 : i32
    %dma_start3A_25 = tpu.memref_slice %arg9[%dma_start3A, %dma_start3A_24] : memref<125x80xi32, #tpu.memory_space<vmem>> -> memref<1x80xi32, #tpu.memory_space<vmem>>
    %dma_start3A_26 = tpu.memref_squeeze %dma_start3A_25 : memref<1x80xi32, #tpu.memory_space<vmem>> -> memref<80xi32, #tpu.memory_space<vmem>>
    %dma_start3A_27 = arith.constant 0 : i32
    %dma_start3A_28 = arith.constant 0 : i32
    %dma_start3A_29 = tpu.memref_slice %arg2[%dma_start3A_27, %dma_start3A_28] : memref<10000x128xf32, #tpu.memory_space<hbm>> -> memref<10000x128xf32, #tpu.memory_space<hbm>>
    tpu.enqueue_indirect_dma source(%dma_start3A_29 : memref<10000x128xf32, #tpu.memory_space<hbm>>) target(%arg11 : memref<80x128xf32, #tpu.memory_space<vmem>>) offsets(%dma_start3A_26 : memref<80xi32, #tpu.memory_space<vmem>>) semaphore(%arg18 : memref<!tpu.dma_semaphore, #tpu.memory_space<semaphore_mem>>)
    %dma_start3A_30 = arith.constant 0 : i32
    %dma_start3A_31 = arith.constant 0 : i32
    %dma_start3A_32 = tpu.memref_slice %arg10[%dma_start3A_30, %dma_start3A_31] : memref<125x80xi32, #tpu.memory_space<vmem>> -> memref<1x80xi32, #tpu.memory_space<vmem>>
    %dma_start3A_33 = tpu.memref_squeeze %dma_start3A_32 : memref<1x80xi32, #tpu.memory_space<vmem>> -> memref<80xi32, #tpu.memory_space<vmem>>
    %dma_start3A_34 = arith.constant 0 : i32
    %dma_start3A_35 = arith.constant 0 : i32
    %dma_start3A_36 = tpu.memref_slice %arg3[%dma_start3A_34, %dma_start3A_35] : memref<10000x128xf32, #tpu.memory_space<hbm>> -> memref<10000x128xf32, #tpu.memory_space<hbm>>
    tpu.enqueue_indirect_dma source(%dma_start3A_36 : memref<10000x128xf32, #tpu.memory_space<hbm>>) target(%arg12 : memref<80x128xf32, #tpu.memory_space<vmem>>) offsets(%dma_start3A_33 : memref<80xi32, #tpu.memory_space<vmem>>) semaphore(%arg19 : memref<!tpu.dma_semaphore, #tpu.memory_space<semaphore_mem>>)
    %scan3A = arith.constant 0 : i32
    %scan3A_37 = arith.constant 125 : i32
    %scan3A_38 = arith.addi %scan3A, %scan3A_37 : i32
    %scan3A_39 = arith.constant 1 : i32
    scf.for %scan3A_43 = %scan3A to %scan3A_38 step %scan3A_39  : i32 {
      %mul3A_44 = arith.constant 1 : i32
      %mul3A_45 = arith.muli %scan3A_43, %mul3A_44 : i32
      %add3A_46 = arith.constant 0 : i32
      %add3A_47 = arith.addi %add3A_46, %mul3A_45 : i32
      %jit3A = arith.constant 2 : i32
      %eq3A = arith.constant 0 : i32
      %eq3A_48 = arith.cmpi eq, %jit3A, %eq3A : i32
      %jit3A_49 = arith.constant 1 : i32
      %select_n3A = arith.select %eq3A_48, %jit3A_49, %jit3A : i32
      %rem3A = arith.remsi %add3A_47, %select_n3A : i32
      %ne3A = arith.constant 0 : i32
      %ne3A_50 = arith.cmpi ne, %rem3A, %ne3A : i32
      %lt3A = arith.constant 0 : i32
      %lt3A_51 = arith.cmpi slt, %rem3A, %lt3A : i32
      %lt3A_52 = arith.constant 0 : i32
      %lt3A_53 = arith.cmpi slt, %select_n3A, %lt3A_52 : i32
      %ne3A_54 = arith.xori %lt3A_51, %lt3A_53 : i1
      %and3A = arith.andi %ne3A_54, %ne3A_50 : i1
      %add3A_55 = arith.addi %rem3A, %select_n3A : i32
      %select_n3A_56 = arith.select %and3A, %add3A_55, %rem3A : i32
      %eq3A_57 = arith.constant 0 : i32
      %eq3A_58 = arith.cmpi eq, %select_n3A_56, %eq3A_57 : i32
      %convert_element_type3A = arith.extui %eq3A_58 : i1 to i32
      %cond3A = arith.constant 0 : i32
      %cond3A_59 = arith.cmpi ne, %convert_element_type3A, %cond3A : i32
      scf.if %cond3A_59 {
        %dma_wait3A = arith.constant 0 : i32
        %dma_wait3A_81 = tpu.memref_slice %arg9[%add3A_47, %dma_wait3A] : memref<125x80xi32, #tpu.memory_space<vmem>> -> memref<1x80xi32, #tpu.memory_space<vmem>>
        %dma_wait3A_82 = tpu.memref_squeeze %dma_wait3A_81 : memref<1x80xi32, #tpu.memory_space<vmem>> -> memref<80xi32, #tpu.memory_space<vmem>>
        %dma_wait3A_83 = arith.constant 0 : i32
        %dma_wait3A_84 = arith.constant 0 : i32
        %dma_wait3A_85 = tpu.memref_slice %arg2[%dma_wait3A_83, %dma_wait3A_84] : memref<10000x128xf32, #tpu.memory_space<hbm>> -> memref<10000x128xf32, #tpu.memory_space<hbm>>
        tpu.wait_indirect_dma semaphore(%arg18 : memref<!tpu.dma_semaphore, #tpu.memory_space<semaphore_mem>>) src(%dma_wait3A_85 : memref<10000x128xf32, #tpu.memory_space<hbm>>) dst(%arg11 : memref<80x128xf32, #tpu.memory_space<vmem>>)
        %dma_wait3A_86 = arith.constant 0 : i32
        %dma_wait3A_87 = tpu.memref_slice %arg10[%add3A_47, %dma_wait3A_86] : memref<125x80xi32, #tpu.memory_space<vmem>> -> memref<1x80xi32, #tpu.memory_space<vmem>>
        %dma_wait3A_88 = tpu.memref_squeeze %dma_wait3A_87 : memref<1x80xi32, #tpu.memory_space<vmem>> -> memref<80xi32, #tpu.memory_space<vmem>>
        %dma_wait3A_89 = arith.constant 0 : i32
        %dma_wait3A_90 = arith.constant 0 : i32
        %dma_wait3A_91 = tpu.memref_slice %arg3[%dma_wait3A_89, %dma_wait3A_90] : memref<10000x128xf32, #tpu.memory_space<hbm>> -> memref<10000x128xf32, #tpu.memory_space<hbm>>
        tpu.wait_indirect_dma semaphore(%arg19 : memref<!tpu.dma_semaphore, #tpu.memory_space<semaphore_mem>>) src(%dma_wait3A_91 : memref<10000x128xf32, #tpu.memory_space<hbm>>) dst(%arg12 : memref<80x128xf32, #tpu.memory_space<vmem>>)
        %add3A_92 = arith.constant 1 : i32
        %add3A_93 = arith.addi %add3A_47, %add3A_92 : i32
        %lt3A_94 = arith.constant 125 : i32
        %lt3A_95 = arith.cmpi slt, %add3A_93, %lt3A_94 : i32
        %convert_element_type3A_96 = arith.extui %lt3A_95 : i1 to i32
        %cond3A_97 = arith.constant 0 : i32
        %cond3A_98 = arith.cmpi ne, %convert_element_type3A_96, %cond3A_97 : i32
        scf.if %cond3A_98 {
          %add3A_197 = arith.constant 1 : i32
          %add3A_198 = arith.addi %add3A_47, %add3A_197 : i32
          %dma_start3A_199 = arith.constant 0 : i32
          %dma_start3A_200 = tpu.memref_slice %arg9[%add3A_198, %dma_start3A_199] : memref<125x80xi32, #tpu.memory_space<vmem>> -> memref<1x80xi32, #tpu.memory_space<vmem>>
          %dma_start3A_201 = tpu.memref_squeeze %dma_start3A_200 : memref<1x80xi32, #tpu.memory_space<vmem>> -> memref<80xi32, #tpu.memory_space<vmem>>
          %dma_start3A_202 = arith.constant 0 : i32
          %dma_start3A_203 = arith.constant 0 : i32
          %dma_start3A_204 = tpu.memref_slice %arg2[%dma_start3A_202, %dma_start3A_203] : memref<10000x128xf32, #tpu.memory_space<hbm>> -> memref<10000x128xf32, #tpu.memory_space<hbm>>
          tpu.enqueue_indirect_dma source(%dma_start3A_204 : memref<10000x128xf32, #tpu.memory_space<hbm>>) target(%arg13 : memref<80x128xf32, #tpu.memory_space<vmem>>) offsets(%dma_start3A_201 : memref<80xi32, #tpu.memory_space<vmem>>) semaphore(%arg20 : memref<!tpu.dma_semaphore, #tpu.memory_space<semaphore_mem>>)
          %add3A_205 = arith.constant 1 : i32
          %add3A_206 = arith.addi %add3A_47, %add3A_205 : i32
          %dma_start3A_207 = arith.constant 0 : i32
          %dma_start3A_208 = tpu.memref_slice %arg10[%add3A_206, %dma_start3A_207] : memref<125x80xi32, #tpu.memory_space<vmem>> -> memref<1x80xi32, #tpu.memory_space<vmem>>
          %dma_start3A_209 = tpu.memref_squeeze %dma_start3A_208 : memref<1x80xi32, #tpu.memory_space<vmem>> -> memref<80xi32, #tpu.memory_space<vmem>>
          %dma_start3A_210 = arith.constant 0 : i32
          %dma_start3A_211 = arith.constant 0 : i32
          %dma_start3A_212 = tpu.memref_slice %arg3[%dma_start3A_210, %dma_start3A_211] : memref<10000x128xf32, #tpu.memory_space<hbm>> -> memref<10000x128xf32, #tpu.memory_space<hbm>>
          tpu.enqueue_indirect_dma source(%dma_start3A_212 : memref<10000x128xf32, #tpu.memory_space<hbm>>) target(%arg14 : memref<80x128xf32, #tpu.memory_space<vmem>>) offsets(%dma_start3A_209 : memref<80xi32, #tpu.memory_space<vmem>>) semaphore(%arg21 : memref<!tpu.dma_semaphore, #tpu.memory_space<semaphore_mem>>)
        } else {
        }
        %broadcast_in_dim3A = arith.constant 0.000000e+00 : f32
        %broadcast_in_dim3A_99 = vector.broadcast %broadcast_in_dim3A : f32 to vector<16xf32>
        %scan3A_100 = arith.constant 0 : i32
        %scan3A_101 = arith.constant 16 : i32
        %scan3A_102 = arith.addi %scan3A_100, %scan3A_101 : i32
        %scan3A_103 = arith.constant 1 : i32
        %scan3A_104 = scf.for %scan3A_197 = %scan3A_100 to %scan3A_102 step %scan3A_103 iter_args(%scan3A_198 = %broadcast_in_dim3A_99) -> (vector<16xf32>)  : i32 {
          %add3A_199 = arith.constant 0 : i32
          %add3A_200 = arith.addi %add3A_199, %scan3A_197 : i32
          %broadcast_in_dim3A_201 = arith.constant 0.000000e+00 : f32
          %broadcast_in_dim3A_202 = vector.broadcast %broadcast_in_dim3A_201 : f32 to vector<16xf32>
          %get3A_203 = arith.index_cast %add3A_200 : i32 to index
          %get3A_204 = arith.constant 0 : index
          %get3A_205 = tpu.vector_load %arg11[%get3A_203, %get3A_204] {strides = array<i32>} : memref<80x128xf32, #tpu.memory_space<vmem>>, vector<1x16xf32>,
          %get3A_206 = vector.shape_cast %get3A_205 : vector<1x16xf32> to vector<16xf32>
          %get3A_207 = arith.index_cast %add3A_200 : i32 to index
          %get3A_208 = arith.constant 0 : index
          %get3A_209 = tpu.vector_load %arg12[%get3A_207, %get3A_208] {strides = array<i32>} : memref<80x128xf32, #tpu.memory_space<vmem>>, vector<1x16xf32>,
          %get3A_210 = vector.shape_cast %get3A_209 : vector<1x16xf32> to vector<16xf32>
          %add3A_211 = arith.addf %get3A_206, %get3A_210 : vector<16xf32>
          %max3A = arith.constant 0.000000e+00 : f32
          %max3A_212 = vector.broadcast %max3A : f32 to vector<16xf32>
          %max3A_213 = arith.maximumf %add3A_211, %max3A_212 : vector<16xf32>
          %mul3A_214 = arith.mulf %max3A_213, %get3A_2 : vector<16xf32>
          %add3A_215 = arith.addf %broadcast_in_dim3A_202, %mul3A_214 : vector<16xf32>
          %get3A_216 = arith.index_cast %add3A_200 : i32 to index
          %get3A_217 = arith.constant 16 : index
          %get3A_218 = tpu.vector_load %arg11[%get3A_216, %get3A_217] {strides = array<i32>} : memref<80x128xf32, #tpu.memory_space<vmem>>, vector<1x16xf32>,
          %get3A_219 = vector.shape_cast %get3A_218 : vector<1x16xf32> to vector<16xf32>
          %get3A_220 = arith.index_cast %add3A_200 : i32 to index
          %get3A_221 = arith.constant 16 : index
          %get3A_222 = tpu.vector_load %arg12[%get3A_220, %get3A_221] {strides = array<i32>} : memref<80x128xf32, #tpu.memory_space<vmem>>, vector<1x16xf32>,
          %get3A_223 = vector.shape_cast %get3A_222 : vector<1x16xf32> to vector<16xf32>
          %add3A_224 = arith.addf %get3A_219, %get3A_223 : vector<16xf32>
          %max3A_225 = arith.constant 0.000000e+00 : f32
          %max3A_226 = vector.broadcast %max3A_225 : f32 to vector<16xf32>
          %max3A_227 = arith.maximumf %add3A_224, %max3A_226 : vector<16xf32>
          %mul3A_228 = arith.mulf %max3A_227, %get3A_5 : vector<16xf32>
          %add3A_229 = arith.addf %add3A_215, %mul3A_228 : vector<16xf32>
          %get3A_230 = arith.index_cast %add3A_200 : i32 to index
          %get3A_231 = arith.constant 32 : index
          %get3A_232 = tpu.vector_load %arg11[%get3A_230, %get3A_231] {strides = array<i32>} : memref<80x128xf32, #tpu.memory_space<vmem>>, vector<1x16xf32>,
          %get3A_233 = vector.shape_cast %get3A_232 : vector<1x16xf32> to vector<16xf32>
          %get3A_234 = arith.index_cast %add3A_200 : i32 to index
          %get3A_235 = arith.constant 32 : index
          %get3A_236 = tpu.vector_load %arg12[%get3A_234, %get3A_235] {strides = array<i32>} : memref<80x128xf32, #tpu.memory_space<vmem>>, vector<1x16xf32>,
          %get3A_237 = vector.shape_cast %get3A_236 : vector<1x16xf32> to vector<16xf32>
          %add3A_238 = arith.addf %get3A_233, %get3A_237 : vector<16xf32>
          %max3A_239 = arith.constant 0.000000e+00 : f32
          %max3A_240 = vector.broadcast %max3A_239 : f32 to vector<16xf32>
          %max3A_241 = arith.maximumf %add3A_238, %max3A_240 : vector<16xf32>
          %mul3A_242 = arith.mulf %max3A_241, %get3A_8 : vector<16xf32>
          %add3A_243 = arith.addf %add3A_229, %mul3A_242 : vector<16xf32>
          %get3A_244 = arith.index_cast %add3A_200 : i32 to index
          %get3A_245 = arith.constant 48 : index
          %get3A_246 = tpu.vector_load %arg11[%get3A_244, %get3A_245] {strides = array<i32>} : memref<80x128xf32, #tpu.memory_space<vmem>>, vector<1x16xf32>,
          %get3A_247 = vector.shape_cast %get3A_246 : vector<1x16xf32> to vector<16xf32>
          %get3A_248 = arith.index_cast %add3A_200 : i32 to index
          %get3A_249 = arith.constant 48 : index
          %get3A_250 = tpu.vector_load %arg12[%get3A_248, %get3A_249] {strides = array<i32>} : memref<80x128xf32, #tpu.memory_space<vmem>>, vector<1x16xf32>,
          %get3A_251 = vector.shape_cast %get3A_250 : vector<1x16xf32> to vector<16xf32>
          %add3A_252 = arith.addf %get3A_247, %get3A_251 : vector<16xf32>
          %max3A_253 = arith.constant 0.000000e+00 : f32
          %max3A_254 = vector.broadcast %max3A_253 : f32 to vector<16xf32>
          %max3A_255 = arith.maximumf %add3A_252, %max3A_254 : vector<16xf32>
          %mul3A_256 = arith.mulf %max3A_255, %get3A_11 : vector<16xf32>
          %add3A_257 = arith.addf %add3A_243, %mul3A_256 : vector<16xf32>
          %get3A_258 = arith.index_cast %add3A_200 : i32 to index
          %get3A_259 = arith.constant 64 : index
          %get3A_260 = tpu.vector_load %arg11[%get3A_258, %get3A_259] {strides = array<i32>} : memref<80x128xf32, #tpu.memory_space<vmem>>, vector<1x16xf32>,
          %get3A_261 = vector.shape_cast %get3A_260 : vector<1x16xf32> to vector<16xf32>
          %get3A_262 = arith.index_cast %add3A_200 : i32 to index
          %get3A_263 = arith.constant 64 : index
          %get3A_264 = tpu.vector_load %arg12[%get3A_262, %get3A_263] {strides = array<i32>} : memref<80x128xf32, #tpu.memory_space<vmem>>, vector<1x16xf32>,
          %get3A_265 = vector.shape_cast %get3A_264 : vector<1x16xf32> to vector<16xf32>
          %add3A_266 = arith.addf %get3A_261, %get3A_265 : vector<16xf32>
          %max3A_267 = arith.constant 0.000000e+00 : f32
          %max3A_268 = vector.broadcast %max3A_267 : f32 to vector<16xf32>
          %max3A_269 = arith.maximumf %add3A_266, %max3A_268 : vector<16xf32>
          %mul3A_270 = arith.mulf %max3A_269, %get3A_14 : vector<16xf32>
          %add3A_271 = arith.addf %add3A_257, %mul3A_270 : vector<16xf32>
          %get3A_272 = arith.index_cast %add3A_200 : i32 to index
          %get3A_273 = arith.constant 80 : index
          %get3A_274 = tpu.vector_load %arg11[%get3A_272, %get3A_273] {strides = array<i32>} : memref<80x128xf32, #tpu.memory_space<vmem>>, vector<1x16xf32>,
          %get3A_275 = vector.shape_cast %get3A_274 : vector<1x16xf32> to vector<16xf32>
          %get3A_276 = arith.index_cast %add3A_200 : i32 to index
          %get3A_277 = arith.constant 80 : index
          %get3A_278 = tpu.vector_load %arg12[%get3A_276, %get3A_277] {strides = array<i32>} : memref<80x128xf32, #tpu.memory_space<vmem>>, vector<1x16xf32>,
          %get3A_279 = vector.shape_cast %get3A_278 : vector<1x16xf32> to vector<16xf32>
          %add3A_280 = arith.addf %get3A_275, %get3A_279 : vector<16xf32>
          %max3A_281 = arith.constant 0.000000e+00 : f32
          %max3A_282 = vector.broadcast %max3A_281 : f32 to vector<16xf32>
          %max3A_283 = arith.maximumf %add3A_280, %max3A_282 : vector<16xf32>
          %mul3A_284 = arith.mulf %max3A_283, %get3A_17 : vector<16xf32>
          %add3A_285 = arith.addf %add3A_271, %mul3A_284 : vector<16xf32>
          %get3A_286 = arith.index_cast %add3A_200 : i32 to index
          %get3A_287 = arith.constant 96 : index
          %get3A_288 = tpu.vector_load %arg11[%get3A_286, %get3A_287] {strides = array<i32>} : memref<80x128xf32, #tpu.memory_space<vmem>>, vector<1x16xf32>,
          %get3A_289 = vector.shape_cast %get3A_288 : vector<1x16xf32> to vector<16xf32>
          %get3A_290 = arith.index_cast %add3A_200 : i32 to index
          %get3A_291 = arith.constant 96 : index
          %get3A_292 = tpu.vector_load %arg12[%get3A_290, %get3A_291] {strides = array<i32>} : memref<80x128xf32, #tpu.memory_space<vmem>>, vector<1x16xf32>,
          %get3A_293 = vector.shape_cast %get3A_292 : vector<1x16xf32> to vector<16xf32>
          %add3A_294 = arith.addf %get3A_289, %get3A_293 : vector<16xf32>
          %max3A_295 = arith.constant 0.000000e+00 : f32
          %max3A_296 = vector.broadcast %max3A_295 : f32 to vector<16xf32>
          %max3A_297 = arith.maximumf %add3A_294, %max3A_296 : vector<16xf32>
          %mul3A_298 = arith.mulf %max3A_297, %get3A_20 : vector<16xf32>
          %add3A_299 = arith.addf %add3A_285, %mul3A_298 : vector<16xf32>
          %get3A_300 = arith.index_cast %add3A_200 : i32 to index
          %get3A_301 = arith.constant 112 : index
          %get3A_302 = tpu.vector_load %arg11[%get3A_300, %get3A_301] {strides = array<i32>} : memref<80x128xf32, #tpu.memory_space<vmem>>, vector<1x16xf32>,
          %get3A_303 = vector.shape_cast %get3A_302 : vector<1x16xf32> to vector<16xf32>
          %get3A_304 = arith.index_cast %add3A_200 : i32 to index
          %get3A_305 = arith.constant 112 : index
          %get3A_306 = tpu.vector_load %arg12[%get3A_304, %get3A_305] {strides = array<i32>} : memref<80x128xf32, #tpu.memory_space<vmem>>, vector<1x16xf32>,
          %get3A_307 = vector.shape_cast %get3A_306 : vector<1x16xf32> to vector<16xf32>
          %add3A_308 = arith.addf %get3A_303, %get3A_307 : vector<16xf32>
          %max3A_309 = arith.constant 0.000000e+00 : f32
          %max3A_310 = vector.broadcast %max3A_309 : f32 to vector<16xf32>
          %max3A_311 = arith.maximumf %add3A_308, %max3A_310 : vector<16xf32>
          %mul3A_312 = arith.mulf %max3A_311, %get3A_23 : vector<16xf32>
          %add3A_313 = arith.addf %add3A_299, %mul3A_312 : vector<16xf32>
          %xor3A = arith.constant 8 : i32
          %xor3A_314 = vector.broadcast %xor3A : i32 to vector<16xi32>
          %xor3A_315 = arith.xori %iota3A, %xor3A_314 : vector<16xi32>
          %broadcast_in_dim3A_316 = vector.shape_cast %xor3A_315 : vector<16xi32> to vector<16x1xi32>
          %gather3A = vector.shape_cast %broadcast_in_dim3A_316 : vector<16x1xi32> to vector<16xi32>
          %gather3A_317 = tpu.dynamic_gather %add3A_313[%gather3A] in [0] : vector<16xf32>, vector<16xi32> -> vector<16xf32>
          %add3A_318 = arith.addf %add3A_313, %gather3A_317 : vector<16xf32>
          %xor3A_319 = arith.constant 4 : i32
          %xor3A_320 = vector.broadcast %xor3A_319 : i32 to vector<16xi32>
          %xor3A_321 = arith.xori %iota3A, %xor3A_320 : vector<16xi32>
          %broadcast_in_dim3A_322 = vector.shape_cast %xor3A_321 : vector<16xi32> to vector<16x1xi32>
          %gather3A_323 = vector.shape_cast %broadcast_in_dim3A_322 : vector<16x1xi32> to vector<16xi32>
          %gather3A_324 = tpu.dynamic_gather %add3A_318[%gather3A_323] in [0] : vector<16xf32>, vector<16xi32> -> vector<16xf32>
          %add3A_325 = arith.addf %add3A_318, %gather3A_324 : vector<16xf32>
          %xor3A_326 = arith.constant 2 : i32
          %xor3A_327 = vector.broadcast %xor3A_326 : i32 to vector<16xi32>
          %xor3A_328 = arith.xori %iota3A, %xor3A_327 : vector<16xi32>
          %broadcast_in_dim3A_329 = vector.shape_cast %xor3A_328 : vector<16xi32> to vector<16x1xi32>
          %gather3A_330 = vector.shape_cast %broadcast_in_dim3A_329 : vector<16x1xi32> to vector<16xi32>
          %gather3A_331 = tpu.dynamic_gather %add3A_325[%gather3A_330] in [0] : vector<16xf32>, vector<16xi32> -> vector<16xf32>
          %add3A_332 = arith.addf %add3A_325, %gather3A_331 : vector<16xf32>
          %xor3A_333 = arith.constant 1 : i32
          %xor3A_334 = vector.broadcast %xor3A_333 : i32 to vector<16xi32>
          %xor3A_335 = arith.xori %iota3A, %xor3A_334 : vector<16xi32>
          %broadcast_in_dim3A_336 = vector.shape_cast %xor3A_335 : vector<16xi32> to vector<16x1xi32>
          %gather3A_337 = vector.shape_cast %broadcast_in_dim3A_336 : vector<16x1xi32> to vector<16xi32>
          %gather3A_338 = tpu.dynamic_gather %add3A_332[%gather3A_337] in [0] : vector<16xf32>, vector<16xi32> -> vector<16xf32>
          %add3A_339 = arith.addf %add3A_332, %gather3A_338 : vector<16xf32>
          %eq3A_340 = vector.broadcast %scan3A_197 : i32 to vector<16xi32>
          %eq3A_341 = arith.cmpi eq, %iota3A, %eq3A_340 : vector<16xi32>
          %select_n3A_342 = arith.select %eq3A_341, %add3A_339, %scan3A_198 : vector<16xi1>, vector<16xf32>
          scf.yield %select_n3A_342 : vector<16xf32>
        }
        %scan3A_105 = arith.constant 16 : i32
        %get3A_106 = arith.constant 0 : index
        %get3A_107 = tpu.vector_load %arg16[%get3A_106] {strides = array<i32>} : memref<16xf32, #tpu.memory_space<vmem>>, vector<16xf32>,
        %get3A_108 = vector.shape_cast %get3A_107 : vector<16xf32> to vector<16xf32>
        %add3A_109 = arith.addf %scan3A_104, %get3A_108 : vector<16xf32>
        %mul3A_110 = arith.constant 80 : i32
        %mul3A_111 = arith.muli %add3A_47, %mul3A_110 : i32
        %add3A_112 = arith.constant 0 : i32
        %add3A_113 = arith.addi %mul3A_111, %add3A_112 : i32
        %swap3A = arith.index_cast %add3A_113 : i32 to index
        %swap3A_114 = tpu.vector_load %arg17[%swap3A] {strides = array<i32>} : memref<10000xf32, #tpu.memory_space<vmem>>, vector<16xf32>,
        %swap3A_115 = vector.shape_cast %swap3A_114 : vector<16xf32> to vector<16xf32>
        %swap3A_116 = vector.shape_cast %add3A_109 : vector<16xf32> to vector<16xf32>
        tpu.vector_store %arg17[%swap3A], %swap3A_116 {strides = array<i32>} : memref<10000xf32, #tpu.memory_space<vmem>>, vector<16xf32>,
        %broadcast_in_dim3A_117 = arith.constant 0.000000e+00 : f32
        %broadcast_in_dim3A_118 = vector.broadcast %broadcast_in_dim3A_117 : f32 to vector<16xf32>
        %scan3A_119 = arith.constant 0 : i32
        %scan3A_120 = arith.constant 16 : i32
        %scan3A_121 = arith.addi %scan3A_119, %scan3A_120 : i32
        %scan3A_122 = arith.constant 1 : i32
        %scan3A_123 = scf.for %scan3A_197 = %scan3A_119 to %scan3A_121 step %scan3A_122 iter_args(%scan3A_198 = %broadcast_in_dim3A_118) -> (vector<16xf32>)  : i32 {
          %add3A_199 = arith.constant 16 : i32
          %add3A_200 = arith.addi %add3A_199, %scan3A_197 : i32
          %broadcast_in_dim3A_201 = arith.constant 0.000000e+00 : f32
          %broadcast_in_dim3A_202 = vector.broadcast %broadcast_in_dim3A_201 : f32 to vector<16xf32>
          %get3A_203 = arith.index_cast %add3A_200 : i32 to index
          %get3A_204 = arith.constant 0 : index
          %get3A_205 = tpu.vector_load %arg11[%get3A_203, %get3A_204] {strides = array<i32>} : memref<80x128xf32, #tpu.memory_space<vmem>>, vector<1x16xf32>,
          %get3A_206 = vector.shape_cast %get3A_205 : vector<1x16xf32> to vector<16xf32>
          %get3A_207 = arith.index_cast %add3A_200 : i32 to index
          %get3A_208 = arith.constant 0 : index
          %get3A_209 = tpu.vector_load %arg12[%get3A_207, %get3A_208] {strides = array<i32>} : memref<80x128xf32, #tpu.memory_space<vmem>>, vector<1x16xf32>,
          %get3A_210 = vector.shape_cast %get3A_209 : vector<1x16xf32> to vector<16xf32>
          %add3A_211 = arith.addf %get3A_206, %get3A_210 : vector<16xf32>
          %max3A = arith.constant 0.000000e+00 : f32
          %max3A_212 = vector.broadcast %max3A : f32 to vector<16xf32>
          %max3A_213 = arith.maximumf %add3A_211, %max3A_212 : vector<16xf32>
          %mul3A_214 = arith.mulf %max3A_213, %get3A_2 : vector<16xf32>
          %add3A_215 = arith.addf %broadcast_in_dim3A_202, %mul3A_214 : vector<16xf32>
          %get3A_216 = arith.index_cast %add3A_200 : i32 to index
          %get3A_217 = arith.constant 16 : index
          %get3A_218 = tpu.vector_load %arg11[%get3A_216, %get3A_217] {strides = array<i32>} : memref<80x128xf32, #tpu.memory_space<vmem>>, vector<1x16xf32>,
          %get3A_219 = vector.shape_cast %get3A_218 : vector<1x16xf32> to vector<16xf32>
          %get3A_220 = arith.index_cast %add3A_200 : i32 to index
          %get3A_221 = arith.constant 16 : index
          %get3A_222 = tpu.vector_load %arg12[%get3A_220, %get3A_221] {strides = array<i32>} : memref<80x128xf32, #tpu.memory_space<vmem>>, vector<1x16xf32>,
          %get3A_223 = vector.shape_cast %get3A_222 : vector<1x16xf32> to vector<16xf32>
          %add3A_224 = arith.addf %get3A_219, %get3A_223 : vector<16xf32>
          %max3A_225 = arith.constant 0.000000e+00 : f32
          %max3A_226 = vector.broadcast %max3A_225 : f32 to vector<16xf32>
          %max3A_227 = arith.maximumf %add3A_224, %max3A_226 : vector<16xf32>
          %mul3A_228 = arith.mulf %max3A_227, %get3A_5 : vector<16xf32>
          %add3A_229 = arith.addf %add3A_215, %mul3A_228 : vector<16xf32>
          %get3A_230 = arith.index_cast %add3A_200 : i32 to index
          %get3A_231 = arith.constant 32 : index
          %get3A_232 = tpu.vector_load %arg11[%get3A_230, %get3A_231] {strides = array<i32>} : memref<80x128xf32, #tpu.memory_space<vmem>>, vector<1x16xf32>,
          %get3A_233 = vector.shape_cast %get3A_232 : vector<1x16xf32> to vector<16xf32>
          %get3A_234 = arith.index_cast %add3A_200 : i32 to index
          %get3A_235 = arith.constant 32 : index
          %get3A_236 = tpu.vector_load %arg12[%get3A_234, %get3A_235] {strides = array<i32>} : memref<80x128xf32, #tpu.memory_space<vmem>>, vector<1x16xf32>,
          %get3A_237 = vector.shape_cast %get3A_236 : vector<1x16xf32> to vector<16xf32>
          %add3A_238 = arith.addf %get3A_233, %get3A_237 : vector<16xf32>
          %max3A_239 = arith.constant 0.000000e+00 : f32
          %max3A_240 = vector.broadcast %max3A_239 : f32 to vector<16xf32>
          %max3A_241 = arith.maximumf %add3A_238, %max3A_240 : vector<16xf32>
          %mul3A_242 = arith.mulf %max3A_241, %get3A_8 : vector<16xf32>
          %add3A_243 = arith.addf %add3A_229, %mul3A_242 : vector<16xf32>
          %get3A_244 = arith.index_cast %add3A_200 : i32 to index
          %get3A_245 = arith.constant 48 : index
          %get3A_246 = tpu.vector_load %arg11[%get3A_244, %get3A_245] {strides = array<i32>} : memref<80x128xf32, #tpu.memory_space<vmem>>, vector<1x16xf32>,
          %get3A_247 = vector.shape_cast %get3A_246 : vector<1x16xf32> to vector<16xf32>
          %get3A_248 = arith.index_cast %add3A_200 : i32 to index
          %get3A_249 = arith.constant 48 : index
          %get3A_250 = tpu.vector_load %arg12[%get3A_248, %get3A_249] {strides = array<i32>} : memref<80x128xf32, #tpu.memory_space<vmem>>, vector<1x16xf32>,
          %get3A_251 = vector.shape_cast %get3A_250 : vector<1x16xf32> to vector<16xf32>
          %add3A_252 = arith.addf %get3A_247, %get3A_251 : vector<16xf32>
          %max3A_253 = arith.constant 0.000000e+00 : f32
          %max3A_254 = vector.broadcast %max3A_253 : f32 to vector<16xf32>
          %max3A_255 = arith.maximumf %add3A_252, %max3A_254 : vector<16xf32>
          %mul3A_256 = arith.mulf %max3A_255, %get3A_11 : vector<16xf32>
          %add3A_257 = arith.addf %add3A_243, %mul3A_256 : vector<16xf32>
          %get3A_258 = arith.index_cast %add3A_200 : i32 to index
          %get3A_259 = arith.constant 64 : index
          %get3A_260 = tpu.vector_load %arg11[%get3A_258, %get3A_259] {strides = array<i32>} : memref<80x128xf32, #tpu.memory_space<vmem>>, vector<1x16xf32>,
          %get3A_261 = vector.shape_cast %get3A_260 : vector<1x16xf32> to vector<16xf32>
          %get3A_262 = arith.index_cast %add3A_200 : i32 to index
          %get3A_263 = arith.constant 64 : index
          %get3A_264 = tpu.vector_load %arg12[%get3A_262, %get3A_263] {strides = array<i32>} : memref<80x128xf32, #tpu.memory_space<vmem>>, vector<1x16xf32>,
          %get3A_265 = vector.shape_cast %get3A_264 : vector<1x16xf32> to vector<16xf32>
          %add3A_266 = arith.addf %get3A_261, %get3A_265 : vector<16xf32>
          %max3A_267 = arith.constant 0.000000e+00 : f32
          %max3A_268 = vector.broadcast %max3A_267 : f32 to vector<16xf32>
          %max3A_269 = arith.maximumf %add3A_266, %max3A_268 : vector<16xf32>
          %mul3A_270 = arith.mulf %max3A_269, %get3A_14 : vector<16xf32>
          %add3A_271 = arith.addf %add3A_257, %mul3A_270 : vector<16xf32>
          %get3A_272 = arith.index_cast %add3A_200 : i32 to index
          %get3A_273 = arith.constant 80 : index
          %get3A_274 = tpu.vector_load %arg11[%get3A_272, %get3A_273] {strides = array<i32>} : memref<80x128xf32, #tpu.memory_space<vmem>>, vector<1x16xf32>,
          %get3A_275 = vector.shape_cast %get3A_274 : vector<1x16xf32> to vector<16xf32>
          %get3A_276 = arith.index_cast %add3A_200 : i32 to index
          %get3A_277 = arith.constant 80 : index
          %get3A_278 = tpu.vector_load %arg12[%get3A_276, %get3A_277] {strides = array<i32>} : memref<80x128xf32, #tpu.memory_space<vmem>>, vector<1x16xf32>,
          %get3A_279 = vector.shape_cast %get3A_278 : vector<1x16xf32> to vector<16xf32>
          %add3A_280 = arith.addf %get3A_275, %get3A_279 : vector<16xf32>
          %max3A_281 = arith.constant 0.000000e+00 : f32
          %max3A_282 = vector.broadcast %max3A_281 : f32 to vector<16xf32>
          %max3A_283 = arith.maximumf %add3A_280, %max3A_282 : vector<16xf32>
          %mul3A_284 = arith.mulf %max3A_283, %get3A_17 : vector<16xf32>
          %add3A_285 = arith.addf %add3A_271, %mul3A_284 : vector<16xf32>
          %get3A_286 = arith.index_cast %add3A_200 : i32 to index
          %get3A_287 = arith.constant 96 : index
          %get3A_288 = tpu.vector_load %arg11[%get3A_286, %get3A_287] {strides = array<i32>} : memref<80x128xf32, #tpu.memory_space<vmem>>, vector<1x16xf32>,
          %get3A_289 = vector.shape_cast %get3A_288 : vector<1x16xf32> to vector<16xf32>
          %get3A_290 = arith.index_cast %add3A_200 : i32 to index
          %get3A_291 = arith.constant 96 : index
          %get3A_292 = tpu.vector_load %arg12[%get3A_290, %get3A_291] {strides = array<i32>} : memref<80x128xf32, #tpu.memory_space<vmem>>, vector<1x16xf32>,
          %get3A_293 = vector.shape_cast %get3A_292 : vector<1x16xf32> to vector<16xf32>
          %add3A_294 = arith.addf %get3A_289, %get3A_293 : vector<16xf32>
          %max3A_295 = arith.constant 0.000000e+00 : f32
          %max3A_296 = vector.broadcast %max3A_295 : f32 to vector<16xf32>
          %max3A_297 = arith.maximumf %add3A_294, %max3A_296 : vector<16xf32>
          %mul3A_298 = arith.mulf %max3A_297, %get3A_20 : vector<16xf32>
          %add3A_299 = arith.addf %add3A_285, %mul3A_298 : vector<16xf32>
          %get3A_300 = arith.index_cast %add3A_200 : i32 to index
          %get3A_301 = arith.constant 112 : index
          %get3A_302 = tpu.vector_load %arg11[%get3A_300, %get3A_301] {strides = array<i32>} : memref<80x128xf32, #tpu.memory_space<vmem>>, vector<1x16xf32>,
          %get3A_303 = vector.shape_cast %get3A_302 : vector<1x16xf32> to vector<16xf32>
          %get3A_304 = arith.index_cast %add3A_200 : i32 to index
          %get3A_305 = arith.constant 112 : index
          %get3A_306 = tpu.vector_load %arg12[%get3A_304, %get3A_305] {strides = array<i32>} : memref<80x128xf32, #tpu.memory_space<vmem>>, vector<1x16xf32>,
          %get3A_307 = vector.shape_cast %get3A_306 : vector<1x16xf32> to vector<16xf32>
          %add3A_308 = arith.addf %get3A_303, %get3A_307 : vector<16xf32>
          %max3A_309 = arith.constant 0.000000e+00 : f32
          %max3A_310 = vector.broadcast %max3A_309 : f32 to vector<16xf32>
          %max3A_311 = arith.maximumf %add3A_308, %max3A_310 : vector<16xf32>
          %mul3A_312 = arith.mulf %max3A_311, %get3A_23 : vector<16xf32>
          %add3A_313 = arith.addf %add3A_299, %mul3A_312 : vector<16xf32>
          %xor3A = arith.constant 8 : i32
          %xor3A_314 = vector.broadcast %xor3A : i32 to vector<16xi32>
          %xor3A_315 = arith.xori %iota3A, %xor3A_314 : vector<16xi32>
          %broadcast_in_dim3A_316 = vector.shape_cast %xor3A_315 : vector<16xi32> to vector<16x1xi32>
          %gather3A = vector.shape_cast %broadcast_in_dim3A_316 : vector<16x1xi32> to vector<16xi32>
          %gather3A_317 = tpu.dynamic_gather %add3A_313[%gather3A] in [0] : vector<16xf32>, vector<16xi32> -> vector<16xf32>
          %add3A_318 = arith.addf %add3A_313, %gather3A_317 : vector<16xf32>
          %xor3A_319 = arith.constant 4 : i32
          %xor3A_320 = vector.broadcast %xor3A_319 : i32 to vector<16xi32>
          %xor3A_321 = arith.xori %iota3A, %xor3A_320 : vector<16xi32>
          %broadcast_in_dim3A_322 = vector.shape_cast %xor3A_321 : vector<16xi32> to vector<16x1xi32>
          %gather3A_323 = vector.shape_cast %broadcast_in_dim3A_322 : vector<16x1xi32> to vector<16xi32>
          %gather3A_324 = tpu.dynamic_gather %add3A_318[%gather3A_323] in [0] : vector<16xf32>, vector<16xi32> -> vector<16xf32>
          %add3A_325 = arith.addf %add3A_318, %gather3A_324 : vector<16xf32>
          %xor3A_326 = arith.constant 2 : i32
          %xor3A_327 = vector.broadcast %xor3A_326 : i32 to vector<16xi32>
          %xor3A_328 = arith.xori %iota3A, %xor3A_327 : vector<16xi32>
          %broadcast_in_dim3A_329 = vector.shape_cast %xor3A_328 : vector<16xi32> to vector<16x1xi32>
          %gather3A_330 = vector.shape_cast %broadcast_in_dim3A_329 : vector<16x1xi32> to vector<16xi32>
          %gather3A_331 = tpu.dynamic_gather %add3A_325[%gather3A_330] in [0] : vector<16xf32>, vector<16xi32> -> vector<16xf32>
          %add3A_332 = arith.addf %add3A_325, %gather3A_331 : vector<16xf32>
          %xor3A_333 = arith.constant 1 : i32
          %xor3A_334 = vector.broadcast %xor3A_333 : i32 to vector<16xi32>
          %xor3A_335 = arith.xori %iota3A, %xor3A_334 : vector<16xi32>
          %broadcast_in_dim3A_336 = vector.shape_cast %xor3A_335 : vector<16xi32> to vector<16x1xi32>
          %gather3A_337 = vector.shape_cast %broadcast_in_dim3A_336 : vector<16x1xi32> to vector<16xi32>
          %gather3A_338 = tpu.dynamic_gather %add3A_332[%gather3A_337] in [0] : vector<16xf32>, vector<16xi32> -> vector<16xf32>
          %add3A_339 = arith.addf %add3A_332, %gather3A_338 : vector<16xf32>
          %eq3A_340 = vector.broadcast %scan3A_197 : i32 to vector<16xi32>
          %eq3A_341 = arith.cmpi eq, %iota3A, %eq3A_340 : vector<16xi32>
          %select_n3A_342 = arith.select %eq3A_341, %add3A_339, %scan3A_198 : vector<16xi1>, vector<16xf32>
          scf.yield %select_n3A_342 : vector<16xf32>
        }
        %scan3A_124 = arith.constant 16 : i32
        %get3A_125 = arith.constant 0 : index
        %get3A_126 = tpu.vector_load %arg16[%get3A_125] {strides = array<i32>} : memref<16xf32, #tpu.memory_space<vmem>>, vector<16xf32>,
        %get3A_127 = vector.shape_cast %get3A_126 : vector<16xf32> to vector<16xf32>
        %add3A_128 = arith.addf %scan3A_123, %get3A_127 : vector<16xf32>
        %mul3A_129 = arith.constant 80 : i32
        %mul3A_130 = arith.muli %add3A_47, %mul3A_129 : i32
        %add3A_131 = arith.constant 16 : i32
        %add3A_132 = arith.addi %mul3A_130, %add3A_131 : i32
        %swap3A_133 = arith.index_cast %add3A_132 : i32 to index
        %swap3A_134 = tpu.vector_load %arg17[%swap3A_133] {strides = array<i32>} : memref<10000xf32, #tpu.memory_space<vmem>>, vector<16xf32>,
        %swap3A_135 = vector.shape_cast %swap3A_134 : vector<16xf32> to vector<16xf32>
        %swap3A_136 = vector.shape_cast %add3A_128 : vector<16xf32> to vector<16xf32>
        tpu.vector_store %arg17[%swap3A_133], %swap3A_136 {strides = array<i32>} : memref<10000xf32, #tpu.memory_space<vmem>>, vector<16xf32>,
        %broadcast_in_dim3A_137 = arith.constant 0.000000e+00 : f32
        %broadcast_in_dim3A_138 = vector.broadcast %broadcast_in_dim3A_137 : f32 to vector<16xf32>
        %scan3A_139 = arith.constant 0 : i32
        %scan3A_140 = arith.constant 16 : i32
        %scan3A_141 = arith.addi %scan3A_139, %scan3A_140 : i32
        %scan3A_142 = arith.constant 1 : i32
        %scan3A_143 = scf.for %scan3A_197 = %scan3A_139 to %scan3A_141 step %scan3A_142 iter_args(%scan3A_198 = %broadcast_in_dim3A_138) -> (vector<16xf32>)  : i32 {
          %add3A_199 = arith.constant 32 : i32
          %add3A_200 = arith.addi %add3A_199, %scan3A_197 : i32
          %broadcast_in_dim3A_201 = arith.constant 0.000000e+00 : f32
          %broadcast_in_dim3A_202 = vector.broadcast %broadcast_in_dim3A_201 : f32 to vector<16xf32>
          %get3A_203 = arith.index_cast %add3A_200 : i32 to index
          %get3A_204 = arith.constant 0 : index
          %get3A_205 = tpu.vector_load %arg11[%get3A_203, %get3A_204] {strides = array<i32>} : memref<80x128xf32, #tpu.memory_space<vmem>>, vector<1x16xf32>,
          %get3A_206 = vector.shape_cast %get3A_205 : vector<1x16xf32> to vector<16xf32>
          %get3A_207 = arith.index_cast %add3A_200 : i32 to index
          %get3A_208 = arith.constant 0 : index
          %get3A_209 = tpu.vector_load %arg12[%get3A_207, %get3A_208] {strides = array<i32>} : memref<80x128xf32, #tpu.memory_space<vmem>>, vector<1x16xf32>,
          %get3A_210 = vector.shape_cast %get3A_209 : vector<1x16xf32> to vector<16xf32>
          %add3A_211 = arith.addf %get3A_206, %get3A_210 : vector<16xf32>
          %max3A = arith.constant 0.000000e+00 : f32
          %max3A_212 = vector.broadcast %max3A : f32 to vector<16xf32>
          %max3A_213 = arith.maximumf %add3A_211, %max3A_212 : vector<16xf32>
          %mul3A_214 = arith.mulf %max3A_213, %get3A_2 : vector<16xf32>
          %add3A_215 = arith.addf %broadcast_in_dim3A_202, %mul3A_214 : vector<16xf32>
          %get3A_216 = arith.index_cast %add3A_200 : i32 to index
          %get3A_217 = arith.constant 16 : index
          %get3A_218 = tpu.vector_load %arg11[%get3A_216, %get3A_217] {strides = array<i32>} : memref<80x128xf32, #tpu.memory_space<vmem>>, vector<1x16xf32>,
          %get3A_219 = vector.shape_cast %get3A_218 : vector<1x16xf32> to vector<16xf32>
          %get3A_220 = arith.index_cast %add3A_200 : i32 to index
          %get3A_221 = arith.constant 16 : index
          %get3A_222 = tpu.vector_load %arg12[%get3A_220, %get3A_221] {strides = array<i32>} : memref<80x128xf32, #tpu.memory_space<vmem>>, vector<1x16xf32>,
          %get3A_223 = vector.shape_cast %get3A_222 : vector<1x16xf32> to vector<16xf32>
          %add3A_224 = arith.addf %get3A_219, %get3A_223 : vector<16xf32>
          %max3A_225 = arith.constant 0.000000e+00 : f32
          %max3A_226 = vector.broadcast %max3A_225 : f32 to vector<16xf32>
          %max3A_227 = arith.maximumf %add3A_224, %max3A_226 : vector<16xf32>
          %mul3A_228 = arith.mulf %max3A_227, %get3A_5 : vector<16xf32>
          %add3A_229 = arith.addf %add3A_215, %mul3A_228 : vector<16xf32>
          %get3A_230 = arith.index_cast %add3A_200 : i32 to index
          %get3A_231 = arith.constant 32 : index
          %get3A_232 = tpu.vector_load %arg11[%get3A_230, %get3A_231] {strides = array<i32>} : memref<80x128xf32, #tpu.memory_space<vmem>>, vector<1x16xf32>,
          %get3A_233 = vector.shape_cast %get3A_232 : vector<1x16xf32> to vector<16xf32>
          %get3A_234 = arith.index_cast %add3A_200 : i32 to index
          %get3A_235 = arith.constant 32 : index
          %get3A_236 = tpu.vector_load %arg12[%get3A_234, %get3A_235] {strides = array<i32>} : memref<80x128xf32, #tpu.memory_space<vmem>>, vector<1x16xf32>,
          %get3A_237 = vector.shape_cast %get3A_236 : vector<1x16xf32> to vector<16xf32>
          %add3A_238 = arith.addf %get3A_233, %get3A_237 : vector<16xf32>
          %max3A_239 = arith.constant 0.000000e+00 : f32
          %max3A_240 = vector.broadcast %max3A_239 : f32 to vector<16xf32>
          %max3A_241 = arith.maximumf %add3A_238, %max3A_240 : vector<16xf32>
          %mul3A_242 = arith.mulf %max3A_241, %get3A_8 : vector<16xf32>
          %add3A_243 = arith.addf %add3A_229, %mul3A_242 : vector<16xf32>
          %get3A_244 = arith.index_cast %add3A_200 : i32 to index
          %get3A_245 = arith.constant 48 : index
          %get3A_246 = tpu.vector_load %arg11[%get3A_244, %get3A_245] {strides = array<i32>} : memref<80x128xf32, #tpu.memory_space<vmem>>, vector<1x16xf32>,
          %get3A_247 = vector.shape_cast %get3A_246 : vector<1x16xf32> to vector<16xf32>
          %get3A_248 = arith.index_cast %add3A_200 : i32 to index
          %get3A_249 = arith.constant 48 : index
          %get3A_250 = tpu.vector_load %arg12[%get3A_248, %get3A_249] {strides = array<i32>} : memref<80x128xf32, #tpu.memory_space<vmem>>, vector<1x16xf32>,
          %get3A_251 = vector.shape_cast %get3A_250 : vector<1x16xf32> to vector<16xf32>
          %add3A_252 = arith.addf %get3A_247, %get3A_251 : vector<16xf32>
          %max3A_253 = arith.constant 0.000000e+00 : f32
          %max3A_254 = vector.broadcast %max3A_253 : f32 to vector<16xf32>
          %max3A_255 = arith.maximumf %add3A_252, %max3A_254 : vector<16xf32>
          %mul3A_256 = arith.mulf %max3A_255, %get3A_11 : vector<16xf32>
          %add3A_257 = arith.addf %add3A_243, %mul3A_256 : vector<16xf32>
          %get3A_258 = arith.index_cast %add3A_200 : i32 to index
          %get3A_259 = arith.constant 64 : index
          %get3A_260 = tpu.vector_load %arg11[%get3A_258, %get3A_259] {strides = array<i32>} : memref<80x128xf32, #tpu.memory_space<vmem>>, vector<1x16xf32>,
          %get3A_261 = vector.shape_cast %get3A_260 : vector<1x16xf32> to vector<16xf32>
          %get3A_262 = arith.index_cast %add3A_200 : i32 to index
          %get3A_263 = arith.constant 64 : index
          %get3A_264 = tpu.vector_load %arg12[%get3A_262, %get3A_263] {strides = array<i32>} : memref<80x128xf32, #tpu.memory_space<vmem>>, vector<1x16xf32>,
          %get3A_265 = vector.shape_cast %get3A_264 : vector<1x16xf32> to vector<16xf32>
          %add3A_266 = arith.addf %get3A_261, %get3A_265 : vector<16xf32>
          %max3A_267 = arith.constant 0.000000e+00 : f32
          %max3A_268 = vector.broadcast %max3A_267 : f32 to vector<16xf32>
          %max3A_269 = arith.maximumf %add3A_266, %max3A_268 : vector<16xf32>
          %mul3A_270 = arith.mulf %max3A_269, %get3A_14 : vector<16xf32>
          %add3A_271 = arith.addf %add3A_257, %mul3A_270 : vector<16xf32>
          %get3A_272 = arith.index_cast %add3A_200 : i32 to index
          %get3A_273 = arith.constant 80 : index
          %get3A_274 = tpu.vector_load %arg11[%get3A_272, %get3A_273] {strides = array<i32>} : memref<80x128xf32, #tpu.memory_space<vmem>>, vector<1x16xf32>,
          %get3A_275 = vector.shape_cast %get3A_274 : vector<1x16xf32> to vector<16xf32>
          %get3A_276 = arith.index_cast %add3A_200 : i32 to index
          %get3A_277 = arith.constant 80 : index
          %get3A_278 = tpu.vector_load %arg12[%get3A_276, %get3A_277] {strides = array<i32>} : memref<80x128xf32, #tpu.memory_space<vmem>>, vector<1x16xf32>,
          %get3A_279 = vector.shape_cast %get3A_278 : vector<1x16xf32> to vector<16xf32>
          %add3A_280 = arith.addf %get3A_275, %get3A_279 : vector<16xf32>
          %max3A_281 = arith.constant 0.000000e+00 : f32
          %max3A_282 = vector.broadcast %max3A_281 : f32 to vector<16xf32>
          %max3A_283 = arith.maximumf %add3A_280, %max3A_282 : vector<16xf32>
          %mul3A_284 = arith.mulf %max3A_283, %get3A_17 : vector<16xf32>
          %add3A_285 = arith.addf %add3A_271, %mul3A_284 : vector<16xf32>
          %get3A_286 = arith.index_cast %add3A_200 : i32 to index
          %get3A_287 = arith.constant 96 : index
          %get3A_288 = tpu.vector_load %arg11[%get3A_286, %get3A_287] {strides = array<i32>} : memref<80x128xf32, #tpu.memory_space<vmem>>, vector<1x16xf32>,
          %get3A_289 = vector.shape_cast %get3A_288 : vector<1x16xf32> to vector<16xf32>
          %get3A_290 = arith.index_cast %add3A_200 : i32 to index
          %get3A_291 = arith.constant 96 : index
          %get3A_292 = tpu.vector_load %arg12[%get3A_290, %get3A_291] {strides = array<i32>} : memref<80x128xf32, #tpu.memory_space<vmem>>, vector<1x16xf32>,
          %get3A_293 = vector.shape_cast %get3A_292 : vector<1x16xf32> to vector<16xf32>
          %add3A_294 = arith.addf %get3A_289, %get3A_293 : vector<16xf32>
          %max3A_295 = arith.constant 0.000000e+00 : f32
          %max3A_296 = vector.broadcast %max3A_295 : f32 to vector<16xf32>
          %max3A_297 = arith.maximumf %add3A_294, %max3A_296 : vector<16xf32>
          %mul3A_298 = arith.mulf %max3A_297, %get3A_20 : vector<16xf32>
          %add3A_299 = arith.addf %add3A_285, %mul3A_298 : vector<16xf32>
          %get3A_300 = arith.index_cast %add3A_200 : i32 to index
          %get3A_301 = arith.constant 112 : index
          %get3A_302 = tpu.vector_load %arg11[%get3A_300, %get3A_301] {strides = array<i32>} : memref<80x128xf32, #tpu.memory_space<vmem>>, vector<1x16xf32>,
          %get3A_303 = vector.shape_cast %get3A_302 : vector<1x16xf32> to vector<16xf32>
          %get3A_304 = arith.index_cast %add3A_200 : i32 to index
          %get3A_305 = arith.constant 112 : index
          %get3A_306 = tpu.vector_load %arg12[%get3A_304, %get3A_305] {strides = array<i32>} : memref<80x128xf32, #tpu.memory_space<vmem>>, vector<1x16xf32>,
          %get3A_307 = vector.shape_cast %get3A_306 : vector<1x16xf32> to vector<16xf32>
          %add3A_308 = arith.addf %get3A_303, %get3A_307 : vector<16xf32>
          %max3A_309 = arith.constant 0.000000e+00 : f32
          %max3A_310 = vector.broadcast %max3A_309 : f32 to vector<16xf32>
          %max3A_311 = arith.maximumf %add3A_308, %max3A_310 : vector<16xf32>
          %mul3A_312 = arith.mulf %max3A_311, %get3A_23 : vector<16xf32>
          %add3A_313 = arith.addf %add3A_299, %mul3A_312 : vector<16xf32>
          %xor3A = arith.constant 8 : i32
          %xor3A_314 = vector.broadcast %xor3A : i32 to vector<16xi32>
          %xor3A_315 = arith.xori %iota3A, %xor3A_314 : vector<16xi32>
          %broadcast_in_dim3A_316 = vector.shape_cast %xor3A_315 : vector<16xi32> to vector<16x1xi32>
          %gather3A = vector.shape_cast %broadcast_in_dim3A_316 : vector<16x1xi32> to vector<16xi32>
          %gather3A_317 = tpu.dynamic_gather %add3A_313[%gather3A] in [0] : vector<16xf32>, vector<16xi32> -> vector<16xf32>
          %add3A_318 = arith.addf %add3A_313, %gather3A_317 : vector<16xf32>
          %xor3A_319 = arith.constant 4 : i32
          %xor3A_320 = vector.broadcast %xor3A_319 : i32 to vector<16xi32>
          %xor3A_321 = arith.xori %iota3A, %xor3A_320 : vector<16xi32>
          %broadcast_in_dim3A_322 = vector.shape_cast %xor3A_321 : vector<16xi32> to vector<16x1xi32>
          %gather3A_323 = vector.shape_cast %broadcast_in_dim3A_322 : vector<16x1xi32> to vector<16xi32>
          %gather3A_324 = tpu.dynamic_gather %add3A_318[%gather3A_323] in [0] : vector<16xf32>, vector<16xi32> -> vector<16xf32>
          %add3A_325 = arith.addf %add3A_318, %gather3A_324 : vector<16xf32>
          %xor3A_326 = arith.constant 2 : i32
          %xor3A_327 = vector.broadcast %xor3A_326 : i32 to vector<16xi32>
          %xor3A_328 = arith.xori %iota3A, %xor3A_327 : vector<16xi32>
          %broadcast_in_dim3A_329 = vector.shape_cast %xor3A_328 : vector<16xi32> to vector<16x1xi32>
          %gather3A_330 = vector.shape_cast %broadcast_in_dim3A_329 : vector<16x1xi32> to vector<16xi32>
          %gather3A_331 = tpu.dynamic_gather %add3A_325[%gather3A_330] in [0] : vector<16xf32>, vector<16xi32> -> vector<16xf32>
          %add3A_332 = arith.addf %add3A_325, %gather3A_331 : vector<16xf32>
          %xor3A_333 = arith.constant 1 : i32
          %xor3A_334 = vector.broadcast %xor3A_333 : i32 to vector<16xi32>
          %xor3A_335 = arith.xori %iota3A, %xor3A_334 : vector<16xi32>
          %broadcast_in_dim3A_336 = vector.shape_cast %xor3A_335 : vector<16xi32> to vector<16x1xi32>
          %gather3A_337 = vector.shape_cast %broadcast_in_dim3A_336 : vector<16x1xi32> to vector<16xi32>
          %gather3A_338 = tpu.dynamic_gather %add3A_332[%gather3A_337] in [0] : vector<16xf32>, vector<16xi32> -> vector<16xf32>
          %add3A_339 = arith.addf %add3A_332, %gather3A_338 : vector<16xf32>
          %eq3A_340 = vector.broadcast %scan3A_197 : i32 to vector<16xi32>
          %eq3A_341 = arith.cmpi eq, %iota3A, %eq3A_340 : vector<16xi32>
          %select_n3A_342 = arith.select %eq3A_341, %add3A_339, %scan3A_198 : vector<16xi1>, vector<16xf32>
          scf.yield %select_n3A_342 : vector<16xf32>
        }
        %scan3A_144 = arith.constant 16 : i32
        %get3A_145 = arith.constant 0 : index
        %get3A_146 = tpu.vector_load %arg16[%get3A_145] {strides = array<i32>} : memref<16xf32, #tpu.memory_space<vmem>>, vector<16xf32>,
        %get3A_147 = vector.shape_cast %get3A_146 : vector<16xf32> to vector<16xf32>
        %add3A_148 = arith.addf %scan3A_143, %get3A_147 : vector<16xf32>
        %mul3A_149 = arith.constant 80 : i32
        %mul3A_150 = arith.muli %add3A_47, %mul3A_149 : i32
        %add3A_151 = arith.constant 32 : i32
        %add3A_152 = arith.addi %mul3A_150, %add3A_151 : i32
        %swap3A_153 = arith.index_cast %add3A_152 : i32 to index
        %swap3A_154 = tpu.vector_load %arg17[%swap3A_153] {strides = array<i32>} : memref<10000xf32, #tpu.memory_space<vmem>>, vector<16xf32>,
        %swap3A_155 = vector.shape_cast %swap3A_154 : vector<16xf32> to vector<16xf32>
        %swap3A_156 = vector.shape_cast %add3A_148 : vector<16xf32> to vector<16xf32>
        tpu.vector_store %arg17[%swap3A_153], %swap3A_156 {strides = array<i32>} : memref<10000xf32, #tpu.memory_space<vmem>>, vector<16xf32>,
        %broadcast_in_dim3A_157 = arith.constant 0.000000e+00 : f32
        %broadcast_in_dim3A_158 = vector.broadcast %broadcast_in_dim3A_157 : f32 to vector<16xf32>
        %scan3A_159 = arith.constant 0 : i32
        %scan3A_160 = arith.constant 16 : i32
        %scan3A_161 = arith.addi %scan3A_159, %scan3A_160 : i32
        %scan3A_162 = arith.constant 1 : i32
        %scan3A_163 = scf.for %scan3A_197 = %scan3A_159 to %scan3A_161 step %scan3A_162 iter_args(%scan3A_198 = %broadcast_in_dim3A_158) -> (vector<16xf32>)  : i32 {
          %add3A_199 = arith.constant 48 : i32
          %add3A_200 = arith.addi %add3A_199, %scan3A_197 : i32
          %broadcast_in_dim3A_201 = arith.constant 0.000000e+00 : f32
          %broadcast_in_dim3A_202 = vector.broadcast %broadcast_in_dim3A_201 : f32 to vector<16xf32>
          %get3A_203 = arith.index_cast %add3A_200 : i32 to index
          %get3A_204 = arith.constant 0 : index
          %get3A_205 = tpu.vector_load %arg11[%get3A_203, %get3A_204] {strides = array<i32>} : memref<80x128xf32, #tpu.memory_space<vmem>>, vector<1x16xf32>,
          %get3A_206 = vector.shape_cast %get3A_205 : vector<1x16xf32> to vector<16xf32>
          %get3A_207 = arith.index_cast %add3A_200 : i32 to index
          %get3A_208 = arith.constant 0 : index
          %get3A_209 = tpu.vector_load %arg12[%get3A_207, %get3A_208] {strides = array<i32>} : memref<80x128xf32, #tpu.memory_space<vmem>>, vector<1x16xf32>,
          %get3A_210 = vector.shape_cast %get3A_209 : vector<1x16xf32> to vector<16xf32>
          %add3A_211 = arith.addf %get3A_206, %get3A_210 : vector<16xf32>
          %max3A = arith.constant 0.000000e+00 : f32
          %max3A_212 = vector.broadcast %max3A : f32 to vector<16xf32>
          %max3A_213 = arith.maximumf %add3A_211, %max3A_212 : vector<16xf32>
          %mul3A_214 = arith.mulf %max3A_213, %get3A_2 : vector<16xf32>
          %add3A_215 = arith.addf %broadcast_in_dim3A_202, %mul3A_214 : vector<16xf32>
          %get3A_216 = arith.index_cast %add3A_200 : i32 to index
          %get3A_217 = arith.constant 16 : index
          %get3A_218 = tpu.vector_load %arg11[%get3A_216, %get3A_217] {strides = array<i32>} : memref<80x128xf32, #tpu.memory_space<vmem>>, vector<1x16xf32>,
          %get3A_219 = vector.shape_cast %get3A_218 : vector<1x16xf32> to vector<16xf32>
          %get3A_220 = arith.index_cast %add3A_200 : i32 to index
          %get3A_221 = arith.constant 16 : index
          %get3A_222 = tpu.vector_load %arg12[%get3A_220, %get3A_221] {strides = array<i32>} : memref<80x128xf32, #tpu.memory_space<vmem>>, vector<1x16xf32>,
          %get3A_223 = vector.shape_cast %get3A_222 : vector<1x16xf32> to vector<16xf32>
          %add3A_224 = arith.addf %get3A_219, %get3A_223 : vector<16xf32>
          %max3A_225 = arith.constant 0.000000e+00 : f32
          %max3A_226 = vector.broadcast %max3A_225 : f32 to vector<16xf32>
          %max3A_227 = arith.maximumf %add3A_224, %max3A_226 : vector<16xf32>
          %mul3A_228 = arith.mulf %max3A_227, %get3A_5 : vector<16xf32>
          %add3A_229 = arith.addf %add3A_215, %mul3A_228 : vector<16xf32>
          %get3A_230 = arith.index_cast %add3A_200 : i32 to index
          %get3A_231 = arith.constant 32 : index
          %get3A_232 = tpu.vector_load %arg11[%get3A_230, %get3A_231] {strides = array<i32>} : memref<80x128xf32, #tpu.memory_space<vmem>>, vector<1x16xf32>,
          %get3A_233 = vector.shape_cast %get3A_232 : vector<1x16xf32> to vector<16xf32>
          %get3A_234 = arith.index_cast %add3A_200 : i32 to index
          %get3A_235 = arith.constant 32 : index
          %get3A_236 = tpu.vector_load %arg12[%get3A_234, %get3A_235] {strides = array<i32>} : memref<80x128xf32, #tpu.memory_space<vmem>>, vector<1x16xf32>,
          %get3A_237 = vector.shape_cast %get3A_236 : vector<1x16xf32> to vector<16xf32>
          %add3A_238 = arith.addf %get3A_233, %get3A_237 : vector<16xf32>
          %max3A_239 = arith.constant 0.000000e+00 : f32
          %max3A_240 = vector.broadcast %max3A_239 : f32 to vector<16xf32>
          %max3A_241 = arith.maximumf %add3A_238, %max3A_240 : vector<16xf32>
          %mul3A_242 = arith.mulf %max3A_241, %get3A_8 : vector<16xf32>
          %add3A_243 = arith.addf %add3A_229, %mul3A_242 : vector<16xf32>
          %get3A_244 = arith.index_cast %add3A_200 : i32 to index
          %get3A_245 = arith.constant 48 : index
          %get3A_246 = tpu.vector_load %arg11[%get3A_244, %get3A_245] {strides = array<i32>} : memref<80x128xf32, #tpu.memory_space<vmem>>, vector<1x16xf32>,
          %get3A_247 = vector.shape_cast %get3A_246 : vector<1x16xf32> to vector<16xf32>
          %get3A_248 = arith.index_cast %add3A_200 : i32 to index
          %get3A_249 = arith.constant 48 : index
          %get3A_250 = tpu.vector_load %arg12[%get3A_248, %get3A_249] {strides = array<i32>} : memref<80x128xf32, #tpu.memory_space<vmem>>, vector<1x16xf32>,
          %get3A_251 = vector.shape_cast %get3A_250 : vector<1x16xf32> to vector<16xf32>
          %add3A_252 = arith.addf %get3A_247, %get3A_251 : vector<16xf32>
          %max3A_253 = arith.constant 0.000000e+00 : f32
          %max3A_254 = vector.broadcast %max3A_253 : f32 to vector<16xf32>
          %max3A_255 = arith.maximumf %add3A_252, %max3A_254 : vector<16xf32>
          %mul3A_256 = arith.mulf %max3A_255, %get3A_11 : vector<16xf32>
          %add3A_257 = arith.addf %add3A_243, %mul3A_256 : vector<16xf32>
          %get3A_258 = arith.index_cast %add3A_200 : i32 to index
          %get3A_259 = arith.constant 64 : index
          %get3A_260 = tpu.vector_load %arg11[%get3A_258, %get3A_259] {strides = array<i32>} : memref<80x128xf32, #tpu.memory_space<vmem>>, vector<1x16xf32>,
          %get3A_261 = vector.shape_cast %get3A_260 : vector<1x16xf32> to vector<16xf32>
          %get3A_262 = arith.index_cast %add3A_200 : i32 to index
          %get3A_263 = arith.constant 64 : index
          %get3A_264 = tpu.vector_load %arg12[%get3A_262, %get3A_263] {strides = array<i32>} : memref<80x128xf32, #tpu.memory_space<vmem>>, vector<1x16xf32>,
          %get3A_265 = vector.shape_cast %get3A_264 : vector<1x16xf32> to vector<16xf32>
          %add3A_266 = arith.addf %get3A_261, %get3A_265 : vector<16xf32>
          %max3A_267 = arith.constant 0.000000e+00 : f32
          %max3A_268 = vector.broadcast %max3A_267 : f32 to vector<16xf32>
          %max3A_269 = arith.maximumf %add3A_266, %max3A_268 : vector<16xf32>
          %mul3A_270 = arith.mulf %max3A_269, %get3A_14 : vector<16xf32>
          %add3A_271 = arith.addf %add3A_257, %mul3A_270 : vector<16xf32>
          %get3A_272 = arith.index_cast %add3A_200 : i32 to index
          %get3A_273 = arith.constant 80 : index
          %get3A_274 = tpu.vector_load %arg11[%get3A_272, %get3A_273] {strides = array<i32>} : memref<80x128xf32, #tpu.memory_space<vmem>>, vector<1x16xf32>,
          %get3A_275 = vector.shape_cast %get3A_274 : vector<1x16xf32> to vector<16xf32>
          %get3A_276 = arith.index_cast %add3A_200 : i32 to index
          %get3A_277 = arith.constant 80 : index
          %get3A_278 = tpu.vector_load %arg12[%get3A_276, %get3A_277] {strides = array<i32>} : memref<80x128xf32, #tpu.memory_space<vmem>>, vector<1x16xf32>,
          %get3A_279 = vector.shape_cast %get3A_278 : vector<1x16xf32> to vector<16xf32>
          %add3A_280 = arith.addf %get3A_275, %get3A_279 : vector<16xf32>
          %max3A_281 = arith.constant 0.000000e+00 : f32
          %max3A_282 = vector.broadcast %max3A_281 : f32 to vector<16xf32>
          %max3A_283 = arith.maximumf %add3A_280, %max3A_282 : vector<16xf32>
          %mul3A_284 = arith.mulf %max3A_283, %get3A_17 : vector<16xf32>
          %add3A_285 = arith.addf %add3A_271, %mul3A_284 : vector<16xf32>
          %get3A_286 = arith.index_cast %add3A_200 : i32 to index
          %get3A_287 = arith.constant 96 : index
          %get3A_288 = tpu.vector_load %arg11[%get3A_286, %get3A_287] {strides = array<i32>} : memref<80x128xf32, #tpu.memory_space<vmem>>, vector<1x16xf32>,
          %get3A_289 = vector.shape_cast %get3A_288 : vector<1x16xf32> to vector<16xf32>
          %get3A_290 = arith.index_cast %add3A_200 : i32 to index
          %get3A_291 = arith.constant 96 : index
          %get3A_292 = tpu.vector_load %arg12[%get3A_290, %get3A_291] {strides = array<i32>} : memref<80x128xf32, #tpu.memory_space<vmem>>, vector<1x16xf32>,
          %get3A_293 = vector.shape_cast %get3A_292 : vector<1x16xf32> to vector<16xf32>
          %add3A_294 = arith.addf %get3A_289, %get3A_293 : vector<16xf32>
          %max3A_295 = arith.constant 0.000000e+00 : f32
          %max3A_296 = vector.broadcast %max3A_295 : f32 to vector<16xf32>
          %max3A_297 = arith.maximumf %add3A_294, %max3A_296 : vector<16xf32>
          %mul3A_298 = arith.mulf %max3A_297, %get3A_20 : vector<16xf32>
          %add3A_299 = arith.addf %add3A_285, %mul3A_298 : vector<16xf32>
          %get3A_300 = arith.index_cast %add3A_200 : i32 to index
          %get3A_301 = arith.constant 112 : index
          %get3A_302 = tpu.vector_load %arg11[%get3A_300, %get3A_301] {strides = array<i32>} : memref<80x128xf32, #tpu.memory_space<vmem>>, vector<1x16xf32>,
          %get3A_303 = vector.shape_cast %get3A_302 : vector<1x16xf32> to vector<16xf32>
          %get3A_304 = arith.index_cast %add3A_200 : i32 to index
          %get3A_305 = arith.constant 112 : index
          %get3A_306 = tpu.vector_load %arg12[%get3A_304, %get3A_305] {strides = array<i32>} : memref<80x128xf32, #tpu.memory_space<vmem>>, vector<1x16xf32>,
          %get3A_307 = vector.shape_cast %get3A_306 : vector<1x16xf32> to vector<16xf32>
          %add3A_308 = arith.addf %get3A_303, %get3A_307 : vector<16xf32>
          %max3A_309 = arith.constant 0.000000e+00 : f32
          %max3A_310 = vector.broadcast %max3A_309 : f32 to vector<16xf32>
          %max3A_311 = arith.maximumf %add3A_308, %max3A_310 : vector<16xf32>
          %mul3A_312 = arith.mulf %max3A_311, %get3A_23 : vector<16xf32>
          %add3A_313 = arith.addf %add3A_299, %mul3A_312 : vector<16xf32>
          %xor3A = arith.constant 8 : i32
          %xor3A_314 = vector.broadcast %xor3A : i32 to vector<16xi32>
          %xor3A_315 = arith.xori %iota3A, %xor3A_314 : vector<16xi32>
          %broadcast_in_dim3A_316 = vector.shape_cast %xor3A_315 : vector<16xi32> to vector<16x1xi32>
          %gather3A = vector.shape_cast %broadcast_in_dim3A_316 : vector<16x1xi32> to vector<16xi32>
          %gather3A_317 = tpu.dynamic_gather %add3A_313[%gather3A] in [0] : vector<16xf32>, vector<16xi32> -> vector<16xf32>
          %add3A_318 = arith.addf %add3A_313, %gather3A_317 : vector<16xf32>
          %xor3A_319 = arith.constant 4 : i32
          %xor3A_320 = vector.broadcast %xor3A_319 : i32 to vector<16xi32>
          %xor3A_321 = arith.xori %iota3A, %xor3A_320 : vector<16xi32>
          %broadcast_in_dim3A_322 = vector.shape_cast %xor3A_321 : vector<16xi32> to vector<16x1xi32>
          %gather3A_323 = vector.shape_cast %broadcast_in_dim3A_322 : vector<16x1xi32> to vector<16xi32>
          %gather3A_324 = tpu.dynamic_gather %add3A_318[%gather3A_323] in [0] : vector<16xf32>, vector<16xi32> -> vector<16xf32>
          %add3A_325 = arith.addf %add3A_318, %gather3A_324 : vector<16xf32>
          %xor3A_326 = arith.constant 2 : i32
          %xor3A_327 = vector.broadcast %xor3A_326 : i32 to vector<16xi32>
          %xor3A_328 = arith.xori %iota3A, %xor3A_327 : vector<16xi32>
          %broadcast_in_dim3A_329 = vector.shape_cast %xor3A_328 : vector<16xi32> to vector<16x1xi32>
          %gather3A_330 = vector.shape_cast %broadcast_in_dim3A_329 : vector<16x1xi32> to vector<16xi32>
          %gather3A_331 = tpu.dynamic_gather %add3A_325[%gather3A_330] in [0] : vector<16xf32>, vector<16xi32> -> vector<16xf32>
          %add3A_332 = arith.addf %add3A_325, %gather3A_331 : vector<16xf32>
          %xor3A_333 = arith.constant 1 : i32
          %xor3A_334 = vector.broadcast %xor3A_333 : i32 to vector<16xi32>
          %xor3A_335 = arith.xori %iota3A, %xor3A_334 : vector<16xi32>
          %broadcast_in_dim3A_336 = vector.shape_cast %xor3A_335 : vector<16xi32> to vector<16x1xi32>
          %gather3A_337 = vector.shape_cast %broadcast_in_dim3A_336 : vector<16x1xi32> to vector<16xi32>
          %gather3A_338 = tpu.dynamic_gather %add3A_332[%gather3A_337] in [0] : vector<16xf32>, vector<16xi32> -> vector<16xf32>
          %add3A_339 = arith.addf %add3A_332, %gather3A_338 : vector<16xf32>
          %eq3A_340 = vector.broadcast %scan3A_197 : i32 to vector<16xi32>
          %eq3A_341 = arith.cmpi eq, %iota3A, %eq3A_340 : vector<16xi32>
          %select_n3A_342 = arith.select %eq3A_341, %add3A_339, %scan3A_198 : vector<16xi1>, vector<16xf32>
          scf.yield %select_n3A_342 : vector<16xf32>
        }
        %scan3A_164 = arith.constant 16 : i32
        %get3A_165 = arith.constant 0 : index
        %get3A_166 = tpu.vector_load %arg16[%get3A_165] {strides = array<i32>} : memref<16xf32, #tpu.memory_space<vmem>>, vector<16xf32>,
        %get3A_167 = vector.shape_cast %get3A_166 : vector<16xf32> to vector<16xf32>
        %add3A_168 = arith.addf %scan3A_163, %get3A_167 : vector<16xf32>
        %mul3A_169 = arith.constant 80 : i32
        %mul3A_170 = arith.muli %add3A_47, %mul3A_169 : i32
        %add3A_171 = arith.constant 48 : i32
        %add3A_172 = arith.addi %mul3A_170, %add3A_171 : i32
        %swap3A_173 = arith.index_cast %add3A_172 : i32 to index
        %swap3A_174 = tpu.vector_load %arg17[%swap3A_173] {strides = array<i32>} : memref<10000xf32, #tpu.memory_space<vmem>>, vector<16xf32>,
        %swap3A_175 = vector.shape_cast %swap3A_174 : vector<16xf32> to vector<16xf32>
        %swap3A_176 = vector.shape_cast %add3A_168 : vector<16xf32> to vector<16xf32>
        tpu.vector_store %arg17[%swap3A_173], %swap3A_176 {strides = array<i32>} : memref<10000xf32, #tpu.memory_space<vmem>>, vector<16xf32>,
        %broadcast_in_dim3A_177 = arith.constant 0.000000e+00 : f32
        %broadcast_in_dim3A_178 = vector.broadcast %broadcast_in_dim3A_177 : f32 to vector<16xf32>
        %scan3A_179 = arith.constant 0 : i32
        %scan3A_180 = arith.constant 16 : i32
        %scan3A_181 = arith.addi %scan3A_179, %scan3A_180 : i32
        %scan3A_182 = arith.constant 1 : i32
        %scan3A_183 = scf.for %scan3A_197 = %scan3A_179 to %scan3A_181 step %scan3A_182 iter_args(%scan3A_198 = %broadcast_in_dim3A_178) -> (vector<16xf32>)  : i32 {
          %add3A_199 = arith.constant 64 : i32
          %add3A_200 = arith.addi %add3A_199, %scan3A_197 : i32
          %broadcast_in_dim3A_201 = arith.constant 0.000000e+00 : f32
          %broadcast_in_dim3A_202 = vector.broadcast %broadcast_in_dim3A_201 : f32 to vector<16xf32>
          %get3A_203 = arith.index_cast %add3A_200 : i32 to index
          %get3A_204 = arith.constant 0 : index
          %get3A_205 = tpu.vector_load %arg11[%get3A_203, %get3A_204] {strides = array<i32>} : memref<80x128xf32, #tpu.memory_space<vmem>>, vector<1x16xf32>,
          %get3A_206 = vector.shape_cast %get3A_205 : vector<1x16xf32> to vector<16xf32>
          %get3A_207 = arith.index_cast %add3A_200 : i32 to index
          %get3A_208 = arith.constant 0 : index
          %get3A_209 = tpu.vector_load %arg12[%get3A_207, %get3A_208] {strides = array<i32>} : memref<80x128xf32, #tpu.memory_space<vmem>>, vector<1x16xf32>,
          %get3A_210 = vector.shape_cast %get3A_209 : vector<1x16xf32> to vector<16xf32>
          %add3A_211 = arith.addf %get3A_206, %get3A_210 : vector<16xf32>
          %max3A = arith.constant 0.000000e+00 : f32
          %max3A_212 = vector.broadcast %max3A : f32 to vector<16xf32>
          %max3A_213 = arith.maximumf %add3A_211, %max3A_212 : vector<16xf32>
          %mul3A_214 = arith.mulf %max3A_213, %get3A_2 : vector<16xf32>
          %add3A_215 = arith.addf %broadcast_in_dim3A_202, %mul3A_214 : vector<16xf32>
          %get3A_216 = arith.index_cast %add3A_200 : i32 to index
          %get3A_217 = arith.constant 16 : index
          %get3A_218 = tpu.vector_load %arg11[%get3A_216, %get3A_217] {strides = array<i32>} : memref<80x128xf32, #tpu.memory_space<vmem>>, vector<1x16xf32>,
          %get3A_219 = vector.shape_cast %get3A_218 : vector<1x16xf32> to vector<16xf32>
          %get3A_220 = arith.index_cast %add3A_200 : i32 to index
          %get3A_221 = arith.constant 16 : index
          %get3A_222 = tpu.vector_load %arg12[%get3A_220, %get3A_221] {strides = array<i32>} : memref<80x128xf32, #tpu.memory_space<vmem>>, vector<1x16xf32>,
          %get3A_223 = vector.shape_cast %get3A_222 : vector<1x16xf32> to vector<16xf32>
          %add3A_224 = arith.addf %get3A_219, %get3A_223 : vector<16xf32>
          %max3A_225 = arith.constant 0.000000e+00 : f32
          %max3A_226 = vector.broadcast %max3A_225 : f32 to vector<16xf32>
          %max3A_227 = arith.maximumf %add3A_224, %max3A_226 : vector<16xf32>
          %mul3A_228 = arith.mulf %max3A_227, %get3A_5 : vector<16xf32>
          %add3A_229 = arith.addf %add3A_215, %mul3A_228 : vector<16xf32>
          %get3A_230 = arith.index_cast %add3A_200 : i32 to index
          %get3A_231 = arith.constant 32 : index
          %get3A_232 = tpu.vector_load %arg11[%get3A_230, %get3A_231] {strides = array<i32>} : memref<80x128xf32, #tpu.memory_space<vmem>>, vector<1x16xf32>,
          %get3A_233 = vector.shape_cast %get3A_232 : vector<1x16xf32> to vector<16xf32>
          %get3A_234 = arith.index_cast %add3A_200 : i32 to index
          %get3A_235 = arith.constant 32 : index
          %get3A_236 = tpu.vector_load %arg12[%get3A_234, %get3A_235] {strides = array<i32>} : memref<80x128xf32, #tpu.memory_space<vmem>>, vector<1x16xf32>,
          %get3A_237 = vector.shape_cast %get3A_236 : vector<1x16xf32> to vector<16xf32>
          %add3A_238 = arith.addf %get3A_233, %get3A_237 : vector<16xf32>
          %max3A_239 = arith.constant 0.000000e+00 : f32
          %max3A_240 = vector.broadcast %max3A_239 : f32 to vector<16xf32>
          %max3A_241 = arith.maximumf %add3A_238, %max3A_240 : vector<16xf32>
          %mul3A_242 = arith.mulf %max3A_241, %get3A_8 : vector<16xf32>
          %add3A_243 = arith.addf %add3A_229, %mul3A_242 : vector<16xf32>
          %get3A_244 = arith.index_cast %add3A_200 : i32 to index
          %get3A_245 = arith.constant 48 : index
          %get3A_246 = tpu.vector_load %arg11[%get3A_244, %get3A_245] {strides = array<i32>} : memref<80x128xf32, #tpu.memory_space<vmem>>, vector<1x16xf32>,
          %get3A_247 = vector.shape_cast %get3A_246 : vector<1x16xf32> to vector<16xf32>
          %get3A_248 = arith.index_cast %add3A_200 : i32 to index
          %get3A_249 = arith.constant 48 : index
          %get3A_250 = tpu.vector_load %arg12[%get3A_248, %get3A_249] {strides = array<i32>} : memref<80x128xf32, #tpu.memory_space<vmem>>, vector<1x16xf32>,
          %get3A_251 = vector.shape_cast %get3A_250 : vector<1x16xf32> to vector<16xf32>
          %add3A_252 = arith.addf %get3A_247, %get3A_251 : vector<16xf32>
          %max3A_253 = arith.constant 0.000000e+00 : f32
          %max3A_254 = vector.broadcast %max3A_253 : f32 to vector<16xf32>
          %max3A_255 = arith.maximumf %add3A_252, %max3A_254 : vector<16xf32>
          %mul3A_256 = arith.mulf %max3A_255, %get3A_11 : vector<16xf32>
          %add3A_257 = arith.addf %add3A_243, %mul3A_256 : vector<16xf32>
          %get3A_258 = arith.index_cast %add3A_200 : i32 to index
          %get3A_259 = arith.constant 64 : index
          %get3A_260 = tpu.vector_load %arg11[%get3A_258, %get3A_259] {strides = array<i32>} : memref<80x128xf32, #tpu.memory_space<vmem>>, vector<1x16xf32>,
          %get3A_261 = vector.shape_cast %get3A_260 : vector<1x16xf32> to vector<16xf32>
          %get3A_262 = arith.index_cast %add3A_200 : i32 to index
          %get3A_263 = arith.constant 64 : index
          %get3A_264 = tpu.vector_load %arg12[%get3A_262, %get3A_263] {strides = array<i32>} : memref<80x128xf32, #tpu.memory_space<vmem>>, vector<1x16xf32>,
          %get3A_265 = vector.shape_cast %get3A_264 : vector<1x16xf32> to vector<16xf32>
          %add3A_266 = arith.addf %get3A_261, %get3A_265 : vector<16xf32>
          %max3A_267 = arith.constant 0.000000e+00 : f32
          %max3A_268 = vector.broadcast %max3A_267 : f32 to vector<16xf32>
          %max3A_269 = arith.maximumf %add3A_266, %max3A_268 : vector<16xf32>
          %mul3A_270 = arith.mulf %max3A_269, %get3A_14 : vector<16xf32>
          %add3A_271 = arith.addf %add3A_257, %mul3A_270 : vector<16xf32>
          %get3A_272 = arith.index_cast %add3A_200 : i32 to index
          %get3A_273 = arith.constant 80 : index
          %get3A_274 = tpu.vector_load %arg11[%get3A_272, %get3A_273] {strides = array<i32>} : memref<80x128xf32, #tpu.memory_space<vmem>>, vector<1x16xf32>,
          %get3A_275 = vector.shape_cast %get3A_274 : vector<1x16xf32> to vector<16xf32>
          %get3A_276 = arith.index_cast %add3A_200 : i32 to index
          %get3A_277 = arith.constant 80 : index
          %get3A_278 = tpu.vector_load %arg12[%get3A_276, %get3A_277] {strides = array<i32>} : memref<80x128xf32, #tpu.memory_space<vmem>>, vector<1x16xf32>,
          %get3A_279 = vector.shape_cast %get3A_278 : vector<1x16xf32> to vector<16xf32>
          %add3A_280 = arith.addf %get3A_275, %get3A_279 : vector<16xf32>
          %max3A_281 = arith.constant 0.000000e+00 : f32
          %max3A_282 = vector.broadcast %max3A_281 : f32 to vector<16xf32>
          %max3A_283 = arith.maximumf %add3A_280, %max3A_282 : vector<16xf32>
          %mul3A_284 = arith.mulf %max3A_283, %get3A_17 : vector<16xf32>
          %add3A_285 = arith.addf %add3A_271, %mul3A_284 : vector<16xf32>
          %get3A_286 = arith.index_cast %add3A_200 : i32 to index
          %get3A_287 = arith.constant 96 : index
          %get3A_288 = tpu.vector_load %arg11[%get3A_286, %get3A_287] {strides = array<i32>} : memref<80x128xf32, #tpu.memory_space<vmem>>, vector<1x16xf32>,
          %get3A_289 = vector.shape_cast %get3A_288 : vector<1x16xf32> to vector<16xf32>
          %get3A_290 = arith.index_cast %add3A_200 : i32 to index
          %get3A_291 = arith.constant 96 : index
          %get3A_292 = tpu.vector_load %arg12[%get3A_290, %get3A_291] {strides = array<i32>} : memref<80x128xf32, #tpu.memory_space<vmem>>, vector<1x16xf32>,
          %get3A_293 = vector.shape_cast %get3A_292 : vector<1x16xf32> to vector<16xf32>
          %add3A_294 = arith.addf %get3A_289, %get3A_293 : vector<16xf32>
          %max3A_295 = arith.constant 0.000000e+00 : f32
          %max3A_296 = vector.broadcast %max3A_295 : f32 to vector<16xf32>
          %max3A_297 = arith.maximumf %add3A_294, %max3A_296 : vector<16xf32>
          %mul3A_298 = arith.mulf %max3A_297, %get3A_20 : vector<16xf32>
          %add3A_299 = arith.addf %add3A_285, %mul3A_298 : vector<16xf32>
          %get3A_300 = arith.index_cast %add3A_200 : i32 to index
          %get3A_301 = arith.constant 112 : index
          %get3A_302 = tpu.vector_load %arg11[%get3A_300, %get3A_301] {strides = array<i32>} : memref<80x128xf32, #tpu.memory_space<vmem>>, vector<1x16xf32>,
          %get3A_303 = vector.shape_cast %get3A_302 : vector<1x16xf32> to vector<16xf32>
          %get3A_304 = arith.index_cast %add3A_200 : i32 to index
          %get3A_305 = arith.constant 112 : index
          %get3A_306 = tpu.vector_load %arg12[%get3A_304, %get3A_305] {strides = array<i32>} : memref<80x128xf32, #tpu.memory_space<vmem>>, vector<1x16xf32>,
          %get3A_307 = vector.shape_cast %get3A_306 : vector<1x16xf32> to vector<16xf32>
          %add3A_308 = arith.addf %get3A_303, %get3A_307 : vector<16xf32>
          %max3A_309 = arith.constant 0.000000e+00 : f32
          %max3A_310 = vector.broadcast %max3A_309 : f32 to vector<16xf32>
          %max3A_311 = arith.maximumf %add3A_308, %max3A_310 : vector<16xf32>
          %mul3A_312 = arith.mulf %max3A_311, %get3A_23 : vector<16xf32>
          %add3A_313 = arith.addf %add3A_299, %mul3A_312 : vector<16xf32>
          %xor3A = arith.constant 8 : i32
          %xor3A_314 = vector.broadcast %xor3A : i32 to vector<16xi32>
          %xor3A_315 = arith.xori %iota3A, %xor3A_314 : vector<16xi32>
          %broadcast_in_dim3A_316 = vector.shape_cast %xor3A_315 : vector<16xi32> to vector<16x1xi32>
          %gather3A = vector.shape_cast %broadcast_in_dim3A_316 : vector<16x1xi32> to vector<16xi32>
          %gather3A_317 = tpu.dynamic_gather %add3A_313[%gather3A] in [0] : vector<16xf32>, vector<16xi32> -> vector<16xf32>
          %add3A_318 = arith.addf %add3A_313, %gather3A_317 : vector<16xf32>
          %xor3A_319 = arith.constant 4 : i32
          %xor3A_320 = vector.broadcast %xor3A_319 : i32 to vector<16xi32>
          %xor3A_321 = arith.xori %iota3A, %xor3A_320 : vector<16xi32>
          %broadcast_in_dim3A_322 = vector.shape_cast %xor3A_321 : vector<16xi32> to vector<16x1xi32>
          %gather3A_323 = vector.shape_cast %broadcast_in_dim3A_322 : vector<16x1xi32> to vector<16xi32>
          %gather3A_324 = tpu.dynamic_gather %add3A_318[%gather3A_323] in [0] : vector<16xf32>, vector<16xi32> -> vector<16xf32>
          %add3A_325 = arith.addf %add3A_318, %gather3A_324 : vector<16xf32>
          %xor3A_326 = arith.constant 2 : i32
          %xor3A_327 = vector.broadcast %xor3A_326 : i32 to vector<16xi32>
          %xor3A_328 = arith.xori %iota3A, %xor3A_327 : vector<16xi32>
          %broadcast_in_dim3A_329 = vector.shape_cast %xor3A_328 : vector<16xi32> to vector<16x1xi32>
          %gather3A_330 = vector.shape_cast %broadcast_in_dim3A_329 : vector<16x1xi32> to vector<16xi32>
          %gather3A_331 = tpu.dynamic_gather %add3A_325[%gather3A_330] in [0] : vector<16xf32>, vector<16xi32> -> vector<16xf32>
          %add3A_332 = arith.addf %add3A_325, %gather3A_331 : vector<16xf32>
          %xor3A_333 = arith.constant 1 : i32
          %xor3A_334 = vector.broadcast %xor3A_333 : i32 to vector<16xi32>
          %xor3A_335 = arith.xori %iota3A, %xor3A_334 : vector<16xi32>
          %broadcast_in_dim3A_336 = vector.shape_cast %xor3A_335 : vector<16xi32> to vector<16x1xi32>
          %gather3A_337 = vector.shape_cast %broadcast_in_dim3A_336 : vector<16x1xi32> to vector<16xi32>
          %gather3A_338 = tpu.dynamic_gather %add3A_332[%gather3A_337] in [0] : vector<16xf32>, vector<16xi32> -> vector<16xf32>
          %add3A_339 = arith.addf %add3A_332, %gather3A_338 : vector<16xf32>
          %eq3A_340 = vector.broadcast %scan3A_197 : i32 to vector<16xi32>
          %eq3A_341 = arith.cmpi eq, %iota3A, %eq3A_340 : vector<16xi32>
          %select_n3A_342 = arith.select %eq3A_341, %add3A_339, %scan3A_198 : vector<16xi1>, vector<16xf32>
          scf.yield %select_n3A_342 : vector<16xf32>
        }
        %scan3A_184 = arith.constant 16 : i32
        %get3A_185 = arith.constant 0 : index
        %get3A_186 = tpu.vector_load %arg16[%get3A_185] {strides = array<i32>} : memref<16xf32, #tpu.memory_space<vmem>>, vector<16xf32>,
        %get3A_187 = vector.shape_cast %get3A_186 : vector<16xf32> to vector<16xf32>
        %add3A_188 = arith.addf %scan3A_183, %get3A_187 : vector<16xf32>
        %mul3A_189 = arith.constant 80 : i32
        %mul3A_190 = arith.muli %add3A_47, %mul3A_189 : i32
        %add3A_191 = arith.constant 64 : i32
        %add3A_192 = arith.addi %mul3A_190, %add3A_191 : i32
        %swap3A_193 = arith.index_cast %add3A_192 : i32 to index
        %swap3A_194 = tpu.vector_load %arg17[%swap3A_193] {strides = array<i32>} : memref<10000xf32, #tpu.memory_space<vmem>>, vector<16xf32>,
        %swap3A_195 = vector.shape_cast %swap3A_194 : vector<16xf32> to vector<16xf32>
        %swap3A_196 = vector.shape_cast %add3A_188 : vector<16xf32> to vector<16xf32>
        tpu.vector_store %arg17[%swap3A_193], %swap3A_196 {strides = array<i32>} : memref<10000xf32, #tpu.memory_space<vmem>>, vector<16xf32>,
      } else {
      }
      %jit3A_60 = arith.constant 2 : i32
      %eq3A_61 = arith.constant 0 : i32
      %eq3A_62 = arith.cmpi eq, %jit3A_60, %eq3A_61 : i32
      %jit3A_63 = arith.constant 1 : i32
      %select_n3A_64 = arith.select %eq3A_62, %jit3A_63, %jit3A_60 : i32
      %rem3A_65 = arith.remsi %add3A_47, %select_n3A_64 : i32
      %ne3A_66 = arith.constant 0 : i32
      %ne3A_67 = arith.cmpi ne, %rem3A_65, %ne3A_66 : i32
      %lt3A_68 = arith.constant 0 : i32
      %lt3A_69 = arith.cmpi slt, %rem3A_65, %lt3A_68 : i32
      %lt3A_70 = arith.constant 0 : i32
      %lt3A_71 = arith.cmpi slt, %select_n3A_64, %lt3A_70 : i32
      %ne3A_72 = arith.xori %lt3A_69, %lt3A_71 : i1
      %and3A_73 = arith.andi %ne3A_72, %ne3A_67 : i1
      %add3A_74 = arith.addi %rem3A_65, %select_n3A_64 : i32
      %select_n3A_75 = arith.select %and3A_73, %add3A_74, %rem3A_65 : i32
      %eq3A_76 = arith.constant 1 : i32
      %eq3A_77 = arith.cmpi eq, %select_n3A_75, %eq3A_76 : i32
      %convert_element_type3A_78 = arith.extui %eq3A_77 : i1 to i32
      %cond3A_79 = arith.constant 0 : i32
      %cond3A_80 = arith.cmpi ne, %convert_element_type3A_78, %cond3A_79 : i32
      scf.if %cond3A_80 {
        %dma_wait3A = arith.constant 0 : i32
        %dma_wait3A_81 = tpu.memref_slice %arg9[%add3A_47, %dma_wait3A] : memref<125x80xi32, #tpu.memory_space<vmem>> -> memref<1x80xi32, #tpu.memory_space<vmem>>
        %dma_wait3A_82 = tpu.memref_squeeze %dma_wait3A_81 : memref<1x80xi32, #tpu.memory_space<vmem>> -> memref<80xi32, #tpu.memory_space<vmem>>
        %dma_wait3A_83 = arith.constant 0 : i32
        %dma_wait3A_84 = arith.constant 0 : i32
        %dma_wait3A_85 = tpu.memref_slice %arg2[%dma_wait3A_83, %dma_wait3A_84] : memref<10000x128xf32, #tpu.memory_space<hbm>> -> memref<10000x128xf32, #tpu.memory_space<hbm>>
        tpu.wait_indirect_dma semaphore(%arg20 : memref<!tpu.dma_semaphore, #tpu.memory_space<semaphore_mem>>) src(%dma_wait3A_85 : memref<10000x128xf32, #tpu.memory_space<hbm>>) dst(%arg13 : memref<80x128xf32, #tpu.memory_space<vmem>>)
        %dma_wait3A_86 = arith.constant 0 : i32
        %dma_wait3A_87 = tpu.memref_slice %arg10[%add3A_47, %dma_wait3A_86] : memref<125x80xi32, #tpu.memory_space<vmem>> -> memref<1x80xi32, #tpu.memory_space<vmem>>
        %dma_wait3A_88 = tpu.memref_squeeze %dma_wait3A_87 : memref<1x80xi32, #tpu.memory_space<vmem>> -> memref<80xi32, #tpu.memory_space<vmem>>
        %dma_wait3A_89 = arith.constant 0 : i32
        %dma_wait3A_90 = arith.constant 0 : i32
        %dma_wait3A_91 = tpu.memref_slice %arg3[%dma_wait3A_89, %dma_wait3A_90] : memref<10000x128xf32, #tpu.memory_space<hbm>> -> memref<10000x128xf32, #tpu.memory_space<hbm>>
        tpu.wait_indirect_dma semaphore(%arg21 : memref<!tpu.dma_semaphore, #tpu.memory_space<semaphore_mem>>) src(%dma_wait3A_91 : memref<10000x128xf32, #tpu.memory_space<hbm>>) dst(%arg14 : memref<80x128xf32, #tpu.memory_space<vmem>>)
        %add3A_92 = arith.constant 1 : i32
        %add3A_93 = arith.addi %add3A_47, %add3A_92 : i32
        %lt3A_94 = arith.constant 125 : i32
        %lt3A_95 = arith.cmpi slt, %add3A_93, %lt3A_94 : i32
        %convert_element_type3A_96 = arith.extui %lt3A_95 : i1 to i32
        %cond3A_97 = arith.constant 0 : i32
        %cond3A_98 = arith.cmpi ne, %convert_element_type3A_96, %cond3A_97 : i32
        scf.if %cond3A_98 {
          %add3A_197 = arith.constant 1 : i32
          %add3A_198 = arith.addi %add3A_47, %add3A_197 : i32
          %dma_start3A_199 = arith.constant 0 : i32
          %dma_start3A_200 = tpu.memref_slice %arg9[%add3A_198, %dma_start3A_199] : memref<125x80xi32, #tpu.memory_space<vmem>> -> memref<1x80xi32, #tpu.memory_space<vmem>>
          %dma_start3A_201 = tpu.memref_squeeze %dma_start3A_200 : memref<1x80xi32, #tpu.memory_space<vmem>> -> memref<80xi32, #tpu.memory_space<vmem>>
          %dma_start3A_202 = arith.constant 0 : i32
          %dma_start3A_203 = arith.constant 0 : i32
          %dma_start3A_204 = tpu.memref_slice %arg2[%dma_start3A_202, %dma_start3A_203] : memref<10000x128xf32, #tpu.memory_space<hbm>> -> memref<10000x128xf32, #tpu.memory_space<hbm>>
          tpu.enqueue_indirect_dma source(%dma_start3A_204 : memref<10000x128xf32, #tpu.memory_space<hbm>>) target(%arg11 : memref<80x128xf32, #tpu.memory_space<vmem>>) offsets(%dma_start3A_201 : memref<80xi32, #tpu.memory_space<vmem>>) semaphore(%arg18 : memref<!tpu.dma_semaphore, #tpu.memory_space<semaphore_mem>>)
          %add3A_205 = arith.constant 1 : i32
          %add3A_206 = arith.addi %add3A_47, %add3A_205 : i32
          %dma_start3A_207 = arith.constant 0 : i32
          %dma_start3A_208 = tpu.memref_slice %arg10[%add3A_206, %dma_start3A_207] : memref<125x80xi32, #tpu.memory_space<vmem>> -> memref<1x80xi32, #tpu.memory_space<vmem>>
          %dma_start3A_209 = tpu.memref_squeeze %dma_start3A_208 : memref<1x80xi32, #tpu.memory_space<vmem>> -> memref<80xi32, #tpu.memory_space<vmem>>
          %dma_start3A_210 = arith.constant 0 : i32
          %dma_start3A_211 = arith.constant 0 : i32
          %dma_start3A_212 = tpu.memref_slice %arg3[%dma_start3A_210, %dma_start3A_211] : memref<10000x128xf32, #tpu.memory_space<hbm>> -> memref<10000x128xf32, #tpu.memory_space<hbm>>
          tpu.enqueue_indirect_dma source(%dma_start3A_212 : memref<10000x128xf32, #tpu.memory_space<hbm>>) target(%arg12 : memref<80x128xf32, #tpu.memory_space<vmem>>) offsets(%dma_start3A_209 : memref<80xi32, #tpu.memory_space<vmem>>) semaphore(%arg19 : memref<!tpu.dma_semaphore, #tpu.memory_space<semaphore_mem>>)
        } else {
        }
        %broadcast_in_dim3A = arith.constant 0.000000e+00 : f32
        %broadcast_in_dim3A_99 = vector.broadcast %broadcast_in_dim3A : f32 to vector<16xf32>
        %scan3A_100 = arith.constant 0 : i32
        %scan3A_101 = arith.constant 16 : i32
        %scan3A_102 = arith.addi %scan3A_100, %scan3A_101 : i32
        %scan3A_103 = arith.constant 1 : i32
        %scan3A_104 = scf.for %scan3A_197 = %scan3A_100 to %scan3A_102 step %scan3A_103 iter_args(%scan3A_198 = %broadcast_in_dim3A_99) -> (vector<16xf32>)  : i32 {
          %add3A_199 = arith.constant 0 : i32
          %add3A_200 = arith.addi %add3A_199, %scan3A_197 : i32
          %broadcast_in_dim3A_201 = arith.constant 0.000000e+00 : f32
          %broadcast_in_dim3A_202 = vector.broadcast %broadcast_in_dim3A_201 : f32 to vector<16xf32>
          %get3A_203 = arith.index_cast %add3A_200 : i32 to index
          %get3A_204 = arith.constant 0 : index
          %get3A_205 = tpu.vector_load %arg13[%get3A_203, %get3A_204] {strides = array<i32>} : memref<80x128xf32, #tpu.memory_space<vmem>>, vector<1x16xf32>,
          %get3A_206 = vector.shape_cast %get3A_205 : vector<1x16xf32> to vector<16xf32>
          %get3A_207 = arith.index_cast %add3A_200 : i32 to index
          %get3A_208 = arith.constant 0 : index
          %get3A_209 = tpu.vector_load %arg14[%get3A_207, %get3A_208] {strides = array<i32>} : memref<80x128xf32, #tpu.memory_space<vmem>>, vector<1x16xf32>,
          %get3A_210 = vector.shape_cast %get3A_209 : vector<1x16xf32> to vector<16xf32>
          %add3A_211 = arith.addf %get3A_206, %get3A_210 : vector<16xf32>
          %max3A = arith.constant 0.000000e+00 : f32
          %max3A_212 = vector.broadcast %max3A : f32 to vector<16xf32>
          %max3A_213 = arith.maximumf %add3A_211, %max3A_212 : vector<16xf32>
          %mul3A_214 = arith.mulf %max3A_213, %get3A_2 : vector<16xf32>
          %add3A_215 = arith.addf %broadcast_in_dim3A_202, %mul3A_214 : vector<16xf32>
          %get3A_216 = arith.index_cast %add3A_200 : i32 to index
          %get3A_217 = arith.constant 16 : index
          %get3A_218 = tpu.vector_load %arg13[%get3A_216, %get3A_217] {strides = array<i32>} : memref<80x128xf32, #tpu.memory_space<vmem>>, vector<1x16xf32>,
          %get3A_219 = vector.shape_cast %get3A_218 : vector<1x16xf32> to vector<16xf32>
          %get3A_220 = arith.index_cast %add3A_200 : i32 to index
          %get3A_221 = arith.constant 16 : index
          %get3A_222 = tpu.vector_load %arg14[%get3A_220, %get3A_221] {strides = array<i32>} : memref<80x128xf32, #tpu.memory_space<vmem>>, vector<1x16xf32>,
          %get3A_223 = vector.shape_cast %get3A_222 : vector<1x16xf32> to vector<16xf32>
          %add3A_224 = arith.addf %get3A_219, %get3A_223 : vector<16xf32>
          %max3A_225 = arith.constant 0.000000e+00 : f32
          %max3A_226 = vector.broadcast %max3A_225 : f32 to vector<16xf32>
          %max3A_227 = arith.maximumf %add3A_224, %max3A_226 : vector<16xf32>
          %mul3A_228 = arith.mulf %max3A_227, %get3A_5 : vector<16xf32>
          %add3A_229 = arith.addf %add3A_215, %mul3A_228 : vector<16xf32>
          %get3A_230 = arith.index_cast %add3A_200 : i32 to index
          %get3A_231 = arith.constant 32 : index
          %get3A_232 = tpu.vector_load %arg13[%get3A_230, %get3A_231] {strides = array<i32>} : memref<80x128xf32, #tpu.memory_space<vmem>>, vector<1x16xf32>,
          %get3A_233 = vector.shape_cast %get3A_232 : vector<1x16xf32> to vector<16xf32>
          %get3A_234 = arith.index_cast %add3A_200 : i32 to index
          %get3A_235 = arith.constant 32 : index
          %get3A_236 = tpu.vector_load %arg14[%get3A_234, %get3A_235] {strides = array<i32>} : memref<80x128xf32, #tpu.memory_space<vmem>>, vector<1x16xf32>,
          %get3A_237 = vector.shape_cast %get3A_236 : vector<1x16xf32> to vector<16xf32>
          %add3A_238 = arith.addf %get3A_233, %get3A_237 : vector<16xf32>
          %max3A_239 = arith.constant 0.000000e+00 : f32
          %max3A_240 = vector.broadcast %max3A_239 : f32 to vector<16xf32>
          %max3A_241 = arith.maximumf %add3A_238, %max3A_240 : vector<16xf32>
          %mul3A_242 = arith.mulf %max3A_241, %get3A_8 : vector<16xf32>
          %add3A_243 = arith.addf %add3A_229, %mul3A_242 : vector<16xf32>
          %get3A_244 = arith.index_cast %add3A_200 : i32 to index
          %get3A_245 = arith.constant 48 : index
          %get3A_246 = tpu.vector_load %arg13[%get3A_244, %get3A_245] {strides = array<i32>} : memref<80x128xf32, #tpu.memory_space<vmem>>, vector<1x16xf32>,
          %get3A_247 = vector.shape_cast %get3A_246 : vector<1x16xf32> to vector<16xf32>
          %get3A_248 = arith.index_cast %add3A_200 : i32 to index
          %get3A_249 = arith.constant 48 : index
          %get3A_250 = tpu.vector_load %arg14[%get3A_248, %get3A_249] {strides = array<i32>} : memref<80x128xf32, #tpu.memory_space<vmem>>, vector<1x16xf32>,
          %get3A_251 = vector.shape_cast %get3A_250 : vector<1x16xf32> to vector<16xf32>
          %add3A_252 = arith.addf %get3A_247, %get3A_251 : vector<16xf32>
          %max3A_253 = arith.constant 0.000000e+00 : f32
          %max3A_254 = vector.broadcast %max3A_253 : f32 to vector<16xf32>
          %max3A_255 = arith.maximumf %add3A_252, %max3A_254 : vector<16xf32>
          %mul3A_256 = arith.mulf %max3A_255, %get3A_11 : vector<16xf32>
          %add3A_257 = arith.addf %add3A_243, %mul3A_256 : vector<16xf32>
          %get3A_258 = arith.index_cast %add3A_200 : i32 to index
          %get3A_259 = arith.constant 64 : index
          %get3A_260 = tpu.vector_load %arg13[%get3A_258, %get3A_259] {strides = array<i32>} : memref<80x128xf32, #tpu.memory_space<vmem>>, vector<1x16xf32>,
          %get3A_261 = vector.shape_cast %get3A_260 : vector<1x16xf32> to vector<16xf32>
          %get3A_262 = arith.index_cast %add3A_200 : i32 to index
          %get3A_263 = arith.constant 64 : index
          %get3A_264 = tpu.vector_load %arg14[%get3A_262, %get3A_263] {strides = array<i32>} : memref<80x128xf32, #tpu.memory_space<vmem>>, vector<1x16xf32>,
          %get3A_265 = vector.shape_cast %get3A_264 : vector<1x16xf32> to vector<16xf32>
          %add3A_266 = arith.addf %get3A_261, %get3A_265 : vector<16xf32>
          %max3A_267 = arith.constant 0.000000e+00 : f32
          %max3A_268 = vector.broadcast %max3A_267 : f32 to vector<16xf32>
          %max3A_269 = arith.maximumf %add3A_266, %max3A_268 : vector<16xf32>
          %mul3A_270 = arith.mulf %max3A_269, %get3A_14 : vector<16xf32>
          %add3A_271 = arith.addf %add3A_257, %mul3A_270 : vector<16xf32>
          %get3A_272 = arith.index_cast %add3A_200 : i32 to index
          %get3A_273 = arith.constant 80 : index
          %get3A_274 = tpu.vector_load %arg13[%get3A_272, %get3A_273] {strides = array<i32>} : memref<80x128xf32, #tpu.memory_space<vmem>>, vector<1x16xf32>,
          %get3A_275 = vector.shape_cast %get3A_274 : vector<1x16xf32> to vector<16xf32>
          %get3A_276 = arith.index_cast %add3A_200 : i32 to index
          %get3A_277 = arith.constant 80 : index
          %get3A_278 = tpu.vector_load %arg14[%get3A_276, %get3A_277] {strides = array<i32>} : memref<80x128xf32, #tpu.memory_space<vmem>>, vector<1x16xf32>,
          %get3A_279 = vector.shape_cast %get3A_278 : vector<1x16xf32> to vector<16xf32>
          %add3A_280 = arith.addf %get3A_275, %get3A_279 : vector<16xf32>
          %max3A_281 = arith.constant 0.000000e+00 : f32
          %max3A_282 = vector.broadcast %max3A_281 : f32 to vector<16xf32>
          %max3A_283 = arith.maximumf %add3A_280, %max3A_282 : vector<16xf32>
          %mul3A_284 = arith.mulf %max3A_283, %get3A_17 : vector<16xf32>
          %add3A_285 = arith.addf %add3A_271, %mul3A_284 : vector<16xf32>
          %get3A_286 = arith.index_cast %add3A_200 : i32 to index
          %get3A_287 = arith.constant 96 : index
          %get3A_288 = tpu.vector_load %arg13[%get3A_286, %get3A_287] {strides = array<i32>} : memref<80x128xf32, #tpu.memory_space<vmem>>, vector<1x16xf32>,
          %get3A_289 = vector.shape_cast %get3A_288 : vector<1x16xf32> to vector<16xf32>
          %get3A_290 = arith.index_cast %add3A_200 : i32 to index
          %get3A_291 = arith.constant 96 : index
          %get3A_292 = tpu.vector_load %arg14[%get3A_290, %get3A_291] {strides = array<i32>} : memref<80x128xf32, #tpu.memory_space<vmem>>, vector<1x16xf32>,
          %get3A_293 = vector.shape_cast %get3A_292 : vector<1x16xf32> to vector<16xf32>
          %add3A_294 = arith.addf %get3A_289, %get3A_293 : vector<16xf32>
          %max3A_295 = arith.constant 0.000000e+00 : f32
          %max3A_296 = vector.broadcast %max3A_295 : f32 to vector<16xf32>
          %max3A_297 = arith.maximumf %add3A_294, %max3A_296 : vector<16xf32>
          %mul3A_298 = arith.mulf %max3A_297, %get3A_20 : vector<16xf32>
          %add3A_299 = arith.addf %add3A_285, %mul3A_298 : vector<16xf32>
          %get3A_300 = arith.index_cast %add3A_200 : i32 to index
          %get3A_301 = arith.constant 112 : index
          %get3A_302 = tpu.vector_load %arg13[%get3A_300, %get3A_301] {strides = array<i32>} : memref<80x128xf32, #tpu.memory_space<vmem>>, vector<1x16xf32>,
          %get3A_303 = vector.shape_cast %get3A_302 : vector<1x16xf32> to vector<16xf32>
          %get3A_304 = arith.index_cast %add3A_200 : i32 to index
          %get3A_305 = arith.constant 112 : index
          %get3A_306 = tpu.vector_load %arg14[%get3A_304, %get3A_305] {strides = array<i32>} : memref<80x128xf32, #tpu.memory_space<vmem>>, vector<1x16xf32>,
          %get3A_307 = vector.shape_cast %get3A_306 : vector<1x16xf32> to vector<16xf32>
          %add3A_308 = arith.addf %get3A_303, %get3A_307 : vector<16xf32>
          %max3A_309 = arith.constant 0.000000e+00 : f32
          %max3A_310 = vector.broadcast %max3A_309 : f32 to vector<16xf32>
          %max3A_311 = arith.maximumf %add3A_308, %max3A_310 : vector<16xf32>
          %mul3A_312 = arith.mulf %max3A_311, %get3A_23 : vector<16xf32>
          %add3A_313 = arith.addf %add3A_299, %mul3A_312 : vector<16xf32>
          %xor3A = arith.constant 8 : i32
          %xor3A_314 = vector.broadcast %xor3A : i32 to vector<16xi32>
          %xor3A_315 = arith.xori %iota3A, %xor3A_314 : vector<16xi32>
          %broadcast_in_dim3A_316 = vector.shape_cast %xor3A_315 : vector<16xi32> to vector<16x1xi32>
          %gather3A = vector.shape_cast %broadcast_in_dim3A_316 : vector<16x1xi32> to vector<16xi32>
          %gather3A_317 = tpu.dynamic_gather %add3A_313[%gather3A] in [0] : vector<16xf32>, vector<16xi32> -> vector<16xf32>
          %add3A_318 = arith.addf %add3A_313, %gather3A_317 : vector<16xf32>
          %xor3A_319 = arith.constant 4 : i32
          %xor3A_320 = vector.broadcast %xor3A_319 : i32 to vector<16xi32>
          %xor3A_321 = arith.xori %iota3A, %xor3A_320 : vector<16xi32>
          %broadcast_in_dim3A_322 = vector.shape_cast %xor3A_321 : vector<16xi32> to vector<16x1xi32>
          %gather3A_323 = vector.shape_cast %broadcast_in_dim3A_322 : vector<16x1xi32> to vector<16xi32>
          %gather3A_324 = tpu.dynamic_gather %add3A_318[%gather3A_323] in [0] : vector<16xf32>, vector<16xi32> -> vector<16xf32>
          %add3A_325 = arith.addf %add3A_318, %gather3A_324 : vector<16xf32>
          %xor3A_326 = arith.constant 2 : i32
          %xor3A_327 = vector.broadcast %xor3A_326 : i32 to vector<16xi32>
          %xor3A_328 = arith.xori %iota3A, %xor3A_327 : vector<16xi32>
          %broadcast_in_dim3A_329 = vector.shape_cast %xor3A_328 : vector<16xi32> to vector<16x1xi32>
          %gather3A_330 = vector.shape_cast %broadcast_in_dim3A_329 : vector<16x1xi32> to vector<16xi32>
          %gather3A_331 = tpu.dynamic_gather %add3A_325[%gather3A_330] in [0] : vector<16xf32>, vector<16xi32> -> vector<16xf32>
          %add3A_332 = arith.addf %add3A_325, %gather3A_331 : vector<16xf32>
          %xor3A_333 = arith.constant 1 : i32
          %xor3A_334 = vector.broadcast %xor3A_333 : i32 to vector<16xi32>
          %xor3A_335 = arith.xori %iota3A, %xor3A_334 : vector<16xi32>
          %broadcast_in_dim3A_336 = vector.shape_cast %xor3A_335 : vector<16xi32> to vector<16x1xi32>
          %gather3A_337 = vector.shape_cast %broadcast_in_dim3A_336 : vector<16x1xi32> to vector<16xi32>
          %gather3A_338 = tpu.dynamic_gather %add3A_332[%gather3A_337] in [0] : vector<16xf32>, vector<16xi32> -> vector<16xf32>
          %add3A_339 = arith.addf %add3A_332, %gather3A_338 : vector<16xf32>
          %eq3A_340 = vector.broadcast %scan3A_197 : i32 to vector<16xi32>
          %eq3A_341 = arith.cmpi eq, %iota3A, %eq3A_340 : vector<16xi32>
          %select_n3A_342 = arith.select %eq3A_341, %add3A_339, %scan3A_198 : vector<16xi1>, vector<16xf32>
          scf.yield %select_n3A_342 : vector<16xf32>
        }
        %scan3A_105 = arith.constant 16 : i32
        %get3A_106 = arith.constant 0 : index
        %get3A_107 = tpu.vector_load %arg16[%get3A_106] {strides = array<i32>} : memref<16xf32, #tpu.memory_space<vmem>>, vector<16xf32>,
        %get3A_108 = vector.shape_cast %get3A_107 : vector<16xf32> to vector<16xf32>
        %add3A_109 = arith.addf %scan3A_104, %get3A_108 : vector<16xf32>
        %mul3A_110 = arith.constant 80 : i32
        %mul3A_111 = arith.muli %add3A_47, %mul3A_110 : i32
        %add3A_112 = arith.constant 0 : i32
        %add3A_113 = arith.addi %mul3A_111, %add3A_112 : i32
        %swap3A = arith.index_cast %add3A_113 : i32 to index
        %swap3A_114 = tpu.vector_load %arg17[%swap3A] {strides = array<i32>} : memref<10000xf32, #tpu.memory_space<vmem>>, vector<16xf32>,
        %swap3A_115 = vector.shape_cast %swap3A_114 : vector<16xf32> to vector<16xf32>
        %swap3A_116 = vector.shape_cast %add3A_109 : vector<16xf32> to vector<16xf32>
        tpu.vector_store %arg17[%swap3A], %swap3A_116 {strides = array<i32>} : memref<10000xf32, #tpu.memory_space<vmem>>, vector<16xf32>,
        %broadcast_in_dim3A_117 = arith.constant 0.000000e+00 : f32
        %broadcast_in_dim3A_118 = vector.broadcast %broadcast_in_dim3A_117 : f32 to vector<16xf32>
        %scan3A_119 = arith.constant 0 : i32
        %scan3A_120 = arith.constant 16 : i32
        %scan3A_121 = arith.addi %scan3A_119, %scan3A_120 : i32
        %scan3A_122 = arith.constant 1 : i32
        %scan3A_123 = scf.for %scan3A_197 = %scan3A_119 to %scan3A_121 step %scan3A_122 iter_args(%scan3A_198 = %broadcast_in_dim3A_118) -> (vector<16xf32>)  : i32 {
          %add3A_199 = arith.constant 16 : i32
          %add3A_200 = arith.addi %add3A_199, %scan3A_197 : i32
          %broadcast_in_dim3A_201 = arith.constant 0.000000e+00 : f32
          %broadcast_in_dim3A_202 = vector.broadcast %broadcast_in_dim3A_201 : f32 to vector<16xf32>
          %get3A_203 = arith.index_cast %add3A_200 : i32 to index
          %get3A_204 = arith.constant 0 : index
          %get3A_205 = tpu.vector_load %arg13[%get3A_203, %get3A_204] {strides = array<i32>} : memref<80x128xf32, #tpu.memory_space<vmem>>, vector<1x16xf32>,
          %get3A_206 = vector.shape_cast %get3A_205 : vector<1x16xf32> to vector<16xf32>
          %get3A_207 = arith.index_cast %add3A_200 : i32 to index
          %get3A_208 = arith.constant 0 : index
          %get3A_209 = tpu.vector_load %arg14[%get3A_207, %get3A_208] {strides = array<i32>} : memref<80x128xf32, #tpu.memory_space<vmem>>, vector<1x16xf32>,
          %get3A_210 = vector.shape_cast %get3A_209 : vector<1x16xf32> to vector<16xf32>
          %add3A_211 = arith.addf %get3A_206, %get3A_210 : vector<16xf32>
          %max3A = arith.constant 0.000000e+00 : f32
          %max3A_212 = vector.broadcast %max3A : f32 to vector<16xf32>
          %max3A_213 = arith.maximumf %add3A_211, %max3A_212 : vector<16xf32>
          %mul3A_214 = arith.mulf %max3A_213, %get3A_2 : vector<16xf32>
          %add3A_215 = arith.addf %broadcast_in_dim3A_202, %mul3A_214 : vector<16xf32>
          %get3A_216 = arith.index_cast %add3A_200 : i32 to index
          %get3A_217 = arith.constant 16 : index
          %get3A_218 = tpu.vector_load %arg13[%get3A_216, %get3A_217] {strides = array<i32>} : memref<80x128xf32, #tpu.memory_space<vmem>>, vector<1x16xf32>,
          %get3A_219 = vector.shape_cast %get3A_218 : vector<1x16xf32> to vector<16xf32>
          %get3A_220 = arith.index_cast %add3A_200 : i32 to index
          %get3A_221 = arith.constant 16 : index
          %get3A_222 = tpu.vector_load %arg14[%get3A_220, %get3A_221] {strides = array<i32>} : memref<80x128xf32, #tpu.memory_space<vmem>>, vector<1x16xf32>,
          %get3A_223 = vector.shape_cast %get3A_222 : vector<1x16xf32> to vector<16xf32>
          %add3A_224 = arith.addf %get3A_219, %get3A_223 : vector<16xf32>
          %max3A_225 = arith.constant 0.000000e+00 : f32
          %max3A_226 = vector.broadcast %max3A_225 : f32 to vector<16xf32>
          %max3A_227 = arith.maximumf %add3A_224, %max3A_226 : vector<16xf32>
          %mul3A_228 = arith.mulf %max3A_227, %get3A_5 : vector<16xf32>
          %add3A_229 = arith.addf %add3A_215, %mul3A_228 : vector<16xf32>
          %get3A_230 = arith.index_cast %add3A_200 : i32 to index
          %get3A_231 = arith.constant 32 : index
          %get3A_232 = tpu.vector_load %arg13[%get3A_230, %get3A_231] {strides = array<i32>} : memref<80x128xf32, #tpu.memory_space<vmem>>, vector<1x16xf32>,
          %get3A_233 = vector.shape_cast %get3A_232 : vector<1x16xf32> to vector<16xf32>
          %get3A_234 = arith.index_cast %add3A_200 : i32 to index
          %get3A_235 = arith.constant 32 : index
          %get3A_236 = tpu.vector_load %arg14[%get3A_234, %get3A_235] {strides = array<i32>} : memref<80x128xf32, #tpu.memory_space<vmem>>, vector<1x16xf32>,
          %get3A_237 = vector.shape_cast %get3A_236 : vector<1x16xf32> to vector<16xf32>
          %add3A_238 = arith.addf %get3A_233, %get3A_237 : vector<16xf32>
          %max3A_239 = arith.constant 0.000000e+00 : f32
          %max3A_240 = vector.broadcast %max3A_239 : f32 to vector<16xf32>
          %max3A_241 = arith.maximumf %add3A_238, %max3A_240 : vector<16xf32>
          %mul3A_242 = arith.mulf %max3A_241, %get3A_8 : vector<16xf32>
          %add3A_243 = arith.addf %add3A_229, %mul3A_242 : vector<16xf32>
          %get3A_244 = arith.index_cast %add3A_200 : i32 to index
          %get3A_245 = arith.constant 48 : index
          %get3A_246 = tpu.vector_load %arg13[%get3A_244, %get3A_245] {strides = array<i32>} : memref<80x128xf32, #tpu.memory_space<vmem>>, vector<1x16xf32>,
          %get3A_247 = vector.shape_cast %get3A_246 : vector<1x16xf32> to vector<16xf32>
          %get3A_248 = arith.index_cast %add3A_200 : i32 to index
          %get3A_249 = arith.constant 48 : index
          %get3A_250 = tpu.vector_load %arg14[%get3A_248, %get3A_249] {strides = array<i32>} : memref<80x128xf32, #tpu.memory_space<vmem>>, vector<1x16xf32>,
          %get3A_251 = vector.shape_cast %get3A_250 : vector<1x16xf32> to vector<16xf32>
          %add3A_252 = arith.addf %get3A_247, %get3A_251 : vector<16xf32>
          %max3A_253 = arith.constant 0.000000e+00 : f32
          %max3A_254 = vector.broadcast %max3A_253 : f32 to vector<16xf32>
          %max3A_255 = arith.maximumf %add3A_252, %max3A_254 : vector<16xf32>
          %mul3A_256 = arith.mulf %max3A_255, %get3A_11 : vector<16xf32>
          %add3A_257 = arith.addf %add3A_243, %mul3A_256 : vector<16xf32>
          %get3A_258 = arith.index_cast %add3A_200 : i32 to index
          %get3A_259 = arith.constant 64 : index
          %get3A_260 = tpu.vector_load %arg13[%get3A_258, %get3A_259] {strides = array<i32>} : memref<80x128xf32, #tpu.memory_space<vmem>>, vector<1x16xf32>,
          %get3A_261 = vector.shape_cast %get3A_260 : vector<1x16xf32> to vector<16xf32>
          %get3A_262 = arith.index_cast %add3A_200 : i32 to index
          %get3A_263 = arith.constant 64 : index
          %get3A_264 = tpu.vector_load %arg14[%get3A_262, %get3A_263] {strides = array<i32>} : memref<80x128xf32, #tpu.memory_space<vmem>>, vector<1x16xf32>,
          %get3A_265 = vector.shape_cast %get3A_264 : vector<1x16xf32> to vector<16xf32>
          %add3A_266 = arith.addf %get3A_261, %get3A_265 : vector<16xf32>
          %max3A_267 = arith.constant 0.000000e+00 : f32
          %max3A_268 = vector.broadcast %max3A_267 : f32 to vector<16xf32>
          %max3A_269 = arith.maximumf %add3A_266, %max3A_268 : vector<16xf32>
          %mul3A_270 = arith.mulf %max3A_269, %get3A_14 : vector<16xf32>
          %add3A_271 = arith.addf %add3A_257, %mul3A_270 : vector<16xf32>
          %get3A_272 = arith.index_cast %add3A_200 : i32 to index
          %get3A_273 = arith.constant 80 : index
          %get3A_274 = tpu.vector_load %arg13[%get3A_272, %get3A_273] {strides = array<i32>} : memref<80x128xf32, #tpu.memory_space<vmem>>, vector<1x16xf32>,
          %get3A_275 = vector.shape_cast %get3A_274 : vector<1x16xf32> to vector<16xf32>
          %get3A_276 = arith.index_cast %add3A_200 : i32 to index
          %get3A_277 = arith.constant 80 : index
          %get3A_278 = tpu.vector_load %arg14[%get3A_276, %get3A_277] {strides = array<i32>} : memref<80x128xf32, #tpu.memory_space<vmem>>, vector<1x16xf32>,
          %get3A_279 = vector.shape_cast %get3A_278 : vector<1x16xf32> to vector<16xf32>
          %add3A_280 = arith.addf %get3A_275, %get3A_279 : vector<16xf32>
          %max3A_281 = arith.constant 0.000000e+00 : f32
          %max3A_282 = vector.broadcast %max3A_281 : f32 to vector<16xf32>
          %max3A_283 = arith.maximumf %add3A_280, %max3A_282 : vector<16xf32>
          %mul3A_284 = arith.mulf %max3A_283, %get3A_17 : vector<16xf32>
          %add3A_285 = arith.addf %add3A_271, %mul3A_284 : vector<16xf32>
          %get3A_286 = arith.index_cast %add3A_200 : i32 to index
          %get3A_287 = arith.constant 96 : index
          %get3A_288 = tpu.vector_load %arg13[%get3A_286, %get3A_287] {strides = array<i32>} : memref<80x128xf32, #tpu.memory_space<vmem>>, vector<1x16xf32>,
          %get3A_289 = vector.shape_cast %get3A_288 : vector<1x16xf32> to vector<16xf32>
          %get3A_290 = arith.index_cast %add3A_200 : i32 to index
          %get3A_291 = arith.constant 96 : index
          %get3A_292 = tpu.vector_load %arg14[%get3A_290, %get3A_291] {strides = array<i32>} : memref<80x128xf32, #tpu.memory_space<vmem>>, vector<1x16xf32>,
          %get3A_293 = vector.shape_cast %get3A_292 : vector<1x16xf32> to vector<16xf32>
          %add3A_294 = arith.addf %get3A_289, %get3A_293 : vector<16xf32>
          %max3A_295 = arith.constant 0.000000e+00 : f32
          %max3A_296 = vector.broadcast %max3A_295 : f32 to vector<16xf32>
          %max3A_297 = arith.maximumf %add3A_294, %max3A_296 : vector<16xf32>
          %mul3A_298 = arith.mulf %max3A_297, %get3A_20 : vector<16xf32>
          %add3A_299 = arith.addf %add3A_285, %mul3A_298 : vector<16xf32>
          %get3A_300 = arith.index_cast %add3A_200 : i32 to index
          %get3A_301 = arith.constant 112 : index
          %get3A_302 = tpu.vector_load %arg13[%get3A_300, %get3A_301] {strides = array<i32>} : memref<80x128xf32, #tpu.memory_space<vmem>>, vector<1x16xf32>,
          %get3A_303 = vector.shape_cast %get3A_302 : vector<1x16xf32> to vector<16xf32>
          %get3A_304 = arith.index_cast %add3A_200 : i32 to index
          %get3A_305 = arith.constant 112 : index
          %get3A_306 = tpu.vector_load %arg14[%get3A_304, %get3A_305] {strides = array<i32>} : memref<80x128xf32, #tpu.memory_space<vmem>>, vector<1x16xf32>,
          %get3A_307 = vector.shape_cast %get3A_306 : vector<1x16xf32> to vector<16xf32>
          %add3A_308 = arith.addf %get3A_303, %get3A_307 : vector<16xf32>
          %max3A_309 = arith.constant 0.000000e+00 : f32
          %max3A_310 = vector.broadcast %max3A_309 : f32 to vector<16xf32>
          %max3A_311 = arith.maximumf %add3A_308, %max3A_310 : vector<16xf32>
          %mul3A_312 = arith.mulf %max3A_311, %get3A_23 : vector<16xf32>
          %add3A_313 = arith.addf %add3A_299, %mul3A_312 : vector<16xf32>
          %xor3A = arith.constant 8 : i32
          %xor3A_314 = vector.broadcast %xor3A : i32 to vector<16xi32>
          %xor3A_315 = arith.xori %iota3A, %xor3A_314 : vector<16xi32>
          %broadcast_in_dim3A_316 = vector.shape_cast %xor3A_315 : vector<16xi32> to vector<16x1xi32>
          %gather3A = vector.shape_cast %broadcast_in_dim3A_316 : vector<16x1xi32> to vector<16xi32>
          %gather3A_317 = tpu.dynamic_gather %add3A_313[%gather3A] in [0] : vector<16xf32>, vector<16xi32> -> vector<16xf32>
          %add3A_318 = arith.addf %add3A_313, %gather3A_317 : vector<16xf32>
          %xor3A_319 = arith.constant 4 : i32
          %xor3A_320 = vector.broadcast %xor3A_319 : i32 to vector<16xi32>
          %xor3A_321 = arith.xori %iota3A, %xor3A_320 : vector<16xi32>
          %broadcast_in_dim3A_322 = vector.shape_cast %xor3A_321 : vector<16xi32> to vector<16x1xi32>
          %gather3A_323 = vector.shape_cast %broadcast_in_dim3A_322 : vector<16x1xi32> to vector<16xi32>
          %gather3A_324 = tpu.dynamic_gather %add3A_318[%gather3A_323] in [0] : vector<16xf32>, vector<16xi32> -> vector<16xf32>
          %add3A_325 = arith.addf %add3A_318, %gather3A_324 : vector<16xf32>
          %xor3A_326 = arith.constant 2 : i32
          %xor3A_327 = vector.broadcast %xor3A_326 : i32 to vector<16xi32>
          %xor3A_328 = arith.xori %iota3A, %xor3A_327 : vector<16xi32>
          %broadcast_in_dim3A_329 = vector.shape_cast %xor3A_328 : vector<16xi32> to vector<16x1xi32>
          %gather3A_330 = vector.shape_cast %broadcast_in_dim3A_329 : vector<16x1xi32> to vector<16xi32>
          %gather3A_331 = tpu.dynamic_gather %add3A_325[%gather3A_330] in [0] : vector<16xf32>, vector<16xi32> -> vector<16xf32>
          %add3A_332 = arith.addf %add3A_325, %gather3A_331 : vector<16xf32>
          %xor3A_333 = arith.constant 1 : i32
          %xor3A_334 = vector.broadcast %xor3A_333 : i32 to vector<16xi32>
          %xor3A_335 = arith.xori %iota3A, %xor3A_334 : vector<16xi32>
          %broadcast_in_dim3A_336 = vector.shape_cast %xor3A_335 : vector<16xi32> to vector<16x1xi32>
          %gather3A_337 = vector.shape_cast %broadcast_in_dim3A_336 : vector<16x1xi32> to vector<16xi32>
          %gather3A_338 = tpu.dynamic_gather %add3A_332[%gather3A_337] in [0] : vector<16xf32>, vector<16xi32> -> vector<16xf32>
          %add3A_339 = arith.addf %add3A_332, %gather3A_338 : vector<16xf32>
          %eq3A_340 = vector.broadcast %scan3A_197 : i32 to vector<16xi32>
          %eq3A_341 = arith.cmpi eq, %iota3A, %eq3A_340 : vector<16xi32>
          %select_n3A_342 = arith.select %eq3A_341, %add3A_339, %scan3A_198 : vector<16xi1>, vector<16xf32>
          scf.yield %select_n3A_342 : vector<16xf32>
        }
        %scan3A_124 = arith.constant 16 : i32
        %get3A_125 = arith.constant 0 : index
        %get3A_126 = tpu.vector_load %arg16[%get3A_125] {strides = array<i32>} : memref<16xf32, #tpu.memory_space<vmem>>, vector<16xf32>,
        %get3A_127 = vector.shape_cast %get3A_126 : vector<16xf32> to vector<16xf32>
        %add3A_128 = arith.addf %scan3A_123, %get3A_127 : vector<16xf32>
        %mul3A_129 = arith.constant 80 : i32
        %mul3A_130 = arith.muli %add3A_47, %mul3A_129 : i32
        %add3A_131 = arith.constant 16 : i32
        %add3A_132 = arith.addi %mul3A_130, %add3A_131 : i32
        %swap3A_133 = arith.index_cast %add3A_132 : i32 to index
        %swap3A_134 = tpu.vector_load %arg17[%swap3A_133] {strides = array<i32>} : memref<10000xf32, #tpu.memory_space<vmem>>, vector<16xf32>,
        %swap3A_135 = vector.shape_cast %swap3A_134 : vector<16xf32> to vector<16xf32>
        %swap3A_136 = vector.shape_cast %add3A_128 : vector<16xf32> to vector<16xf32>
        tpu.vector_store %arg17[%swap3A_133], %swap3A_136 {strides = array<i32>} : memref<10000xf32, #tpu.memory_space<vmem>>, vector<16xf32>,
        %broadcast_in_dim3A_137 = arith.constant 0.000000e+00 : f32
        %broadcast_in_dim3A_138 = vector.broadcast %broadcast_in_dim3A_137 : f32 to vector<16xf32>
        %scan3A_139 = arith.constant 0 : i32
        %scan3A_140 = arith.constant 16 : i32
        %scan3A_141 = arith.addi %scan3A_139, %scan3A_140 : i32
        %scan3A_142 = arith.constant 1 : i32
        %scan3A_143 = scf.for %scan3A_197 = %scan3A_139 to %scan3A_141 step %scan3A_142 iter_args(%scan3A_198 = %broadcast_in_dim3A_138) -> (vector<16xf32>)  : i32 {
          %add3A_199 = arith.constant 32 : i32
          %add3A_200 = arith.addi %add3A_199, %scan3A_197 : i32
          %broadcast_in_dim3A_201 = arith.constant 0.000000e+00 : f32
          %broadcast_in_dim3A_202 = vector.broadcast %broadcast_in_dim3A_201 : f32 to vector<16xf32>
          %get3A_203 = arith.index_cast %add3A_200 : i32 to index
          %get3A_204 = arith.constant 0 : index
          %get3A_205 = tpu.vector_load %arg13[%get3A_203, %get3A_204] {strides = array<i32>} : memref<80x128xf32, #tpu.memory_space<vmem>>, vector<1x16xf32>,
          %get3A_206 = vector.shape_cast %get3A_205 : vector<1x16xf32> to vector<16xf32>
          %get3A_207 = arith.index_cast %add3A_200 : i32 to index
          %get3A_208 = arith.constant 0 : index
          %get3A_209 = tpu.vector_load %arg14[%get3A_207, %get3A_208] {strides = array<i32>} : memref<80x128xf32, #tpu.memory_space<vmem>>, vector<1x16xf32>,
          %get3A_210 = vector.shape_cast %get3A_209 : vector<1x16xf32> to vector<16xf32>
          %add3A_211 = arith.addf %get3A_206, %get3A_210 : vector<16xf32>
          %max3A = arith.constant 0.000000e+00 : f32
          %max3A_212 = vector.broadcast %max3A : f32 to vector<16xf32>
          %max3A_213 = arith.maximumf %add3A_211, %max3A_212 : vector<16xf32>
          %mul3A_214 = arith.mulf %max3A_213, %get3A_2 : vector<16xf32>
          %add3A_215 = arith.addf %broadcast_in_dim3A_202, %mul3A_214 : vector<16xf32>
          %get3A_216 = arith.index_cast %add3A_200 : i32 to index
          %get3A_217 = arith.constant 16 : index
          %get3A_218 = tpu.vector_load %arg13[%get3A_216, %get3A_217] {strides = array<i32>} : memref<80x128xf32, #tpu.memory_space<vmem>>, vector<1x16xf32>,
          %get3A_219 = vector.shape_cast %get3A_218 : vector<1x16xf32> to vector<16xf32>
          %get3A_220 = arith.index_cast %add3A_200 : i32 to index
          %get3A_221 = arith.constant 16 : index
          %get3A_222 = tpu.vector_load %arg14[%get3A_220, %get3A_221] {strides = array<i32>} : memref<80x128xf32, #tpu.memory_space<vmem>>, vector<1x16xf32>,
          %get3A_223 = vector.shape_cast %get3A_222 : vector<1x16xf32> to vector<16xf32>
          %add3A_224 = arith.addf %get3A_219, %get3A_223 : vector<16xf32>
          %max3A_225 = arith.constant 0.000000e+00 : f32
          %max3A_226 = vector.broadcast %max3A_225 : f32 to vector<16xf32>
          %max3A_227 = arith.maximumf %add3A_224, %max3A_226 : vector<16xf32>
          %mul3A_228 = arith.mulf %max3A_227, %get3A_5 : vector<16xf32>
          %add3A_229 = arith.addf %add3A_215, %mul3A_228 : vector<16xf32>
          %get3A_230 = arith.index_cast %add3A_200 : i32 to index
          %get3A_231 = arith.constant 32 : index
          %get3A_232 = tpu.vector_load %arg13[%get3A_230, %get3A_231] {strides = array<i32>} : memref<80x128xf32, #tpu.memory_space<vmem>>, vector<1x16xf32>,
          %get3A_233 = vector.shape_cast %get3A_232 : vector<1x16xf32> to vector<16xf32>
          %get3A_234 = arith.index_cast %add3A_200 : i32 to index
          %get3A_235 = arith.constant 32 : index
          %get3A_236 = tpu.vector_load %arg14[%get3A_234, %get3A_235] {strides = array<i32>} : memref<80x128xf32, #tpu.memory_space<vmem>>, vector<1x16xf32>,
          %get3A_237 = vector.shape_cast %get3A_236 : vector<1x16xf32> to vector<16xf32>
          %add3A_238 = arith.addf %get3A_233, %get3A_237 : vector<16xf32>
          %max3A_239 = arith.constant 0.000000e+00 : f32
          %max3A_240 = vector.broadcast %max3A_239 : f32 to vector<16xf32>
          %max3A_241 = arith.maximumf %add3A_238, %max3A_240 : vector<16xf32>
          %mul3A_242 = arith.mulf %max3A_241, %get3A_8 : vector<16xf32>
          %add3A_243 = arith.addf %add3A_229, %mul3A_242 : vector<16xf32>
          %get3A_244 = arith.index_cast %add3A_200 : i32 to index
          %get3A_245 = arith.constant 48 : index
          %get3A_246 = tpu.vector_load %arg13[%get3A_244, %get3A_245] {strides = array<i32>} : memref<80x128xf32, #tpu.memory_space<vmem>>, vector<1x16xf32>,
          %get3A_247 = vector.shape_cast %get3A_246 : vector<1x16xf32> to vector<16xf32>
          %get3A_248 = arith.index_cast %add3A_200 : i32 to index
          %get3A_249 = arith.constant 48 : index
          %get3A_250 = tpu.vector_load %arg14[%get3A_248, %get3A_249] {strides = array<i32>} : memref<80x128xf32, #tpu.memory_space<vmem>>, vector<1x16xf32>,
          %get3A_251 = vector.shape_cast %get3A_250 : vector<1x16xf32> to vector<16xf32>
          %add3A_252 = arith.addf %get3A_247, %get3A_251 : vector<16xf32>
          %max3A_253 = arith.constant 0.000000e+00 : f32
          %max3A_254 = vector.broadcast %max3A_253 : f32 to vector<16xf32>
          %max3A_255 = arith.maximumf %add3A_252, %max3A_254 : vector<16xf32>
          %mul3A_256 = arith.mulf %max3A_255, %get3A_11 : vector<16xf32>
          %add3A_257 = arith.addf %add3A_243, %mul3A_256 : vector<16xf32>
          %get3A_258 = arith.index_cast %add3A_200 : i32 to index
          %get3A_259 = arith.constant 64 : index
          %get3A_260 = tpu.vector_load %arg13[%get3A_258, %get3A_259] {strides = array<i32>} : memref<80x128xf32, #tpu.memory_space<vmem>>, vector<1x16xf32>,
          %get3A_261 = vector.shape_cast %get3A_260 : vector<1x16xf32> to vector<16xf32>
          %get3A_262 = arith.index_cast %add3A_200 : i32 to index
          %get3A_263 = arith.constant 64 : index
          %get3A_264 = tpu.vector_load %arg14[%get3A_262, %get3A_263] {strides = array<i32>} : memref<80x128xf32, #tpu.memory_space<vmem>>, vector<1x16xf32>,
          %get3A_265 = vector.shape_cast %get3A_264 : vector<1x16xf32> to vector<16xf32>
          %add3A_266 = arith.addf %get3A_261, %get3A_265 : vector<16xf32>
          %max3A_267 = arith.constant 0.000000e+00 : f32
          %max3A_268 = vector.broadcast %max3A_267 : f32 to vector<16xf32>
          %max3A_269 = arith.maximumf %add3A_266, %max3A_268 : vector<16xf32>
          %mul3A_270 = arith.mulf %max3A_269, %get3A_14 : vector<16xf32>
          %add3A_271 = arith.addf %add3A_257, %mul3A_270 : vector<16xf32>
          %get3A_272 = arith.index_cast %add3A_200 : i32 to index
          %get3A_273 = arith.constant 80 : index
          %get3A_274 = tpu.vector_load %arg13[%get3A_272, %get3A_273] {strides = array<i32>} : memref<80x128xf32, #tpu.memory_space<vmem>>, vector<1x16xf32>,
          %get3A_275 = vector.shape_cast %get3A_274 : vector<1x16xf32> to vector<16xf32>
          %get3A_276 = arith.index_cast %add3A_200 : i32 to index
          %get3A_277 = arith.constant 80 : index
          %get3A_278 = tpu.vector_load %arg14[%get3A_276, %get3A_277] {strides = array<i32>} : memref<80x128xf32, #tpu.memory_space<vmem>>, vector<1x16xf32>,
          %get3A_279 = vector.shape_cast %get3A_278 : vector<1x16xf32> to vector<16xf32>
          %add3A_280 = arith.addf %get3A_275, %get3A_279 : vector<16xf32>
          %max3A_281 = arith.constant 0.000000e+00 : f32
          %max3A_282 = vector.broadcast %max3A_281 : f32 to vector<16xf32>
          %max3A_283 = arith.maximumf %add3A_280, %max3A_282 : vector<16xf32>
          %mul3A_284 = arith.mulf %max3A_283, %get3A_17 : vector<16xf32>
          %add3A_285 = arith.addf %add3A_271, %mul3A_284 : vector<16xf32>
          %get3A_286 = arith.index_cast %add3A_200 : i32 to index
          %get3A_287 = arith.constant 96 : index
          %get3A_288 = tpu.vector_load %arg13[%get3A_286, %get3A_287] {strides = array<i32>} : memref<80x128xf32, #tpu.memory_space<vmem>>, vector<1x16xf32>,
          %get3A_289 = vector.shape_cast %get3A_288 : vector<1x16xf32> to vector<16xf32>
          %get3A_290 = arith.index_cast %add3A_200 : i32 to index
          %get3A_291 = arith.constant 96 : index
          %get3A_292 = tpu.vector_load %arg14[%get3A_290, %get3A_291] {strides = array<i32>} : memref<80x128xf32, #tpu.memory_space<vmem>>, vector<1x16xf32>,
          %get3A_293 = vector.shape_cast %get3A_292 : vector<1x16xf32> to vector<16xf32>
          %add3A_294 = arith.addf %get3A_289, %get3A_293 : vector<16xf32>
          %max3A_295 = arith.constant 0.000000e+00 : f32
          %max3A_296 = vector.broadcast %max3A_295 : f32 to vector<16xf32>
          %max3A_297 = arith.maximumf %add3A_294, %max3A_296 : vector<16xf32>
          %mul3A_298 = arith.mulf %max3A_297, %get3A_20 : vector<16xf32>
          %add3A_299 = arith.addf %add3A_285, %mul3A_298 : vector<16xf32>
          %get3A_300 = arith.index_cast %add3A_200 : i32 to index
          %get3A_301 = arith.constant 112 : index
          %get3A_302 = tpu.vector_load %arg13[%get3A_300, %get3A_301] {strides = array<i32>} : memref<80x128xf32, #tpu.memory_space<vmem>>, vector<1x16xf32>,
          %get3A_303 = vector.shape_cast %get3A_302 : vector<1x16xf32> to vector<16xf32>
          %get3A_304 = arith.index_cast %add3A_200 : i32 to index
          %get3A_305 = arith.constant 112 : index
          %get3A_306 = tpu.vector_load %arg14[%get3A_304, %get3A_305] {strides = array<i32>} : memref<80x128xf32, #tpu.memory_space<vmem>>, vector<1x16xf32>,
          %get3A_307 = vector.shape_cast %get3A_306 : vector<1x16xf32> to vector<16xf32>
          %add3A_308 = arith.addf %get3A_303, %get3A_307 : vector<16xf32>
          %max3A_309 = arith.constant 0.000000e+00 : f32
          %max3A_310 = vector.broadcast %max3A_309 : f32 to vector<16xf32>
          %max3A_311 = arith.maximumf %add3A_308, %max3A_310 : vector<16xf32>
          %mul3A_312 = arith.mulf %max3A_311, %get3A_23 : vector<16xf32>
          %add3A_313 = arith.addf %add3A_299, %mul3A_312 : vector<16xf32>
          %xor3A = arith.constant 8 : i32
          %xor3A_314 = vector.broadcast %xor3A : i32 to vector<16xi32>
          %xor3A_315 = arith.xori %iota3A, %xor3A_314 : vector<16xi32>
          %broadcast_in_dim3A_316 = vector.shape_cast %xor3A_315 : vector<16xi32> to vector<16x1xi32>
          %gather3A = vector.shape_cast %broadcast_in_dim3A_316 : vector<16x1xi32> to vector<16xi32>
          %gather3A_317 = tpu.dynamic_gather %add3A_313[%gather3A] in [0] : vector<16xf32>, vector<16xi32> -> vector<16xf32>
          %add3A_318 = arith.addf %add3A_313, %gather3A_317 : vector<16xf32>
          %xor3A_319 = arith.constant 4 : i32
          %xor3A_320 = vector.broadcast %xor3A_319 : i32 to vector<16xi32>
          %xor3A_321 = arith.xori %iota3A, %xor3A_320 : vector<16xi32>
          %broadcast_in_dim3A_322 = vector.shape_cast %xor3A_321 : vector<16xi32> to vector<16x1xi32>
          %gather3A_323 = vector.shape_cast %broadcast_in_dim3A_322 : vector<16x1xi32> to vector<16xi32>
          %gather3A_324 = tpu.dynamic_gather %add3A_318[%gather3A_323] in [0] : vector<16xf32>, vector<16xi32> -> vector<16xf32>
          %add3A_325 = arith.addf %add3A_318, %gather3A_324 : vector<16xf32>
          %xor3A_326 = arith.constant 2 : i32
          %xor3A_327 = vector.broadcast %xor3A_326 : i32 to vector<16xi32>
          %xor3A_328 = arith.xori %iota3A, %xor3A_327 : vector<16xi32>
          %broadcast_in_dim3A_329 = vector.shape_cast %xor3A_328 : vector<16xi32> to vector<16x1xi32>
          %gather3A_330 = vector.shape_cast %broadcast_in_dim3A_329 : vector<16x1xi32> to vector<16xi32>
          %gather3A_331 = tpu.dynamic_gather %add3A_325[%gather3A_330] in [0] : vector<16xf32>, vector<16xi32> -> vector<16xf32>
          %add3A_332 = arith.addf %add3A_325, %gather3A_331 : vector<16xf32>
          %xor3A_333 = arith.constant 1 : i32
          %xor3A_334 = vector.broadcast %xor3A_333 : i32 to vector<16xi32>
          %xor3A_335 = arith.xori %iota3A, %xor3A_334 : vector<16xi32>
          %broadcast_in_dim3A_336 = vector.shape_cast %xor3A_335 : vector<16xi32> to vector<16x1xi32>
          %gather3A_337 = vector.shape_cast %broadcast_in_dim3A_336 : vector<16x1xi32> to vector<16xi32>
          %gather3A_338 = tpu.dynamic_gather %add3A_332[%gather3A_337] in [0] : vector<16xf32>, vector<16xi32> -> vector<16xf32>
          %add3A_339 = arith.addf %add3A_332, %gather3A_338 : vector<16xf32>
          %eq3A_340 = vector.broadcast %scan3A_197 : i32 to vector<16xi32>
          %eq3A_341 = arith.cmpi eq, %iota3A, %eq3A_340 : vector<16xi32>
          %select_n3A_342 = arith.select %eq3A_341, %add3A_339, %scan3A_198 : vector<16xi1>, vector<16xf32>
          scf.yield %select_n3A_342 : vector<16xf32>
        }
        %scan3A_144 = arith.constant 16 : i32
        %get3A_145 = arith.constant 0 : index
        %get3A_146 = tpu.vector_load %arg16[%get3A_145] {strides = array<i32>} : memref<16xf32, #tpu.memory_space<vmem>>, vector<16xf32>,
        %get3A_147 = vector.shape_cast %get3A_146 : vector<16xf32> to vector<16xf32>
        %add3A_148 = arith.addf %scan3A_143, %get3A_147 : vector<16xf32>
        %mul3A_149 = arith.constant 80 : i32
        %mul3A_150 = arith.muli %add3A_47, %mul3A_149 : i32
        %add3A_151 = arith.constant 32 : i32
        %add3A_152 = arith.addi %mul3A_150, %add3A_151 : i32
        %swap3A_153 = arith.index_cast %add3A_152 : i32 to index
        %swap3A_154 = tpu.vector_load %arg17[%swap3A_153] {strides = array<i32>} : memref<10000xf32, #tpu.memory_space<vmem>>, vector<16xf32>,
        %swap3A_155 = vector.shape_cast %swap3A_154 : vector<16xf32> to vector<16xf32>
        %swap3A_156 = vector.shape_cast %add3A_148 : vector<16xf32> to vector<16xf32>
        tpu.vector_store %arg17[%swap3A_153], %swap3A_156 {strides = array<i32>} : memref<10000xf32, #tpu.memory_space<vmem>>, vector<16xf32>,
        %broadcast_in_dim3A_157 = arith.constant 0.000000e+00 : f32
        %broadcast_in_dim3A_158 = vector.broadcast %broadcast_in_dim3A_157 : f32 to vector<16xf32>
        %scan3A_159 = arith.constant 0 : i32
        %scan3A_160 = arith.constant 16 : i32
        %scan3A_161 = arith.addi %scan3A_159, %scan3A_160 : i32
        %scan3A_162 = arith.constant 1 : i32
        %scan3A_163 = scf.for %scan3A_197 = %scan3A_159 to %scan3A_161 step %scan3A_162 iter_args(%scan3A_198 = %broadcast_in_dim3A_158) -> (vector<16xf32>)  : i32 {
          %add3A_199 = arith.constant 48 : i32
          %add3A_200 = arith.addi %add3A_199, %scan3A_197 : i32
          %broadcast_in_dim3A_201 = arith.constant 0.000000e+00 : f32
          %broadcast_in_dim3A_202 = vector.broadcast %broadcast_in_dim3A_201 : f32 to vector<16xf32>
          %get3A_203 = arith.index_cast %add3A_200 : i32 to index
          %get3A_204 = arith.constant 0 : index
          %get3A_205 = tpu.vector_load %arg13[%get3A_203, %get3A_204] {strides = array<i32>} : memref<80x128xf32, #tpu.memory_space<vmem>>, vector<1x16xf32>,
          %get3A_206 = vector.shape_cast %get3A_205 : vector<1x16xf32> to vector<16xf32>
          %get3A_207 = arith.index_cast %add3A_200 : i32 to index
          %get3A_208 = arith.constant 0 : index
          %get3A_209 = tpu.vector_load %arg14[%get3A_207, %get3A_208] {strides = array<i32>} : memref<80x128xf32, #tpu.memory_space<vmem>>, vector<1x16xf32>,
          %get3A_210 = vector.shape_cast %get3A_209 : vector<1x16xf32> to vector<16xf32>
          %add3A_211 = arith.addf %get3A_206, %get3A_210 : vector<16xf32>
          %max3A = arith.constant 0.000000e+00 : f32
          %max3A_212 = vector.broadcast %max3A : f32 to vector<16xf32>
          %max3A_213 = arith.maximumf %add3A_211, %max3A_212 : vector<16xf32>
          %mul3A_214 = arith.mulf %max3A_213, %get3A_2 : vector<16xf32>
          %add3A_215 = arith.addf %broadcast_in_dim3A_202, %mul3A_214 : vector<16xf32>
          %get3A_216 = arith.index_cast %add3A_200 : i32 to index
          %get3A_217 = arith.constant 16 : index
          %get3A_218 = tpu.vector_load %arg13[%get3A_216, %get3A_217] {strides = array<i32>} : memref<80x128xf32, #tpu.memory_space<vmem>>, vector<1x16xf32>,
          %get3A_219 = vector.shape_cast %get3A_218 : vector<1x16xf32> to vector<16xf32>
          %get3A_220 = arith.index_cast %add3A_200 : i32 to index
          %get3A_221 = arith.constant 16 : index
          %get3A_222 = tpu.vector_load %arg14[%get3A_220, %get3A_221] {strides = array<i32>} : memref<80x128xf32, #tpu.memory_space<vmem>>, vector<1x16xf32>,
          %get3A_223 = vector.shape_cast %get3A_222 : vector<1x16xf32> to vector<16xf32>
          %add3A_224 = arith.addf %get3A_219, %get3A_223 : vector<16xf32>
          %max3A_225 = arith.constant 0.000000e+00 : f32
          %max3A_226 = vector.broadcast %max3A_225 : f32 to vector<16xf32>
          %max3A_227 = arith.maximumf %add3A_224, %max3A_226 : vector<16xf32>
          %mul3A_228 = arith.mulf %max3A_227, %get3A_5 : vector<16xf32>
          %add3A_229 = arith.addf %add3A_215, %mul3A_228 : vector<16xf32>
          %get3A_230 = arith.index_cast %add3A_200 : i32 to index
          %get3A_231 = arith.constant 32 : index
          %get3A_232 = tpu.vector_load %arg13[%get3A_230, %get3A_231] {strides = array<i32>} : memref<80x128xf32, #tpu.memory_space<vmem>>, vector<1x16xf32>,
          %get3A_233 = vector.shape_cast %get3A_232 : vector<1x16xf32> to vector<16xf32>
          %get3A_234 = arith.index_cast %add3A_200 : i32 to index
          %get3A_235 = arith.constant 32 : index
          %get3A_236 = tpu.vector_load %arg14[%get3A_234, %get3A_235] {strides = array<i32>} : memref<80x128xf32, #tpu.memory_space<vmem>>, vector<1x16xf32>,
          %get3A_237 = vector.shape_cast %get3A_236 : vector<1x16xf32> to vector<16xf32>
          %add3A_238 = arith.addf %get3A_233, %get3A_237 : vector<16xf32>
          %max3A_239 = arith.constant 0.000000e+00 : f32
          %max3A_240 = vector.broadcast %max3A_239 : f32 to vector<16xf32>
          %max3A_241 = arith.maximumf %add3A_238, %max3A_240 : vector<16xf32>
          %mul3A_242 = arith.mulf %max3A_241, %get3A_8 : vector<16xf32>
          %add3A_243 = arith.addf %add3A_229, %mul3A_242 : vector<16xf32>
          %get3A_244 = arith.index_cast %add3A_200 : i32 to index
          %get3A_245 = arith.constant 48 : index
          %get3A_246 = tpu.vector_load %arg13[%get3A_244, %get3A_245] {strides = array<i32>} : memref<80x128xf32, #tpu.memory_space<vmem>>, vector<1x16xf32>,
          %get3A_247 = vector.shape_cast %get3A_246 : vector<1x16xf32> to vector<16xf32>
          %get3A_248 = arith.index_cast %add3A_200 : i32 to index
          %get3A_249 = arith.constant 48 : index
          %get3A_250 = tpu.vector_load %arg14[%get3A_248, %get3A_249] {strides = array<i32>} : memref<80x128xf32, #tpu.memory_space<vmem>>, vector<1x16xf32>,
          %get3A_251 = vector.shape_cast %get3A_250 : vector<1x16xf32> to vector<16xf32>
          %add3A_252 = arith.addf %get3A_247, %get3A_251 : vector<16xf32>
          %max3A_253 = arith.constant 0.000000e+00 : f32
          %max3A_254 = vector.broadcast %max3A_253 : f32 to vector<16xf32>
          %max3A_255 = arith.maximumf %add3A_252, %max3A_254 : vector<16xf32>
          %mul3A_256 = arith.mulf %max3A_255, %get3A_11 : vector<16xf32>
          %add3A_257 = arith.addf %add3A_243, %mul3A_256 : vector<16xf32>
          %get3A_258 = arith.index_cast %add3A_200 : i32 to index
          %get3A_259 = arith.constant 64 : index
          %get3A_260 = tpu.vector_load %arg13[%get3A_258, %get3A_259] {strides = array<i32>} : memref<80x128xf32, #tpu.memory_space<vmem>>, vector<1x16xf32>,
          %get3A_261 = vector.shape_cast %get3A_260 : vector<1x16xf32> to vector<16xf32>
          %get3A_262 = arith.index_cast %add3A_200 : i32 to index
          %get3A_263 = arith.constant 64 : index
          %get3A_264 = tpu.vector_load %arg14[%get3A_262, %get3A_263] {strides = array<i32>} : memref<80x128xf32, #tpu.memory_space<vmem>>, vector<1x16xf32>,
          %get3A_265 = vector.shape_cast %get3A_264 : vector<1x16xf32> to vector<16xf32>
          %add3A_266 = arith.addf %get3A_261, %get3A_265 : vector<16xf32>
          %max3A_267 = arith.constant 0.000000e+00 : f32
          %max3A_268 = vector.broadcast %max3A_267 : f32 to vector<16xf32>
          %max3A_269 = arith.maximumf %add3A_266, %max3A_268 : vector<16xf32>
          %mul3A_270 = arith.mulf %max3A_269, %get3A_14 : vector<16xf32>
          %add3A_271 = arith.addf %add3A_257, %mul3A_270 : vector<16xf32>
          %get3A_272 = arith.index_cast %add3A_200 : i32 to index
          %get3A_273 = arith.constant 80 : index
          %get3A_274 = tpu.vector_load %arg13[%get3A_272, %get3A_273] {strides = array<i32>} : memref<80x128xf32, #tpu.memory_space<vmem>>, vector<1x16xf32>,
          %get3A_275 = vector.shape_cast %get3A_274 : vector<1x16xf32> to vector<16xf32>
          %get3A_276 = arith.index_cast %add3A_200 : i32 to index
          %get3A_277 = arith.constant 80 : index
          %get3A_278 = tpu.vector_load %arg14[%get3A_276, %get3A_277] {strides = array<i32>} : memref<80x128xf32, #tpu.memory_space<vmem>>, vector<1x16xf32>,
          %get3A_279 = vector.shape_cast %get3A_278 : vector<1x16xf32> to vector<16xf32>
          %add3A_280 = arith.addf %get3A_275, %get3A_279 : vector<16xf32>
          %max3A_281 = arith.constant 0.000000e+00 : f32
          %max3A_282 = vector.broadcast %max3A_281 : f32 to vector<16xf32>
          %max3A_283 = arith.maximumf %add3A_280, %max3A_282 : vector<16xf32>
          %mul3A_284 = arith.mulf %max3A_283, %get3A_17 : vector<16xf32>
          %add3A_285 = arith.addf %add3A_271, %mul3A_284 : vector<16xf32>
          %get3A_286 = arith.index_cast %add3A_200 : i32 to index
          %get3A_287 = arith.constant 96 : index
          %get3A_288 = tpu.vector_load %arg13[%get3A_286, %get3A_287] {strides = array<i32>} : memref<80x128xf32, #tpu.memory_space<vmem>>, vector<1x16xf32>,
          %get3A_289 = vector.shape_cast %get3A_288 : vector<1x16xf32> to vector<16xf32>
          %get3A_290 = arith.index_cast %add3A_200 : i32 to index
          %get3A_291 = arith.constant 96 : index
          %get3A_292 = tpu.vector_load %arg14[%get3A_290, %get3A_291] {strides = array<i32>} : memref<80x128xf32, #tpu.memory_space<vmem>>, vector<1x16xf32>,
          %get3A_293 = vector.shape_cast %get3A_292 : vector<1x16xf32> to vector<16xf32>
          %add3A_294 = arith.addf %get3A_289, %get3A_293 : vector<16xf32>
          %max3A_295 = arith.constant 0.000000e+00 : f32
          %max3A_296 = vector.broadcast %max3A_295 : f32 to vector<16xf32>
          %max3A_297 = arith.maximumf %add3A_294, %max3A_296 : vector<16xf32>
          %mul3A_298 = arith.mulf %max3A_297, %get3A_20 : vector<16xf32>
          %add3A_299 = arith.addf %add3A_285, %mul3A_298 : vector<16xf32>
          %get3A_300 = arith.index_cast %add3A_200 : i32 to index
          %get3A_301 = arith.constant 112 : index
          %get3A_302 = tpu.vector_load %arg13[%get3A_300, %get3A_301] {strides = array<i32>} : memref<80x128xf32, #tpu.memory_space<vmem>>, vector<1x16xf32>,
          %get3A_303 = vector.shape_cast %get3A_302 : vector<1x16xf32> to vector<16xf32>
          %get3A_304 = arith.index_cast %add3A_200 : i32 to index
          %get3A_305 = arith.constant 112 : index
          %get3A_306 = tpu.vector_load %arg14[%get3A_304, %get3A_305] {strides = array<i32>} : memref<80x128xf32, #tpu.memory_space<vmem>>, vector<1x16xf32>,
          %get3A_307 = vector.shape_cast %get3A_306 : vector<1x16xf32> to vector<16xf32>
          %add3A_308 = arith.addf %get3A_303, %get3A_307 : vector<16xf32>
          %max3A_309 = arith.constant 0.000000e+00 : f32
          %max3A_310 = vector.broadcast %max3A_309 : f32 to vector<16xf32>
          %max3A_311 = arith.maximumf %add3A_308, %max3A_310 : vector<16xf32>
          %mul3A_312 = arith.mulf %max3A_311, %get3A_23 : vector<16xf32>
          %add3A_313 = arith.addf %add3A_299, %mul3A_312 : vector<16xf32>
          %xor3A = arith.constant 8 : i32
          %xor3A_314 = vector.broadcast %xor3A : i32 to vector<16xi32>
          %xor3A_315 = arith.xori %iota3A, %xor3A_314 : vector<16xi32>
          %broadcast_in_dim3A_316 = vector.shape_cast %xor3A_315 : vector<16xi32> to vector<16x1xi32>
          %gather3A = vector.shape_cast %broadcast_in_dim3A_316 : vector<16x1xi32> to vector<16xi32>
          %gather3A_317 = tpu.dynamic_gather %add3A_313[%gather3A] in [0] : vector<16xf32>, vector<16xi32> -> vector<16xf32>
          %add3A_318 = arith.addf %add3A_313, %gather3A_317 : vector<16xf32>
          %xor3A_319 = arith.constant 4 : i32
          %xor3A_320 = vector.broadcast %xor3A_319 : i32 to vector<16xi32>
          %xor3A_321 = arith.xori %iota3A, %xor3A_320 : vector<16xi32>
          %broadcast_in_dim3A_322 = vector.shape_cast %xor3A_321 : vector<16xi32> to vector<16x1xi32>
          %gather3A_323 = vector.shape_cast %broadcast_in_dim3A_322 : vector<16x1xi32> to vector<16xi32>
          %gather3A_324 = tpu.dynamic_gather %add3A_318[%gather3A_323] in [0] : vector<16xf32>, vector<16xi32> -> vector<16xf32>
          %add3A_325 = arith.addf %add3A_318, %gather3A_324 : vector<16xf32>
          %xor3A_326 = arith.constant 2 : i32
          %xor3A_327 = vector.broadcast %xor3A_326 : i32 to vector<16xi32>
          %xor3A_328 = arith.xori %iota3A, %xor3A_327 : vector<16xi32>
          %broadcast_in_dim3A_329 = vector.shape_cast %xor3A_328 : vector<16xi32> to vector<16x1xi32>
          %gather3A_330 = vector.shape_cast %broadcast_in_dim3A_329 : vector<16x1xi32> to vector<16xi32>
          %gather3A_331 = tpu.dynamic_gather %add3A_325[%gather3A_330] in [0] : vector<16xf32>, vector<16xi32> -> vector<16xf32>
          %add3A_332 = arith.addf %add3A_325, %gather3A_331 : vector<16xf32>
          %xor3A_333 = arith.constant 1 : i32
          %xor3A_334 = vector.broadcast %xor3A_333 : i32 to vector<16xi32>
          %xor3A_335 = arith.xori %iota3A, %xor3A_334 : vector<16xi32>
          %broadcast_in_dim3A_336 = vector.shape_cast %xor3A_335 : vector<16xi32> to vector<16x1xi32>
          %gather3A_337 = vector.shape_cast %broadcast_in_dim3A_336 : vector<16x1xi32> to vector<16xi32>
          %gather3A_338 = tpu.dynamic_gather %add3A_332[%gather3A_337] in [0] : vector<16xf32>, vector<16xi32> -> vector<16xf32>
          %add3A_339 = arith.addf %add3A_332, %gather3A_338 : vector<16xf32>
          %eq3A_340 = vector.broadcast %scan3A_197 : i32 to vector<16xi32>
          %eq3A_341 = arith.cmpi eq, %iota3A, %eq3A_340 : vector<16xi32>
          %select_n3A_342 = arith.select %eq3A_341, %add3A_339, %scan3A_198 : vector<16xi1>, vector<16xf32>
          scf.yield %select_n3A_342 : vector<16xf32>
        }
        %scan3A_164 = arith.constant 16 : i32
        %get3A_165 = arith.constant 0 : index
        %get3A_166 = tpu.vector_load %arg16[%get3A_165] {strides = array<i32>} : memref<16xf32, #tpu.memory_space<vmem>>, vector<16xf32>,
        %get3A_167 = vector.shape_cast %get3A_166 : vector<16xf32> to vector<16xf32>
        %add3A_168 = arith.addf %scan3A_163, %get3A_167 : vector<16xf32>
        %mul3A_169 = arith.constant 80 : i32
        %mul3A_170 = arith.muli %add3A_47, %mul3A_169 : i32
        %add3A_171 = arith.constant 48 : i32
        %add3A_172 = arith.addi %mul3A_170, %add3A_171 : i32
        %swap3A_173 = arith.index_cast %add3A_172 : i32 to index
        %swap3A_174 = tpu.vector_load %arg17[%swap3A_173] {strides = array<i32>} : memref<10000xf32, #tpu.memory_space<vmem>>, vector<16xf32>,
        %swap3A_175 = vector.shape_cast %swap3A_174 : vector<16xf32> to vector<16xf32>
        %swap3A_176 = vector.shape_cast %add3A_168 : vector<16xf32> to vector<16xf32>
        tpu.vector_store %arg17[%swap3A_173], %swap3A_176 {strides = array<i32>} : memref<10000xf32, #tpu.memory_space<vmem>>, vector<16xf32>,
        %broadcast_in_dim3A_177 = arith.constant 0.000000e+00 : f32
        %broadcast_in_dim3A_178 = vector.broadcast %broadcast_in_dim3A_177 : f32 to vector<16xf32>
        %scan3A_179 = arith.constant 0 : i32
        %scan3A_180 = arith.constant 16 : i32
        %scan3A_181 = arith.addi %scan3A_179, %scan3A_180 : i32
        %scan3A_182 = arith.constant 1 : i32
        %scan3A_183 = scf.for %scan3A_197 = %scan3A_179 to %scan3A_181 step %scan3A_182 iter_args(%scan3A_198 = %broadcast_in_dim3A_178) -> (vector<16xf32>)  : i32 {
          %add3A_199 = arith.constant 64 : i32
          %add3A_200 = arith.addi %add3A_199, %scan3A_197 : i32
          %broadcast_in_dim3A_201 = arith.constant 0.000000e+00 : f32
          %broadcast_in_dim3A_202 = vector.broadcast %broadcast_in_dim3A_201 : f32 to vector<16xf32>
          %get3A_203 = arith.index_cast %add3A_200 : i32 to index
          %get3A_204 = arith.constant 0 : index
          %get3A_205 = tpu.vector_load %arg13[%get3A_203, %get3A_204] {strides = array<i32>} : memref<80x128xf32, #tpu.memory_space<vmem>>, vector<1x16xf32>,
          %get3A_206 = vector.shape_cast %get3A_205 : vector<1x16xf32> to vector<16xf32>
          %get3A_207 = arith.index_cast %add3A_200 : i32 to index
          %get3A_208 = arith.constant 0 : index
          %get3A_209 = tpu.vector_load %arg14[%get3A_207, %get3A_208] {strides = array<i32>} : memref<80x128xf32, #tpu.memory_space<vmem>>, vector<1x16xf32>,
          %get3A_210 = vector.shape_cast %get3A_209 : vector<1x16xf32> to vector<16xf32>
          %add3A_211 = arith.addf %get3A_206, %get3A_210 : vector<16xf32>
          %max3A = arith.constant 0.000000e+00 : f32
          %max3A_212 = vector.broadcast %max3A : f32 to vector<16xf32>
          %max3A_213 = arith.maximumf %add3A_211, %max3A_212 : vector<16xf32>
          %mul3A_214 = arith.mulf %max3A_213, %get3A_2 : vector<16xf32>
          %add3A_215 = arith.addf %broadcast_in_dim3A_202, %mul3A_214 : vector<16xf32>
          %get3A_216 = arith.index_cast %add3A_200 : i32 to index
          %get3A_217 = arith.constant 16 : index
          %get3A_218 = tpu.vector_load %arg13[%get3A_216, %get3A_217] {strides = array<i32>} : memref<80x128xf32, #tpu.memory_space<vmem>>, vector<1x16xf32>,
          %get3A_219 = vector.shape_cast %get3A_218 : vector<1x16xf32> to vector<16xf32>
          %get3A_220 = arith.index_cast %add3A_200 : i32 to index
          %get3A_221 = arith.constant 16 : index
          %get3A_222 = tpu.vector_load %arg14[%get3A_220, %get3A_221] {strides = array<i32>} : memref<80x128xf32, #tpu.memory_space<vmem>>, vector<1x16xf32>,
          %get3A_223 = vector.shape_cast %get3A_222 : vector<1x16xf32> to vector<16xf32>
          %add3A_224 = arith.addf %get3A_219, %get3A_223 : vector<16xf32>
          %max3A_225 = arith.constant 0.000000e+00 : f32
          %max3A_226 = vector.broadcast %max3A_225 : f32 to vector<16xf32>
          %max3A_227 = arith.maximumf %add3A_224, %max3A_226 : vector<16xf32>
          %mul3A_228 = arith.mulf %max3A_227, %get3A_5 : vector<16xf32>
          %add3A_229 = arith.addf %add3A_215, %mul3A_228 : vector<16xf32>
          %get3A_230 = arith.index_cast %add3A_200 : i32 to index
          %get3A_231 = arith.constant 32 : index
          %get3A_232 = tpu.vector_load %arg13[%get3A_230, %get3A_231] {strides = array<i32>} : memref<80x128xf32, #tpu.memory_space<vmem>>, vector<1x16xf32>,
          %get3A_233 = vector.shape_cast %get3A_232 : vector<1x16xf32> to vector<16xf32>
          %get3A_234 = arith.index_cast %add3A_200 : i32 to index
          %get3A_235 = arith.constant 32 : index
          %get3A_236 = tpu.vector_load %arg14[%get3A_234, %get3A_235] {strides = array<i32>} : memref<80x128xf32, #tpu.memory_space<vmem>>, vector<1x16xf32>,
          %get3A_237 = vector.shape_cast %get3A_236 : vector<1x16xf32> to vector<16xf32>
          %add3A_238 = arith.addf %get3A_233, %get3A_237 : vector<16xf32>
          %max3A_239 = arith.constant 0.000000e+00 : f32
          %max3A_240 = vector.broadcast %max3A_239 : f32 to vector<16xf32>
          %max3A_241 = arith.maximumf %add3A_238, %max3A_240 : vector<16xf32>
          %mul3A_242 = arith.mulf %max3A_241, %get3A_8 : vector<16xf32>
          %add3A_243 = arith.addf %add3A_229, %mul3A_242 : vector<16xf32>
          %get3A_244 = arith.index_cast %add3A_200 : i32 to index
          %get3A_245 = arith.constant 48 : index
          %get3A_246 = tpu.vector_load %arg13[%get3A_244, %get3A_245] {strides = array<i32>} : memref<80x128xf32, #tpu.memory_space<vmem>>, vector<1x16xf32>,
          %get3A_247 = vector.shape_cast %get3A_246 : vector<1x16xf32> to vector<16xf32>
          %get3A_248 = arith.index_cast %add3A_200 : i32 to index
          %get3A_249 = arith.constant 48 : index
          %get3A_250 = tpu.vector_load %arg14[%get3A_248, %get3A_249] {strides = array<i32>} : memref<80x128xf32, #tpu.memory_space<vmem>>, vector<1x16xf32>,
          %get3A_251 = vector.shape_cast %get3A_250 : vector<1x16xf32> to vector<16xf32>
          %add3A_252 = arith.addf %get3A_247, %get3A_251 : vector<16xf32>
          %max3A_253 = arith.constant 0.000000e+00 : f32
          %max3A_254 = vector.broadcast %max3A_253 : f32 to vector<16xf32>
          %max3A_255 = arith.maximumf %add3A_252, %max3A_254 : vector<16xf32>
          %mul3A_256 = arith.mulf %max3A_255, %get3A_11 : vector<16xf32>
          %add3A_257 = arith.addf %add3A_243, %mul3A_256 : vector<16xf32>
          %get3A_258 = arith.index_cast %add3A_200 : i32 to index
          %get3A_259 = arith.constant 64 : index
          %get3A_260 = tpu.vector_load %arg13[%get3A_258, %get3A_259] {strides = array<i32>} : memref<80x128xf32, #tpu.memory_space<vmem>>, vector<1x16xf32>,
          %get3A_261 = vector.shape_cast %get3A_260 : vector<1x16xf32> to vector<16xf32>
          %get3A_262 = arith.index_cast %add3A_200 : i32 to index
          %get3A_263 = arith.constant 64 : index
          %get3A_264 = tpu.vector_load %arg14[%get3A_262, %get3A_263] {strides = array<i32>} : memref<80x128xf32, #tpu.memory_space<vmem>>, vector<1x16xf32>,
          %get3A_265 = vector.shape_cast %get3A_264 : vector<1x16xf32> to vector<16xf32>
          %add3A_266 = arith.addf %get3A_261, %get3A_265 : vector<16xf32>
          %max3A_267 = arith.constant 0.000000e+00 : f32
          %max3A_268 = vector.broadcast %max3A_267 : f32 to vector<16xf32>
          %max3A_269 = arith.maximumf %add3A_266, %max3A_268 : vector<16xf32>
          %mul3A_270 = arith.mulf %max3A_269, %get3A_14 : vector<16xf32>
          %add3A_271 = arith.addf %add3A_257, %mul3A_270 : vector<16xf32>
          %get3A_272 = arith.index_cast %add3A_200 : i32 to index
          %get3A_273 = arith.constant 80 : index
          %get3A_274 = tpu.vector_load %arg13[%get3A_272, %get3A_273] {strides = array<i32>} : memref<80x128xf32, #tpu.memory_space<vmem>>, vector<1x16xf32>,
          %get3A_275 = vector.shape_cast %get3A_274 : vector<1x16xf32> to vector<16xf32>
          %get3A_276 = arith.index_cast %add3A_200 : i32 to index
          %get3A_277 = arith.constant 80 : index
          %get3A_278 = tpu.vector_load %arg14[%get3A_276, %get3A_277] {strides = array<i32>} : memref<80x128xf32, #tpu.memory_space<vmem>>, vector<1x16xf32>,
          %get3A_279 = vector.shape_cast %get3A_278 : vector<1x16xf32> to vector<16xf32>
          %add3A_280 = arith.addf %get3A_275, %get3A_279 : vector<16xf32>
          %max3A_281 = arith.constant 0.000000e+00 : f32
          %max3A_282 = vector.broadcast %max3A_281 : f32 to vector<16xf32>
          %max3A_283 = arith.maximumf %add3A_280, %max3A_282 : vector<16xf32>
          %mul3A_284 = arith.mulf %max3A_283, %get3A_17 : vector<16xf32>
          %add3A_285 = arith.addf %add3A_271, %mul3A_284 : vector<16xf32>
          %get3A_286 = arith.index_cast %add3A_200 : i32 to index
          %get3A_287 = arith.constant 96 : index
          %get3A_288 = tpu.vector_load %arg13[%get3A_286, %get3A_287] {strides = array<i32>} : memref<80x128xf32, #tpu.memory_space<vmem>>, vector<1x16xf32>,
          %get3A_289 = vector.shape_cast %get3A_288 : vector<1x16xf32> to vector<16xf32>
          %get3A_290 = arith.index_cast %add3A_200 : i32 to index
          %get3A_291 = arith.constant 96 : index
          %get3A_292 = tpu.vector_load %arg14[%get3A_290, %get3A_291] {strides = array<i32>} : memref<80x128xf32, #tpu.memory_space<vmem>>, vector<1x16xf32>,
          %get3A_293 = vector.shape_cast %get3A_292 : vector<1x16xf32> to vector<16xf32>
          %add3A_294 = arith.addf %get3A_289, %get3A_293 : vector<16xf32>
          %max3A_295 = arith.constant 0.000000e+00 : f32
          %max3A_296 = vector.broadcast %max3A_295 : f32 to vector<16xf32>
          %max3A_297 = arith.maximumf %add3A_294, %max3A_296 : vector<16xf32>
          %mul3A_298 = arith.mulf %max3A_297, %get3A_20 : vector<16xf32>
          %add3A_299 = arith.addf %add3A_285, %mul3A_298 : vector<16xf32>
          %get3A_300 = arith.index_cast %add3A_200 : i32 to index
          %get3A_301 = arith.constant 112 : index
          %get3A_302 = tpu.vector_load %arg13[%get3A_300, %get3A_301] {strides = array<i32>} : memref<80x128xf32, #tpu.memory_space<vmem>>, vector<1x16xf32>,
          %get3A_303 = vector.shape_cast %get3A_302 : vector<1x16xf32> to vector<16xf32>
          %get3A_304 = arith.index_cast %add3A_200 : i32 to index
          %get3A_305 = arith.constant 112 : index
          %get3A_306 = tpu.vector_load %arg14[%get3A_304, %get3A_305] {strides = array<i32>} : memref<80x128xf32, #tpu.memory_space<vmem>>, vector<1x16xf32>,
          %get3A_307 = vector.shape_cast %get3A_306 : vector<1x16xf32> to vector<16xf32>
          %add3A_308 = arith.addf %get3A_303, %get3A_307 : vector<16xf32>
          %max3A_309 = arith.constant 0.000000e+00 : f32
          %max3A_310 = vector.broadcast %max3A_309 : f32 to vector<16xf32>
          %max3A_311 = arith.maximumf %add3A_308, %max3A_310 : vector<16xf32>
          %mul3A_312 = arith.mulf %max3A_311, %get3A_23 : vector<16xf32>
          %add3A_313 = arith.addf %add3A_299, %mul3A_312 : vector<16xf32>
          %xor3A = arith.constant 8 : i32
          %xor3A_314 = vector.broadcast %xor3A : i32 to vector<16xi32>
          %xor3A_315 = arith.xori %iota3A, %xor3A_314 : vector<16xi32>
          %broadcast_in_dim3A_316 = vector.shape_cast %xor3A_315 : vector<16xi32> to vector<16x1xi32>
          %gather3A = vector.shape_cast %broadcast_in_dim3A_316 : vector<16x1xi32> to vector<16xi32>
          %gather3A_317 = tpu.dynamic_gather %add3A_313[%gather3A] in [0] : vector<16xf32>, vector<16xi32> -> vector<16xf32>
          %add3A_318 = arith.addf %add3A_313, %gather3A_317 : vector<16xf32>
          %xor3A_319 = arith.constant 4 : i32
          %xor3A_320 = vector.broadcast %xor3A_319 : i32 to vector<16xi32>
          %xor3A_321 = arith.xori %iota3A, %xor3A_320 : vector<16xi32>
          %broadcast_in_dim3A_322 = vector.shape_cast %xor3A_321 : vector<16xi32> to vector<16x1xi32>
          %gather3A_323 = vector.shape_cast %broadcast_in_dim3A_322 : vector<16x1xi32> to vector<16xi32>
          %gather3A_324 = tpu.dynamic_gather %add3A_318[%gather3A_323] in [0] : vector<16xf32>, vector<16xi32> -> vector<16xf32>
          %add3A_325 = arith.addf %add3A_318, %gather3A_324 : vector<16xf32>
          %xor3A_326 = arith.constant 2 : i32
          %xor3A_327 = vector.broadcast %xor3A_326 : i32 to vector<16xi32>
          %xor3A_328 = arith.xori %iota3A, %xor3A_327 : vector<16xi32>
          %broadcast_in_dim3A_329 = vector.shape_cast %xor3A_328 : vector<16xi32> to vector<16x1xi32>
          %gather3A_330 = vector.shape_cast %broadcast_in_dim3A_329 : vector<16x1xi32> to vector<16xi32>
          %gather3A_331 = tpu.dynamic_gather %add3A_325[%gather3A_330] in [0] : vector<16xf32>, vector<16xi32> -> vector<16xf32>
          %add3A_332 = arith.addf %add3A_325, %gather3A_331 : vector<16xf32>
          %xor3A_333 = arith.constant 1 : i32
          %xor3A_334 = vector.broadcast %xor3A_333 : i32 to vector<16xi32>
          %xor3A_335 = arith.xori %iota3A, %xor3A_334 : vector<16xi32>
          %broadcast_in_dim3A_336 = vector.shape_cast %xor3A_335 : vector<16xi32> to vector<16x1xi32>
          %gather3A_337 = vector.shape_cast %broadcast_in_dim3A_336 : vector<16x1xi32> to vector<16xi32>
          %gather3A_338 = tpu.dynamic_gather %add3A_332[%gather3A_337] in [0] : vector<16xf32>, vector<16xi32> -> vector<16xf32>
          %add3A_339 = arith.addf %add3A_332, %gather3A_338 : vector<16xf32>
          %eq3A_340 = vector.broadcast %scan3A_197 : i32 to vector<16xi32>
          %eq3A_341 = arith.cmpi eq, %iota3A, %eq3A_340 : vector<16xi32>
          %select_n3A_342 = arith.select %eq3A_341, %add3A_339, %scan3A_198 : vector<16xi1>, vector<16xf32>
          scf.yield %select_n3A_342 : vector<16xf32>
        }
        %scan3A_184 = arith.constant 16 : i32
        %get3A_185 = arith.constant 0 : index
        %get3A_186 = tpu.vector_load %arg16[%get3A_185] {strides = array<i32>} : memref<16xf32, #tpu.memory_space<vmem>>, vector<16xf32>,
        %get3A_187 = vector.shape_cast %get3A_186 : vector<16xf32> to vector<16xf32>
        %add3A_188 = arith.addf %scan3A_183, %get3A_187 : vector<16xf32>
        %mul3A_189 = arith.constant 80 : i32
        %mul3A_190 = arith.muli %add3A_47, %mul3A_189 : i32
        %add3A_191 = arith.constant 64 : i32
        %add3A_192 = arith.addi %mul3A_190, %add3A_191 : i32
        %swap3A_193 = arith.index_cast %add3A_192 : i32 to index
        %swap3A_194 = tpu.vector_load %arg17[%swap3A_193] {strides = array<i32>} : memref<10000xf32, #tpu.memory_space<vmem>>, vector<16xf32>,
        %swap3A_195 = vector.shape_cast %swap3A_194 : vector<16xf32> to vector<16xf32>
        %swap3A_196 = vector.shape_cast %add3A_188 : vector<16xf32> to vector<16xf32>
        tpu.vector_store %arg17[%swap3A_193], %swap3A_196 {strides = array<i32>} : memref<10000xf32, #tpu.memory_space<vmem>>, vector<16xf32>,
      } else {
      }
    }
    %scan3A_40 = arith.constant 125 : i32
    %mul3A_41 = arith.constant 10000 : i32
    %mul3A_42 = arith.muli %add3A, %mul3A_41 : i32
    "tpu.region"() ({
      %run_scoped3A = tpu.sem_alloc : memref<!tpu.dma_semaphore, #tpu.memory_space<semaphore_mem>>
      %dma_start3A_43 = tpu.memref_slice %arg8[%mul3A_42] : memref<320000xf32, #tpu.memory_space<hbm>> -> memref<10000xf32, #tpu.memory_space<hbm>>
      %dma_start3A_44 = tpu.memref_slice %arg8[%mul3A_42] : memref<320000xf32, #tpu.memory_space<hbm>> -> memref<10000xf32, #tpu.memory_space<hbm>>
      tpu.enqueue_dma source(%arg17 : memref<10000xf32, #tpu.memory_space<vmem>>) target(%dma_start3A_44 : memref<10000xf32, #tpu.memory_space<hbm>>) target_semaphore(%run_scoped3A : memref<!tpu.dma_semaphore, #tpu.memory_space<semaphore_mem>>)
      %dma_wait3A = tpu.memref_slice %arg8[%mul3A_42] : memref<320000xf32, #tpu.memory_space<hbm>> -> memref<10000xf32, #tpu.memory_space<hbm>>
      %dma_wait3A_45 = tpu.memref_slice %arg8[%mul3A_42] : memref<320000xf32, #tpu.memory_space<hbm>> -> memref<10000xf32, #tpu.memory_space<hbm>>
      tpu.wait_dma2 semaphore(%run_scoped3A : memref<!tpu.dma_semaphore, #tpu.memory_space<semaphore_mem>>) src(%arg17 : memref<10000xf32, #tpu.memory_space<vmem>>) dst(%dma_wait3A_45 : memref<10000xf32, #tpu.memory_space<hbm>>)
      tpu.yield
    }) : () -> ()
    return
  }
}

module attributes {stable_mosaic.version = 14 : i64} {
  func.func @_tc_layer_body(%arg0: i32, %arg1: memref<2x400x128xf32, #tpu.memory_space<vmem>>, %arg2: memref<2x400x128xf32, #tpu.memory_space<vmem>>, %arg3: memref<400x128xf32, #tpu.memory_space<vmem>>, %arg4: memref<128x128xf32, #tpu.memory_space<vmem>>, %arg5: memref<1x128xf32, #tpu.memory_space<vmem>>, %arg6: memref<128x128xf32, #tpu.memory_space<vmem>>, %arg7: memref<400x128xf32, #tpu.memory_space<vmem>>) attributes {dimension_semantics = [#tpu.dimension_semantics<arbitrary>], iteration_bounds = array<i64: 25>, scalar_prefetch = 0 : i64, scratch_operands = 0 : i64, tpu.core_type = #tpu.core_type<tc>, window_params = [{transform_indices = @transform_0, window_bounds = array<i64: 2, 400, 128>}, {transform_indices = @transform_1, window_bounds = array<i64: 2, 400, 128>}, {transform_indices = @transform_2, window_bounds = array<i64: 400, 128>}, {pipeline_mode = #tpu.pipeline_mode<synchronous>, transform_indices = @transform_3, window_bounds = array<i64: 128, 128>}, {pipeline_mode = #tpu.pipeline_mode<synchronous>, transform_indices = @transform_4, window_bounds = array<i64: 1, 128>}, {pipeline_mode = #tpu.pipeline_mode<synchronous>, transform_indices = @transform_5, window_bounds = array<i64: 128, 128>}, {transform_indices = @transform_6, window_bounds = array<i64: 400, 128>}]} {
    %get3A = arith.constant 0 : index
    %get3A_0 = arith.constant 0 : index
    %get3A_1 = arith.constant 0 : index
    %get3A_2 = vector.load %arg2[%get3A, %get3A_0, %get3A_1] : memref<2x400x128xf32, #tpu.memory_space<vmem>>, vector<1x400x1xf32>
    %get3A_3 = vector.shape_cast %get3A_2 : vector<1x400x1xf32> to vector<400x1xf32>
    %get3A_4 = arith.constant 1 : index
    %get3A_5 = arith.constant 0 : index
    %get3A_6 = arith.constant 0 : index
    %get3A_7 = vector.load %arg2[%get3A_4, %get3A_5, %get3A_6] : memref<2x400x128xf32, #tpu.memory_space<vmem>>, vector<1x400x1xf32>
    %get3A_8 = vector.shape_cast %get3A_7 : vector<1x400x1xf32> to vector<400x1xf32>
    %add3A = arith.addf %get3A_3, %get3A_8 : vector<400x1xf32>
    %get3A_9 = arith.constant 0 : index
    %get3A_10 = arith.constant 0 : index
    %get3A_11 = arith.constant 0 : index
    %get3A_12 = vector.load %arg1[%get3A_9, %get3A_10, %get3A_11] : memref<2x400x128xf32, #tpu.memory_space<vmem>>, vector<1x400x128xf32>
    %get3A_13 = vector.shape_cast %get3A_12 : vector<1x400x128xf32> to vector<400x128xf32>
    %get3A_14 = arith.constant 1 : index
    %get3A_15 = arith.constant 0 : index
    %get3A_16 = arith.constant 0 : index
    %get3A_17 = vector.load %arg1[%get3A_14, %get3A_15, %get3A_16] : memref<2x400x128xf32, #tpu.memory_space<vmem>>, vector<1x400x128xf32>
    %get3A_18 = vector.shape_cast %get3A_17 : vector<1x400x128xf32> to vector<400x128xf32>
    %add3A_19 = arith.addf %get3A_13, %get3A_18 : vector<400x128xf32>
    %max3A = arith.constant 1.000000e+00 : f32
    %max3A_20 = vector.broadcast %max3A : f32 to vector<400x1xf32>
    %max3A_21 = arith.maximumf %add3A, %max3A_20 : vector<400x1xf32>
    %div3A = vector.broadcast %max3A_21 : vector<400x1xf32> to vector<400x128xf32>
    %div3A_22 = arith.divf %add3A_19, %div3A : vector<400x128xf32>
    %get3A_23 = arith.constant 0 : index
    %get3A_24 = arith.constant 0 : index
    %get3A_25 = vector.load %arg4[%get3A_23, %get3A_24] : memref<128x128xf32, #tpu.memory_space<vmem>>, vector<128x128xf32>
    %dot_general3A = arith.constant dense<0.000000e+00> : vector<400x128xf32>
    %dot_general3A_26 = tpu.matmul %div3A_22, %get3A_25, %dot_general3A {dimension_numbers = #tpu.dot_dimension_numbers<[1], [0], [0], [1], [0, 0, 1, 1], [], []>, transpose_lhs_hint = false} : vector<400x128xf32>, vector<128x128xf32>, vector<400x128xf32> -> vector<400x128xf32>
    %get3A_27 = arith.constant 0 : index
    %get3A_28 = arith.constant 0 : index
    %get3A_29 = vector.load %arg5[%get3A_27, %get3A_28] : memref<1x128xf32, #tpu.memory_space<vmem>>, vector<1x128xf32>
    %add3A_30 = vector.broadcast %get3A_29 : vector<1x128xf32> to vector<400x128xf32>
    %add3A_31 = arith.addf %dot_general3A_26, %add3A_30 : vector<400x128xf32>
    %get3A_32 = arith.constant 0 : index
    %get3A_33 = arith.constant 0 : index
    %get3A_34 = vector.load %arg3[%get3A_32, %get3A_33] : memref<400x128xf32, #tpu.memory_space<vmem>>, vector<400x128xf32>
    %get3A_35 = arith.constant 0 : index
    %get3A_36 = arith.constant 0 : index
    %get3A_37 = vector.load %arg6[%get3A_35, %get3A_36] : memref<128x128xf32, #tpu.memory_space<vmem>>, vector<128x128xf32>
    %dot_general3A_38 = arith.constant dense<0.000000e+00> : vector<400x128xf32>
    %dot_general3A_39 = tpu.matmul %get3A_34, %get3A_37, %dot_general3A_38 {dimension_numbers = #tpu.dot_dimension_numbers<[1], [0], [0], [1], [0, 0, 1, 1], [], []>, transpose_lhs_hint = false} : vector<400x128xf32>, vector<128x128xf32>, vector<400x128xf32> -> vector<400x128xf32>
    %add3A_40 = arith.addf %add3A_31, %dot_general3A_39 : vector<400x128xf32>
    %max3A_41 = arith.constant 0.000000e+00 : f32
    %max3A_42 = vector.broadcast %max3A_41 : f32 to vector<400x128xf32>
    %max3A_43 = arith.maximumf %add3A_40, %max3A_42 : vector<400x128xf32>
    %swap3A = arith.constant 0 : index
    %swap3A_44 = arith.constant 0 : index
    %swap3A_45 = vector.load %arg7[%swap3A, %swap3A_44] : memref<400x128xf32, #tpu.memory_space<vmem>>, vector<400x128xf32>
    tpu.vector_store %arg7[%swap3A, %swap3A_44], %max3A_43 {strides = array<i32>} : memref<400x128xf32, #tpu.memory_space<vmem>>, vector<400x128xf32>,
    return
  }
  func.func @transform_0(%arg0: i32) -> (i32, i32, i32) {
    %c0_i32 = arith.constant 0 : i32
    %c0_i32_0 = arith.constant 0 : i32
    %c0_i32_1 = arith.constant 0 : i32
    return %c0_i32, %arg0, %c0_i32_0 : i32, i32, i32
  }
  func.func @transform_1(%arg0: i32) -> (i32, i32, i32) {
    %c0_i32 = arith.constant 0 : i32
    %c0_i32_0 = arith.constant 0 : i32
    %c0_i32_1 = arith.constant 0 : i32
    return %c0_i32, %arg0, %c0_i32_0 : i32, i32, i32
  }
  func.func @transform_2(%arg0: i32) -> (i32, i32) {
    %c0_i32 = arith.constant 0 : i32
    %c0_i32_0 = arith.constant 0 : i32
    return %arg0, %c0_i32 : i32, i32
  }
  func.func @transform_3(%arg0: i32) -> (i32, i32) {
    %c0_i32 = arith.constant 0 : i32
    %c0_i32_0 = arith.constant 0 : i32
    %c0_i32_1 = arith.constant 0 : i32
    return %c0_i32, %c0_i32_0 : i32, i32
  }
  func.func @transform_4(%arg0: i32) -> (i32, i32) {
    %c0_i32 = arith.constant 0 : i32
    %c0_i32_0 = arith.constant 0 : i32
    %c0_i32_1 = arith.constant 0 : i32
    return %c0_i32, %c0_i32_0 : i32, i32
  }
  func.func @transform_5(%arg0: i32) -> (i32, i32) {
    %c0_i32 = arith.constant 0 : i32
    %c0_i32_0 = arith.constant 0 : i32
    %c0_i32_1 = arith.constant 0 : i32
    return %c0_i32, %c0_i32_0 : i32, i32
  }
  func.func @transform_6(%arg0: i32) -> (i32, i32) {
    %c0_i32 = arith.constant 0 : i32
    %c0_i32_0 = arith.constant 0 : i32
    return %arg0, %c0_i32 : i32, i32
  }
}

module attributes {stable_mosaic.version = 14 : i64} {
  func.func @_tc_final_body(%arg0: i32, %arg1: memref<2x400x128xf32, #tpu.memory_space<vmem>>, %arg2: memref<2x400x128xf32, #tpu.memory_space<vmem>>, %arg3: memref<400x128xf32, #tpu.memory_space<vmem>>, %arg4: memref<128x128xf32, #tpu.memory_space<vmem>>, %arg5: memref<1x128xf32, #tpu.memory_space<vmem>>, %arg6: memref<128x128xf32, #tpu.memory_space<vmem>>, %arg7: memref<128x128xf32, #tpu.memory_space<vmem>>, %arg8: memref<128x128xf32, #tpu.memory_space<vmem>>, %arg9: memref<1x128xf32, #tpu.memory_space<vmem>>, %arg10: memref<400x128xf32, #tpu.memory_space<vmem>>, %arg11: memref<400x128xf32, #tpu.memory_space<vmem>>) attributes {dimension_semantics = [#tpu.dimension_semantics<arbitrary>], iteration_bounds = array<i64: 25>, scalar_prefetch = 0 : i64, scratch_operands = 0 : i64, tpu.core_type = #tpu.core_type<tc>, window_params = [{transform_indices = @transform_0, window_bounds = array<i64: 2, 400, 128>}, {transform_indices = @transform_1, window_bounds = array<i64: 2, 400, 128>}, {transform_indices = @transform_2, window_bounds = array<i64: 400, 128>}, {pipeline_mode = #tpu.pipeline_mode<synchronous>, transform_indices = @transform_3, window_bounds = array<i64: 128, 128>}, {pipeline_mode = #tpu.pipeline_mode<synchronous>, transform_indices = @transform_4, window_bounds = array<i64: 1, 128>}, {pipeline_mode = #tpu.pipeline_mode<synchronous>, transform_indices = @transform_5, window_bounds = array<i64: 128, 128>}, {pipeline_mode = #tpu.pipeline_mode<synchronous>, transform_indices = @transform_6, window_bounds = array<i64: 128, 128>}, {pipeline_mode = #tpu.pipeline_mode<synchronous>, transform_indices = @transform_7, window_bounds = array<i64: 128, 128>}, {pipeline_mode = #tpu.pipeline_mode<synchronous>, transform_indices = @transform_8, window_bounds = array<i64: 1, 128>}, {transform_indices = @transform_9, window_bounds = array<i64: 400, 128>}, {transform_indices = @transform_10, window_bounds = array<i64: 400, 128>}]} {
    %get3A = arith.constant 0 : index
    %get3A_0 = arith.constant 0 : index
    %get3A_1 = arith.constant 0 : index
    %get3A_2 = vector.load %arg2[%get3A, %get3A_0, %get3A_1] : memref<2x400x128xf32, #tpu.memory_space<vmem>>, vector<1x400x1xf32>
    %get3A_3 = vector.shape_cast %get3A_2 : vector<1x400x1xf32> to vector<400x1xf32>
    %get3A_4 = arith.constant 1 : index
    %get3A_5 = arith.constant 0 : index
    %get3A_6 = arith.constant 0 : index
    %get3A_7 = vector.load %arg2[%get3A_4, %get3A_5, %get3A_6] : memref<2x400x128xf32, #tpu.memory_space<vmem>>, vector<1x400x1xf32>
    %get3A_8 = vector.shape_cast %get3A_7 : vector<1x400x1xf32> to vector<400x1xf32>
    %add3A = arith.addf %get3A_3, %get3A_8 : vector<400x1xf32>
    %get3A_9 = arith.constant 0 : index
    %get3A_10 = arith.constant 0 : index
    %get3A_11 = arith.constant 0 : index
    %get3A_12 = vector.load %arg1[%get3A_9, %get3A_10, %get3A_11] : memref<2x400x128xf32, #tpu.memory_space<vmem>>, vector<1x400x128xf32>
    %get3A_13 = vector.shape_cast %get3A_12 : vector<1x400x128xf32> to vector<400x128xf32>
    %get3A_14 = arith.constant 1 : index
    %get3A_15 = arith.constant 0 : index
    %get3A_16 = arith.constant 0 : index
    %get3A_17 = vector.load %arg1[%get3A_14, %get3A_15, %get3A_16] : memref<2x400x128xf32, #tpu.memory_space<vmem>>, vector<1x400x128xf32>
    %get3A_18 = vector.shape_cast %get3A_17 : vector<1x400x128xf32> to vector<400x128xf32>
    %add3A_19 = arith.addf %get3A_13, %get3A_18 : vector<400x128xf32>
    %max3A = arith.constant 1.000000e+00 : f32
    %max3A_20 = vector.broadcast %max3A : f32 to vector<400x1xf32>
    %max3A_21 = arith.maximumf %add3A, %max3A_20 : vector<400x1xf32>
    %div3A = vector.broadcast %max3A_21 : vector<400x1xf32> to vector<400x128xf32>
    %div3A_22 = arith.divf %add3A_19, %div3A : vector<400x128xf32>
    %get3A_23 = arith.constant 0 : index
    %get3A_24 = arith.constant 0 : index
    %get3A_25 = vector.load %arg4[%get3A_23, %get3A_24] : memref<128x128xf32, #tpu.memory_space<vmem>>, vector<128x128xf32>
    %dot_general3A = arith.constant dense<0.000000e+00> : vector<400x128xf32>
    %dot_general3A_26 = tpu.matmul %div3A_22, %get3A_25, %dot_general3A {dimension_numbers = #tpu.dot_dimension_numbers<[1], [0], [0], [1], [0, 0, 1, 1], [], []>, transpose_lhs_hint = false} : vector<400x128xf32>, vector<128x128xf32>, vector<400x128xf32> -> vector<400x128xf32>
    %get3A_27 = arith.constant 0 : index
    %get3A_28 = arith.constant 0 : index
    %get3A_29 = vector.load %arg5[%get3A_27, %get3A_28] : memref<1x128xf32, #tpu.memory_space<vmem>>, vector<1x128xf32>
    %add3A_30 = vector.broadcast %get3A_29 : vector<1x128xf32> to vector<400x128xf32>
    %add3A_31 = arith.addf %dot_general3A_26, %add3A_30 : vector<400x128xf32>
    %get3A_32 = arith.constant 0 : index
    %get3A_33 = arith.constant 0 : index
    %get3A_34 = vector.load %arg3[%get3A_32, %get3A_33] : memref<400x128xf32, #tpu.memory_space<vmem>>, vector<400x128xf32>
    %get3A_35 = arith.constant 0 : index
    %get3A_36 = arith.constant 0 : index
    %get3A_37 = vector.load %arg6[%get3A_35, %get3A_36] : memref<128x128xf32, #tpu.memory_space<vmem>>, vector<128x128xf32>
    %dot_general3A_38 = arith.constant dense<0.000000e+00> : vector<400x128xf32>
    %dot_general3A_39 = tpu.matmul %get3A_34, %get3A_37, %dot_general3A_38 {dimension_numbers = #tpu.dot_dimension_numbers<[1], [0], [0], [1], [0, 0, 1, 1], [], []>, transpose_lhs_hint = false} : vector<400x128xf32>, vector<128x128xf32>, vector<400x128xf32> -> vector<400x128xf32>
    %add3A_40 = arith.addf %add3A_31, %dot_general3A_39 : vector<400x128xf32>
    %max3A_41 = arith.constant 0.000000e+00 : f32
    %max3A_42 = vector.broadcast %max3A_41 : f32 to vector<400x128xf32>
    %max3A_43 = arith.maximumf %add3A_40, %max3A_42 : vector<400x128xf32>
    %get3A_44 = arith.constant 0 : index
    %get3A_45 = arith.constant 0 : index
    %get3A_46 = vector.load %arg7[%get3A_44, %get3A_45] : memref<128x128xf32, #tpu.memory_space<vmem>>, vector<128x128xf32>
    %dot_general3A_47 = arith.constant dense<0.000000e+00> : vector<400x128xf32>
    %dot_general3A_48 = tpu.matmul %max3A_43, %get3A_46, %dot_general3A_47 {dimension_numbers = #tpu.dot_dimension_numbers<[1], [0], [0], [1], [0, 0, 1, 1], [], []>, transpose_lhs_hint = false} : vector<400x128xf32>, vector<128x128xf32>, vector<400x128xf32> -> vector<400x128xf32>
    %get3A_49 = arith.constant 0 : index
    %get3A_50 = arith.constant 0 : index
    %get3A_51 = vector.load %arg9[%get3A_49, %get3A_50] : memref<1x128xf32, #tpu.memory_space<vmem>>, vector<1x128xf32>
    %add3A_52 = vector.broadcast %get3A_51 : vector<1x128xf32> to vector<400x128xf32>
    %add3A_53 = arith.addf %dot_general3A_48, %add3A_52 : vector<400x128xf32>
    %swap3A = arith.constant 0 : index
    %swap3A_54 = arith.constant 0 : index
    %swap3A_55 = vector.load %arg10[%swap3A, %swap3A_54] : memref<400x128xf32, #tpu.memory_space<vmem>>, vector<400x128xf32>
    tpu.vector_store %arg10[%swap3A, %swap3A_54], %add3A_53 {strides = array<i32>} : memref<400x128xf32, #tpu.memory_space<vmem>>, vector<400x128xf32>,
    %get3A_56 = arith.constant 0 : index
    %get3A_57 = arith.constant 0 : index
    %get3A_58 = vector.load %arg8[%get3A_56, %get3A_57] : memref<128x128xf32, #tpu.memory_space<vmem>>, vector<128x128xf32>
    %dot_general3A_59 = arith.constant dense<0.000000e+00> : vector<400x128xf32>
    %dot_general3A_60 = tpu.matmul %max3A_43, %get3A_58, %dot_general3A_59 {dimension_numbers = #tpu.dot_dimension_numbers<[1], [0], [0], [1], [0, 0, 1, 1], [], []>, transpose_lhs_hint = false} : vector<400x128xf32>, vector<128x128xf32>, vector<400x128xf32> -> vector<400x128xf32>
    %swap3A_61 = arith.constant 0 : index
    %swap3A_62 = arith.constant 0 : index
    %swap3A_63 = vector.load %arg11[%swap3A_61, %swap3A_62] : memref<400x128xf32, #tpu.memory_space<vmem>>, vector<400x128xf32>
    tpu.vector_store %arg11[%swap3A_61, %swap3A_62], %dot_general3A_60 {strides = array<i32>} : memref<400x128xf32, #tpu.memory_space<vmem>>, vector<400x128xf32>,
    return
  }
  func.func @transform_0(%arg0: i32) -> (i32, i32, i32) {
    %c0_i32 = arith.constant 0 : i32
    %c0_i32_0 = arith.constant 0 : i32
    %c0_i32_1 = arith.constant 0 : i32
    return %c0_i32, %arg0, %c0_i32_0 : i32, i32, i32
  }
  func.func @transform_1(%arg0: i32) -> (i32, i32, i32) {
    %c0_i32 = arith.constant 0 : i32
    %c0_i32_0 = arith.constant 0 : i32
    %c0_i32_1 = arith.constant 0 : i32
    return %c0_i32, %arg0, %c0_i32_0 : i32, i32, i32
  }
  func.func @transform_2(%arg0: i32) -> (i32, i32) {
    %c0_i32 = arith.constant 0 : i32
    %c0_i32_0 = arith.constant 0 : i32
    return %arg0, %c0_i32 : i32, i32
  }
  func.func @transform_3(%arg0: i32) -> (i32, i32) {
    %c0_i32 = arith.constant 0 : i32
    %c0_i32_0 = arith.constant 0 : i32
    %c0_i32_1 = arith.constant 0 : i32
    return %c0_i32, %c0_i32_0 : i32, i32
  }
  func.func @transform_4(%arg0: i32) -> (i32, i32) {
    %c0_i32 = arith.constant 0 : i32
    %c0_i32_0 = arith.constant 0 : i32
    %c0_i32_1 = arith.constant 0 : i32
    return %c0_i32, %c0_i32_0 : i32, i32
  }
  func.func @transform_5(%arg0: i32) -> (i32, i32) {
    %c0_i32 = arith.constant 0 : i32
    %c0_i32_0 = arith.constant 0 : i32
    %c0_i32_1 = arith.constant 0 : i32
    return %c0_i32, %c0_i32_0 : i32, i32
  }
  func.func @transform_6(%arg0: i32) -> (i32, i32) {
    %c0_i32 = arith.constant 0 : i32
    %c0_i32_0 = arith.constant 0 : i32
    %c0_i32_1 = arith.constant 0 : i32
    return %c0_i32, %c0_i32_0 : i32, i32
  }
  func.func @transform_7(%arg0: i32) -> (i32, i32) {
    %c0_i32 = arith.constant 0 : i32
    %c0_i32_0 = arith.constant 0 : i32
    %c0_i32_1 = arith.constant 0 : i32
    return %c0_i32, %c0_i32_0 : i32, i32
  }
  func.func @transform_8(%arg0: i32) -> (i32, i32) {
    %c0_i32 = arith.constant 0 : i32
    %c0_i32_0 = arith.constant 0 : i32
    %c0_i32_1 = arith.constant 0 : i32
    return %c0_i32, %c0_i32_0 : i32, i32
  }
  func.func @transform_9(%arg0: i32) -> (i32, i32) {
    %c0_i32 = arith.constant 0 : i32
    %c0_i32_0 = arith.constant 0 : i32
    return %arg0, %c0_i32 : i32, i32
  }
  func.func @transform_10(%arg0: i32) -> (i32, i32) {
    %c0_i32 = arith.constant 0 : i32
    %c0_i32_0 = arith.constant 0 : i32
    return %arg0, %c0_i32 : i32, i32
  }
}

</mosaic_0001>

<sc_bundles>
// kernel: kernel.10.cloned.1.call-start
scs
__scs_entry_jumppad:
0x0: {  	(pc) =	sbr.rel $0x88, $3  }
0x1: {  	(tag) =	ssettag $0x0;
	lr =	simm.s32 $0x1  }
0x2: {  	[smem:$0x3F92] =	sst lr;
	_ =	strace $0xD0000000  }
0x3: {  	_ = 	snop  }
0x4: {  	_ = 	snop  }
0x5: {  	_ = 	snop  }
0x6: {  	_ = 	snop  }
0x7: {  	_ = 	snop  }
__scs_overlays_trampoline_lowered:
0x8: {  	[smem:$0x3FA1] =	sst s0  }
0x9: {  	[smem:$0x3FA2] =	sst s1  }
0xa: {  	[smem:$0x3FA3] =	sst s2  }
0xb: {  	[smem:$0x3FA4] =	sst s3  }
0xc: {  	[smem:$0x3FA5] =	sst s4  }
0xd: {  	[smem:$0x3FA6] =	sst s5  }
0xe: {  	[smem:$0x3FA7] =	sst s6  }
0xf: {  	[smem:$0x3FA8] =	sst s7  }
0x10: {  	[smem:$0x3FA9] =	sst s8  }
0x11: {  	[smem:$0x3FAA] =	sst s9;
	s0 =	simm.s32 @!p0 $0x0  }
0x12: {  	s1 =	sld [smem:$0x3F90];
	s0 =	simm.s32 @p0 $0x1  }
0x13: {  	[smem:$0x3FAB] =	sst s0;
	s0 =	simm.s32 @!p1 $0x0  }
0x14: {  	s2 =	sld [smem:$0x3F8F];
	s0 =	simm.s32 @p1 $0x1  }
0x15: {  	[smem:$0x3FAC] =	sst s0;
	s0 =	simm.s32 @!p2 $0x0  }
0x16: {  	s3 =	sld [smem:$0x3FDB];
	s0 =	simm.s32 @p2 $0x1  }
0x17: {  	s4 =	simm.s32 $0x1BF5;
	[smem:$0x3FAE] =	sst s0  }
0x18: {  	s0 =	sld [smem:$0x3F91];
	_ =	swait.ge [sflag:s4], $0x0  }
0x19: {  	s7 =	sld [smem:$0x3F92]  }
0x1a: {  	s8 =	sadd.s32 $0xFFFFE003, lr  }
0x1b: {  	s9 =	sadd.s32 $0xFFFFFEF7, lr;
	s5 =	simm.s32 $0xFFFFFFFF;
	p2 =	slt.u32 s8, $0xFFFFF086  }
0x1c: {  	p1 =	slt.u32 s9, $0xF7A;
	s5 =	simm.s32 @!p2 $0x0  }
0x1d: {  	s5 =	simm.s32 @p1 $0x1;
	p0 =	seq.s32 s7, s2  }
0x1e: {  	s7 =	smul.u32 @!p0 $0xF7A, s2;
	p2 =	seq.s32 @!p0 s5, $0x0  }
0x1f: {  	s9 =	smul.u32 $0xF7A, s1;
	s8 =	simm.s32 @!p0 $0x1BF5;
	p2 =	por !p2, p0  }
0x20: {  	[sflag:s8] =	ssyncset.s32 @!p0 $0xFFFFF086;
	s6 =	sadd.s32 @!p0 s3, s7;
	s7 =	simm.s32 @!p0 $0x108  }
0x21: {  	s3 =	sadd.s32 s3, s9;
	s6 =	sadd.s32 @!p0 $0x88, s6;
	s7 =	simm.s32 @p2 $0x1082  }
0x22: {  	[simem:s7], [sflag:s8] =	dma.local @!p0 [hbm:s6], $0xF7A  }
0x23: {  	s9 =	sor.u32 $0xD0000000, s2;
	s6 =	simm.s32 $0x108;
	_ =	swait.ge @!p0 [sflag:s8], $0x0  }
0x24: {  	s3 =	sadd.s32 $0x88, s3;
	s6 =	simm.s32 @!p1 $0x1082;
	[sflag:s4] =	ssyncset.s32 $0xFFFFF086  }
0x25: {  	[simem:s6], [sflag:s4] =	dma.local [hbm:s3], $0xF7A  }
0x26: {  	[smem:$0x3F92] =	sst s1;
	(tag) =	ssettag s2;
	_ =	strace s9  }
0x27: {  	s1 =	sld [smem:$0x3FA2]  }
0x28: {  	s2 =	sld [smem:$0x3FA3]  }
0x29: {  	s4 =	sld [smem:$0x3FA5]  }
0x2a: {  	p0 =	seq.s32 s5, $0x0;
	s5 =	sld [smem:$0x3FA6]  }
0x2b: {  	s6 =	sld [smem:$0x3FA7]  }
0x2c: {  	s7 =	sld [smem:$0x3FA8]  }
0x2d: {  	s3 =	simm.s32 $0x108;
	s8 =	sld [smem:$0x3FA9]  }
0x2e: {  	s3 =	simm.s32 @!p0 $0x1082;
	s9 =	sld [smem:$0x3FAA]  }
0x2f: {  	lr =	sadd.s32 s0, s3;
	s0 =	sld [smem:$0x3FA1]  }
0x30: {  	s3 =	sld [smem:$0x3FA4]  }
0x31: {  	[smem:$0x3FAD] =	sst s10  }
0x32: {  	s10 =	sld [smem:$0x3FAB];
	_ =	sdelay $0x3  }
0x33: {  	p0 =	seq.s32 s10, $0x1;
	s10 =	sld [smem:$0x3FAD];
	_ =	sdelay $0x3  }
0x34: {  	[smem:$0x3FAD] =	sst s10  }
0x35: {  	s10 =	sld [smem:$0x3FAC];
	_ =	sdelay $0x3  }
0x36: {  	p1 =	seq.s32 s10, $0x1;
	s10 =	sld [smem:$0x3FAD];
	_ =	sdelay $0x3  }
0x37: {  	[smem:$0x3FAD] =	sst s10  }
0x38: {  	s10 =	sld [smem:$0x3FAE]  }
0x39: {  	_ = 	snop;
	(pc) =	sbr.ind lr, $3  }
0x3a: {  	_ = 	snop  }
0x3b: {  	_ = 	snop  }
0x3c: {  	p2 =	seq.s32 s10, $0x1;
	s10 =	sld [smem:$0x3FAD]  }
0x3d: {  	_ =	shalt  }
0x3e: {  	_ =	shalt  }
0x3f: {  	_ =	shalt  }
0x40: {  	_ =	shalt  }
0x41: {  	_ =	shalt  }
0x42: {  	_ =	shalt  }
0x43: {  	_ =	shalt  }
0x44: {  	_ =	shalt  }
0x45: {  	_ =	shalt  }
0x46: {  	_ =	shalt  }
0x47: {  	_ =	shalt  }
0x48: {  	_ =	shalt  }
0x49: {  	_ =	shalt  }
0x4a: {  	_ =	shalt  }
0x4b: {  	_ =	shalt  }
0x4c: {  	_ =	shalt  }
0x4d: {  	_ =	shalt  }
0x4e: {  	_ =	shalt  }
0x4f: {  	_ =	shalt  }
0x50: {  	_ =	shalt  }
0x51: {  	_ =	shalt  }
0x52: {  	_ =	shalt  }
0x53: {  	_ =	shalt  }
0x54: {  	_ =	shalt  }
0x55: {  	_ =	shalt  }
0x56: {  	_ =	shalt  }
0x57: {  	_ =	shalt  }
0x58: {  	_ =	shalt  }
0x59: {  	_ =	shalt  }
0x5a: {  	_ =	shalt  }
0x5b: {  	_ =	shalt  }
0x5c: {  	_ =	shalt  }
0x5d: {  	_ =	shalt  }
0x5e: {  	_ =	shalt  }
0x5f: {  	_ =	shalt  }
0x60: {  	_ =	shalt  }
0x61: {  	_ =	shalt  }
0x62: {  	_ =	shalt  }
0x63: {  	_ =	shalt  }
0x64: {  	_ =	shalt  }
0x65: {  	_ =	shalt  }
0x66: {  	_ =	shalt  }
0x67: {  	_ =	shalt  }
0x68: {  	_ =	shalt  }
0x69: {  	_ =	shalt  }
0x6a: {  	_ =	shalt  }
0x6b: {  	_ =	shalt  }
0x6c: {  	_ =	shalt  }
0x6d: {  	_ =	shalt  }
0x6e: {  	_ =	shalt  }
0x6f: {  	_ =	shalt  }
0x70: {  	_ =	shalt  }
0x71: {  	_ =	shalt  }
0x72: {  	_ =	shalt  }
0x73: {  	_ =	shalt  }
0x74: {  	_ =	shalt  }
0x75: {  	_ =	shalt  }
0x76: {  	_ =	shalt  }
0x77: {  	_ =	shalt  }
0x78: {  	_ =	shalt  }
0x79: {  	_ =	shalt  }
0x7a: {  	_ =	shalt  }
0x7b: {  	_ =	shalt  }
0x7c: {  	_ =	shalt  }
0x7d: {  	_ =	shalt  }
0x7e: {  	_ =	shalt  }
0x7f: {  	_ =	shalt  }
0x80: {  	_ =	shalt  }
0x81: {  	_ =	shalt  }
0x82: {  	_ =	shalt  }
0x83: {  	_ =	shalt  }
0x84: {  	_ =	shalt  }
0x85: {  	_ =	shalt  }
0x86: {  	_ =	shalt  }
0x87: {  	_ =	shalt  }
.Lfunc_end0:
.L_simem_size_0:
called_computation_lowered:
.L_overlay_start_0:
0x88: {  	s2 =	sld [smem:$0x3FD9]  }
0x89: {  	s3 =	sld [smem:$0x3FFE];
	_ =	sdelay $0x1  }
0x8a: {  	s1 =	srdreg.scid  }
0x8b: {  	s0 =	sand.u32 $0x1, s1  }
0x8c: {  	s17 =	sshll.u32 s0, $0xA;
	s2 =	sadd.s32 s3, s2  }
0x8d: {  	s2 =	sadd.s32 s2, s17  }
0x8e: {  	[smem:$0x3FB9] =	sst s2  }
0x8f: {  	_ = 	snop  }
0x90: {  	s18 =	sld [smem:$0x3FD0];
	(tm) =	ssettm $0x1  }
0x91: {  	s19 =	sld [smem:$0x3FFB];
	_ =	sdelay $0x3  }
0x92: {  	_ =	strace s19  }
0x93: {  	s2 =	sld [smem:$0x3FFC];
	_ =	sdelay $0x3  }
0x94: {  	_ =	strace s2  }
0x95: {  	s2 =	sld [smem:$0x3FFD];
	_ =	sdelay $0x3  }
0x96: {  	_ =	strace s2  }
0x97: {  	_ =	strace $0x8FFFFFFF  }
0x98: {  	s20 =	sld [smem:$0x3FDB];
	_ =	sdelay $0x1  }
0x99: {  	s4 =	simm.s32 $_scs_section_size  }
0x9a: {  	s5 =	simm.s32 $_size__tile_overlayer_lowered;
	s6 =	simm.s32 $_tile_overlayer_lowered  }
0x9b: {  	s7 =	simm.s32 $0x1BFF;
	s21 =	sshll.u32 s6, $0x1;
	s4 =	sadd.s32 s4, s20  }
0x9c: {  	s22 =	simm.s32 $0x0;
	s5 =	sshll.u32 s5, $0x1;
	s6 =	sadd.s32 s21, s4  }
0x9d: {  	[timem:s22], [sflag:s7] =	dma.local [hbm:s6], s5  }
0x9e: {  	_ =	swait.ge [sflag:s7], s5  }
0x9f: {  	s5 =	ssub.s32 $0x0, s5;
	[sflag:s7] =	ssyncset.done $0x0  }
0xa0: {  	[sflag:s7] =	ssyncadd.s32 s5;
	_ =	sdelay $0x1  }
0xa1: {  	s23 =	simm.s32 $0x1B8B  }
0xa2: {  	_ =	swait.ge [sflag:s23], $0x1  }
0xa3: {  	[sflag:s23] =	ssyncset.done $0x0  }
0xa4: {  	[sflag:s23] =	ssyncadd.s32 $0xFFFFFFFF  }
0xa5: {  	s5 =	sld [smem:$0x0]  }
0xa6: {  	s6 =	sand.u32 $0xFFFFFFFE, s1  }
0xa7: {  	p0 =	sne.s32 s1, s6  }
0xa8: {  	s6 =	sshll.u32 @p0 s6, $0xE  }
0xa9: {  	s6 =	sadd.s32 @p0 $0x11B8D, s6;
	s7 =	sshll.u32 @p0 s5, $0x11  }
0xaa: {  	s6 =	sor.u32 @p0 s7, s6  }
0xab: {  	[sflag:s6] =	ssyncadd.remote.s32 @p0 $0x1;
	_ =	sdelay $0x1  }
0xac: {  	s6 =	simm.s32 @p0 $0x1B8D  }
0xad: {  	_ =	swait.eq @p0 [sflag:s6], $0x1  }
0xae: {  	[sflag:s6] =	ssyncadd.s32 @p0 $0xFFFFFFFF  }
0xaf: {  	s7 =	sshll.u32 @!p0 s1, $0xE  }
0xb0: {  	s7 =	sor.u32 @!p0 $0x4000, s7;
	s6 =	simm.s32 @!p0 $0x1B8D  }
0xb1: {  	s5 =	sshll.u32 @!p0 s5, $0x11;
	s7 =	sadd.s32 @!p0 $0x11B8D, s7;
	_ =	swait.eq @!p0 [sflag:s6], $0x1  }
0xb2: {  	s5 =	sor.u32 @!p0 s5, s7;
	[sflag:s6] =	ssyncadd.s32 @!p0 $0xFFFFFFFF  }
0xb3: {  	s25 =	simm.s32 $0x1B8E;
	s24 =	sld [smem:$0x3FFE];
	[sflag:s5] =	ssyncadd.remote.s32 @!p0 $0x1  }
0xb4: {  	s26 =	simm.s32 $execute0_lowered;
	[smem:$0x3FD2] =	sst s25  }
0xb5: {  	s6 =	sshll.u32 s26, $0x1;
	_ =	strace $0x80000049;
	[dreg:$0x1] =	wrdreg $0xFFFFFFFF  }
0xb6: {  	s28 =	simm.s32 $_size_execute0_lowered;
	s4 =	sadd.s32 s4, s6;
	[dreg:$0x0] =	wrdreg $0x0  }
0xb7: {  	s6 =	sshll.u32 s28, $0x1;
	[dreg:$0x2] =	wrdreg s4  }
0xb8: {  	[dreg:$0x3] =	wrdreg s6  }
0xb9: {  	[dreg:$0x4] =	wrdreg $0xC0  }
0xba: {  	_ =	task [dreg:s22], $0x5FFFF  }
0xbb: {  	[dreg:$0x1] =	wrdreg $0xFFFFFFFF  }
0xbc: {  	[dreg:$0x0] =	wrdreg $0x60  }
0xbd: {  	[dreg:$0x2] =	wrdreg s24  }
0xbe: {  	[dreg:$0x3] =	wrdreg s18  }
0xbf: {  	[dreg:$0x4] =	wrdreg $0x68000  }
0xc0: {  	[dreg:$0x5] =	wrdreg $0x9  }
0xc1: {  	_ =	task.clear_ibuf [dreg:s22], $0x6FFFF;
	_ =	strace $0x90000049  }
0xc2: {  	s29 =	simm.s32 $0x9;
	_ =	strace $0x8000004B  }
0xc3: {  	_ =	swait.ge [sflag:s29], $0x1  }
0xc4: {  	[sflag:s29] =	ssyncadd.s32 $0xFFFFFFFF  }
0xc5: {  	_ =	strace $0x9000004B  }
0xc6: {  	_ =	sfence  }
0xc7: {  	s30 =	sld [smem:$0x0];
	_ =	sdelay $0x2  }
0xc8: {  	s31 =	sshll.u32 s1, $0xD;
	s1 =	sshrl.u32 s1, $0x2  }
0xc9: {  	s4 =	sand.u32 $0x4000, s31;
	s1 =	sadd.s32 s1, s30  }
0xca: {  	s0 =	sor.u32 s4, s0;
	s1 =	sshll.u32 s1, $0x11  }
0xcb: {  	s0 =	sor.u32 s1, s0  }
0xcc: {  	s0 =	sadd.s32 $0x8F2B, s0  }
0xcd: {  	[sflag:s0] =	ssyncadd.remote.s32 $0x1  }
0xce: {  	_ =	sfence.sel $0xFFFF  }
0xcf: {  	[dreg:$0x0] =	wrdreg $0xFFFFFFFF;
	(pc) =	sbr.abs _section_cstart, $3  }
0xd0: {  	[dreg:$0x1] =	wrdreg $0xFFFFFFFF  }
0xd1: {  	_ =	task.clear_ibuf [dreg:s22], $0x2FFFF;
	_ =	strace $0x9FFFFFFF  }
0xd2: {  	(tm) =	ssettm $0x7FFFFFFF  }
0xd3: {  	_ =	shalt  }
tec
execute0_lowered:
.L_overlay_start_1:
0x0: {  	(tag) =	ssettag $0x1  }
0x1: {  	s7 =	rddreg [dreg:$0x0]  }
0x2: {  	s2 =	rddreg [dreg:$0x1]  }
0x3: {  	s3 =	rddreg [dreg:$0x2]  }
0x4: {  	s0 =	rddreg [dreg:$0x3];
	s5 =	srdreg.scid  }
0x5: {  	s1 =	stileid.u32;
	s4 =	simm.s32 $0x0;
	s17 =	simm.s32 $0x0  }
0x6: {  	s5 =	sand.u32 $0x1, s5;
	s15 =	smul.u32 $0x2700, s1;
	[smem:$0x7FF] =	sst s4  }
0x7: {  	s9 =	smul.u32 $0x4E000, s1;
	s30 =	sshll.u32 s1, $0x6;
	s31 =	sshll.u32 s1, $0xC  }
0x8: {  	s14 =	sadd.s32 $0x138000, s3;
	p0 =	sne.s32 s1, $0xF;
	s6 =	smul.u32 $0x27100, s5  }
0x9: {  	_ =	strace $0x8000004A;
	s8 =	sshll.u32 s5, $0xB;
	s5 =	ssub.s32 $0x2, s5  }
0xa: {  	s8 =	sadd.s32 s8, s7;
	s10 =	sadd.s32 s15, s7;
	s29 =	sshrl.u32 s5, $0x1  }
0xb: {  	s9 =	sshrl.u32 s9, $0x2;
	s11 =	sadd.s32 s6, s7;
	s12 =	ssub.s32 s5, s29  }
0xc: {  	s13 =	sadd.s32 s9, s3;
	s5 =	sadd.s32 $0x2BE00, s10;
	s8 =	sadd.s32 s31, s8  }
0xd: {  	s6 =	sor.u32 $0x1C01, s30;
	s7 =	sadd.s32 $0x52E00, s7;
	s8 =	sadd.s32 $0xA1200, s8  }
0xe: {  	s16 =	sadd.s32 $0xB1200, s11;
	s9 =	smax.u32 s12, $0x1;
	s10 =	sshrl.u32 s13, $0x3  }
0xf: {  	s11 =	simm.s32 $0x1;
	s12 =	sshrl.u32 @!p0 s14, $0x3;
	s13 =	simm.s32 $0x4000  }
0x10: {  	s14 =	simm.s32 $0x50;
	s15 =	sadd.s32 s15, s16;
	s16 =	sadd.s32 @!p0 $0x27000, s16  }
.LBB2_1:
0x11: {  	[spmem:s10], [sflag:s6] =	dma.local [hbm:s5], $0x2700  }
0x12: {  	_ =	swait.ge [sflag:s11], $0x2700  }
0x13: {  	[sflag:s11] =	ssyncset.done $0x0  }
0x14: {  	s18 =	simm.s32 @!p0 $0x1;
	[sflag:s11] =	ssyncadd.s32 $0xFFFFD900  }
0x15: {  	[spmem:s12], [sflag:s6] =	dma.local @!p0 [hbm:s7], $0x100  }
0x16: {  	_ =	swait.ge @!p0 [sflag:s18], $0x100  }
0x17: {  	[sflag:s18] =	ssyncset.done @!p0 $0x0  }
0x18: {  	[sflag:s18] =	ssyncadd.s32 @!p0 $0xFFFFFF00  }
0x19: {  	[tilespmem:s4], [sflag:$0x1] =	stream.linear.gather [hbm4b:s8+s4], $0x3E80, $0x38;
	[tilespmem:$0x1A080] =	vst v63  }
0x1a: {  	_ =	swait.ge [sflag:s11], $0x3E80  }
0x1b: {  	[sflag:s11] =	ssyncset.done $0x0  }
0x1c: {  	[sflag:s11] =	ssyncadd.s32 $0xFFFFC180  }
0x1d: {  	[tilespmem:s13], [sflag:$0x1] =	stream.linear.gather [hbm4b:s2+s4], $0x2800, $0x38;
	[tilespmem:$0x1A080] =	vst v63  }
0x1e: {  	_ =	swait.ge [sflag:s11], $0x2800  }
0x1f: {  	[sflag:s11] =	ssyncset.done $0x0  }
0x20: {  	[sflag:s11] =	ssyncadd.s32 $0xFFFFD800  }
0x21: {  	s31 =	simm.s32 $0x0;
	[bflag:$0x0] =	sbarrier.arrive $0xFFFF  }
0x22: {  	[spmem:s3] =	stream.indirect.scatter.add.f32 [tilespmem:s13], [sflag:$0x1], $0x80, s31, s14, $0xb8;
	[tilespmem:$0x1A080] =	vst v63  }
0x23: {  	_ =	swait.ge [sflag:s11], $0x2800  }
0x24: {  	s18 =	simm.s32 $0x200;
	[sflag:s11] =	ssyncset.done $0x0  }
.LBB2_2:
0x25: {  	s19 =	sshra.s32 s18, $0x2;
	[sflag:s11] =	ssyncadd.s32 $0xFFFFD800;
	p1 =	sne.s32 s18, $0xF800  }
0x26: {  	[spmem:s3] =	stream.indirect.scatter.add.f32 [tilespmem:s13], [sflag:$0x1], $0x80, s19, s14, $0xb8;
	[tilespmem:$0x1A080] =	vst v63  }
.Ltmp0:
0x27: {  	_ = 	snop;
	(pc) =	sbr.rel @p1 .LBB2_2-.Ltmp0, $4  }
0x28: {  	_ = 	snop  }
0x29: {  	s18 =	sadd.s32 $0x200, s18  }
0x2a: {  	_ =	swait.ge [sflag:s11], $0x2800  }
0x2b: {  	[sflag:s11] =	ssyncset.done $0x0  }
0x2c: {  	[sflag:s11] =	ssyncadd.s32 $0xFFFFD800  }
0x2d: {  	[bflag:$0x0] =	sbarrier.arrive $0xFFFF  }
0x2e: {  	[hbm:s15], [sflag:s6] =	dma.local [spmem:s10], $0x2700  }
0x2f: {  	s17 =	sadd.s32 $0x1, s17;
	_ =	swait.ge [sflag:s11], $0x2700  }
0x30: {  	p1 =	sne.s32 s17, s9;
	[sflag:s11] =	ssyncset.done $0x0  }
.Ltmp1:
0x31: {  	s18 =	simm.s32 @!p0 $0x1;
	[sflag:s11] =	ssyncadd.s32 $0xFFFFD900;
	(pc) =	sbr.rel @p1 .LBB2_1-.Ltmp1, $4  }
0x32: {  	[hbm:s16], [sflag:s6] =	dma.local @!p0 [spmem:s12], $0x100  }
0x33: {  	_ =	swait.ge @!p0 [sflag:s18], $0x100  }
0x34: {  	[sflag:s18] =	ssyncset.done @!p0 $0x0  }
0x35: {  	[sflag:s18] =	ssyncadd.s32 @!p0 $0xFFFFFF00  }
0x36: {  	_ =	sfence.sel $0x180000  }
0x37: {  	[bflag:$0x0] =	sbarrier.arrive $0xFFFF  }
0x38: {  	p0 =	sne.s32 s1, $0x0;
	_ =	strace $0x9000004A  }
0x39: {  	s0 =	sadd.s32 @!p0 $0x100000, s0;
	[bflag:$0x2] =	sbarrier.arrive $0xFFFF  }
0x3a: {  	[sflag:s0] =	ssyncadd.tile.s32 @!p0 $0x1;
	_ =	shalt  }
.Lfunc_end2:
_tile_overlayer_lowered:
.L_overlay_start_2:
0x3b: {  	(tag) =	ssettag $0x2  }
0x3c: {  	s0 =	rddreg [dreg:$0x0];
	s2 =	stileid.u32  }
0x3d: {  	s1 =	rddreg [dreg:$0x1];
	p0 =	sne.s32 s2, $0x0  }
0x3e: {  	s3 =	rddreg [dreg:$0x2];
	[bflag:$0x3] =	sbarrier.arrive $0xFFFF;
	s2 =	simm.s32 @!p0 $0x1C01  }
0x3f: {  	[timem:s3], [sflag:s2] =	dma.local @!p0 [hbm:s0], s1  }
0x40: {  	s0 =	simm.s32 @!p0 $0x1  }
0x41: {  	_ =	swait.ge @!p0 [sflag:s0], s1  }
0x42: {  	s1 =	ssub.s32 @!p0 $0x0, s1;
	[sflag:s0] =	ssyncset.done @!p0 $0x0  }
0x43: {  	[sflag:s0] =	ssyncadd.s32 @!p0 s1  }
0x44: {  	[bflag:$0x3] =	sbarrier.arrive $0xFFFF  }
0x45: {  	_ =	shalt  }

// kernel: kernel.13.cloned.1.call-start
scs
__scs_entry_jumppad:
0x0: {  	(pc) =	sbr.rel $0x88, $3  }
0x1: {  	(tag) =	ssettag $0x0;
	lr =	simm.s32 $0x1  }
0x2: {  	[smem:$0x3F92] =	sst lr;
	_ =	strace $0xD0000000  }
0x3: {  	_ = 	snop  }
0x4: {  	_ = 	snop  }
0x5: {  	_ = 	snop  }
0x6: {  	_ = 	snop  }
0x7: {  	_ = 	snop  }
__scs_overlays_trampoline_lowered:
0x8: {  	[smem:$0x3FA1] =	sst s0  }
0x9: {  	[smem:$0x3FA2] =	sst s1  }
0xa: {  	[smem:$0x3FA3] =	sst s2  }
0xb: {  	[smem:$0x3FA4] =	sst s3  }
0xc: {  	[smem:$0x3FA5] =	sst s4  }
0xd: {  	[smem:$0x3FA6] =	sst s5  }
0xe: {  	[smem:$0x3FA7] =	sst s6  }
0xf: {  	[smem:$0x3FA8] =	sst s7  }
0x10: {  	[smem:$0x3FA9] =	sst s8  }
0x11: {  	[smem:$0x3FAA] =	sst s9;
	s0 =	simm.s32 @!p0 $0x0  }
0x12: {  	s1 =	sld [smem:$0x3F90];
	s0 =	simm.s32 @p0 $0x1  }
0x13: {  	[smem:$0x3FAB] =	sst s0;
	s0 =	simm.s32 @!p1 $0x0  }
0x14: {  	s2 =	sld [smem:$0x3F8F];
	s0 =	simm.s32 @p1 $0x1  }
0x15: {  	[smem:$0x3FAC] =	sst s0;
	s0 =	simm.s32 @!p2 $0x0  }
0x16: {  	s3 =	sld [smem:$0x3FDB];
	s0 =	simm.s32 @p2 $0x1  }
0x17: {  	s4 =	simm.s32 $0x1BF5;
	[smem:$0x3FAE] =	sst s0  }
0x18: {  	s0 =	sld [smem:$0x3F91];
	_ =	swait.ge [sflag:s4], $0x0  }
0x19: {  	s7 =	sld [smem:$0x3F92]  }
0x1a: {  	s8 =	sadd.s32 $0xFFFFE003, lr  }
0x1b: {  	s9 =	sadd.s32 $0xFFFFFEF7, lr;
	s5 =	simm.s32 $0xFFFFFFFF;
	p2 =	slt.u32 s8, $0xFFFFF086  }
0x1c: {  	p1 =	slt.u32 s9, $0xF7A;
	s5 =	simm.s32 @!p2 $0x0  }
0x1d: {  	s5 =	simm.s32 @p1 $0x1;
	p0 =	seq.s32 s7, s2  }
0x1e: {  	s7 =	smul.u32 @!p0 $0xF7A, s2;
	p2 =	seq.s32 @!p0 s5, $0x0  }
0x1f: {  	s9 =	smul.u32 $0xF7A, s1;
	s8 =	simm.s32 @!p0 $0x1BF5;
	p2 =	por !p2, p0  }
0x20: {  	[sflag:s8] =	ssyncset.s32 @!p0 $0xFFFFF086;
	s6 =	sadd.s32 @!p0 s3, s7;
	s7 =	simm.s32 @!p0 $0x108  }
0x21: {  	s3 =	sadd.s32 s3, s9;
	s6 =	sadd.s32 @!p0 $0x88, s6;
	s7 =	simm.s32 @p2 $0x1082  }
0x22: {  	[simem:s7], [sflag:s8] =	dma.local @!p0 [hbm:s6], $0xF7A  }
0x23: {  	s9 =	sor.u32 $0xD0000000, s2;
	s6 =	simm.s32 $0x108;
	_ =	swait.ge @!p0 [sflag:s8], $0x0  }
0x24: {  	s3 =	sadd.s32 $0x88, s3;
	s6 =	simm.s32 @!p1 $0x1082;
	[sflag:s4] =	ssyncset.s32 $0xFFFFF086  }
0x25: {  	[simem:s6], [sflag:s4] =	dma.local [hbm:s3], $0xF7A  }
0x26: {  	[smem:$0x3F92] =	sst s1;
	(tag) =	ssettag s2;
	_ =	strace s9  }
0x27: {  	s1 =	sld [smem:$0x3FA2]  }
0x28: {  	s2 =	sld [smem:$0x3FA3]  }
0x29: {  	s4 =	sld [smem:$0x3FA5]  }
0x2a: {  	p0 =	seq.s32 s5, $0x0;
	s5 =	sld [smem:$0x3FA6]  }
0x2b: {  	s6 =	sld [smem:$0x3FA7]  }
0x2c: {  	s7 =	sld [smem:$0x3FA8]  }
0x2d: {  	s3 =	simm.s32 $0x108;
	s8 =	sld [smem:$0x3FA9]  }
0x2e: {  	s3 =	simm.s32 @!p0 $0x1082;
	s9 =	sld [smem:$0x3FAA]  }
0x2f: {  	lr =	sadd.s32 s0, s3;
	s0 =	sld [smem:$0x3FA1]  }
0x30: {  	s3 =	sld [smem:$0x3FA4]  }
0x31: {  	[smem:$0x3FAD] =	sst s10  }
0x32: {  	s10 =	sld [smem:$0x3FAB];
	_ =	sdelay $0x3  }
0x33: {  	p0 =	seq.s32 s10, $0x1;
	s10 =	sld [smem:$0x3FAD];
	_ =	sdelay $0x3  }
0x34: {  	[smem:$0x3FAD] =	sst s10  }
0x35: {  	s10 =	sld [smem:$0x3FAC];
	_ =	sdelay $0x3  }
0x36: {  	p1 =	seq.s32 s10, $0x1;
	s10 =	sld [smem:$0x3FAD];
	_ =	sdelay $0x3  }
0x37: {  	[smem:$0x3FAD] =	sst s10  }
0x38: {  	s10 =	sld [smem:$0x3FAE]  }
0x39: {  	_ = 	snop;
	(pc) =	sbr.ind lr, $3  }
0x3a: {  	_ = 	snop  }
0x3b: {  	_ = 	snop  }
0x3c: {  	p2 =	seq.s32 s10, $0x1;
	s10 =	sld [smem:$0x3FAD]  }
0x3d: {  	_ =	shalt  }
0x3e: {  	_ =	shalt  }
0x3f: {  	_ =	shalt  }
0x40: {  	_ =	shalt  }
0x41: {  	_ =	shalt  }
0x42: {  	_ =	shalt  }
0x43: {  	_ =	shalt  }
0x44: {  	_ =	shalt  }
0x45: {  	_ =	shalt  }
0x46: {  	_ =	shalt  }
0x47: {  	_ =	shalt  }
0x48: {  	_ =	shalt  }
0x49: {  	_ =	shalt  }
0x4a: {  	_ =	shalt  }
0x4b: {  	_ =	shalt  }
0x4c: {  	_ =	shalt  }
0x4d: {  	_ =	shalt  }
0x4e: {  	_ =	shalt  }
0x4f: {  	_ =	shalt  }
0x50: {  	_ =	shalt  }
0x51: {  	_ =	shalt  }
0x52: {  	_ =	shalt  }
0x53: {  	_ =	shalt  }
0x54: {  	_ =	shalt  }
0x55: {  	_ =	shalt  }
0x56: {  	_ =	shalt  }
0x57: {  	_ =	shalt  }
0x58: {  	_ =	shalt  }
0x59: {  	_ =	shalt  }
0x5a: {  	_ =	shalt  }
0x5b: {  	_ =	shalt  }
0x5c: {  	_ =	shalt  }
0x5d: {  	_ =	shalt  }
0x5e: {  	_ =	shalt  }
0x5f: {  	_ =	shalt  }
0x60: {  	_ =	shalt  }
0x61: {  	_ =	shalt  }
0x62: {  	_ =	shalt  }
0x63: {  	_ =	shalt  }
0x64: {  	_ =	shalt  }
0x65: {  	_ =	shalt  }
0x66: {  	_ =	shalt  }
0x67: {  	_ =	shalt  }
0x68: {  	_ =	shalt  }
0x69: {  	_ =	shalt  }
0x6a: {  	_ =	shalt  }
0x6b: {  	_ =	shalt  }
0x6c: {  	_ =	shalt  }
0x6d: {  	_ =	shalt  }
0x6e: {  	_ =	shalt  }
0x6f: {  	_ =	shalt  }
0x70: {  	_ =	shalt  }
0x71: {  	_ =	shalt  }
0x72: {  	_ =	shalt  }
0x73: {  	_ =	shalt  }
0x74: {  	_ =	shalt  }
0x75: {  	_ =	shalt  }
0x76: {  	_ =	shalt  }
0x77: {  	_ =	shalt  }
0x78: {  	_ =	shalt  }
0x79: {  	_ =	shalt  }
0x7a: {  	_ =	shalt  }
0x7b: {  	_ =	shalt  }
0x7c: {  	_ =	shalt  }
0x7d: {  	_ =	shalt  }
0x7e: {  	_ =	shalt  }
0x7f: {  	_ =	shalt  }
0x80: {  	_ =	shalt  }
0x81: {  	_ =	shalt  }
0x82: {  	_ =	shalt  }
0x83: {  	_ =	shalt  }
0x84: {  	_ =	shalt  }
0x85: {  	_ =	shalt  }
0x86: {  	_ =	shalt  }
0x87: {  	_ =	shalt  }
.Lfunc_end0:
.L_simem_size_0:
called_computation.1_lowered:
.L_overlay_start_0:
0x88: {  	s2 =	sld [smem:$0x3FD9]  }
0x89: {  	s3 =	sld [smem:$0x3FFE];
	_ =	sdelay $0x1  }
0x8a: {  	s1 =	srdreg.scid  }
0x8b: {  	s0 =	sand.u32 $0x1, s1  }
0x8c: {  	s17 =	sshll.u32 s0, $0xA;
	s2 =	sadd.s32 s3, s2  }
0x8d: {  	s2 =	sadd.s32 s2, s17  }
0x8e: {  	[smem:$0x3FB9] =	sst s2  }
0x8f: {  	_ = 	snop  }
0x90: {  	s2 =	sld [smem:$0x3FC9];
	(tm) =	ssettm $0x1  }
0x91: {  	s18 =	sld [smem:$0x3FFB];
	_ =	sdelay $0x3  }
0x92: {  	_ =	strace s18  }
0x93: {  	s3 =	sld [smem:$0x3FFC];
	_ =	sdelay $0x3  }
0x94: {  	_ =	strace s3  }
0x95: {  	s3 =	sld [smem:$0x3FFD];
	_ =	sdelay $0x3  }
0x96: {  	_ =	strace s3  }
0x97: {  	_ =	strace $0x8FFFFFFF  }
0x98: {  	s19 =	sld [smem:$0x3FDB];
	_ =	sdelay $0x1  }
0x99: {  	s4 =	simm.s32 $_scs_section_size  }
0x9a: {  	s5 =	simm.s32 $_size__tile_overlayer_lowered;
	s6 =	simm.s32 $_tile_overlayer_lowered  }
0x9b: {  	s22 =	simm.s32 $0x1BFF;
	s21 =	sshll.u32 s6, $0x1;
	s3 =	sadd.s32 s4, s19  }
0x9c: {  	s7 =	simm.s32 $0x0;
	s20 =	sshll.u32 s5, $0x1;
	s5 =	sadd.s32 s21, s3  }
0x9d: {  	[timem:s7], [sflag:s22] =	dma.local [hbm:s5], s20  }
0x9e: {  	_ =	swait.ge [sflag:s22], s20  }
0x9f: {  	s4 =	ssub.s32 $0x0, s20;
	[sflag:s22] =	ssyncset.done $0x0  }
0xa0: {  	[sflag:s22] =	ssyncadd.s32 s4;
	_ =	sdelay $0x1  }
0xa1: {  	s23 =	simm.s32 $0x1B8B  }
0xa2: {  	_ =	swait.ge [sflag:s23], $0x1  }
0xa3: {  	[sflag:s23] =	ssyncset.done $0x0  }
0xa4: {  	s25 =	simm.s32 $0x1B8E;
	s24 =	sld [smem:$0x3FFE];
	[sflag:s23] =	ssyncadd.s32 $0xFFFFFFFF  }
0xa5: {  	s26 =	simm.s32 $execute0_lowered;
	[smem:$0x3FD2] =	sst s25  }
0xa6: {  	s5 =	sshll.u32 s26, $0x1;
	_ =	strace $0x80000046;
	[dreg:$0x1] =	wrdreg $0xFFFFFFFF  }
0xa7: {  	s28 =	simm.s32 $_size_execute0_lowered;
	s3 =	sadd.s32 s3, s5;
	[dreg:$0x0] =	wrdreg $0x0  }
0xa8: {  	s5 =	sshll.u32 s28, $0x1;
	[dreg:$0x2] =	wrdreg s3  }
0xa9: {  	[dreg:$0x3] =	wrdreg s5  }
0xaa: {  	[dreg:$0x4] =	wrdreg $0xC0  }
0xab: {  	_ =	task [dreg:s7], $0x5FFFF  }
0xac: {  	[dreg:$0x1] =	wrdreg $0xFFFFFFFF  }
0xad: {  	[dreg:$0x0] =	wrdreg $0x60  }
0xae: {  	[dreg:$0x2] =	wrdreg s2  }
0xaf: {  	[dreg:$0x3] =	wrdreg s24  }
0xb0: {  	[dreg:$0x4] =	wrdreg $0x70000  }
0xb1: {  	[dreg:$0x5] =	wrdreg $0xA  }
0xb2: {  	_ =	task.clear_ibuf [dreg:s7], $0x6FFFF;
	_ =	strace $0x90000046  }
0xb3: {  	s29 =	simm.s32 $0xA;
	_ =	strace $0x80000048  }
0xb4: {  	_ =	swait.ge [sflag:s29], $0x1  }
0xb5: {  	[sflag:s29] =	ssyncadd.s32 $0xFFFFFFFF  }
0xb6: {  	_ =	strace $0x90000048  }
0xb7: {  	_ =	sfence  }
0xb8: {  	s30 =	sld [smem:$0x0];
	_ =	sdelay $0x2  }
0xb9: {  	s31 =	sshll.u32 s1, $0xD;
	s1 =	sshrl.u32 s1, $0x2  }
0xba: {  	s3 =	sand.u32 $0x4000, s31;
	s1 =	sadd.s32 s1, s30  }
0xbb: {  	s0 =	sor.u32 s3, s0;
	s1 =	sshll.u32 s1, $0x11  }
0xbc: {  	s0 =	sor.u32 s1, s0  }
0xbd: {  	s0 =	sadd.s32 $0x8F2B, s0  }
0xbe: {  	[sflag:s0] =	ssyncadd.remote.s32 $0x1  }
0xbf: {  	_ =	sfence.sel $0xFFFF  }
0xc0: {  	[dreg:$0x0] =	wrdreg $0xFFFFFFFF;
	(pc) =	sbr.abs _section_cstart, $3  }
0xc1: {  	[dreg:$0x1] =	wrdreg $0xFFFFFFFF  }
0xc2: {  	_ =	task.clear_ibuf [dreg:s7], $0x2FFFF;
	_ =	strace $0x9FFFFFFF  }
0xc3: {  	(tm) =	ssettm $0x7FFFFFFF  }
tec
execute0_lowered:
.L_overlay_start_1:
0x0: {  	(tag) =	ssettag $0x1  }
0x1: {  	s1 =	rddreg [dreg:$0x0]  }
0x2: {  	s9 =	rddreg [dreg:$0x1]  }
0x3: {  	s3 =	rddreg [dreg:$0x2]  }
0x4: {  	s0 =	rddreg [dreg:$0x3];
	s4 =	simm.s32 $0x0;
	s2 =	stileid.u32  }
0x5: {  	s5 =	srdreg.scid;
	[smem:$0x7FF] =	sst s4  }
0x6: {  	s17 =	smul.u32 $0x2700, s2;
	s7 =	sand.u32 $0x1, s5;
	s5 =	sadd.s32 $0x3E00, s9  }
0x7: {  	s6 =	sadd.s32 $0x17E00, s9;
	s11 =	smul.u32 $0x4E000, s2;
	s28 =	sshll.u32 s2, $0x1  }
0x8: {  	s31 =	sshll.u32 s2, $0x6;
	s16 =	sadd.s32 $0x138000, s3;
	p0 =	sne.s32 s2, $0xF  }
0x9: {  	_ =	strace $0x80000047;
	s8 =	smul.u32 $0x27100, s7;
	s10 =	ssub.s32 $0x2, s7  }
0xa: {  	s30 =	sor.u32 s7, s28;
	s12 =	sadd.s32 s17, s9;
	s26 =	sshrl.u32 s10, $0x1  }
0xb: {  	s29 =	sshrl.u32 s11, $0x2;
	s13 =	sadd.s32 s8, s9;
	s14 =	ssub.s32 s10, s26  }
.Ltmp0:
0xc: {  	s15 =	sadd.s32 s29, s3;
	s7 =	sadd.s32 $0x2BE00, s12;
	(pc) =	sbr.rel .LBB2_1-.Ltmp0, $4  }
0xd: {  	s8 =	sor.u32 $0x1C02, s31;
	s9 =	sadd.s32 $0x52E00, s9;
	s10 =	smul.u32 $0x5000, s30  }
0xe: {  	s18 =	sadd.s32 $0x53000, s13;
	s11 =	smax.u32 s14, $0x1;
	s12 =	sshrl.u32 s15, $0x3  }
0xf: {  	s13 =	simm.s32 $0x2;
	s14 =	sshrl.u32 @!p0 s16, $0x3;
	s15 =	simm.s32 $0x1  }
0x10: {  	s16 =	simm.s32 $0x50;
	s17 =	sadd.s32 s17, s18;
	s18 =	sadd.s32 @!p0 $0x27000, s18  }
.LBB2_8:
0x11: {  	[bflag:$0x0] =	sbarrier.arrive $0xFFFF  }
0x12: {  	[hbm:s17], [sflag:s8] =	dma.local [spmem:s12], $0x2700  }
0x13: {  	s4 =	sadd.s32 $0x1, s4;
	_ =	swait.ge [sflag:s13], $0x2700  }
0x14: {  	p1 =	sne.s32 s4, s11;
	[sflag:s13] =	ssyncset.done $0x0  }
.Ltmp1:
0x15: {  	s19 =	simm.s32 @!p0 $0x2;
	[sflag:s13] =	ssyncadd.s32 $0xFFFFD900;
	(pc) =	sbr.rel @!p1 .LBB2_9-.Ltmp1, $4  }
0x16: {  	[hbm:s18], [sflag:s8] =	dma.local @!p0 [spmem:s14], $0x100  }
0x17: {  	_ =	swait.ge @!p0 [sflag:s19], $0x100  }
0x18: {  	[sflag:s19] =	ssyncset.done @!p0 $0x0  }
0x19: {  	[sflag:s19] =	ssyncadd.s32 @!p0 $0xFFFFFF00  }
.LBB2_1:
0x1a: {  	[spmem:s12], [sflag:s8] =	dma.local [hbm:s7], $0x2700  }
0x1b: {  	_ =	swait.ge [sflag:s13], $0x2700  }
0x1c: {  	[sflag:s13] =	ssyncset.done $0x0  }
0x1d: {  	s19 =	simm.s32 @!p0 $0x2;
	[sflag:s13] =	ssyncadd.s32 $0xFFFFD900  }
0x1e: {  	[spmem:s14], [sflag:s8] =	dma.local @!p0 [hbm:s9], $0x100  }
.Ltmp2:
0x1f: {  	_ =	swait.ge @!p0 [sflag:s19], $0x100;
	(pc) =	sbr.rel .LBB2_2-.Ltmp2, $4  }
0x20: {  	[sflag:s19] =	ssyncset.done @!p0 $0x0  }
0x21: {  	[sflag:s19] =	ssyncadd.s32 @!p0 $0xFFFFFF00  }
0x22: {  	[bflag:$0x0] =	sbarrier.arrive $0xFFFF  }
0x23: {  	s19 =	simm.s32 $0x0  }
.LBB2_3:
0x24: {  	s20 =	simm.s32 $0x7C;
	s21 =	simm.s32 $0x18  }
.LBB2_6:
0x25: {  	s20 =	sand.u32 $0x1, s20;
	_ =	swait.ge [sflag:s15], $0x2800;
	s21 =	sshll.u32 s21, $0x7  }
0x26: {  	p1 =	seq.s32 s20, $0x1;
	s20 =	simm.s32 $0x4800;
	[sflag:s15] =	ssyncset.done $0x0  }
0x27: {  	s21 =	sadd.s32 $0x1000, s21;
	s20 =	simm.s32 @!p1 $0x2000;
	[sflag:s15] =	ssyncadd.s32 $0xFFFFD800  }
0x28: {  	[spmem:s3] =	stream.indirect.scatter.add.f32 [tilespmem:s20], [sflag:$0x2], $0x80, s21, s16, $0xb8;
	[tilespmem:$0x1A880] =	vst v63  }
0x29: {  	_ =	swait.ge [sflag:s13], $0x2800  }
0x2a: {  	[sflag:s13] =	ssyncset.done $0x0  }
0x2b: {  	[sflag:s13] =	ssyncadd.s32 $0xFFFFD800  }
.LBB2_7:
0x2c: {  	s19 =	sadd.s32 $0x1, s19  }
0x2d: {  	p1 =	sne.s32 s19, $0x7E  }
.Ltmp3:
0x2e: {  	_ = 	snop;
	(pc) =	sbr.rel @!p1 .LBB2_8-.Ltmp3, $1  }
0x2f: {  	_ =	sdelay $0x3  }
.LBB2_2:
0x30: {  	p1 =	seq.s32 s19, $0x7D  }
.Ltmp4:
0x31: {  	_ = 	snop;
	(pc) =	sbr.rel @p1 .LBB2_3-.Ltmp4, $1  }
0x32: {  	_ =	sdelay $0x3  }
0x33: {  	s20 =	smul.u32 $0x29, s19;
	_ =	sdelay $0x1  }
0x34: {  	s20 =	sshrl.u32 s20, $0xA  }
0x35: {  	s20 =	sand.u32 $0x3F, s20  }
0x36: {  	s20 =	smul.u32 $0x19, s20;
	_ =	sdelay $0x1  }
0x37: {  	s20 =	ssub.s32 s19, s20  }
0x38: {  	s20 =	sand.u32 $0xFF, s20  }
0x39: {  	p1 =	sne.s32 s20, $0x0  }
0x3a: {  	s21 =	smul.u32 @!p1 $0xA4, s19;
	_ =	sdelay $0x1  }
0x3b: {  	s21 =	sand.u32 @!p1 $0x3F000, s21  }
0x3c: {  	s21 =	sadd.s32 @!p1 s10, s21  }
0x3d: {  	s21 =	sshrl.u32 @!p1 s21, $0x3  }
0x3e: {  	s22 =	simm.s32 @!p1 $0x0;
	s21 =	sadd.s32 @!p1 s5, s21  }
0x3f: {  	[tilespmem:s22], [sflag:$0x3] =	stream.linear.gather @!p1 [hbm4b:s21+s22], $0xC80, $0x38;
	[tilespmem:$0x1A880] =	vst v63  }
0x40: {  	s21 =	simm.s32 @!p1 $0x3  }
0x41: {  	_ =	swait.ge @!p1 [sflag:s21], $0xC80  }
0x42: {  	[sflag:s21] =	ssyncset.done @!p1 $0x0  }
0x43: {  	[sflag:s21] =	ssyncadd.s32 @!p1 $0xFFFFF380;
	p1 =	seq.s32 s19, $0x0  }
.Ltmp5:
0x44: {  	_ = 	snop;
	(pc) =	sbr.rel @p1 .LBB2_7-.Ltmp5, $4  }
0x45: {  	s31 =	sand.u32 $0x1, s19  }
0x46: {  	p2 =	seq.s32 s31, $0x1;
	s22 =	simm.s32 $0x4800  }
0x47: {  	s20 =	sshll.u32 s20, $0x7;
	s22 =	simm.s32 @!p2 $0x2000  }
0x48: {  	[tilespmem:s22], [sflag:$0x1] =	stream.indirect.gather [hbm4b:s1+s16], $0x80, s20, s16, $0xb8;
	[tilespmem:$0x1A880] =	vst v63  }
0x49: {  	s20 =	sadd.s32 $0xFFFFFFFF, s19  }
0x4a: {  	s21 =	sand.u32 $0xFF, s20  }
0x4b: {  	s21 =	smul.u32 $0x29, s21;
	_ =	sdelay $0x1  }
0x4c: {  	s21 =	sshrl.u32 s21, $0xA  }
0x4d: {  	s21 =	smul.u32 $0x19, s21;
	_ =	sdelay $0x1  }
0x4e: {  	s21 =	ssub.s32 s20, s21  }
0x4f: {  	s21 =	sand.u32 $0xFF, s21  }
0x50: {  	p1 =	sne.s32 s21, $0x0  }
0x51: {  	s22 =	sand.u32 @!p1 $0xFF, s20  }
0x52: {  	s22 =	smul.u32 @!p1 $0xA4, s22;
	_ =	sdelay $0x1  }
0x53: {  	s22 =	sand.u32 @!p1 $0xF000, s22  }
0x54: {  	s22 =	sadd.s32 @!p1 s10, s22  }
0x55: {  	s22 =	sshrl.u32 @!p1 s22, $0x3  }
0x56: {  	s23 =	simm.s32 @!p1 $0x0;
	s24 =	simm.s32 @!p1 $0x1000;
	s22 =	sadd.s32 @!p1 s6, s22  }
0x57: {  	[tilespmem:s24], [sflag:$0x3] =	stream.linear.gather @!p1 [hbm4b:s22+s23], $0xC80, $0x38;
	[tilespmem:$0x1A880] =	vst v63  }
.Ltmp6:
0x58: {  	_ = 	snop;
	(pc) =	sbr.rel .LBB2_6-.Ltmp6, $4  }
0x59: {  	s22 =	simm.s32 @!p1 $0x3  }
0x5a: {  	_ =	swait.ge @!p1 [sflag:s22], $0xC80  }
0x5b: {  	[sflag:s22] =	ssyncset.done @!p1 $0x0  }
0x5c: {  	s21 =	simm.s32 @!p1 $0x0;
	[sflag:s22] =	ssyncadd.s32 @!p1 $0xFFFFF380  }
.LBB2_9:
0x5d: {  	_ =	sfence.sel $0x180000  }
0x5e: {  	[bflag:$0x0] =	sbarrier.arrive $0xFFFF  }
0x5f: {  	p0 =	sne.s32 s2, $0x0;
	_ =	strace $0x90000047  }
0x60: {  	s0 =	sadd.s32 @!p0 $0x100000, s0;
	[bflag:$0x2] =	sbarrier.arrive $0xFFFF  }
0x61: {  	[sflag:s0] =	ssyncadd.tile.s32 @!p0 $0x1;
	_ =	shalt  }
.Lfunc_end2:
_tile_overlayer_lowered:
.L_overlay_start_2:
0x62: {  	(tag) =	ssettag $0x2  }
0x63: {  	s0 =	rddreg [dreg:$0x0];
	s2 =	stileid.u32  }
0x64: {  	s1 =	rddreg [dreg:$0x1];
	p0 =	sne.s32 s2, $0x0  }
0x65: {  	s3 =	rddreg [dreg:$0x2];
	[bflag:$0x3] =	sbarrier.arrive $0xFFFF;
	s2 =	simm.s32 @!p0 $0x1C02  }
0x66: {  	[timem:s3], [sflag:s2] =	dma.local @!p0 [hbm:s0], s1  }
0x67: {  	s0 =	simm.s32 @!p0 $0x2  }
0x68: {  	_ =	swait.ge @!p0 [sflag:s0], s1  }
0x69: {  	s1 =	ssub.s32 @!p0 $0x0, s1;
	[sflag:s0] =	ssyncset.done @!p0 $0x0  }
0x6a: {  	[sflag:s0] =	ssyncadd.s32 @!p0 s1  }
0x6b: {  	[bflag:$0x3] =	sbarrier.arrive $0xFFFF  }
0x6c: {  	_ =	shalt  }

// kernel: kernel.16.cloned.1.call-start
scs
__scs_entry_jumppad:
0x0: {  	(pc) =	sbr.rel $0x88, $3  }
0x1: {  	(tag) =	ssettag $0x0;
	lr =	simm.s32 $0x1  }
0x2: {  	[smem:$0x3F92] =	sst lr;
	_ =	strace $0xD0000000  }
0x3: {  	_ = 	snop  }
0x4: {  	_ = 	snop  }
0x5: {  	_ = 	snop  }
0x6: {  	_ = 	snop  }
0x7: {  	_ = 	snop  }
__scs_overlays_trampoline_lowered:
0x8: {  	[smem:$0x3FA1] =	sst s0  }
0x9: {  	[smem:$0x3FA2] =	sst s1  }
0xa: {  	[smem:$0x3FA3] =	sst s2  }
0xb: {  	[smem:$0x3FA4] =	sst s3  }
0xc: {  	[smem:$0x3FA5] =	sst s4  }
0xd: {  	[smem:$0x3FA6] =	sst s5  }
0xe: {  	[smem:$0x3FA7] =	sst s6  }
0xf: {  	[smem:$0x3FA8] =	sst s7  }
0x10: {  	[smem:$0x3FA9] =	sst s8  }
0x11: {  	[smem:$0x3FAA] =	sst s9;
	s0 =	simm.s32 @!p0 $0x0  }
0x12: {  	s1 =	sld [smem:$0x3F90];
	s0 =	simm.s32 @p0 $0x1  }
0x13: {  	[smem:$0x3FAB] =	sst s0;
	s0 =	simm.s32 @!p1 $0x0  }
0x14: {  	s2 =	sld [smem:$0x3F8F];
	s0 =	simm.s32 @p1 $0x1  }
0x15: {  	[smem:$0x3FAC] =	sst s0;
	s0 =	simm.s32 @!p2 $0x0  }
0x16: {  	s3 =	sld [smem:$0x3FDB];
	s0 =	simm.s32 @p2 $0x1  }
0x17: {  	s4 =	simm.s32 $0x1BF5;
	[smem:$0x3FAE] =	sst s0  }
0x18: {  	s0 =	sld [smem:$0x3F91];
	_ =	swait.ge [sflag:s4], $0x0  }
0x19: {  	s7 =	sld [smem:$0x3F92]  }
0x1a: {  	s8 =	sadd.s32 $0xFFFFE003, lr  }
0x1b: {  	s9 =	sadd.s32 $0xFFFFFEF7, lr;
	s5 =	simm.s32 $0xFFFFFFFF;
	p2 =	slt.u32 s8, $0xFFFFF086  }
0x1c: {  	p1 =	slt.u32 s9, $0xF7A;
	s5 =	simm.s32 @!p2 $0x0  }
0x1d: {  	s5 =	simm.s32 @p1 $0x1;
	p0 =	seq.s32 s7, s2  }
0x1e: {  	s7 =	smul.u32 @!p0 $0xF7A, s2;
	p2 =	seq.s32 @!p0 s5, $0x0  }
0x1f: {  	s9 =	smul.u32 $0xF7A, s1;
	s8 =	simm.s32 @!p0 $0x1BF5;
	p2 =	por !p2, p0  }
0x20: {  	[sflag:s8] =	ssyncset.s32 @!p0 $0xFFFFF086;
	s6 =	sadd.s32 @!p0 s3, s7;
	s7 =	simm.s32 @!p0 $0x108  }
0x21: {  	s3 =	sadd.s32 s3, s9;
	s6 =	sadd.s32 @!p0 $0x88, s6;
	s7 =	simm.s32 @p2 $0x1082  }
0x22: {  	[simem:s7], [sflag:s8] =	dma.local @!p0 [hbm:s6], $0xF7A  }
0x23: {  	s9 =	sor.u32 $0xD0000000, s2;
	s6 =	simm.s32 $0x108;
	_ =	swait.ge @!p0 [sflag:s8], $0x0  }
0x24: {  	s3 =	sadd.s32 $0x88, s3;
	s6 =	simm.s32 @!p1 $0x1082;
	[sflag:s4] =	ssyncset.s32 $0xFFFFF086  }
0x25: {  	[simem:s6], [sflag:s4] =	dma.local [hbm:s3], $0xF7A  }
0x26: {  	[smem:$0x3F92] =	sst s1;
	(tag) =	ssettag s2;
	_ =	strace s9  }
0x27: {  	s1 =	sld [smem:$0x3FA2]  }
0x28: {  	s2 =	sld [smem:$0x3FA3]  }
0x29: {  	s4 =	sld [smem:$0x3FA5]  }
0x2a: {  	p0 =	seq.s32 s5, $0x0;
	s5 =	sld [smem:$0x3FA6]  }
0x2b: {  	s6 =	sld [smem:$0x3FA7]  }
0x2c: {  	s7 =	sld [smem:$0x3FA8]  }
0x2d: {  	s3 =	simm.s32 $0x108;
	s8 =	sld [smem:$0x3FA9]  }
0x2e: {  	s3 =	simm.s32 @!p0 $0x1082;
	s9 =	sld [smem:$0x3FAA]  }
0x2f: {  	lr =	sadd.s32 s0, s3;
	s0 =	sld [smem:$0x3FA1]  }
0x30: {  	s3 =	sld [smem:$0x3FA4]  }
0x31: {  	[smem:$0x3FAD] =	sst s10  }
0x32: {  	s10 =	sld [smem:$0x3FAB];
	_ =	sdelay $0x3  }
0x33: {  	p0 =	seq.s32 s10, $0x1;
	s10 =	sld [smem:$0x3FAD];
	_ =	sdelay $0x3  }
0x34: {  	[smem:$0x3FAD] =	sst s10  }
0x35: {  	s10 =	sld [smem:$0x3FAC];
	_ =	sdelay $0x3  }
0x36: {  	p1 =	seq.s32 s10, $0x1;
	s10 =	sld [smem:$0x3FAD];
	_ =	sdelay $0x3  }
0x37: {  	[smem:$0x3FAD] =	sst s10  }
0x38: {  	s10 =	sld [smem:$0x3FAE]  }
0x39: {  	_ = 	snop;
	(pc) =	sbr.ind lr, $3  }
0x3a: {  	_ = 	snop  }
0x3b: {  	_ = 	snop  }
0x3c: {  	p2 =	seq.s32 s10, $0x1;
	s10 =	sld [smem:$0x3FAD]  }
0x3d: {  	_ =	shalt  }
0x3e: {  	_ =	shalt  }
0x3f: {  	_ =	shalt  }
0x40: {  	_ =	shalt  }
0x41: {  	_ =	shalt  }
0x42: {  	_ =	shalt  }
0x43: {  	_ =	shalt  }
0x44: {  	_ =	shalt  }
0x45: {  	_ =	shalt  }
0x46: {  	_ =	shalt  }
0x47: {  	_ =	shalt  }
0x48: {  	_ =	shalt  }
0x49: {  	_ =	shalt  }
0x4a: {  	_ =	shalt  }
0x4b: {  	_ =	shalt  }
0x4c: {  	_ =	shalt  }
0x4d: {  	_ =	shalt  }
0x4e: {  	_ =	shalt  }
0x4f: {  	_ =	shalt  }
0x50: {  	_ =	shalt  }
0x51: {  	_ =	shalt  }
0x52: {  	_ =	shalt  }
0x53: {  	_ =	shalt  }
0x54: {  	_ =	shalt  }
0x55: {  	_ =	shalt  }
0x56: {  	_ =	shalt  }
0x57: {  	_ =	shalt  }
0x58: {  	_ =	shalt  }
0x59: {  	_ =	shalt  }
0x5a: {  	_ =	shalt  }
0x5b: {  	_ =	shalt  }
0x5c: {  	_ =	shalt  }
0x5d: {  	_ =	shalt  }
0x5e: {  	_ =	shalt  }
0x5f: {  	_ =	shalt  }
0x60: {  	_ =	shalt  }
0x61: {  	_ =	shalt  }
0x62: {  	_ =	shalt  }
0x63: {  	_ =	shalt  }
0x64: {  	_ =	shalt  }
0x65: {  	_ =	shalt  }
0x66: {  	_ =	shalt  }
0x67: {  	_ =	shalt  }
0x68: {  	_ =	shalt  }
0x69: {  	_ =	shalt  }
0x6a: {  	_ =	shalt  }
0x6b: {  	_ =	shalt  }
0x6c: {  	_ =	shalt  }
0x6d: {  	_ =	shalt  }
0x6e: {  	_ =	shalt  }
0x6f: {  	_ =	shalt  }
0x70: {  	_ =	shalt  }
0x71: {  	_ =	shalt  }
0x72: {  	_ =	shalt  }
0x73: {  	_ =	shalt  }
0x74: {  	_ =	shalt  }
0x75: {  	_ =	shalt  }
0x76: {  	_ =	shalt  }
0x77: {  	_ =	shalt  }
0x78: {  	_ =	shalt  }
0x79: {  	_ =	shalt  }
0x7a: {  	_ =	shalt  }
0x7b: {  	_ =	shalt  }
0x7c: {  	_ =	shalt  }
0x7d: {  	_ =	shalt  }
0x7e: {  	_ =	shalt  }
0x7f: {  	_ =	shalt  }
0x80: {  	_ =	shalt  }
0x81: {  	_ =	shalt  }
0x82: {  	_ =	shalt  }
0x83: {  	_ =	shalt  }
0x84: {  	_ =	shalt  }
0x85: {  	_ =	shalt  }
0x86: {  	_ =	shalt  }
0x87: {  	_ =	shalt  }
.Lfunc_end0:
.L_simem_size_0:
called_computation.2_lowered:
.L_overlay_start_0:
0x88: {  	s2 =	sld [smem:$0x3FD9]  }
0x89: {  	s3 =	sld [smem:$0x3FFE];
	_ =	sdelay $0x1  }
0x8a: {  	s1 =	srdreg.scid  }
0x8b: {  	s0 =	sand.u32 $0x1, s1  }
0x8c: {  	s16 =	sshll.u32 s0, $0xA;
	s2 =	sadd.s32 s3, s2  }
0x8d: {  	s2 =	sadd.s32 s2, s16  }
0x8e: {  	[smem:$0x3FB9] =	sst s2  }
0x8f: {  	_ = 	snop  }
0x90: {  	(tm) =	ssettm $0x1  }
0x91: {  	s17 =	sld [smem:$0x3FFB];
	_ =	sdelay $0x3  }
0x92: {  	_ =	strace s17  }
0x93: {  	s2 =	sld [smem:$0x3FFC];
	_ =	sdelay $0x3  }
0x94: {  	_ =	strace s2  }
0x95: {  	s2 =	sld [smem:$0x3FFD];
	_ =	sdelay $0x3  }
0x96: {  	_ =	strace s2  }
0x97: {  	_ =	strace $0x8FFFFFFF  }
0x98: {  	s18 =	sld [smem:$0x3FDB];
	_ =	sdelay $0x1  }
0x99: {  	s19 =	simm.s32 $_scs_section_size  }
0x9a: {  	s4 =	simm.s32 $_size__tile_overlayer_lowered;
	s5 =	simm.s32 $_tile_overlayer_lowered  }
0x9b: {  	s22 =	simm.s32 $0x1BFF;
	s21 =	sshll.u32 s5, $0x1;
	s2 =	sadd.s32 s19, s18  }
0x9c: {  	s6 =	simm.s32 $0x0;
	s20 =	sshll.u32 s4, $0x1;
	s4 =	sadd.s32 s21, s2  }
0x9d: {  	[timem:s6], [sflag:s22] =	dma.local [hbm:s4], s20  }
0x9e: {  	_ =	swait.ge [sflag:s22], s20  }
0x9f: {  	s3 =	ssub.s32 $0x0, s20;
	[sflag:s22] =	ssyncset.done $0x0  }
0xa0: {  	[sflag:s22] =	ssyncadd.s32 s3;
	_ =	sdelay $0x1  }
0xa1: {  	s23 =	simm.s32 $0x1B8B  }
0xa2: {  	_ =	swait.ge [sflag:s23], $0x1  }
0xa3: {  	[sflag:s23] =	ssyncset.done $0x0  }
0xa4: {  	s25 =	simm.s32 $0x1B8E;
	s24 =	sld [smem:$0x3FFE];
	[sflag:s23] =	ssyncadd.s32 $0xFFFFFFFF  }
0xa5: {  	s26 =	simm.s32 $execute0_lowered;
	[smem:$0x3FD2] =	sst s25  }
0xa6: {  	s4 =	sshll.u32 s26, $0x1;
	_ =	strace $0x8000004C;
	[dreg:$0x1] =	wrdreg $0xFFFFFFFF  }
0xa7: {  	s28 =	simm.s32 $_size_execute0_lowered;
	s2 =	sadd.s32 s2, s4;
	[dreg:$0x0] =	wrdreg $0x0  }
0xa8: {  	s4 =	sshll.u32 s28, $0x1;
	[dreg:$0x2] =	wrdreg s2  }
0xa9: {  	[dreg:$0x3] =	wrdreg s4  }
0xaa: {  	[dreg:$0x4] =	wrdreg $0xC0  }
0xab: {  	_ =	task [dreg:s6], $0x5FFFF  }
0xac: {  	[dreg:$0x1] =	wrdreg $0xFFFFFFFF  }
0xad: {  	[dreg:$0x0] =	wrdreg $0x60  }
0xae: {  	[dreg:$0x2] =	wrdreg s24  }
0xaf: {  	[dreg:$0x3] =	wrdreg $0x70000  }
0xb0: {  	[dreg:$0x4] =	wrdreg $0x9  }
0xb1: {  	_ =	task.clear_ibuf [dreg:s6], $0x5FFFF;
	_ =	strace $0x9000004C  }
0xb2: {  	s29 =	simm.s32 $0x9;
	_ =	strace $0x8000004E  }
0xb3: {  	_ =	swait.ge [sflag:s29], $0x1  }
0xb4: {  	[sflag:s29] =	ssyncadd.s32 $0xFFFFFFFF  }
0xb5: {  	_ =	strace $0x9000004E  }
0xb6: {  	_ =	sfence  }
0xb7: {  	s30 =	sld [smem:$0x0];
	_ =	sdelay $0x2  }
0xb8: {  	s31 =	sshll.u32 s1, $0xD;
	s1 =	sshrl.u32 s1, $0x2  }
0xb9: {  	s3 =	sand.u32 $0x4000, s31;
	s1 =	sadd.s32 s1, s30  }
0xba: {  	s0 =	sor.u32 s3, s0;
	s1 =	sshll.u32 s1, $0x11  }
0xbb: {  	s0 =	sor.u32 s1, s0  }
0xbc: {  	s0 =	sadd.s32 $0x8F2B, s0  }
0xbd: {  	[sflag:s0] =	ssyncadd.remote.s32 $0x1  }
0xbe: {  	_ =	sfence.sel $0xFFFF  }
0xbf: {  	[dreg:$0x0] =	wrdreg $0xFFFFFFFF;
	(pc) =	sbr.abs _section_cstart, $3  }
0xc0: {  	[dreg:$0x1] =	wrdreg $0xFFFFFFFF  }
0xc1: {  	_ =	task.clear_ibuf [dreg:s6], $0x2FFFF;
	_ =	strace $0x9FFFFFFF  }
0xc2: {  	(tm) =	ssettm $0x7FFFFFFF  }
0xc3: {  	_ =	shalt  }
tec
execute0_lowered:
.L_overlay_start_1:
0x0: {  	(tag) =	ssettag $0x1  }
0x1: {  	s9 =	rddreg [dreg:$0x0]  }
0x2: {  	s2 =	rddreg [dreg:$0x1]  }
0x3: {  	s0 =	rddreg [dreg:$0x2]  }
0x4: {  	s3 =	simm.s32 $0x0;
	s1 =	stileid.u32;
	s4 =	srdreg.scid  }
0x5: {  	[smem:$0x7FF] =	sst s3;
	s17 =	smul.u32 $0x2700, s1  }
0x6: {  	s7 =	sand.u32 $0x1, s4;
	s4 =	sadd.s32 $0x53000, s9;
	s5 =	sadd.s32 $0x3E00, s9  }
0x7: {  	s6 =	sadd.s32 $0x17E00, s9;
	s11 =	smul.u32 $0x4E000, s1;
	s28 =	sshll.u32 s1, $0x1  }
0x8: {  	s31 =	sshll.u32 s1, $0x6;
	s16 =	sadd.s32 $0x138000, s2;
	p0 =	sne.s32 s1, $0xF  }
0x9: {  	_ =	strace $0x8000004D;
	s8 =	smul.u32 $0x27100, s7;
	s10 =	ssub.s32 $0x2, s7  }
0xa: {  	s30 =	sor.u32 s7, s28;
	s12 =	sadd.s32 s17, s9;
	s26 =	sshrl.u32 s10, $0x1  }
0xb: {  	s29 =	sshrl.u32 s11, $0x2;
	s13 =	sadd.s32 s8, s9;
	s14 =	ssub.s32 s10, s26  }
.Ltmp0:
0xc: {  	s15 =	sadd.s32 s29, s2;
	s7 =	sadd.s32 $0x2BE00, s12;
	(pc) =	sbr.rel .LBB2_1-.Ltmp0, $4  }
0xd: {  	s8 =	sor.u32 $0x1C02, s31;
	s9 =	sadd.s32 $0x52E00, s9;
	s10 =	smul.u32 $0x5000, s30  }
0xe: {  	s18 =	sadd.s32 $0xFF400, s13;
	s11 =	smax.u32 s14, $0x1;
	s12 =	sshrl.u32 s15, $0x3  }
0xf: {  	s13 =	simm.s32 $0x2;
	s14 =	sshrl.u32 @!p0 s16, $0x3;
	s15 =	simm.s32 $0x1  }
0x10: {  	s16 =	simm.s32 $0x50;
	s17 =	sadd.s32 s17, s18;
	s18 =	sadd.s32 @!p0 $0x27000, s18  }
.LBB2_8:
0x11: {  	[bflag:$0x0] =	sbarrier.arrive $0xFFFF  }
0x12: {  	[hbm:s17], [sflag:s8] =	dma.local [spmem:s12], $0x2700  }
0x13: {  	s3 =	sadd.s32 $0x1, s3;
	_ =	swait.ge [sflag:s13], $0x2700  }
0x14: {  	p1 =	sne.s32 s3, s11;
	[sflag:s13] =	ssyncset.done $0x0  }
.Ltmp1:
0x15: {  	s19 =	simm.s32 @!p0 $0x2;
	[sflag:s13] =	ssyncadd.s32 $0xFFFFD900;
	(pc) =	sbr.rel @!p1 .LBB2_9-.Ltmp1, $4  }
0x16: {  	[hbm:s18], [sflag:s8] =	dma.local @!p0 [spmem:s14], $0x100  }
0x17: {  	_ =	swait.ge @!p0 [sflag:s19], $0x100  }
0x18: {  	[sflag:s19] =	ssyncset.done @!p0 $0x0  }
0x19: {  	[sflag:s19] =	ssyncadd.s32 @!p0 $0xFFFFFF00  }
.LBB2_1:
0x1a: {  	[spmem:s12], [sflag:s8] =	dma.local [hbm:s7], $0x2700  }
0x1b: {  	_ =	swait.ge [sflag:s13], $0x2700  }
0x1c: {  	[sflag:s13] =	ssyncset.done $0x0  }
0x1d: {  	s19 =	simm.s32 @!p0 $0x2;
	[sflag:s13] =	ssyncadd.s32 $0xFFFFD900  }
0x1e: {  	[spmem:s14], [sflag:s8] =	dma.local @!p0 [hbm:s9], $0x100  }
.Ltmp2:
0x1f: {  	_ =	swait.ge @!p0 [sflag:s19], $0x100;
	(pc) =	sbr.rel .LBB2_2-.Ltmp2, $4  }
0x20: {  	[sflag:s19] =	ssyncset.done @!p0 $0x0  }
0x21: {  	[sflag:s19] =	ssyncadd.s32 @!p0 $0xFFFFFF00  }
0x22: {  	[bflag:$0x0] =	sbarrier.arrive $0xFFFF  }
0x23: {  	s19 =	simm.s32 $0x0  }
.LBB2_3:
0x24: {  	s20 =	simm.s32 $0x7C;
	s21 =	simm.s32 $0x18  }
.LBB2_6:
0x25: {  	s20 =	sand.u32 $0x1, s20;
	_ =	swait.ge [sflag:s15], $0x2800;
	s21 =	sshll.u32 s21, $0x7  }
0x26: {  	p1 =	seq.s32 s20, $0x1;
	s20 =	simm.s32 $0x4800;
	[sflag:s15] =	ssyncset.done $0x0  }
0x27: {  	s21 =	sadd.s32 $0x1000, s21;
	s20 =	simm.s32 @!p1 $0x2000;
	[sflag:s15] =	ssyncadd.s32 $0xFFFFD800  }
0x28: {  	[spmem:s2] =	stream.indirect.scatter.add.f32 [tilespmem:s20], [sflag:$0x2], $0x80, s21, s16, $0xb8;
	[tilespmem:$0x1A880] =	vst v63  }
0x29: {  	_ =	swait.ge [sflag:s13], $0x2800  }
0x2a: {  	[sflag:s13] =	ssyncset.done $0x0  }
0x2b: {  	[sflag:s13] =	ssyncadd.s32 $0xFFFFD800  }
.LBB2_7:
0x2c: {  	s19 =	sadd.s32 $0x1, s19  }
0x2d: {  	p1 =	sne.s32 s19, $0x7E  }
.Ltmp3:
0x2e: {  	_ = 	snop;
	(pc) =	sbr.rel @!p1 .LBB2_8-.Ltmp3, $1  }
0x2f: {  	_ =	sdelay $0x3  }
.LBB2_2:
0x30: {  	p1 =	seq.s32 s19, $0x7D  }
.Ltmp4:
0x31: {  	_ = 	snop;
	(pc) =	sbr.rel @p1 .LBB2_3-.Ltmp4, $1  }
0x32: {  	_ =	sdelay $0x3  }
0x33: {  	s20 =	smul.u32 $0x29, s19;
	_ =	sdelay $0x1  }
0x34: {  	s20 =	sshrl.u32 s20, $0xA  }
0x35: {  	s20 =	sand.u32 $0x3F, s20  }
0x36: {  	s20 =	smul.u32 $0x19, s20;
	_ =	sdelay $0x1  }
0x37: {  	s20 =	ssub.s32 s19, s20  }
0x38: {  	s20 =	sand.u32 $0xFF, s20  }
0x39: {  	p1 =	sne.s32 s20, $0x0  }
0x3a: {  	s21 =	smul.u32 @!p1 $0xA4, s19;
	_ =	sdelay $0x1  }
0x3b: {  	s21 =	sand.u32 @!p1 $0x3F000, s21  }
0x3c: {  	s21 =	sadd.s32 @!p1 s10, s21  }
0x3d: {  	s21 =	sshrl.u32 @!p1 s21, $0x3  }
0x3e: {  	s22 =	simm.s32 @!p1 $0x0;
	s21 =	sadd.s32 @!p1 s5, s21  }
0x3f: {  	[tilespmem:s22], [sflag:$0x3] =	stream.linear.gather @!p1 [hbm4b:s21+s22], $0xC80, $0x38;
	[tilespmem:$0x1A880] =	vst v63  }
0x40: {  	s21 =	simm.s32 @!p1 $0x3  }
0x41: {  	_ =	swait.ge @!p1 [sflag:s21], $0xC80  }
0x42: {  	[sflag:s21] =	ssyncset.done @!p1 $0x0  }
0x43: {  	[sflag:s21] =	ssyncadd.s32 @!p1 $0xFFFFF380;
	p1 =	seq.s32 s19, $0x0  }
.Ltmp5:
0x44: {  	_ = 	snop;
	(pc) =	sbr.rel @p1 .LBB2_7-.Ltmp5, $4  }
0x45: {  	s31 =	sand.u32 $0x1, s19  }
0x46: {  	p2 =	seq.s32 s31, $0x1;
	s22 =	simm.s32 $0x4800  }
0x47: {  	s20 =	sshll.u32 s20, $0x7;
	s22 =	simm.s32 @!p2 $0x2000  }
0x48: {  	[tilespmem:s22], [sflag:$0x1] =	stream.indirect.gather [hbm4b:s4+s16], $0x80, s20, s16, $0xb8;
	[tilespmem:$0x1A880] =	vst v63  }
0x49: {  	s20 =	sadd.s32 $0xFFFFFFFF, s19  }
0x4a: {  	s21 =	sand.u32 $0xFF, s20  }
0x4b: {  	s21 =	smul.u32 $0x29, s21;
	_ =	sdelay $0x1  }
0x4c: {  	s21 =	sshrl.u32 s21, $0xA  }
0x4d: {  	s21 =	smul.u32 $0x19, s21;
	_ =	sdelay $0x1  }
0x4e: {  	s21 =	ssub.s32 s20, s21  }
0x4f: {  	s21 =	sand.u32 $0xFF, s21  }
0x50: {  	p1 =	sne.s32 s21, $0x0  }
0x51: {  	s22 =	sand.u32 @!p1 $0xFF, s20  }
0x52: {  	s22 =	smul.u32 @!p1 $0xA4, s22;
	_ =	sdelay $0x1  }
0x53: {  	s22 =	sand.u32 @!p1 $0xF000, s22  }
0x54: {  	s22 =	sadd.s32 @!p1 s10, s22  }
0x55: {  	s22 =	sshrl.u32 @!p1 s22, $0x3  }
0x56: {  	s23 =	simm.s32 @!p1 $0x0;
	s24 =	simm.s32 @!p1 $0x1000;
	s22 =	sadd.s32 @!p1 s6, s22  }
0x57: {  	[tilespmem:s24], [sflag:$0x3] =	stream.linear.gather @!p1 [hbm4b:s22+s23], $0xC80, $0x38;
	[tilespmem:$0x1A880] =	vst v63  }
.Ltmp6:
0x58: {  	_ = 	snop;
	(pc) =	sbr.rel .LBB2_6-.Ltmp6, $4  }
0x59: {  	s22 =	simm.s32 @!p1 $0x3  }
0x5a: {  	_ =	swait.ge @!p1 [sflag:s22], $0xC80  }
0x5b: {  	[sflag:s22] =	ssyncset.done @!p1 $0x0  }
0x5c: {  	s21 =	simm.s32 @!p1 $0x0;
	[sflag:s22] =	ssyncadd.s32 @!p1 $0xFFFFF380  }
.LBB2_9:
0x5d: {  	_ =	sfence.sel $0x180000  }
0x5e: {  	[bflag:$0x0] =	sbarrier.arrive $0xFFFF  }
0x5f: {  	p0 =	sne.s32 s1, $0x0;
	_ =	strace $0x9000004D  }
0x60: {  	s0 =	sadd.s32 @!p0 $0x100000, s0;
	[bflag:$0x2] =	sbarrier.arrive $0xFFFF  }
0x61: {  	[sflag:s0] =	ssyncadd.tile.s32 @!p0 $0x1;
	_ =	shalt  }
.Lfunc_end2:
_tile_overlayer_lowered:
.L_overlay_start_2:
0x62: {  	(tag) =	ssettag $0x2  }
0x63: {  	s0 =	rddreg [dreg:$0x0];
	s2 =	stileid.u32  }
0x64: {  	s1 =	rddreg [dreg:$0x1];
	p0 =	sne.s32 s2, $0x0  }
0x65: {  	s3 =	rddreg [dreg:$0x2];
	[bflag:$0x3] =	sbarrier.arrive $0xFFFF;
	s2 =	simm.s32 @!p0 $0x1C02  }
0x66: {  	[timem:s3], [sflag:s2] =	dma.local @!p0 [hbm:s0], s1  }
0x67: {  	s0 =	simm.s32 @!p0 $0x2  }
0x68: {  	_ =	swait.ge @!p0 [sflag:s0], s1  }
0x69: {  	s1 =	ssub.s32 @!p0 $0x0, s1;
	[sflag:s0] =	ssyncset.done @!p0 $0x0  }
0x6a: {  	[sflag:s0] =	ssyncadd.s32 @!p0 s1  }
0x6b: {  	[bflag:$0x3] =	sbarrier.arrive $0xFFFF  }
0x6c: {  	_ =	shalt  }

// kernel: kernel.19.cloned.1.call-start
scs
__scs_entry_jumppad:
0x0: {  	(pc) =	sbr.rel $0x88, $3  }
0x1: {  	(tag) =	ssettag $0x0;
	lr =	simm.s32 $0x1  }
0x2: {  	[smem:$0x3F92] =	sst lr;
	_ =	strace $0xD0000000  }
0x3: {  	_ = 	snop  }
0x4: {  	_ = 	snop  }
0x5: {  	_ = 	snop  }
0x6: {  	_ = 	snop  }
0x7: {  	_ = 	snop  }
__scs_overlays_trampoline_lowered:
0x8: {  	[smem:$0x3FA1] =	sst s0  }
0x9: {  	[smem:$0x3FA2] =	sst s1  }
0xa: {  	[smem:$0x3FA3] =	sst s2  }
0xb: {  	[smem:$0x3FA4] =	sst s3  }
0xc: {  	[smem:$0x3FA5] =	sst s4  }
0xd: {  	[smem:$0x3FA6] =	sst s5  }
0xe: {  	[smem:$0x3FA7] =	sst s6  }
0xf: {  	[smem:$0x3FA8] =	sst s7  }
0x10: {  	[smem:$0x3FA9] =	sst s8  }
0x11: {  	[smem:$0x3FAA] =	sst s9;
	s0 =	simm.s32 @!p0 $0x0  }
0x12: {  	s1 =	sld [smem:$0x3F90];
	s0 =	simm.s32 @p0 $0x1  }
0x13: {  	[smem:$0x3FAB] =	sst s0;
	s0 =	simm.s32 @!p1 $0x0  }
0x14: {  	s2 =	sld [smem:$0x3F8F];
	s0 =	simm.s32 @p1 $0x1  }
0x15: {  	[smem:$0x3FAC] =	sst s0;
	s0 =	simm.s32 @!p2 $0x0  }
0x16: {  	s3 =	sld [smem:$0x3FDB];
	s0 =	simm.s32 @p2 $0x1  }
0x17: {  	s4 =	simm.s32 $0x1BF5;
	[smem:$0x3FAE] =	sst s0  }
0x18: {  	s0 =	sld [smem:$0x3F91];
	_ =	swait.ge [sflag:s4], $0x0  }
0x19: {  	s7 =	sld [smem:$0x3F92]  }
0x1a: {  	s8 =	sadd.s32 $0xFFFFE003, lr  }
0x1b: {  	s9 =	sadd.s32 $0xFFFFFEF7, lr;
	s5 =	simm.s32 $0xFFFFFFFF;
	p2 =	slt.u32 s8, $0xFFFFF086  }
0x1c: {  	p1 =	slt.u32 s9, $0xF7A;
	s5 =	simm.s32 @!p2 $0x0  }
0x1d: {  	s5 =	simm.s32 @p1 $0x1;
	p0 =	seq.s32 s7, s2  }
0x1e: {  	s7 =	smul.u32 @!p0 $0xF7A, s2;
	p2 =	seq.s32 @!p0 s5, $0x0  }
0x1f: {  	s9 =	smul.u32 $0xF7A, s1;
	s8 =	simm.s32 @!p0 $0x1BF5;
	p2 =	por !p2, p0  }
0x20: {  	[sflag:s8] =	ssyncset.s32 @!p0 $0xFFFFF086;
	s6 =	sadd.s32 @!p0 s3, s7;
	s7 =	simm.s32 @!p0 $0x108  }
0x21: {  	s3 =	sadd.s32 s3, s9;
	s6 =	sadd.s32 @!p0 $0x88, s6;
	s7 =	simm.s32 @p2 $0x1082  }
0x22: {  	[simem:s7], [sflag:s8] =	dma.local @!p0 [hbm:s6], $0xF7A  }
0x23: {  	s9 =	sor.u32 $0xD0000000, s2;
	s6 =	simm.s32 $0x108;
	_ =	swait.ge @!p0 [sflag:s8], $0x0  }
0x24: {  	s3 =	sadd.s32 $0x88, s3;
	s6 =	simm.s32 @!p1 $0x1082;
	[sflag:s4] =	ssyncset.s32 $0xFFFFF086  }
0x25: {  	[simem:s6], [sflag:s4] =	dma.local [hbm:s3], $0xF7A  }
0x26: {  	[smem:$0x3F92] =	sst s1;
	(tag) =	ssettag s2;
	_ =	strace s9  }
0x27: {  	s1 =	sld [smem:$0x3FA2]  }
0x28: {  	s2 =	sld [smem:$0x3FA3]  }
0x29: {  	s4 =	sld [smem:$0x3FA5]  }
0x2a: {  	p0 =	seq.s32 s5, $0x0;
	s5 =	sld [smem:$0x3FA6]  }
0x2b: {  	s6 =	sld [smem:$0x3FA7]  }
0x2c: {  	s7 =	sld [smem:$0x3FA8]  }
0x2d: {  	s3 =	simm.s32 $0x108;
	s8 =	sld [smem:$0x3FA9]  }
0x2e: {  	s3 =	simm.s32 @!p0 $0x1082;
	s9 =	sld [smem:$0x3FAA]  }
0x2f: {  	lr =	sadd.s32 s0, s3;
	s0 =	sld [smem:$0x3FA1]  }
0x30: {  	s3 =	sld [smem:$0x3FA4]  }
0x31: {  	[smem:$0x3FAD] =	sst s10  }
0x32: {  	s10 =	sld [smem:$0x3FAB];
	_ =	sdelay $0x3  }
0x33: {  	p0 =	seq.s32 s10, $0x1;
	s10 =	sld [smem:$0x3FAD];
	_ =	sdelay $0x3  }
0x34: {  	[smem:$0x3FAD] =	sst s10  }
0x35: {  	s10 =	sld [smem:$0x3FAC];
	_ =	sdelay $0x3  }
0x36: {  	p1 =	seq.s32 s10, $0x1;
	s10 =	sld [smem:$0x3FAD];
	_ =	sdelay $0x3  }
0x37: {  	[smem:$0x3FAD] =	sst s10  }
0x38: {  	s10 =	sld [smem:$0x3FAE]  }
0x39: {  	_ = 	snop;
	(pc) =	sbr.ind lr, $3  }
0x3a: {  	_ = 	snop  }
0x3b: {  	_ = 	snop  }
0x3c: {  	p2 =	seq.s32 s10, $0x1;
	s10 =	sld [smem:$0x3FAD]  }
0x3d: {  	_ =	shalt  }
0x3e: {  	_ =	shalt  }
0x3f: {  	_ =	shalt  }
0x40: {  	_ =	shalt  }
0x41: {  	_ =	shalt  }
0x42: {  	_ =	shalt  }
0x43: {  	_ =	shalt  }
0x44: {  	_ =	shalt  }
0x45: {  	_ =	shalt  }
0x46: {  	_ =	shalt  }
0x47: {  	_ =	shalt  }
0x48: {  	_ =	shalt  }
0x49: {  	_ =	shalt  }
0x4a: {  	_ =	shalt  }
0x4b: {  	_ =	shalt  }
0x4c: {  	_ =	shalt  }
0x4d: {  	_ =	shalt  }
0x4e: {  	_ =	shalt  }
0x4f: {  	_ =	shalt  }
0x50: {  	_ =	shalt  }
0x51: {  	_ =	shalt  }
0x52: {  	_ =	shalt  }
0x53: {  	_ =	shalt  }
0x54: {  	_ =	shalt  }
0x55: {  	_ =	shalt  }
0x56: {  	_ =	shalt  }
0x57: {  	_ =	shalt  }
0x58: {  	_ =	shalt  }
0x59: {  	_ =	shalt  }
0x5a: {  	_ =	shalt  }
0x5b: {  	_ =	shalt  }
0x5c: {  	_ =	shalt  }
0x5d: {  	_ =	shalt  }
0x5e: {  	_ =	shalt  }
0x5f: {  	_ =	shalt  }
0x60: {  	_ =	shalt  }
0x61: {  	_ =	shalt  }
0x62: {  	_ =	shalt  }
0x63: {  	_ =	shalt  }
0x64: {  	_ =	shalt  }
0x65: {  	_ =	shalt  }
0x66: {  	_ =	shalt  }
0x67: {  	_ =	shalt  }
0x68: {  	_ =	shalt  }
0x69: {  	_ =	shalt  }
0x6a: {  	_ =	shalt  }
0x6b: {  	_ =	shalt  }
0x6c: {  	_ =	shalt  }
0x6d: {  	_ =	shalt  }
0x6e: {  	_ =	shalt  }
0x6f: {  	_ =	shalt  }
0x70: {  	_ =	shalt  }
0x71: {  	_ =	shalt  }
0x72: {  	_ =	shalt  }
0x73: {  	_ =	shalt  }
0x74: {  	_ =	shalt  }
0x75: {  	_ =	shalt  }
0x76: {  	_ =	shalt  }
0x77: {  	_ =	shalt  }
0x78: {  	_ =	shalt  }
0x79: {  	_ =	shalt  }
0x7a: {  	_ =	shalt  }
0x7b: {  	_ =	shalt  }
0x7c: {  	_ =	shalt  }
0x7d: {  	_ =	shalt  }
0x7e: {  	_ =	shalt  }
0x7f: {  	_ =	shalt  }
0x80: {  	_ =	shalt  }
0x81: {  	_ =	shalt  }
0x82: {  	_ =	shalt  }
0x83: {  	_ =	shalt  }
0x84: {  	_ =	shalt  }
0x85: {  	_ =	shalt  }
0x86: {  	_ =	shalt  }
0x87: {  	_ =	shalt  }
.Lfunc_end0:
.L_simem_size_0:
called_computation.3_lowered:
.L_overlay_start_0:
0x88: {  	s2 =	sld [smem:$0x3FD9]  }
0x89: {  	s3 =	sld [smem:$0x3FFE];
	_ =	sdelay $0x1  }
0x8a: {  	s1 =	srdreg.scid  }
0x8b: {  	s0 =	sand.u32 $0x1, s1  }
0x8c: {  	s16 =	sshll.u32 s0, $0xA;
	s2 =	sadd.s32 s3, s2  }
0x8d: {  	s2 =	sadd.s32 s2, s16  }
0x8e: {  	[smem:$0x3FB9] =	sst s2  }
0x8f: {  	_ = 	snop  }
0x90: {  	(tm) =	ssettm $0x1  }
0x91: {  	s17 =	sld [smem:$0x3FFB];
	_ =	sdelay $0x3  }
0x92: {  	_ =	strace s17  }
0x93: {  	s2 =	sld [smem:$0x3FFC];
	_ =	sdelay $0x3  }
0x94: {  	_ =	strace s2  }
0x95: {  	s2 =	sld [smem:$0x3FFD];
	_ =	sdelay $0x3  }
0x96: {  	_ =	strace s2  }
0x97: {  	_ =	strace $0x8FFFFFFF  }
0x98: {  	s18 =	sld [smem:$0x3FDB];
	_ =	sdelay $0x1  }
0x99: {  	s19 =	simm.s32 $_scs_section_size  }
0x9a: {  	s4 =	simm.s32 $_size__tile_overlayer_lowered;
	s5 =	simm.s32 $_tile_overlayer_lowered  }
0x9b: {  	s22 =	simm.s32 $0x1BFF;
	s21 =	sshll.u32 s5, $0x1;
	s2 =	sadd.s32 s19, s18  }
0x9c: {  	s6 =	simm.s32 $0x0;
	s20 =	sshll.u32 s4, $0x1;
	s4 =	sadd.s32 s21, s2  }
0x9d: {  	[timem:s6], [sflag:s22] =	dma.local [hbm:s4], s20  }
0x9e: {  	_ =	swait.ge [sflag:s22], s20  }
0x9f: {  	s3 =	ssub.s32 $0x0, s20;
	[sflag:s22] =	ssyncset.done $0x0  }
0xa0: {  	[sflag:s22] =	ssyncadd.s32 s3;
	_ =	sdelay $0x1  }
0xa1: {  	s23 =	simm.s32 $0x1B8B  }
0xa2: {  	_ =	swait.ge [sflag:s23], $0x1  }
0xa3: {  	[sflag:s23] =	ssyncset.done $0x0  }
0xa4: {  	s25 =	simm.s32 $0x1B8E;
	s24 =	sld [smem:$0x3FFE];
	[sflag:s23] =	ssyncadd.s32 $0xFFFFFFFF  }
0xa5: {  	s26 =	simm.s32 $execute0_lowered;
	[smem:$0x3FD2] =	sst s25  }
0xa6: {  	s4 =	sshll.u32 s26, $0x1;
	_ =	strace $0x8000004F;
	[dreg:$0x1] =	wrdreg $0xFFFFFFFF  }
0xa7: {  	s28 =	simm.s32 $_size_execute0_lowered;
	s2 =	sadd.s32 s2, s4;
	[dreg:$0x0] =	wrdreg $0x0  }
0xa8: {  	s4 =	sshll.u32 s28, $0x1;
	[dreg:$0x2] =	wrdreg s2  }
0xa9: {  	[dreg:$0x3] =	wrdreg s4  }
0xaa: {  	[dreg:$0x4] =	wrdreg $0xC0  }
0xab: {  	_ =	task [dreg:s6], $0x5FFFF  }
0xac: {  	[dreg:$0x1] =	wrdreg $0xFFFFFFFF  }
0xad: {  	[dreg:$0x0] =	wrdreg $0x60  }
0xae: {  	[dreg:$0x2] =	wrdreg s24  }
0xaf: {  	[dreg:$0x3] =	wrdreg $0x70000  }
0xb0: {  	[dreg:$0x4] =	wrdreg $0x9  }
0xb1: {  	_ =	task.clear_ibuf [dreg:s6], $0x5FFFF;
	_ =	strace $0x9000004F  }
0xb2: {  	s29 =	simm.s32 $0x9;
	_ =	strace $0x80000051  }
0xb3: {  	_ =	swait.ge [sflag:s29], $0x1  }
0xb4: {  	[sflag:s29] =	ssyncadd.s32 $0xFFFFFFFF  }
0xb5: {  	_ =	strace $0x90000051  }
0xb6: {  	_ =	sfence  }
0xb7: {  	s30 =	sld [smem:$0x0];
	_ =	sdelay $0x2  }
0xb8: {  	s31 =	sshll.u32 s1, $0xD;
	s1 =	sshrl.u32 s1, $0x2  }
0xb9: {  	s3 =	sand.u32 $0x4000, s31;
	s1 =	sadd.s32 s1, s30  }
0xba: {  	s0 =	sor.u32 s3, s0;
	s1 =	sshll.u32 s1, $0x11  }
0xbb: {  	s0 =	sor.u32 s1, s0  }
0xbc: {  	s0 =	sadd.s32 $0x8F2B, s0  }
0xbd: {  	[sflag:s0] =	ssyncadd.remote.s32 $0x1  }
0xbe: {  	_ =	sfence.sel $0xFFFF  }
0xbf: {  	[dreg:$0x0] =	wrdreg $0xFFFFFFFF;
	(pc) =	sbr.abs _section_cstart, $3  }
0xc0: {  	[dreg:$0x1] =	wrdreg $0xFFFFFFFF  }
0xc1: {  	_ =	task.clear_ibuf [dreg:s6], $0x2FFFF;
	_ =	strace $0x9FFFFFFF  }
0xc2: {  	(tm) =	ssettm $0x7FFFFFFF  }
0xc3: {  	_ =	shalt  }
tec
execute0_lowered:
.L_overlay_start_1:
0x0: {  	(tag) =	ssettag $0x1  }
0x1: {  	s9 =	rddreg [dreg:$0x0]  }
0x2: {  	s2 =	rddreg [dreg:$0x1]  }
0x3: {  	s0 =	rddreg [dreg:$0x2]  }
0x4: {  	s3 =	simm.s32 $0x0;
	s1 =	stileid.u32;
	s4 =	srdreg.scid  }
0x5: {  	[smem:$0x7FF] =	sst s3;
	s17 =	smul.u32 $0x2700, s1  }
0x6: {  	s7 =	sand.u32 $0x1, s4;
	s4 =	sadd.s32 $0x53000, s9;
	s5 =	sadd.s32 $0x3E00, s9  }
0x7: {  	s6 =	sadd.s32 $0x17E00, s9;
	s11 =	smul.u32 $0x4E000, s1;
	s28 =	sshll.u32 s1, $0x1  }
0x8: {  	s31 =	sshll.u32 s1, $0x6;
	s16 =	sadd.s32 $0x138000, s2;
	p0 =	sne.s32 s1, $0xF  }
0x9: {  	_ =	strace $0x80000050;
	s8 =	smul.u32 $0x27100, s7;
	s10 =	ssub.s32 $0x2, s7  }
0xa: {  	s30 =	sor.u32 s7, s28;
	s12 =	sadd.s32 s17, s9;
	s26 =	sshrl.u32 s10, $0x1  }
0xb: {  	s29 =	sshrl.u32 s11, $0x2;
	s13 =	sadd.s32 s8, s9;
	s14 =	ssub.s32 s10, s26  }
.Ltmp0:
0xc: {  	s15 =	sadd.s32 s29, s2;
	s7 =	sadd.s32 $0x2BE00, s12;
	(pc) =	sbr.rel .LBB2_1-.Ltmp0, $4  }
0xd: {  	s8 =	sor.u32 $0x1C02, s31;
	s9 =	sadd.s32 $0x52E00, s9;
	s10 =	smul.u32 $0x5000, s30  }
0xe: {  	s18 =	sadd.s32 $0xFF400, s13;
	s11 =	smax.u32 s14, $0x1;
	s12 =	sshrl.u32 s15, $0x3  }
0xf: {  	s13 =	simm.s32 $0x2;
	s14 =	sshrl.u32 @!p0 s16, $0x3;
	s15 =	simm.s32 $0x1  }
0x10: {  	s16 =	simm.s32 $0x50;
	s17 =	sadd.s32 s17, s18;
	s18 =	sadd.s32 @!p0 $0x27000, s18  }
.LBB2_8:
0x11: {  	[bflag:$0x0] =	sbarrier.arrive $0xFFFF  }
0x12: {  	[hbm:s17], [sflag:s8] =	dma.local [spmem:s12], $0x2700  }
0x13: {  	s3 =	sadd.s32 $0x1, s3;
	_ =	swait.ge [sflag:s13], $0x2700  }
0x14: {  	p1 =	sne.s32 s3, s11;
	[sflag:s13] =	ssyncset.done $0x0  }
.Ltmp1:
0x15: {  	s19 =	simm.s32 @!p0 $0x2;
	[sflag:s13] =	ssyncadd.s32 $0xFFFFD900;
	(pc) =	sbr.rel @!p1 .LBB2_9-.Ltmp1, $4  }
0x16: {  	[hbm:s18], [sflag:s8] =	dma.local @!p0 [spmem:s14], $0x100  }
0x17: {  	_ =	swait.ge @!p0 [sflag:s19], $0x100  }
0x18: {  	[sflag:s19] =	ssyncset.done @!p0 $0x0  }
0x19: {  	[sflag:s19] =	ssyncadd.s32 @!p0 $0xFFFFFF00  }
.LBB2_1:
0x1a: {  	[spmem:s12], [sflag:s8] =	dma.local [hbm:s7], $0x2700  }
0x1b: {  	_ =	swait.ge [sflag:s13], $0x2700  }
0x1c: {  	[sflag:s13] =	ssyncset.done $0x0  }
0x1d: {  	s19 =	simm.s32 @!p0 $0x2;
	[sflag:s13] =	ssyncadd.s32 $0xFFFFD900  }
0x1e: {  	[spmem:s14], [sflag:s8] =	dma.local @!p0 [hbm:s9], $0x100  }
.Ltmp2:
0x1f: {  	_ =	swait.ge @!p0 [sflag:s19], $0x100;
	(pc) =	sbr.rel .LBB2_2-.Ltmp2, $4  }
0x20: {  	[sflag:s19] =	ssyncset.done @!p0 $0x0  }
0x21: {  	[sflag:s19] =	ssyncadd.s32 @!p0 $0xFFFFFF00  }
0x22: {  	[bflag:$0x0] =	sbarrier.arrive $0xFFFF  }
0x23: {  	s19 =	simm.s32 $0x0  }
.LBB2_3:
0x24: {  	s20 =	simm.s32 $0x7C;
	s21 =	simm.s32 $0x18  }
.LBB2_6:
0x25: {  	s20 =	sand.u32 $0x1, s20;
	_ =	swait.ge [sflag:s15], $0x2800;
	s21 =	sshll.u32 s21, $0x7  }
0x26: {  	p1 =	seq.s32 s20, $0x1;
	s20 =	simm.s32 $0x4800;
	[sflag:s15] =	ssyncset.done $0x0  }
0x27: {  	s21 =	sadd.s32 $0x1000, s21;
	s20 =	simm.s32 @!p1 $0x2000;
	[sflag:s15] =	ssyncadd.s32 $0xFFFFD800  }
0x28: {  	[spmem:s2] =	stream.indirect.scatter.add.f32 [tilespmem:s20], [sflag:$0x2], $0x80, s21, s16, $0xb8;
	[tilespmem:$0x1A880] =	vst v63  }
0x29: {  	_ =	swait.ge [sflag:s13], $0x2800  }
0x2a: {  	[sflag:s13] =	ssyncset.done $0x0  }
0x2b: {  	[sflag:s13] =	ssyncadd.s32 $0xFFFFD800  }
.LBB2_7:
0x2c: {  	s19 =	sadd.s32 $0x1, s19  }
0x2d: {  	p1 =	sne.s32 s19, $0x7E  }
.Ltmp3:
0x2e: {  	_ = 	snop;
	(pc) =	sbr.rel @!p1 .LBB2_8-.Ltmp3, $1  }
0x2f: {  	_ =	sdelay $0x3  }
.LBB2_2:
0x30: {  	p1 =	seq.s32 s19, $0x7D  }
.Ltmp4:
0x31: {  	_ = 	snop;
	(pc) =	sbr.rel @p1 .LBB2_3-.Ltmp4, $1  }
0x32: {  	_ =	sdelay $0x3  }
0x33: {  	s20 =	smul.u32 $0x29, s19;
	_ =	sdelay $0x1  }
0x34: {  	s20 =	sshrl.u32 s20, $0xA  }
0x35: {  	s20 =	sand.u32 $0x3F, s20  }
0x36: {  	s20 =	smul.u32 $0x19, s20;
	_ =	sdelay $0x1  }
0x37: {  	s20 =	ssub.s32 s19, s20  }
0x38: {  	s20 =	sand.u32 $0xFF, s20  }
0x39: {  	p1 =	sne.s32 s20, $0x0  }
0x3a: {  	s21 =	smul.u32 @!p1 $0xA4, s19;
	_ =	sdelay $0x1  }
0x3b: {  	s21 =	sand.u32 @!p1 $0x3F000, s21  }
0x3c: {  	s21 =	sadd.s32 @!p1 s10, s21  }
0x3d: {  	s21 =	sshrl.u32 @!p1 s21, $0x3  }
0x3e: {  	s22 =	simm.s32 @!p1 $0x0;
	s21 =	sadd.s32 @!p1 s5, s21  }
0x3f: {  	[tilespmem:s22], [sflag:$0x3] =	stream.linear.gather @!p1 [hbm4b:s21+s22], $0xC80, $0x38;
	[tilespmem:$0x1A880] =	vst v63  }
0x40: {  	s21 =	simm.s32 @!p1 $0x3  }
0x41: {  	_ =	swait.ge @!p1 [sflag:s21], $0xC80  }
0x42: {  	[sflag:s21] =	ssyncset.done @!p1 $0x0  }
0x43: {  	[sflag:s21] =	ssyncadd.s32 @!p1 $0xFFFFF380;
	p1 =	seq.s32 s19, $0x0  }
.Ltmp5:
0x44: {  	_ = 	snop;
	(pc) =	sbr.rel @p1 .LBB2_7-.Ltmp5, $4  }
0x45: {  	s31 =	sand.u32 $0x1, s19  }
0x46: {  	p2 =	seq.s32 s31, $0x1;
	s22 =	simm.s32 $0x4800  }
0x47: {  	s20 =	sshll.u32 s20, $0x7;
	s22 =	simm.s32 @!p2 $0x2000  }
0x48: {  	[tilespmem:s22], [sflag:$0x1] =	stream.indirect.gather [hbm4b:s4+s16], $0x80, s20, s16, $0xb8;
	[tilespmem:$0x1A880] =	vst v63  }
0x49: {  	s20 =	sadd.s32 $0xFFFFFFFF, s19  }
0x4a: {  	s21 =	sand.u32 $0xFF, s20  }
0x4b: {  	s21 =	smul.u32 $0x29, s21;
	_ =	sdelay $0x1  }
0x4c: {  	s21 =	sshrl.u32 s21, $0xA  }
0x4d: {  	s21 =	smul.u32 $0x19, s21;
	_ =	sdelay $0x1  }
0x4e: {  	s21 =	ssub.s32 s20, s21  }
0x4f: {  	s21 =	sand.u32 $0xFF, s21  }
0x50: {  	p1 =	sne.s32 s21, $0x0  }
0x51: {  	s22 =	sand.u32 @!p1 $0xFF, s20  }
0x52: {  	s22 =	smul.u32 @!p1 $0xA4, s22;
	_ =	sdelay $0x1  }
0x53: {  	s22 =	sand.u32 @!p1 $0xF000, s22  }
0x54: {  	s22 =	sadd.s32 @!p1 s10, s22  }
0x55: {  	s22 =	sshrl.u32 @!p1 s22, $0x3  }
0x56: {  	s23 =	simm.s32 @!p1 $0x0;
	s24 =	simm.s32 @!p1 $0x1000;
	s22 =	sadd.s32 @!p1 s6, s22  }
0x57: {  	[tilespmem:s24], [sflag:$0x3] =	stream.linear.gather @!p1 [hbm4b:s22+s23], $0xC80, $0x38;
	[tilespmem:$0x1A880] =	vst v63  }
.Ltmp6:
0x58: {  	_ = 	snop;
	(pc) =	sbr.rel .LBB2_6-.Ltmp6, $4  }
0x59: {  	s22 =	simm.s32 @!p1 $0x3  }
0x5a: {  	_ =	swait.ge @!p1 [sflag:s22], $0xC80  }
0x5b: {  	[sflag:s22] =	ssyncset.done @!p1 $0x0  }
0x5c: {  	s21 =	simm.s32 @!p1 $0x0;
	[sflag:s22] =	ssyncadd.s32 @!p1 $0xFFFFF380  }
.LBB2_9:
0x5d: {  	_ =	sfence.sel $0x180000  }
0x5e: {  	[bflag:$0x0] =	sbarrier.arrive $0xFFFF  }
0x5f: {  	p0 =	sne.s32 s1, $0x0;
	_ =	strace $0x90000050  }
0x60: {  	s0 =	sadd.s32 @!p0 $0x100000, s0;
	[bflag:$0x2] =	sbarrier.arrive $0xFFFF  }
0x61: {  	[sflag:s0] =	ssyncadd.tile.s32 @!p0 $0x1;
	_ =	shalt  }
.Lfunc_end2:
_tile_overlayer_lowered:
.L_overlay_start_2:
0x62: {  	(tag) =	ssettag $0x2  }
0x63: {  	s0 =	rddreg [dreg:$0x0];
	s2 =	stileid.u32  }
0x64: {  	s1 =	rddreg [dreg:$0x1];
	p0 =	sne.s32 s2, $0x0  }
0x65: {  	s3 =	rddreg [dreg:$0x2];
	[bflag:$0x3] =	sbarrier.arrive $0xFFFF;
	s2 =	simm.s32 @!p0 $0x1C02  }
0x66: {  	[timem:s3], [sflag:s2] =	dma.local @!p0 [hbm:s0], s1  }
0x67: {  	s0 =	simm.s32 @!p0 $0x2  }
0x68: {  	_ =	swait.ge @!p0 [sflag:s0], s1  }
0x69: {  	s1 =	ssub.s32 @!p0 $0x0, s1;
	[sflag:s0] =	ssyncset.done @!p0 $0x0  }
0x6a: {  	[sflag:s0] =	ssyncadd.s32 @!p0 s1  }
0x6b: {  	[bflag:$0x3] =	sbarrier.arrive $0xFFFF  }
0x6c: {  	_ =	shalt  }

// kernel: kernel.22.cloned.1.call-start
scs
__scs_entry_jumppad:
0x0: {  	(pc) =	sbr.rel $0x88, $3  }
0x1: {  	(tag) =	ssettag $0x0;
	lr =	simm.s32 $0x1  }
0x2: {  	[smem:$0x3F92] =	sst lr;
	_ =	strace $0xD0000000  }
0x3: {  	_ = 	snop  }
0x4: {  	_ = 	snop  }
0x5: {  	_ = 	snop  }
0x6: {  	_ = 	snop  }
0x7: {  	_ = 	snop  }
__scs_overlays_trampoline_lowered:
0x8: {  	[smem:$0x3FA1] =	sst s0  }
0x9: {  	[smem:$0x3FA2] =	sst s1  }
0xa: {  	[smem:$0x3FA3] =	sst s2  }
0xb: {  	[smem:$0x3FA4] =	sst s3  }
0xc: {  	[smem:$0x3FA5] =	sst s4  }
0xd: {  	[smem:$0x3FA6] =	sst s5  }
0xe: {  	[smem:$0x3FA7] =	sst s6  }
0xf: {  	[smem:$0x3FA8] =	sst s7  }
0x10: {  	[smem:$0x3FA9] =	sst s8  }
0x11: {  	[smem:$0x3FAA] =	sst s9;
	s0 =	simm.s32 @!p0 $0x0  }
0x12: {  	s1 =	sld [smem:$0x3F90];
	s0 =	simm.s32 @p0 $0x1  }
0x13: {  	[smem:$0x3FAB] =	sst s0;
	s0 =	simm.s32 @!p1 $0x0  }
0x14: {  	s2 =	sld [smem:$0x3F8F];
	s0 =	simm.s32 @p1 $0x1  }
0x15: {  	[smem:$0x3FAC] =	sst s0;
	s0 =	simm.s32 @!p2 $0x0  }
0x16: {  	s3 =	sld [smem:$0x3FDB];
	s0 =	simm.s32 @p2 $0x1  }
0x17: {  	s4 =	simm.s32 $0x1BF5;
	[smem:$0x3FAE] =	sst s0  }
0x18: {  	s0 =	sld [smem:$0x3F91];
	_ =	swait.ge [sflag:s4], $0x0  }
0x19: {  	s7 =	sld [smem:$0x3F92]  }
0x1a: {  	s8 =	sadd.s32 $0xFFFFE003, lr  }
0x1b: {  	s9 =	sadd.s32 $0xFFFFFEF7, lr;
	s5 =	simm.s32 $0xFFFFFFFF;
	p2 =	slt.u32 s8, $0xFFFFF086  }
0x1c: {  	p1 =	slt.u32 s9, $0xF7A;
	s5 =	simm.s32 @!p2 $0x0  }
0x1d: {  	s5 =	simm.s32 @p1 $0x1;
	p0 =	seq.s32 s7, s2  }
0x1e: {  	s7 =	smul.u32 @!p0 $0xF7A, s2;
	p2 =	seq.s32 @!p0 s5, $0x0  }
0x1f: {  	s9 =	smul.u32 $0xF7A, s1;
	s8 =	simm.s32 @!p0 $0x1BF5;
	p2 =	por !p2, p0  }
0x20: {  	[sflag:s8] =	ssyncset.s32 @!p0 $0xFFFFF086;
	s6 =	sadd.s32 @!p0 s3, s7;
	s7 =	simm.s32 @!p0 $0x108  }
0x21: {  	s3 =	sadd.s32 s3, s9;
	s6 =	sadd.s32 @!p0 $0x88, s6;
	s7 =	simm.s32 @p2 $0x1082  }
0x22: {  	[simem:s7], [sflag:s8] =	dma.local @!p0 [hbm:s6], $0xF7A  }
0x23: {  	s9 =	sor.u32 $0xD0000000, s2;
	s6 =	simm.s32 $0x108;
	_ =	swait.ge @!p0 [sflag:s8], $0x0  }
0x24: {  	s3 =	sadd.s32 $0x88, s3;
	s6 =	simm.s32 @!p1 $0x1082;
	[sflag:s4] =	ssyncset.s32 $0xFFFFF086  }
0x25: {  	[simem:s6], [sflag:s4] =	dma.local [hbm:s3], $0xF7A  }
0x26: {  	[smem:$0x3F92] =	sst s1;
	(tag) =	ssettag s2;
	_ =	strace s9  }
0x27: {  	s1 =	sld [smem:$0x3FA2]  }
0x28: {  	s2 =	sld [smem:$0x3FA3]  }
0x29: {  	s4 =	sld [smem:$0x3FA5]  }
0x2a: {  	p0 =	seq.s32 s5, $0x0;
	s5 =	sld [smem:$0x3FA6]  }
0x2b: {  	s6 =	sld [smem:$0x3FA7]  }
0x2c: {  	s7 =	sld [smem:$0x3FA8]  }
0x2d: {  	s3 =	simm.s32 $0x108;
	s8 =	sld [smem:$0x3FA9]  }
0x2e: {  	s3 =	simm.s32 @!p0 $0x1082;
	s9 =	sld [smem:$0x3FAA]  }
0x2f: {  	lr =	sadd.s32 s0, s3;
	s0 =	sld [smem:$0x3FA1]  }
0x30: {  	s3 =	sld [smem:$0x3FA4]  }
0x31: {  	[smem:$0x3FAD] =	sst s10  }
0x32: {  	s10 =	sld [smem:$0x3FAB];
	_ =	sdelay $0x3  }
0x33: {  	p0 =	seq.s32 s10, $0x1;
	s10 =	sld [smem:$0x3FAD];
	_ =	sdelay $0x3  }
0x34: {  	[smem:$0x3FAD] =	sst s10  }
0x35: {  	s10 =	sld [smem:$0x3FAC];
	_ =	sdelay $0x3  }
0x36: {  	p1 =	seq.s32 s10, $0x1;
	s10 =	sld [smem:$0x3FAD];
	_ =	sdelay $0x3  }
0x37: {  	[smem:$0x3FAD] =	sst s10  }
0x38: {  	s10 =	sld [smem:$0x3FAE]  }
0x39: {  	_ = 	snop;
	(pc) =	sbr.ind lr, $3  }
0x3a: {  	_ = 	snop  }
0x3b: {  	_ = 	snop  }
0x3c: {  	p2 =	seq.s32 s10, $0x1;
	s10 =	sld [smem:$0x3FAD]  }
0x3d: {  	_ =	shalt  }
0x3e: {  	_ =	shalt  }
0x3f: {  	_ =	shalt  }
0x40: {  	_ =	shalt  }
0x41: {  	_ =	shalt  }
0x42: {  	_ =	shalt  }
0x43: {  	_ =	shalt  }
0x44: {  	_ =	shalt  }
0x45: {  	_ =	shalt  }
0x46: {  	_ =	shalt  }
0x47: {  	_ =	shalt  }
0x48: {  	_ =	shalt  }
0x49: {  	_ =	shalt  }
0x4a: {  	_ =	shalt  }
0x4b: {  	_ =	shalt  }
0x4c: {  	_ =	shalt  }
0x4d: {  	_ =	shalt  }
0x4e: {  	_ =	shalt  }
0x4f: {  	_ =	shalt  }
0x50: {  	_ =	shalt  }
0x51: {  	_ =	shalt  }
0x52: {  	_ =	shalt  }
0x53: {  	_ =	shalt  }
0x54: {  	_ =	shalt  }
0x55: {  	_ =	shalt  }
0x56: {  	_ =	shalt  }
0x57: {  	_ =	shalt  }
0x58: {  	_ =	shalt  }
0x59: {  	_ =	shalt  }
0x5a: {  	_ =	shalt  }
0x5b: {  	_ =	shalt  }
0x5c: {  	_ =	shalt  }
0x5d: {  	_ =	shalt  }
0x5e: {  	_ =	shalt  }
0x5f: {  	_ =	shalt  }
0x60: {  	_ =	shalt  }
0x61: {  	_ =	shalt  }
0x62: {  	_ =	shalt  }
0x63: {  	_ =	shalt  }
0x64: {  	_ =	shalt  }
0x65: {  	_ =	shalt  }
0x66: {  	_ =	shalt  }
0x67: {  	_ =	shalt  }
0x68: {  	_ =	shalt  }
0x69: {  	_ =	shalt  }
0x6a: {  	_ =	shalt  }
0x6b: {  	_ =	shalt  }
0x6c: {  	_ =	shalt  }
0x6d: {  	_ =	shalt  }
0x6e: {  	_ =	shalt  }
0x6f: {  	_ =	shalt  }
0x70: {  	_ =	shalt  }
0x71: {  	_ =	shalt  }
0x72: {  	_ =	shalt  }
0x73: {  	_ =	shalt  }
0x74: {  	_ =	shalt  }
0x75: {  	_ =	shalt  }
0x76: {  	_ =	shalt  }
0x77: {  	_ =	shalt  }
0x78: {  	_ =	shalt  }
0x79: {  	_ =	shalt  }
0x7a: {  	_ =	shalt  }
0x7b: {  	_ =	shalt  }
0x7c: {  	_ =	shalt  }
0x7d: {  	_ =	shalt  }
0x7e: {  	_ =	shalt  }
0x7f: {  	_ =	shalt  }
0x80: {  	_ =	shalt  }
0x81: {  	_ =	shalt  }
0x82: {  	_ =	shalt  }
0x83: {  	_ =	shalt  }
0x84: {  	_ =	shalt  }
0x85: {  	_ =	shalt  }
0x86: {  	_ =	shalt  }
0x87: {  	_ =	shalt  }
.Lfunc_end0:
.L_simem_size_0:
called_computation.4_lowered:
.L_overlay_start_0:
0x88: {  	s2 =	sld [smem:$0x3FD9]  }
0x89: {  	s3 =	sld [smem:$0x3FFE];
	_ =	sdelay $0x1  }
0x8a: {  	s1 =	srdreg.scid  }
0x8b: {  	s0 =	sand.u32 $0x1, s1  }
0x8c: {  	s17 =	sshll.u32 s0, $0xA;
	s2 =	sadd.s32 s3, s2  }
0x8d: {  	s2 =	sadd.s32 s2, s17  }
0x8e: {  	[smem:$0x3FB9] =	sst s2  }
0x8f: {  	_ = 	snop  }
0x90: {  	s2 =	sld [smem:$0x3FBC]  }
0x91: {  	s18 =	sld [smem:$0x3FD0];
	(tm) =	ssettm $0x1  }
0x92: {  	s4 =	sld [smem:$0x3FFB];
	_ =	sdelay $0x3  }
0x93: {  	_ =	strace s4  }
0x94: {  	s4 =	sld [smem:$0x3FFC];
	_ =	sdelay $0x3  }
0x95: {  	_ =	strace s4  }
0x96: {  	s4 =	sld [smem:$0x3FFD];
	_ =	sdelay $0x3  }
0x97: {  	_ =	strace s4  }
0x98: {  	_ =	strace $0x8FFFFFFF  }
0x99: {  	s19 =	sld [smem:$0x3FDB];
	_ =	sdelay $0x1  }
0x9a: {  	s5 =	simm.s32 $_scs_section_size  }
0x9b: {  	s6 =	simm.s32 $_size__tile_overlayer_lowered;
	s7 =	simm.s32 $_tile_overlayer_lowered  }
0x9c: {  	s22 =	simm.s32 $0x1BFF;
	s21 =	sshll.u32 s7, $0x1;
	s4 =	sadd.s32 s5, s19  }
0x9d: {  	s8 =	simm.s32 $0x0;
	s20 =	sshll.u32 s6, $0x1;
	s6 =	sadd.s32 s21, s4  }
0x9e: {  	[timem:s8], [sflag:s22] =	dma.local [hbm:s6], s20  }
0x9f: {  	_ =	swait.ge [sflag:s22], s20  }
0xa0: {  	s5 =	ssub.s32 $0x0, s20;
	[sflag:s22] =	ssyncset.done $0x0  }
0xa1: {  	[sflag:s22] =	ssyncadd.s32 s5;
	_ =	sdelay $0x1  }
0xa2: {  	s23 =	simm.s32 $0x1B8B  }
0xa3: {  	_ =	swait.ge [sflag:s23], $0x1  }
0xa4: {  	[sflag:s23] =	ssyncset.done $0x0  }
0xa5: {  	s25 =	simm.s32 $0x1B8E;
	s24 =	sld [smem:$0x3FFE];
	[sflag:s23] =	ssyncadd.s32 $0xFFFFFFFF  }
0xa6: {  	s26 =	simm.s32 $execute0_lowered;
	[smem:$0x3FD2] =	sst s25  }
0xa7: {  	s6 =	sshll.u32 s26, $0x1;
	_ =	strace $0x80000052;
	[dreg:$0x1] =	wrdreg $0xFFFFFFFF  }
0xa8: {  	s28 =	simm.s32 $_size_execute0_lowered;
	s4 =	sadd.s32 s4, s6;
	[dreg:$0x0] =	wrdreg $0x0  }
0xa9: {  	s6 =	sshll.u32 s28, $0x1;
	[dreg:$0x2] =	wrdreg s4  }
0xaa: {  	[dreg:$0x3] =	wrdreg s6  }
0xab: {  	[dreg:$0x4] =	wrdreg $0xC0  }
0xac: {  	_ =	task [dreg:s8], $0x5FFFF  }
0xad: {  	[dreg:$0x1] =	wrdreg $0xFFFFFFFF  }
0xae: {  	[dreg:$0x0] =	wrdreg $0x60  }
0xaf: {  	[dreg:$0x2] =	wrdreg s24  }
0xb0: {  	[dreg:$0x3] =	wrdreg s2  }
0xb1: {  	[dreg:$0x4] =	wrdreg s18  }
0xb2: {  	[dreg:$0x5] =	wrdreg $0x9  }
0xb3: {  	_ =	task.clear_ibuf [dreg:s8], $0x6FFFF;
	_ =	strace $0x90000052  }
0xb4: {  	s29 =	simm.s32 $0x9;
	_ =	strace $0x80000054  }
0xb5: {  	_ =	swait.ge [sflag:s29], $0x1  }
0xb6: {  	[sflag:s29] =	ssyncadd.s32 $0xFFFFFFFF  }
0xb7: {  	_ =	strace $0x90000054  }
0xb8: {  	_ =	sfence  }
0xb9: {  	s30 =	sld [smem:$0x0];
	_ =	sdelay $0x2  }
0xba: {  	s31 =	sshll.u32 s1, $0xD;
	s1 =	sshrl.u32 s1, $0x2  }
0xbb: {  	s3 =	sand.u32 $0x4000, s31;
	s1 =	sadd.s32 s1, s30  }
0xbc: {  	s0 =	sor.u32 s3, s0;
	s1 =	sshll.u32 s1, $0x11  }
0xbd: {  	s0 =	sor.u32 s1, s0  }
0xbe: {  	s0 =	sadd.s32 $0x8F2B, s0  }
0xbf: {  	[sflag:s0] =	ssyncadd.remote.s32 $0x1  }
0xc0: {  	_ =	sfence.sel $0xFFFF  }
0xc1: {  	[dreg:$0x0] =	wrdreg $0xFFFFFFFF;
	(pc) =	sbr.abs _section_cstart, $3  }
0xc2: {  	[dreg:$0x1] =	wrdreg $0xFFFFFFFF  }
0xc3: {  	_ =	task.clear_ibuf [dreg:s8], $0x2FFFF;
	_ =	strace $0x9FFFFFFF  }
0xc4: {  	(tm) =	ssettm $0x7FFFFFFF  }
0xc5: {  	_ =	shalt  }
tec
execute0_lowered:
.L_overlay_start_1:
0x0: {  	(tag) =	ssettag $0x1  }
0x1: {  	s0 =	rddreg [dreg:$0x0]  }
0x2: {  	s1 =	rddreg [dreg:$0x1]  }
0x3: {  	s3 =	rddreg [dreg:$0x2];
	s2 =	simm.s32 $0x0;
	v0 =	vimm.s32 $0xFEDCBA98;
	s4 =	srdreg.scid;
	v1 =	vimm.s32 $0x76543210  }
0x4: {  	s5 =	stileid.u32;
	v2 =	vimm.s32 $0xBA98FEDC;
	v3 =	vimm.s32 $0x32107654;
	s12 =	simm.s32 $0x4000;
	s13 =	simm.s32 $0x12000  }
0x5: {  	v4 =	vimm.s32 $0xDCFE98BA;
	s14 =	simm.s32 $0x12080;
	s15 =	simm.s32 $0x50;
	s16 =	simm.s32 $0x8000  }
0x6: {  	v5 =	vimm.s32 $0x54761032;
	v6 =	vimm.s32 $0xEFCDAB89;
	s17 =	simm.s32 $0xA800;
	s18 =	simm.s32 $0x3;
	s19 =	simm.s32 $0x4  }
0x7: {  	v7 =	vimm.s32 $0x67452301;
	s20 =	simm.s32 $0x12100;
	s21 =	simm.s32 $0x1;
	s22 =	simm.s32 $0x2;
	v0 =	vunpack.c.l.s4.s8 v0;
	v1 =	vunpack.c.l.s4.s8 v1  }
0x8: {  	s23 =	simm.s32 $0x0;
	[smem:$0x7FF] =	sst s2;
	s7 =	sand.u32 $0x1, s4;
	v2 =	vunpack.c.l.s4.s8 v2;
	v3 =	vunpack.c.l.s4.s8 v3;
	v4 =	vunpack.c.l.s4.s8 v4  }
0x9: {  	s6 =	sshll.u32 s5, $0x1;
	s4 =	sadd.s32 $0x3E00, s0;
	s5 =	sadd.s32 $0x2B000, s0;
	v5 =	vunpack.c.l.s4.s8 v5;
	v6 =	vunpack.c.l.s4.s8 v6;
	v7 =	vunpack.c.l.s4.s8 v7  }
.Ltmp0:
0xa: {  	_ =	strace $0x80000053;
	s9 =	sor.u32 s7, s6;
	v0 =	vunpack.c.0.s8.s32 v0;
	v1 =	vunpack.c.0.s8.s32 v1;
	v2 =	vunpack.c.0.s8.s32 v2;
	(pc) =	sbr.rel .LBB2_1-.Ltmp0, $4  }
0xb: {  	s6 =	sadd.s32 $0x8A200, s0;
	s10 =	ssub.s32 $0x2, s7;
	s8 =	sshll.u32 s9, $0xB;
	v3 =	vunpack.c.0.s8.s32 v3;
	v4 =	vunpack.c.0.s8.s32 v4;
	v5 =	vunpack.c.0.s8.s32 v5  }
0xc: {  	s11 =	sshrl.u32 s10, $0x1;
	s31 =	smul.u32 $0x4E2, s9;
	v6 =	vunpack.c.0.s8.s32 v6;
	v7 =	vunpack.c.0.s8.s32 v7;
	s0 =	sadd.s32 s8, s0;
	v0 =	vand.u32 $0xF, v0  }
0xd: {  	s10 =	ssub.s32 s10, s11;
	s11 =	simm.s32 $0x5;
	s7 =	sadd.s32 $0x7A200, s0;
	v0 =	vcombine.low v0, v1;
	v1 =	vcombine.low v3, v2  }
0xe: {  	s8 =	sadd.s32 $0xA1200, s0;
	s9 =	sadd.s32 s3, s31;
	s10 =	smax.u32 s10, $0x1;
	v2 =	vcombine.low v5, v4;
	v3 =	vcombine.low v7, v6;
	v4 =	vlaneseq.u32  }
.LBB2_26:
0xf: {  	s23 =	sadd.s32 $0x1, s23  }
0x10: {  	p0 =	sne.s32 s23, s10  }
.Ltmp1:
0x11: {  	_ = 	snop;
	(pc) =	sbr.rel @!p0 .LBB2_27-.Ltmp1, $4  }
0x12: {  	[hbm4b:s9+s2] =	stream.linear.scatter [tilespmem:s20], [sflag:$0x5], $0x2710, $0x38;
	[tilespmem:$0x14880] =	vst v63  }
0x13: {  	_ =	swait.ge [sflag:s11], $0x2710  }
0x14: {  	[sflag:s11] =	ssyncset.done $0x0  }
0x15: {  	[sflag:s11] =	ssyncadd.s32 $0xFFFFD8F0  }
.LBB2_1:
0x16: {  	[tilespmem:s2], [sflag:$0x5] =	stream.linear.gather [hbm4b:s7+s2], $0x3E80, $0x38;
	[tilespmem:$0x14880] =	vst v63  }
0x17: {  	_ =	swait.ge [sflag:s11], $0x3E80  }
0x18: {  	[sflag:s11] =	ssyncset.done $0x0  }
0x19: {  	[sflag:s11] =	ssyncadd.s32 $0xFFFFC180  }
0x1a: {  	[tilespmem:s12], [sflag:$0x5] =	stream.linear.gather [hbm4b:s8+s2], $0x3E80, $0x38;
	[tilespmem:$0x14880] =	vst v63  }
0x1b: {  	_ =	swait.ge [sflag:s11], $0x3E80  }
0x1c: {  	[sflag:s11] =	ssyncset.done $0x0  }
0x1d: {  	[sflag:s11] =	ssyncadd.s32 $0xFFFFC180  }
0x1e: {  	[tilespmem:s13], [sflag:$0x5] =	stream.linear.gather [hbm4b:s1+s2], $0x80, $0x38;
	[tilespmem:$0x14880] =	vst v63  }
0x1f: {  	_ =	swait.ge [sflag:s11], $0x80  }
0x20: {  	[sflag:s11] =	ssyncset.done $0x0  }
0x21: {  	[sflag:s11] =	ssyncadd.s32 $0xFFFFFF80  }
0x22: {  	[tilespmem:s14], [sflag:$0x5] =	stream.linear.gather [hbm4b:s6+s2], $0x80, $0x38;
	[tilespmem:$0x14880] =	vst v63  }
0x23: {  	_ =	swait.ge [sflag:s11], $0x80  }
0x24: {  	[sflag:s11] =	ssyncset.done $0x0  }
0x25: {  	[sflag:s11] =	ssyncadd.s32 $0xFFFFFF80  }
0x26: {  	v5 =	vld [tilespmem:$0x12000]  }
0x27: {  	v6 =	vld [tilespmem:$0x12010]  }
0x28: {  	v7 =	vld [tilespmem:$0x12020]  }
0x29: {  	v8 =	vld [tilespmem:$0x12030]  }
0x2a: {  	v9 =	vld [tilespmem:$0x12040]  }
.Ltmp2:
0x2b: {  	v10 =	vld [tilespmem:$0x12050];
	(pc) =	sbr.rel .LBB2_2-.Ltmp2, $4  }
0x2c: {  	v11 =	vld [tilespmem:$0x12060]  }
0x2d: {  	v12 =	vld [tilespmem:$0x12070];
	[tilespmem:s16], [sflag:$0x1] =	stream.indirect.gather [hbm4b:s4+s15], $0x80, s2, s15, $0xb8  }
0x2e: {  	s24 =	simm.s32 $0x0  }
0x2f: {  	[tilespmem:s17], [sflag:$0x2] =	stream.indirect.gather [hbm4b:s5+s15], $0x80, s12, s15, $0xb8;
	[tilespmem:$0x14880] =	vst v63  }
.LBB2_25:
0x30: {  	s24 =	sadd.s32 $0x1, s24  }
0x31: {  	p0 =	sne.s32 s24, $0x7D  }
.Ltmp3:
0x32: {  	_ = 	snop;
	(pc) =	sbr.rel @!p0 .LBB2_26-.Ltmp3, $1  }
0x33: {  	_ =	sdelay $0x3  }
.LBB2_2:
0x34: {  	s25 =	sand.u32 $0x1, s24  }
0x35: {  	p0 =	seq.s32 s25, $0x1  }
.Ltmp4:
0x36: {  	_ = 	snop;
	(pc) =	sbr.rel @p0 .LBB2_14-.Ltmp4, $1  }
0x37: {  	_ =	sdelay $0x3  }
0x38: {  	_ =	swait.ge [sflag:s21], $0x2800  }
0x39: {  	[sflag:s21] =	ssyncset.done $0x0  }
0x3a: {  	[sflag:s21] =	ssyncadd.s32 $0xFFFFD800  }
0x3b: {  	p0 =	seq.s32 s24, $0x7C;
	_ =	swait.ge [sflag:s22], $0x2800  }
0x3c: {  	s0 =	sshll.u32 @!p0 s24, $0x7;
	s26 =	simm.s32 @!p0 $0x50;
	[sflag:s22] =	ssyncset.done $0x0  }
0x3d: {  	s28 =	simm.s32 @!p0 $0xD000;
	s3 =	sor.u32 @!p0 $0x80, s0;
	[sflag:s22] =	ssyncadd.s32 $0xFFFFD800  }
0x3e: {  	[tilespmem:s28], [sflag:$0x3] =	stream.indirect.gather @!p0 [hbm4b:s4+s26], $0x80, s3, s26, $0xb8;
	[tilespmem:$0x14880] =	vst v63  }
0x3f: {  	s0 =	sadd.s32 @!p0 $0x4080, s0;
	s3 =	simm.s32 @!p0 $0xF800  }
0x40: {  	[tilespmem:s3], [sflag:$0x4] =	stream.indirect.gather @!p0 [hbm4b:s5+s26], $0x80, s0, s26, $0xb8;
	[tilespmem:$0x14880] =	vst v63  }
0x41: {  	s3 =	simm.s32 $0x8040  }
0x42: {  	s26 =	simm.s32 $0xA840;
	v13 =	vld [tilespmem:s3+$0xFFFFFFD0]  }
0x43: {  	v14 =	vld [tilespmem:s26+$0xFFFFFFD0]  }
0x44: {  	v15 =	vld [tilespmem:s3+$0xFFFFFFC0]  }
0x45: {  	v16 =	vld [tilespmem:s26+$0xFFFFFFC0]  }
0x46: {  	v17 =	vld [tilespmem:s3+$0x30]  }
0x47: {  	v18 =	vld [tilespmem:s26+$0x30]  }
0x48: {  	v19 =	vld [tilespmem:s3+$0xFFFFFFE0]  }
0x49: {  	v20 =	vld [tilespmem:s26+$0xFFFFFFE0]  }
0x4a: {  	v21 =	vld [tilespmem:s26+$0xFFFFFFF0];
	v15 =	vadd.f32 v16, v15  }
0x4b: {  	v16 =	vld [tilespmem:s3+$0xFFFFFFF0]  }
0x4c: {  	v22 =	vld [tilespmem:s26+$0x0];
	v13 =	vadd.f32 v14, v13;
	v14 =	vmax.f32 v15, $0.0e+00  }
0x4d: {  	v15 =	vld [tilespmem:s3+$0x0];
	v14 =	vmul.f32 v14, v5  }
0x4e: {  	v23 =	vld [tilespmem:s26+$0x10];
	v19 =	vadd.f32 v20, v19;
	v13 =	vmax.f32 v13, $0.0e+00  }
0x4f: {  	v20 =	vld [tilespmem:s3+$0x10];
	v13 =	vmul.f32 v13, v6;
	v14 =	vadd.f32 $0.0e+00, v14  }
0x50: {  	v19 =	vmax.f32 v19, $0.0e+00;
	v16 =	vadd.f32 v21, v16;
	v21 =	vld [tilespmem:s3+$0x20]  }
0x51: {  	s3 =	simm.s32 $0x80C0;
	v13 =	vadd.f32 v13, v14;
	v14 =	vmul.f32 v19, v7;
	v19 =	vld [tilespmem:s26+$0x20]  }
0x52: {  	v24 =	vld [tilespmem:s3+$0xFFFFFFD0];
	v16 =	vmax.f32 v16, $0.0e+00;
	v15 =	vadd.f32 v22, v15;
	s26 =	simm.s32 $0xA8C0  }
0x53: {  	v22 =	vld [tilespmem:s26+$0xFFFFFFD0];
	v13 =	vadd.f32 v14, v13;
	v14 =	vmul.f32 v16, v8  }
0x54: {  	v20 =	vadd.f32 v23, v20;
	v23 =	vld [tilespmem:s26+$0xFFFFFFC0];
	v15 =	vmax.f32 v15, $0.0e+00  }
0x55: {  	v16 =	vld [tilespmem:s3+$0xFFFFFFC0];
	v25 =	vmul.f32 v15, v9;
	v13 =	vadd.f32 v14, v13  }
0x56: {  	v17 =	vadd.f32 v18, v17;
	v20 =	vmax.f32 v20, $0.0e+00;
	v18 =	vld [tilespmem:s26+$0xFFFFFFE0];
	v19 =	vadd.f32 v19, v21  }
0x57: {  	v20 =	vmul.f32 v20, v10;
	v15 =	vld [tilespmem:s26+$0x30];
	v13 =	vadd.f32 v25, v13  }
0x58: {  	v14 =	vld [tilespmem:s3+$0x30];
	v19 =	vmax.f32 v19, $0.0e+00  }
0x59: {  	v21 =	vld [tilespmem:s3+$0xFFFFFFE0];
	v13 =	vadd.f32 v20, v13;
	v19 =	vmul.f32 v19, v11  }
0x5a: {  	v17 =	vmax.f32 v17, $0.0e+00;
	v16 =	vadd.f32 v23, v16;
	v23 =	vld [tilespmem:s26+$0xFFFFFFF0]  }
0x5b: {  	v17 =	vmul.f32 v17, v12;
	v20 =	vld [tilespmem:s3+$0xFFFFFFF0];
	v13 =	vadd.f32 v19, v13  }
0x5c: {  	v16 =	vmax.f32 v16, $0.0e+00;
	v19 =	vadd.f32 v22, v24;
	v22 =	vld [tilespmem:s3+$0x0]  }
0x5d: {  	v16 =	vmul.f32 v16, v5;
	v24 =	vld [tilespmem:s26+$0x0];
	v13 =	vadd.f32 v17, v13  }
0x5e: {  	v25 =	vld [tilespmem:s26+$0x10];
	v18 =	vadd.f32 v18, v21;
	v17 =	vmax.f32 v19, $0.0e+00  }
0x5f: {  	v21 =	vld [tilespmem:s3+$0x10];
	v16 =	vadd.f32 $0.0e+00, v16;
	v19 =	vmul.f32 v17, v6;
	v26 =	vperm.xlane v13, v0  }
0x60: {  	v18 =	vmax.f32 v18, $0.0e+00;
	v20 =	vadd.f32 v23, v20;
	v17 =	vld [tilespmem:s3+$0x20]  }
0x61: {  	s30 =	simm.s32 $0x8140;
	v23 =	vmul.f32 v18, v7;
	v18 =	vld [tilespmem:s26+$0x20];
	v16 =	vadd.f32 v19, v16;
	v26 =	vadd.f32 v13, v26  }
0x62: {  	v19 =	vld [tilespmem:s30+$0xFFFFFFD0];
	v24 =	vadd.f32 v24, v22;
	v13 =	vmax.f32 v20, $0.0e+00  }
0x63: {  	s31 =	simm.s32 $0xA940;
	v22 =	vld [tilespmem:s30+$0xFFFFFFC0];
	v16 =	vadd.f32 v23, v16;
	v23 =	vmul.f32 v13, v8;
	v27 =	vperm.xlane v26, v1  }
0x64: {  	s29 =	simm.s32 $0x0;
	v21 =	vadd.f32 v25, v21;
	v25 =	vld [tilespmem:s31+$0xFFFFFFC0];
	v13 =	vimm.f32 $0.0e+00;
	v24 =	vmax.f32 v24, $0.0e+00  }
0x65: {  	s28 =	simm.s32 $0x1;
	s0 =	simm.s32 $0x3;
	s26 =	simm.s32 $0x2;
	v20 =	vld [tilespmem:s31+$0xFFFFFFD0];
	v24 =	vmul.f32 v24, v9;
	v23 =	vadd.f32 v23, v16;
	v16 =	vadd.f32 v26, v27  }
.LBB2_4:
0x66: {  	p0 =	sne.s32 s0, $0xF;
	v26 =	vld [tilespmem:s30+$0x30];
	v21 =	vmax.f32 v21, $0.0e+00;
	v17 =	vadd.f32 v18, v17  }
0x67: {  	v18 =	vld [tilespmem:s31+$0x30];
	v23 =	vadd.f32 v24, v23;
	v21 =	vmul.f32 v21, v10;
	v24 =	vperm.xlane v16, v2  }
0x68: {  	v15 =	vadd.f32 v15, v14;
	v27 =	vld [tilespmem:s30+$0xFFFFFFE0];
	v17 =	vmax.f32 v17, $0.0e+00  }
0x69: {  	v28 =	vld [tilespmem:s31+$0xFFFFFFE0];
	v29 =	vadd.f32 v21, v23;
	v17 =	vmul.f32 v17, v11;
	v16 =	vadd.f32 v16, v24  }
0x6a: {  	v19 =	vadd.f32 v20, v19;
	v21 =	vadd.f32 v25, v22;
	v20 =	vld [tilespmem:s30+$0xFFFFFFF0];
	v25 =	vmax.f32 v15, $0.0e+00  }
0x6b: {  	v22 =	vld [tilespmem:s31+$0xFFFFFFF0];
	v17 =	vadd.f32 v17, v29;
	v23 =	vmul.f32 v25, v12;
	v24 =	vperm.xlane v16, v3;
	v14 =	vmovc v26  }
0x6c: {  	v19 =	vmax.f32 v19, $0.0e+00;
	v26 =	vmov s29;
	s29 =	smov.u32 s28;
	s28 =	smov.u32 s26;
	s26 =	smov.u32 s0;
	v21 =	vmax.f32 v21, $0.0e+00;
	v25 =	vld [tilespmem:s30+$0x0];
	v15 =	vmovc v18  }
0x6d: {  	v18 =	vmul.f32 v21, v5;
	v21 =	vld [tilespmem:s31+$0x0];
	v23 =	vadd.f32 v23, v17;
	v16 =	vadd.f32 v16, v24  }
0x6e: {  	v19 =	vmul.f32 v19, v6;
	vm0 =	veq.s32 v26, v4;
	v17 =	vadd.f32 v28, v27;
	v24 =	vld [tilespmem:s30+$0x10]  }
0x6f: {  	v18 =	vadd.f32 $0.0e+00, v18;
	v26 =	vld [tilespmem:s31+$0x10];
	v27 =	vperm.xlane v23, v0;
	v13 =	vsel vm0, v16, v13  }
0x70: {  	v16 =	vmax.f32 v17, $0.0e+00;
	v20 =	vadd.f32 v22, v20;
	v17 =	vld [tilespmem:s30+$0x20]  }
.Ltmp5:
0x71: {  	s30 =	sadd.s32 $0x80, s30;
	v22 =	vadd.f32 v19, v18;
	v16 =	vmul.f32 v16, v7;
	v18 =	vld [tilespmem:s31+$0x20];
	v27 =	vadd.f32 v23, v27;
	(pc) =	sbr.rel @p0 .LBB2_4-.Ltmp5, $4  }
0x72: {  	s31 =	sadd.s32 $0x80, s31;
	v19 =	vld [tilespmem:s30+$0xFFFFFFD0];
	v23 =	vmax.f32 v20, $0.0e+00;
	v21 =	vadd.f32 v21, v25  }
0x73: {  	v20 =	vld [tilespmem:s31+$0xFFFFFFD0];
	v16 =	vadd.f32 v16, v22;
	v23 =	vmul.f32 v23, v8;
	v28 =	vperm.xlane v27, v1  }
0x74: {  	v22 =	vld [tilespmem:s30+$0xFFFFFFC0];
	v29 =	vmax.f32 v21, $0.0e+00;
	v21 =	vadd.f32 v26, v24  }
0x75: {  	s0 =	sadd.s32 $0x1, s0;
	v25 =	vld [tilespmem:s31+$0xFFFFFFC0];
	v23 =	vadd.f32 v23, v16;
	v24 =	vmul.f32 v29, v9;
	v16 =	vadd.f32 v27, v28  }
0x76: {  	_ =	sdelay $0x1  }
0x77: {  	v26 =	vld [tilespmem:s30+$0xFFFFFFE0]  }
0x78: {  	v27 =	vld [tilespmem:s31+$0xFFFFFFE0]  }
0x79: {  	v28 =	vld [tilespmem:s31+$0xFFFFFFF0];
	v22 =	vadd.f32 v25, v22  }
0x7a: {  	v25 =	vld [tilespmem:s30+$0xFFFFFFF0]  }
0x7b: {  	v29 =	vld [tilespmem:s31+$0x0];
	v19 =	vadd.f32 v20, v19;
	v20 =	vmax.f32 v22, $0.0e+00  }
0x7c: {  	v22 =	vld [tilespmem:s30+$0x0];
	v20 =	vmul.f32 v20, v5  }
0x7d: {  	v30 =	vld [tilespmem:s31+$0x10];
	v19 =	vmax.f32 v19, $0.0e+00;
	v26 =	vadd.f32 v27, v26  }
0x7e: {  	v27 =	vld [tilespmem:s30+$0x10];
	v19 =	vmul.f32 v19, v6;
	v20 =	vadd.f32 $0.0e+00, v20  }
0x7f: {  	v63 =	vld [tilespmem:s30+$0x20];
	v26 =	vmax.f32 v26, $0.0e+00;
	v25 =	vadd.f32 v28, v25  }
0x80: {  	v17 =	vadd.f32 v18, v17;
	v18 =	vadd.f32 v19, v20;
	v19 =	vmul.f32 v26, v7;
	v20 =	vld [tilespmem:s31+$0x20]  }
0x81: {  	v23 =	vadd.f32 v24, v23;
	v24 =	vld [tilespmem:s30+$0x30];
	v22 =	vadd.f32 v29, v22;
	v25 =	vmax.f32 v25, $0.0e+00  }
0x82: {  	v21 =	vmax.f32 v21, $0.0e+00;
	v25 =	vmul.f32 v25, v8;
	v18 =	vadd.f32 v19, v18;
	v19 =	vld [tilespmem:s31+$0x30]  }
0x83: {  	v14 =	vadd.f32 v15, v14;
	v26 =	vadd.f32 v30, v27;
	v22 =	vmax.f32 v22, $0.0e+00  }
0x84: {  	v21 =	vmul.f32 v21, v10;
	v22 =	vmul.f32 v22, v9;
	v18 =	vadd.f32 v25, v18  }
0x85: {  	v17 =	vmax.f32 v17, $0.0e+00;
	v15 =	vmax.f32 v26, $0.0e+00;
	v20 =	vadd.f32 v20, v63  }
0x86: {  	v21 =	vadd.f32 v21, v23;
	v15 =	vmul.f32 v15, v10;
	v18 =	vadd.f32 v22, v18  }
0x87: {  	v17 =	vmul.f32 v17, v11;
	v20 =	vmax.f32 v20, $0.0e+00;
	v19 =	vadd.f32 v19, v24  }
0x88: {  	v14 =	vmax.f32 v14, $0.0e+00;
	v15 =	vadd.f32 v15, v18;
	v18 =	vmul.f32 v20, v11  }
0x89: {  	v14 =	vmul.f32 v14, v12;
	v17 =	vadd.f32 v17, v21;
	v19 =	vmax.f32 v19, $0.0e+00  }
0x8a: {  	v15 =	vadd.f32 v18, v15;
	v18 =	vmul.f32 v19, v12  }
0x8b: {  	v14 =	vadd.f32 v14, v17  }
0x8c: {  	v15 =	vadd.f32 v18, v15  }
0x8d: {  	v17 =	vperm.xlane v14, v0  }
0x8e: {  	v18 =	vperm.xlane v15, v0  }
0x8f: {  	v14 =	vadd.f32 v14, v17  }
0x90: {  	v15 =	vadd.f32 v15, v18  }
0x91: {  	v17 =	vperm.xlane v14, v1  }
0x92: {  	v18 =	vperm.xlane v15, v1  }
0x93: {  	v14 =	vadd.f32 v14, v17;
	v19 =	vperm.xlane v16, v2  }
0x94: {  	v15 =	vadd.f32 v15, v18  }
0x95: {  	v17 =	vperm.xlane v14, v2;
	v16 =	vadd.f32 v16, v19  }
0x96: {  	v18 =	vperm.xlane v15, v2  }
0x97: {  	v14 =	vadd.f32 v14, v17;
	v19 =	vperm.xlane v16, v3  }
0x98: {  	v15 =	vadd.f32 v15, v18  }
0x99: {  	v17 =	vmov s29;
	v16 =	vadd.f32 v16, v19;
	v18 =	vperm.xlane v14, v3  }
0x9a: {  	vm0 =	veq.s32 v17, v4;
	v19 =	vld [tilespmem:$0x12080];
	v17 =	vperm.xlane v15, v3  }
0x9b: {  	v13 =	vsel vm0, v16, v13;
	v16 =	vmov s28;
	v14 =	vadd.f32 v14, v18  }
0x9c: {  	vm14 =	veq.s32 v16, v4;
	v16 =	vmov s26;
	v15 =	vadd.f32 v15, v17  }
0x9d: {  	vm15 =	veq.s32 v16, v4;
	v13 =	vsel vm14, v14, v13  }
0x9e: {  	s0 =	smul.u32 $0x140, s24;
	v13 =	vsel vm15, v15, v13  }
0x9f: {  	v13 =	vadd.f32 v19, v13  }
0xa0: {  	s26 =	sshra.s32 s0, $0x2  }
0xa1: {  	s0 =	simm.s32 $0x8870;
	[tilespmem:s26+$0x12100] =	vst v13  }
0xa2: {  	s3 =	simm.s32 $0xB070;
	v13 =	vld [tilespmem:s0+$0xFFFFFFA0]  }
0xa3: {  	v14 =	vld [tilespmem:s3+$0xFFFFFFA0]  }
0xa4: {  	v15 =	vld [tilespmem:s0+$0xFFFFFF90]  }
0xa5: {  	v16 =	vld [tilespmem:s3+$0xFFFFFF90]  }
0xa6: {  	v17 =	vld [tilespmem:s0+$0x0]  }
0xa7: {  	v18 =	vld [tilespmem:s3+$0x0]  }
0xa8: {  	v19 =	vld [tilespmem:s0+$0xFFFFFFB0]  }
0xa9: {  	v20 =	vld [tilespmem:s3+$0xFFFFFFB0]  }
0xaa: {  	v21 =	vld [tilespmem:s3+$0xFFFFFFC0];
	v15 =	vadd.f32 v16, v15  }
0xab: {  	v16 =	vld [tilespmem:s0+$0xFFFFFFC0]  }
0xac: {  	v22 =	vld [tilespmem:s3+$0xFFFFFFD0];
	v13 =	vadd.f32 v14, v13;
	v14 =	vmax.f32 v15, $0.0e+00  }
0xad: {  	v15 =	vld [tilespmem:s0+$0xFFFFFFD0];
	v14 =	vmul.f32 v14, v5  }
0xae: {  	v23 =	vld [tilespmem:s3+$0xFFFFFFE0];
	v19 =	vadd.f32 v20, v19;
	v13 =	vmax.f32 v13, $0.0e+00  }
0xaf: {  	v20 =	vld [tilespmem:s0+$0xFFFFFFE0];
	v13 =	vmul.f32 v13, v6;
	v14 =	vadd.f32 $0.0e+00, v14  }
0xb0: {  	v19 =	vmax.f32 v19, $0.0e+00;
	v16 =	vadd.f32 v21, v16;
	v21 =	vld [tilespmem:s0+$0xFFFFFFF0]  }
0xb1: {  	s0 =	simm.s32 $0x88F0;
	v13 =	vadd.f32 v13, v14;
	v14 =	vmul.f32 v19, v7;
	v19 =	vld [tilespmem:s3+$0xFFFFFFF0]  }
0xb2: {  	v24 =	vld [tilespmem:s0+$0xFFFFFFA0];
	v16 =	vmax.f32 v16, $0.0e+00;
	v15 =	vadd.f32 v22, v15;
	s3 =	simm.s32 $0xB0F0  }
0xb3: {  	v22 =	vld [tilespmem:s3+$0xFFFFFFA0];
	v13 =	vadd.f32 v14, v13;
	v14 =	vmul.f32 v16, v8  }
0xb4: {  	v20 =	vadd.f32 v23, v20;
	v23 =	vld [tilespmem:s3+$0xFFFFFF90];
	v15 =	vmax.f32 v15, $0.0e+00  }
0xb5: {  	v16 =	vld [tilespmem:s0+$0xFFFFFF90];
	v25 =	vmul.f32 v15, v9;
	v13 =	vadd.f32 v14, v13  }
0xb6: {  	v17 =	vadd.f32 v18, v17;
	v20 =	vmax.f32 v20, $0.0e+00;
	v18 =	vld [tilespmem:s3+$0xFFFFFFB0];
	v19 =	vadd.f32 v19, v21  }
0xb7: {  	v20 =	vmul.f32 v20, v10;
	v15 =	vld [tilespmem:s3+$0x0];
	v13 =	vadd.f32 v25, v13  }
0xb8: {  	v14 =	vld [tilespmem:s0+$0x0];
	v19 =	vmax.f32 v19, $0.0e+00  }
0xb9: {  	v21 =	vld [tilespmem:s0+$0xFFFFFFB0];
	v13 =	vadd.f32 v20, v13;
	v19 =	vmul.f32 v19, v11  }
0xba: {  	v17 =	vmax.f32 v17, $0.0e+00;
	v16 =	vadd.f32 v23, v16;
	v23 =	vld [tilespmem:s3+$0xFFFFFFC0]  }
0xbb: {  	v17 =	vmul.f32 v17, v12;
	v20 =	vld [tilespmem:s0+$0xFFFFFFC0];
	v13 =	vadd.f32 v19, v13  }
0xbc: {  	v16 =	vmax.f32 v16, $0.0e+00;
	v19 =	vadd.f32 v22, v24;
	v22 =	vld [tilespmem:s0+$0xFFFFFFD0]  }
0xbd: {  	v16 =	vmul.f32 v16, v5;
	v24 =	vld [tilespmem:s3+$0xFFFFFFD0];
	v13 =	vadd.f32 v17, v13  }
0xbe: {  	v25 =	vld [tilespmem:s3+$0xFFFFFFE0];
	v18 =	vadd.f32 v18, v21;
	v17 =	vmax.f32 v19, $0.0e+00  }
0xbf: {  	v21 =	vld [tilespmem:s0+$0xFFFFFFE0];
	v16 =	vadd.f32 $0.0e+00, v16;
	v19 =	vmul.f32 v17, v6;
	v26 =	vperm.xlane v13, v0  }
0xc0: {  	v18 =	vmax.f32 v18, $0.0e+00;
	v20 =	vadd.f32 v23, v20;
	v17 =	vld [tilespmem:s0+$0xFFFFFFF0]  }
0xc1: {  	s31 =	simm.s32 $0x8970;
	v23 =	vmul.f32 v18, v7;
	v18 =	vld [tilespmem:s3+$0xFFFFFFF0];
	v16 =	vadd.f32 v19, v16;
	v26 =	vadd.f32 v13, v26  }
0xc2: {  	v19 =	vld [tilespmem:s31+$0xFFFFFFA0];
	v24 =	vadd.f32 v24, v22;
	v13 =	vmax.f32 v20, $0.0e+00  }
0xc3: {  	s0 =	simm.s32 $0xB170;
	v22 =	vld [tilespmem:s31+$0xFFFFFF90];
	v16 =	vadd.f32 v23, v16;
	v23 =	vmul.f32 v13, v8;
	v27 =	vperm.xlane v26, v1  }
0xc4: {  	s30 =	simm.s32 $0x0;
	v21 =	vadd.f32 v25, v21;
	v25 =	vld [tilespmem:s0+$0xFFFFFF90];
	v13 =	vimm.f32 $0.0e+00;
	v24 =	vmax.f32 v24, $0.0e+00  }
0xc5: {  	s29 =	simm.s32 $0x1;
	s28 =	simm.s32 $0x2;
	s3 =	simm.s32 $0x3;
	v20 =	vld [tilespmem:s0+$0xFFFFFFA0];
	v24 =	vmul.f32 v24, v9;
	v23 =	vadd.f32 v23, v16;
	v16 =	vadd.f32 v26, v27  }
.LBB2_6:
0xc6: {  	p0 =	sne.s32 s3, $0xF;
	v26 =	vld [tilespmem:s31+$0x0];
	v21 =	vmax.f32 v21, $0.0e+00;
	v17 =	vadd.f32 v18, v17  }
0xc7: {  	v18 =	vld [tilespmem:s0+$0x0];
	v23 =	vadd.f32 v24, v23;
	v21 =	vmul.f32 v21, v10;
	v24 =	vperm.xlane v16, v2  }
0xc8: {  	v15 =	vadd.f32 v15, v14;
	v27 =	vld [tilespmem:s31+$0xFFFFFFB0];
	v17 =	vmax.f32 v17, $0.0e+00  }
0xc9: {  	v28 =	vld [tilespmem:s0+$0xFFFFFFB0];
	v29 =	vadd.f32 v21, v23;
	v17 =	vmul.f32 v17, v11;
	v16 =	vadd.f32 v16, v24  }
0xca: {  	v19 =	vadd.f32 v20, v19;
	v21 =	vadd.f32 v25, v22;
	v20 =	vld [tilespmem:s31+$0xFFFFFFC0];
	v25 =	vmax.f32 v15, $0.0e+00  }
0xcb: {  	v22 =	vld [tilespmem:s0+$0xFFFFFFC0];
	v17 =	vadd.f32 v17, v29;
	v23 =	vmul.f32 v25, v12;
	v24 =	vperm.xlane v16, v3;
	v14 =	vmovc v26  }
0xcc: {  	v19 =	vmax.f32 v19, $0.0e+00;
	v26 =	vmov s30;
	s30 =	smov.u32 s29;
	s29 =	smov.u32 s28;
	s28 =	smov.u32 s3;
	v21 =	vmax.f32 v21, $0.0e+00;
	v25 =	vld [tilespmem:s31+$0xFFFFFFD0];
	v15 =	vmovc v18  }
0xcd: {  	v18 =	vmul.f32 v21, v5;
	v21 =	vld [tilespmem:s0+$0xFFFFFFD0];
	v23 =	vadd.f32 v23, v17;
	v16 =	vadd.f32 v16, v24  }
0xce: {  	v19 =	vmul.f32 v19, v6;
	vm0 =	veq.s32 v26, v4;
	v17 =	vadd.f32 v28, v27;
	v24 =	vld [tilespmem:s31+$0xFFFFFFE0]  }
0xcf: {  	v18 =	vadd.f32 $0.0e+00, v18;
	v26 =	vld [tilespmem:s0+$0xFFFFFFE0];
	v27 =	vperm.xlane v23, v0;
	v13 =	vsel vm0, v16, v13  }
0xd0: {  	v16 =	vmax.f32 v17, $0.0e+00;
	v20 =	vadd.f32 v22, v20;
	v17 =	vld [tilespmem:s31+$0xFFFFFFF0]  }
.Ltmp6:
0xd1: {  	s31 =	sadd.s32 $0x80, s31;
	v22 =	vadd.f32 v19, v18;
	v16 =	vmul.f32 v16, v7;
	v18 =	vld [tilespmem:s0+$0xFFFFFFF0];
	v27 =	vadd.f32 v23, v27;
	(pc) =	sbr.rel @p0 .LBB2_6-.Ltmp6, $4  }
0xd2: {  	s0 =	sadd.s32 $0x80, s0;
	v19 =	vld [tilespmem:s31+$0xFFFFFFA0];
	v23 =	vmax.f32 v20, $0.0e+00;
	v21 =	vadd.f32 v21, v25  }
0xd3: {  	v20 =	vld [tilespmem:s0+$0xFFFFFFA0];
	v16 =	vadd.f32 v16, v22;
	v23 =	vmul.f32 v23, v8;
	v28 =	vperm.xlane v27, v1  }
0xd4: {  	v22 =	vld [tilespmem:s31+$0xFFFFFF90];
	v29 =	vmax.f32 v21, $0.0e+00;
	v21 =	vadd.f32 v26, v24  }
0xd5: {  	s3 =	sadd.s32 $0x1, s3;
	v25 =	vld [tilespmem:s0+$0xFFFFFF90];
	v23 =	vadd.f32 v23, v16;
	v24 =	vmul.f32 v29, v9;
	v16 =	vadd.f32 v27, v28  }
0xd6: {  	_ =	sdelay $0x1  }
0xd7: {  	v26 =	vld [tilespmem:s31+$0xFFFFFFB0]  }
0xd8: {  	v27 =	vld [tilespmem:s0+$0xFFFFFFB0]  }
0xd9: {  	v28 =	vld [tilespmem:s0+$0xFFFFFFC0];
	v22 =	vadd.f32 v25, v22  }
0xda: {  	v25 =	vld [tilespmem:s31+$0xFFFFFFC0]  }
0xdb: {  	v29 =	vld [tilespmem:s0+$0xFFFFFFD0];
	v19 =	vadd.f32 v20, v19;
	v20 =	vmax.f32 v22, $0.0e+00  }
0xdc: {  	v22 =	vld [tilespmem:s31+$0xFFFFFFD0];
	v20 =	vmul.f32 v20, v5  }
0xdd: {  	v30 =	vld [tilespmem:s0+$0xFFFFFFE0];
	v19 =	vmax.f32 v19, $0.0e+00;
	v26 =	vadd.f32 v27, v26  }
0xde: {  	v27 =	vld [tilespmem:s31+$0xFFFFFFE0];
	v19 =	vmul.f32 v19, v6;
	v20 =	vadd.f32 $0.0e+00, v20  }
0xdf: {  	v63 =	vld [tilespmem:s31+$0xFFFFFFF0];
	v26 =	vmax.f32 v26, $0.0e+00;
	v25 =	vadd.f32 v28, v25  }
0xe0: {  	v17 =	vadd.f32 v18, v17;
	v18 =	vadd.f32 v19, v20;
	v19 =	vmul.f32 v26, v7;
	v20 =	vld [tilespmem:s0+$0xFFFFFFF0]  }
0xe1: {  	v23 =	vadd.f32 v24, v23;
	v24 =	vld [tilespmem:s31+$0x0];
	v22 =	vadd.f32 v29, v22;
	v25 =	vmax.f32 v25, $0.0e+00  }
0xe2: {  	v21 =	vmax.f32 v21, $0.0e+00;
	v25 =	vmul.f32 v25, v8;
	v18 =	vadd.f32 v19, v18;
	v19 =	vld [tilespmem:s0+$0x0]  }
0xe3: {  	v14 =	vadd.f32 v15, v14;
	v26 =	vadd.f32 v30, v27;
	v22 =	vmax.f32 v22, $0.0e+00  }
0xe4: {  	v21 =	vmul.f32 v21, v10;
	v22 =	vmul.f32 v22, v9;
	v18 =	vadd.f32 v25, v18  }
0xe5: {  	v17 =	vmax.f32 v17, $0.0e+00;
	v15 =	vmax.f32 v26, $0.0e+00;
	v20 =	vadd.f32 v20, v63  }
0xe6: {  	v21 =	vadd.f32 v21, v23;
	v15 =	vmul.f32 v15, v10;
	v18 =	vadd.f32 v22, v18  }
0xe7: {  	v17 =	vmul.f32 v17, v11;
	v20 =	vmax.f32 v20, $0.0e+00;
	v19 =	vadd.f32 v19, v24  }
0xe8: {  	v14 =	vmax.f32 v14, $0.0e+00;
	v15 =	vadd.f32 v15, v18;
	v18 =	vmul.f32 v20, v11  }
0xe9: {  	v14 =	vmul.f32 v14, v12;
	v17 =	vadd.f32 v17, v21;
	v19 =	vmax.f32 v19, $0.0e+00  }
0xea: {  	v15 =	vadd.f32 v18, v15;
	v18 =	vmul.f32 v19, v12  }
0xeb: {  	v14 =	vadd.f32 v14, v17  }
0xec: {  	v15 =	vadd.f32 v18, v15  }
0xed: {  	v17 =	vperm.xlane v14, v0  }
0xee: {  	v18 =	vperm.xlane v15, v0  }
0xef: {  	v14 =	vadd.f32 v14, v17  }
0xf0: {  	v15 =	vadd.f32 v15, v18  }
0xf1: {  	v17 =	vperm.xlane v14, v1  }
0xf2: {  	v18 =	vperm.xlane v15, v1  }
0xf3: {  	v14 =	vadd.f32 v14, v17;
	v19 =	vperm.xlane v16, v2  }
0xf4: {  	v15 =	vadd.f32 v15, v18  }
0xf5: {  	v17 =	vperm.xlane v14, v2;
	v16 =	vadd.f32 v16, v19  }
0xf6: {  	v18 =	vperm.xlane v15, v2  }
0xf7: {  	v14 =	vadd.f32 v14, v17;
	v19 =	vperm.xlane v16, v3  }
0xf8: {  	v15 =	vadd.f32 v15, v18  }
0xf9: {  	v17 =	vmov s30;
	v16 =	vadd.f32 v16, v19;
	v18 =	vperm.xlane v14, v3  }
0xfa: {  	vm0 =	veq.s32 v17, v4;
	v19 =	vld [tilespmem:$0x12080];
	v17 =	vperm.xlane v15, v3  }
0xfb: {  	v13 =	vsel vm0, v16, v13;
	v16 =	vmov s29;
	v14 =	vadd.f32 v14, v18  }
0xfc: {  	vm14 =	veq.s32 v16, v4;
	v16 =	vmov s28;
	v15 =	vadd.f32 v15, v17  }
0xfd: {  	vm15 =	veq.s32 v16, v4;
	v13 =	vsel vm14, v14, v13  }
0xfe: {  	v13 =	vsel vm15, v15, v13  }
0xff: {  	v13 =	vadd.f32 v19, v13;
	_ =	sdelay $0x1  }
0x100: {  	s0 =	simm.s32 $0x9070;
	[tilespmem:s26+$0x12110] =	vst v13  }
0x101: {  	s3 =	simm.s32 $0xB870;
	v13 =	vld [tilespmem:s0+$0xFFFFFFA0]  }
0x102: {  	v14 =	vld [tilespmem:s3+$0xFFFFFFA0]  }
0x103: {  	v15 =	vld [tilespmem:s0+$0xFFFFFF90]  }
0x104: {  	v16 =	vld [tilespmem:s3+$0xFFFFFF90]  }
0x105: {  	v17 =	vld [tilespmem:s0+$0x0]  }
0x106: {  	v18 =	vld [tilespmem:s3+$0x0]  }
0x107: {  	v19 =	vld [tilespmem:s0+$0xFFFFFFB0]  }
0x108: {  	v20 =	vld [tilespmem:s3+$0xFFFFFFB0]  }
0x109: {  	v21 =	vld [tilespmem:s3+$0xFFFFFFC0];
	v15 =	vadd.f32 v16, v15  }
0x10a: {  	v16 =	vld [tilespmem:s0+$0xFFFFFFC0]  }
0x10b: {  	v22 =	vld [tilespmem:s3+$0xFFFFFFD0];
	v13 =	vadd.f32 v14, v13;
	v14 =	vmax.f32 v15, $0.0e+00  }
0x10c: {  	v15 =	vld [tilespmem:s0+$0xFFFFFFD0];
	v14 =	vmul.f32 v14, v5  }
0x10d: {  	v23 =	vld [tilespmem:s3+$0xFFFFFFE0];
	v19 =	vadd.f32 v20, v19;
	v13 =	vmax.f32 v13, $0.0e+00  }
0x10e: {  	v20 =	vld [tilespmem:s0+$0xFFFFFFE0];
	v13 =	vmul.f32 v13, v6;
	v14 =	vadd.f32 $0.0e+00, v14  }
0x10f: {  	v19 =	vmax.f32 v19, $0.0e+00;
	v16 =	vadd.f32 v21, v16;
	v21 =	vld [tilespmem:s0+$0xFFFFFFF0]  }
0x110: {  	s0 =	simm.s32 $0x90F0;
	v13 =	vadd.f32 v13, v14;
	v14 =	vmul.f32 v19, v7;
	v19 =	vld [tilespmem:s3+$0xFFFFFFF0]  }
0x111: {  	v24 =	vld [tilespmem:s0+$0xFFFFFFA0];
	v16 =	vmax.f32 v16, $0.0e+00;
	v15 =	vadd.f32 v22, v15;
	s3 =	simm.s32 $0xB8F0  }
0x112: {  	v22 =	vld [tilespmem:s3+$0xFFFFFFA0];
	v13 =	vadd.f32 v14, v13;
	v14 =	vmul.f32 v16, v8  }
0x113: {  	v20 =	vadd.f32 v23, v20;
	v23 =	vld [tilespmem:s3+$0xFFFFFF90];
	v15 =	vmax.f32 v15, $0.0e+00  }
0x114: {  	v16 =	vld [tilespmem:s0+$0xFFFFFF90];
	v25 =	vmul.f32 v15, v9;
	v13 =	vadd.f32 v14, v13  }
0x115: {  	v17 =	vadd.f32 v18, v17;
	v20 =	vmax.f32 v20, $0.0e+00;
	v18 =	vld [tilespmem:s3+$0xFFFFFFB0];
	v19 =	vadd.f32 v19, v21  }
0x116: {  	v20 =	vmul.f32 v20, v10;
	v15 =	vld [tilespmem:s3+$0x0];
	v13 =	vadd.f32 v25, v13  }
0x117: {  	v14 =	vld [tilespmem:s0+$0x0];
	v19 =	vmax.f32 v19, $0.0e+00  }
0x118: {  	v21 =	vld [tilespmem:s0+$0xFFFFFFB0];
	v13 =	vadd.f32 v20, v13;
	v19 =	vmul.f32 v19, v11  }
0x119: {  	v17 =	vmax.f32 v17, $0.0e+00;
	v16 =	vadd.f32 v23, v16;
	v23 =	vld [tilespmem:s3+$0xFFFFFFC0]  }
0x11a: {  	v17 =	vmul.f32 v17, v12;
	v20 =	vld [tilespmem:s0+$0xFFFFFFC0];
	v13 =	vadd.f32 v19, v13  }
0x11b: {  	v16 =	vmax.f32 v16, $0.0e+00;
	v19 =	vadd.f32 v22, v24;
	v22 =	vld [tilespmem:s0+$0xFFFFFFD0]  }
0x11c: {  	v16 =	vmul.f32 v16, v5;
	v24 =	vld [tilespmem:s3+$0xFFFFFFD0];
	v13 =	vadd.f32 v17, v13  }
0x11d: {  	v25 =	vld [tilespmem:s3+$0xFFFFFFE0];
	v18 =	vadd.f32 v18, v21;
	v17 =	vmax.f32 v19, $0.0e+00  }
0x11e: {  	v21 =	vld [tilespmem:s0+$0xFFFFFFE0];
	v16 =	vadd.f32 $0.0e+00, v16;
	v19 =	vmul.f32 v17, v6;
	v26 =	vperm.xlane v13, v0  }
0x11f: {  	v18 =	vmax.f32 v18, $0.0e+00;
	v20 =	vadd.f32 v23, v20;
	v17 =	vld [tilespmem:s0+$0xFFFFFFF0]  }
0x120: {  	s31 =	simm.s32 $0x9170;
	v23 =	vmul.f32 v18, v7;
	v18 =	vld [tilespmem:s3+$0xFFFFFFF0];
	v16 =	vadd.f32 v19, v16;
	v26 =	vadd.f32 v13, v26  }
0x121: {  	v19 =	vld [tilespmem:s31+$0xFFFFFFA0];
	v24 =	vadd.f32 v24, v22;
	v13 =	vmax.f32 v20, $0.0e+00  }
0x122: {  	s0 =	simm.s32 $0xB970;
	v22 =	vld [tilespmem:s31+$0xFFFFFF90];
	v16 =	vadd.f32 v23, v16;
	v23 =	vmul.f32 v13, v8;
	v27 =	vperm.xlane v26, v1  }
0x123: {  	s30 =	simm.s32 $0x0;
	v21 =	vadd.f32 v25, v21;
	v25 =	vld [tilespmem:s0+$0xFFFFFF90];
	v13 =	vimm.f32 $0.0e+00;
	v24 =	vmax.f32 v24, $0.0e+00  }
0x124: {  	s29 =	simm.s32 $0x1;
	s28 =	simm.s32 $0x2;
	s3 =	simm.s32 $0x3;
	v20 =	vld [tilespmem:s0+$0xFFFFFFA0];
	v24 =	vmul.f32 v24, v9;
	v23 =	vadd.f32 v23, v16;
	v16 =	vadd.f32 v26, v27  }
.LBB2_8:
0x125: {  	p0 =	sne.s32 s3, $0xF;
	v26 =	vld [tilespmem:s31+$0x0];
	v21 =	vmax.f32 v21, $0.0e+00;
	v17 =	vadd.f32 v18, v17  }
0x126: {  	v18 =	vld [tilespmem:s0+$0x0];
	v23 =	vadd.f32 v24, v23;
	v21 =	vmul.f32 v21, v10;
	v24 =	vperm.xlane v16, v2  }
0x127: {  	v15 =	vadd.f32 v15, v14;
	v27 =	vld [tilespmem:s31+$0xFFFFFFB0];
	v17 =	vmax.f32 v17, $0.0e+00  }
0x128: {  	v28 =	vld [tilespmem:s0+$0xFFFFFFB0];
	v29 =	vadd.f32 v21, v23;
	v17 =	vmul.f32 v17, v11;
	v16 =	vadd.f32 v16, v24  }
0x129: {  	v19 =	vadd.f32 v20, v19;
	v21 =	vadd.f32 v25, v22;
	v20 =	vld [tilespmem:s31+$0xFFFFFFC0];
	v25 =	vmax.f32 v15, $0.0e+00  }
0x12a: {  	v22 =	vld [tilespmem:s0+$0xFFFFFFC0];
	v17 =	vadd.f32 v17, v29;
	v23 =	vmul.f32 v25, v12;
	v24 =	vperm.xlane v16, v3;
	v14 =	vmovc v26  }
0x12b: {  	v19 =	vmax.f32 v19, $0.0e+00;
	v26 =	vmov s30;
	s30 =	smov.u32 s29;
	s29 =	smov.u32 s28;
	s28 =	smov.u32 s3;
	v21 =	vmax.f32 v21, $0.0e+00;
	v25 =	vld [tilespmem:s31+$0xFFFFFFD0];
	v15 =	vmovc v18  }
0x12c: {  	v18 =	vmul.f32 v21, v5;
	v21 =	vld [tilespmem:s0+$0xFFFFFFD0];
	v23 =	vadd.f32 v23, v17;
	v16 =	vadd.f32 v16, v24  }
0x12d: {  	v19 =	vmul.f32 v19, v6;
	vm0 =	veq.s32 v26, v4;
	v17 =	vadd.f32 v28, v27;
	v24 =	vld [tilespmem:s31+$0xFFFFFFE0]  }
0x12e: {  	v18 =	vadd.f32 $0.0e+00, v18;
	v26 =	vld [tilespmem:s0+$0xFFFFFFE0];
	v27 =	vperm.xlane v23, v0;
	v13 =	vsel vm0, v16, v13  }
0x12f: {  	v16 =	vmax.f32 v17, $0.0e+00;
	v20 =	vadd.f32 v22, v20;
	v17 =	vld [tilespmem:s31+$0xFFFFFFF0]  }
.Ltmp7:
0x130: {  	s31 =	sadd.s32 $0x80, s31;
	v22 =	vadd.f32 v19, v18;
	v16 =	vmul.f32 v16, v7;
	v18 =	vld [tilespmem:s0+$0xFFFFFFF0];
	v27 =	vadd.f32 v23, v27;
	(pc) =	sbr.rel @p0 .LBB2_8-.Ltmp7, $4  }
0x131: {  	s0 =	sadd.s32 $0x80, s0;
	v19 =	vld [tilespmem:s31+$0xFFFFFFA0];
	v23 =	vmax.f32 v20, $0.0e+00;
	v21 =	vadd.f32 v21, v25  }
0x132: {  	v20 =	vld [tilespmem:s0+$0xFFFFFFA0];
	v16 =	vadd.f32 v16, v22;
	v23 =	vmul.f32 v23, v8;
	v28 =	vperm.xlane v27, v1  }
0x133: {  	v22 =	vld [tilespmem:s31+$0xFFFFFF90];
	v29 =	vmax.f32 v21, $0.0e+00;
	v21 =	vadd.f32 v26, v24  }
0x134: {  	s3 =	sadd.s32 $0x1, s3;
	v25 =	vld [tilespmem:s0+$0xFFFFFF90];
	v23 =	vadd.f32 v23, v16;
	v24 =	vmul.f32 v29, v9;
	v16 =	vadd.f32 v27, v28  }
0x135: {  	_ =	sdelay $0x1  }
0x136: {  	v26 =	vld [tilespmem:s31+$0xFFFFFFB0]  }
0x137: {  	v27 =	vld [tilespmem:s0+$0xFFFFFFB0]  }
0x138: {  	v28 =	vld [tilespmem:s0+$0xFFFFFFC0];
	v22 =	vadd.f32 v25, v22  }
0x139: {  	v25 =	vld [tilespmem:s31+$0xFFFFFFC0]  }
0x13a: {  	v29 =	vld [tilespmem:s0+$0xFFFFFFD0];
	v19 =	vadd.f32 v20, v19;
	v20 =	vmax.f32 v22, $0.0e+00  }
0x13b: {  	v22 =	vld [tilespmem:s31+$0xFFFFFFD0];
	v20 =	vmul.f32 v20, v5  }
0x13c: {  	v30 =	vld [tilespmem:s0+$0xFFFFFFE0];
	v19 =	vmax.f32 v19, $0.0e+00;
	v26 =	vadd.f32 v27, v26  }
0x13d: {  	v27 =	vld [tilespmem:s31+$0xFFFFFFE0];
	v19 =	vmul.f32 v19, v6;
	v20 =	vadd.f32 $0.0e+00, v20  }
0x13e: {  	v63 =	vld [tilespmem:s31+$0xFFFFFFF0];
	v26 =	vmax.f32 v26, $0.0e+00;
	v25 =	vadd.f32 v28, v25  }
0x13f: {  	v17 =	vadd.f32 v18, v17;
	v18 =	vadd.f32 v19, v20;
	v19 =	vmul.f32 v26, v7;
	v20 =	vld [tilespmem:s0+$0xFFFFFFF0]  }
0x140: {  	v23 =	vadd.f32 v24, v23;
	v24 =	vld [tilespmem:s31+$0x0];
	v22 =	vadd.f32 v29, v22;
	v25 =	vmax.f32 v25, $0.0e+00  }
0x141: {  	v21 =	vmax.f32 v21, $0.0e+00;
	v25 =	vmul.f32 v25, v8;
	v18 =	vadd.f32 v19, v18;
	v19 =	vld [tilespmem:s0+$0x0]  }
0x142: {  	v14 =	vadd.f32 v15, v14;
	v26 =	vadd.f32 v30, v27;
	v22 =	vmax.f32 v22, $0.0e+00  }
0x143: {  	v21 =	vmul.f32 v21, v10;
	v22 =	vmul.f32 v22, v9;
	v18 =	vadd.f32 v25, v18  }
0x144: {  	v17 =	vmax.f32 v17, $0.0e+00;
	v15 =	vmax.f32 v26, $0.0e+00;
	v20 =	vadd.f32 v20, v63  }
0x145: {  	v21 =	vadd.f32 v21, v23;
	v15 =	vmul.f32 v15, v10;
	v18 =	vadd.f32 v22, v18  }
0x146: {  	v17 =	vmul.f32 v17, v11;
	v20 =	vmax.f32 v20, $0.0e+00;
	v19 =	vadd.f32 v19, v24  }
0x147: {  	v14 =	vmax.f32 v14, $0.0e+00;
	v15 =	vadd.f32 v15, v18;
	v18 =	vmul.f32 v20, v11  }
0x148: {  	v14 =	vmul.f32 v14, v12;
	v17 =	vadd.f32 v17, v21;
	v19 =	vmax.f32 v19, $0.0e+00  }
0x149: {  	v15 =	vadd.f32 v18, v15;
	v18 =	vmul.f32 v19, v12  }
0x14a: {  	v14 =	vadd.f32 v14, v17  }
0x14b: {  	v15 =	vadd.f32 v18, v15  }
0x14c: {  	v17 =	vperm.xlane v14, v0  }
0x14d: {  	v18 =	vperm.xlane v15, v0  }
0x14e: {  	v14 =	vadd.f32 v14, v17  }
0x14f: {  	v15 =	vadd.f32 v15, v18  }
0x150: {  	v17 =	vperm.xlane v14, v1  }
0x151: {  	v18 =	vperm.xlane v15, v1  }
0x152: {  	v14 =	vadd.f32 v14, v17;
	v19 =	vperm.xlane v16, v2  }
0x153: {  	v15 =	vadd.f32 v15, v18  }
0x154: {  	v17 =	vperm.xlane v14, v2;
	v16 =	vadd.f32 v16, v19  }
0x155: {  	v18 =	vperm.xlane v15, v2  }
0x156: {  	v14 =	vadd.f32 v14, v17;
	v19 =	vperm.xlane v16, v3  }
0x157: {  	v15 =	vadd.f32 v15, v18  }
0x158: {  	v17 =	vmov s30;
	v16 =	vadd.f32 v16, v19;
	v18 =	vperm.xlane v14, v3  }
0x159: {  	vm0 =	veq.s32 v17, v4;
	v19 =	vld [tilespmem:$0x12080];
	v17 =	vperm.xlane v15, v3  }
0x15a: {  	v13 =	vsel vm0, v16, v13;
	v16 =	vmov s29;
	v14 =	vadd.f32 v14, v18  }
0x15b: {  	vm14 =	veq.s32 v16, v4;
	v16 =	vmov s28;
	v15 =	vadd.f32 v15, v17  }
0x15c: {  	vm15 =	veq.s32 v16, v4;
	v13 =	vsel vm14, v14, v13  }
0x15d: {  	v13 =	vsel vm15, v15, v13  }
0x15e: {  	v13 =	vadd.f32 v19, v13;
	_ =	sdelay $0x1  }
0x15f: {  	s0 =	simm.s32 $0x9870;
	[tilespmem:s26+$0x12120] =	vst v13  }
0x160: {  	s3 =	simm.s32 $0xC070;
	v13 =	vld [tilespmem:s0+$0xFFFFFFA0]  }
0x161: {  	v14 =	vld [tilespmem:s3+$0xFFFFFFA0]  }
0x162: {  	v15 =	vld [tilespmem:s0+$0xFFFFFF90]  }
0x163: {  	v16 =	vld [tilespmem:s3+$0xFFFFFF90]  }
0x164: {  	v17 =	vld [tilespmem:s0+$0x0]  }
0x165: {  	v18 =	vld [tilespmem:s3+$0x0]  }
0x166: {  	v19 =	vld [tilespmem:s0+$0xFFFFFFB0]  }
0x167: {  	v20 =	vld [tilespmem:s3+$0xFFFFFFB0]  }
0x168: {  	v21 =	vld [tilespmem:s3+$0xFFFFFFC0];
	v15 =	vadd.f32 v16, v15  }
0x169: {  	v16 =	vld [tilespmem:s0+$0xFFFFFFC0]  }
0x16a: {  	v22 =	vld [tilespmem:s3+$0xFFFFFFD0];
	v13 =	vadd.f32 v14, v13;
	v14 =	vmax.f32 v15, $0.0e+00  }
0x16b: {  	v15 =	vld [tilespmem:s0+$0xFFFFFFD0];
	v14 =	vmul.f32 v14, v5  }
0x16c: {  	v23 =	vld [tilespmem:s3+$0xFFFFFFE0];
	v19 =	vadd.f32 v20, v19;
	v13 =	vmax.f32 v13, $0.0e+00  }
0x16d: {  	v20 =	vld [tilespmem:s0+$0xFFFFFFE0];
	v13 =	vmul.f32 v13, v6;
	v14 =	vadd.f32 $0.0e+00, v14  }
0x16e: {  	v19 =	vmax.f32 v19, $0.0e+00;
	v16 =	vadd.f32 v21, v16;
	v21 =	vld [tilespmem:s0+$0xFFFFFFF0]  }
0x16f: {  	s0 =	simm.s32 $0x98F0;
	v13 =	vadd.f32 v13, v14;
	v14 =	vmul.f32 v19, v7;
	v19 =	vld [tilespmem:s3+$0xFFFFFFF0]  }
0x170: {  	v24 =	vld [tilespmem:s0+$0xFFFFFFA0];
	v16 =	vmax.f32 v16, $0.0e+00;
	v15 =	vadd.f32 v22, v15;
	s3 =	simm.s32 $0xC0F0  }
0x171: {  	v22 =	vld [tilespmem:s3+$0xFFFFFFA0];
	v13 =	vadd.f32 v14, v13;
	v14 =	vmul.f32 v16, v8  }
0x172: {  	v20 =	vadd.f32 v23, v20;
	v23 =	vld [tilespmem:s3+$0xFFFFFF90];
	v15 =	vmax.f32 v15, $0.0e+00  }
0x173: {  	v16 =	vld [tilespmem:s0+$0xFFFFFF90];
	v25 =	vmul.f32 v15, v9;
	v13 =	vadd.f32 v14, v13  }
0x174: {  	v17 =	vadd.f32 v18, v17;
	v20 =	vmax.f32 v20, $0.0e+00;
	v18 =	vld [tilespmem:s3+$0xFFFFFFB0];
	v19 =	vadd.f32 v19, v21  }
0x175: {  	v20 =	vmul.f32 v20, v10;
	v15 =	vld [tilespmem:s3+$0x0];
	v13 =	vadd.f32 v25, v13  }
0x176: {  	v14 =	vld [tilespmem:s0+$0x0];
	v19 =	vmax.f32 v19, $0.0e+00  }
0x177: {  	v21 =	vld [tilespmem:s0+$0xFFFFFFB0];
	v13 =	vadd.f32 v20, v13;
	v19 =	vmul.f32 v19, v11  }
0x178: {  	v17 =	vmax.f32 v17, $0.0e+00;
	v16 =	vadd.f32 v23, v16;
	v23 =	vld [tilespmem:s3+$0xFFFFFFC0]  }
0x179: {  	v17 =	vmul.f32 v17, v12;
	v20 =	vld [tilespmem:s0+$0xFFFFFFC0];
	v13 =	vadd.f32 v19, v13  }
0x17a: {  	v16 =	vmax.f32 v16, $0.0e+00;
	v19 =	vadd.f32 v22, v24;
	v22 =	vld [tilespmem:s0+$0xFFFFFFD0]  }
0x17b: {  	v16 =	vmul.f32 v16, v5;
	v24 =	vld [tilespmem:s3+$0xFFFFFFD0];
	v13 =	vadd.f32 v17, v13  }
0x17c: {  	v25 =	vld [tilespmem:s3+$0xFFFFFFE0];
	v18 =	vadd.f32 v18, v21;
	v17 =	vmax.f32 v19, $0.0e+00  }
0x17d: {  	v21 =	vld [tilespmem:s0+$0xFFFFFFE0];
	v16 =	vadd.f32 $0.0e+00, v16;
	v19 =	vmul.f32 v17, v6;
	v26 =	vperm.xlane v13, v0  }
0x17e: {  	v18 =	vmax.f32 v18, $0.0e+00;
	v20 =	vadd.f32 v23, v20;
	v17 =	vld [tilespmem:s0+$0xFFFFFFF0]  }
0x17f: {  	s31 =	simm.s32 $0x9970;
	v23 =	vmul.f32 v18, v7;
	v18 =	vld [tilespmem:s3+$0xFFFFFFF0];
	v16 =	vadd.f32 v19, v16;
	v26 =	vadd.f32 v13, v26  }
0x180: {  	v19 =	vld [tilespmem:s31+$0xFFFFFFA0];
	v24 =	vadd.f32 v24, v22;
	v13 =	vmax.f32 v20, $0.0e+00  }
0x181: {  	s0 =	simm.s32 $0xC170;
	v22 =	vld [tilespmem:s31+$0xFFFFFF90];
	v16 =	vadd.f32 v23, v16;
	v23 =	vmul.f32 v13, v8;
	v27 =	vperm.xlane v26, v1  }
0x182: {  	s30 =	simm.s32 $0x0;
	v21 =	vadd.f32 v25, v21;
	v25 =	vld [tilespmem:s0+$0xFFFFFF90];
	v13 =	vimm.f32 $0.0e+00;
	v24 =	vmax.f32 v24, $0.0e+00  }
0x183: {  	s29 =	simm.s32 $0x1;
	s28 =	simm.s32 $0x2;
	s3 =	simm.s32 $0x3;
	v20 =	vld [tilespmem:s0+$0xFFFFFFA0];
	v24 =	vmul.f32 v24, v9;
	v23 =	vadd.f32 v23, v16;
	v16 =	vadd.f32 v26, v27  }
.LBB2_10:
0x184: {  	p0 =	sne.s32 s3, $0xF;
	v26 =	vld [tilespmem:s31+$0x0];
	v21 =	vmax.f32 v21, $0.0e+00;
	v17 =	vadd.f32 v18, v17  }
0x185: {  	v18 =	vld [tilespmem:s0+$0x0];
	v23 =	vadd.f32 v24, v23;
	v21 =	vmul.f32 v21, v10;
	v24 =	vperm.xlane v16, v2  }
0x186: {  	v15 =	vadd.f32 v15, v14;
	v27 =	vld [tilespmem:s31+$0xFFFFFFB0];
	v17 =	vmax.f32 v17, $0.0e+00  }
0x187: {  	v28 =	vld [tilespmem:s0+$0xFFFFFFB0];
	v29 =	vadd.f32 v21, v23;
	v17 =	vmul.f32 v17, v11;
	v16 =	vadd.f32 v16, v24  }
0x188: {  	v19 =	vadd.f32 v20, v19;
	v21 =	vadd.f32 v25, v22;
	v20 =	vld [tilespmem:s31+$0xFFFFFFC0];
	v25 =	vmax.f32 v15, $0.0e+00  }
0x189: {  	v22 =	vld [tilespmem:s0+$0xFFFFFFC0];
	v17 =	vadd.f32 v17, v29;
	v23 =	vmul.f32 v25, v12;
	v24 =	vperm.xlane v16, v3;
	v14 =	vmovc v26  }
0x18a: {  	v19 =	vmax.f32 v19, $0.0e+00;
	v26 =	vmov s30;
	s30 =	smov.u32 s29;
	s29 =	smov.u32 s28;
	s28 =	smov.u32 s3;
	v21 =	vmax.f32 v21, $0.0e+00;
	v25 =	vld [tilespmem:s31+$0xFFFFFFD0];
	v15 =	vmovc v18  }
0x18b: {  	v18 =	vmul.f32 v21, v5;
	v21 =	vld [tilespmem:s0+$0xFFFFFFD0];
	v23 =	vadd.f32 v23, v17;
	v16 =	vadd.f32 v16, v24  }
0x18c: {  	v19 =	vmul.f32 v19, v6;
	vm0 =	veq.s32 v26, v4;
	v17 =	vadd.f32 v28, v27;
	v24 =	vld [tilespmem:s31+$0xFFFFFFE0]  }
0x18d: {  	v18 =	vadd.f32 $0.0e+00, v18;
	v26 =	vld [tilespmem:s0+$0xFFFFFFE0];
	v27 =	vperm.xlane v23, v0;
	v13 =	vsel vm0, v16, v13  }
0x18e: {  	v16 =	vmax.f32 v17, $0.0e+00;
	v20 =	vadd.f32 v22, v20;
	v17 =	vld [tilespmem:s31+$0xFFFFFFF0]  }
.Ltmp8:
0x18f: {  	s31 =	sadd.s32 $0x80, s31;
	v22 =	vadd.f32 v19, v18;
	v16 =	vmul.f32 v16, v7;
	v18 =	vld [tilespmem:s0+$0xFFFFFFF0];
	v27 =	vadd.f32 v23, v27;
	(pc) =	sbr.rel @p0 .LBB2_10-.Ltmp8, $4  }
0x190: {  	s0 =	sadd.s32 $0x80, s0;
	v19 =	vld [tilespmem:s31+$0xFFFFFFA0];
	v23 =	vmax.f32 v20, $0.0e+00;
	v21 =	vadd.f32 v21, v25  }
0x191: {  	v20 =	vld [tilespmem:s0+$0xFFFFFFA0];
	v16 =	vadd.f32 v16, v22;
	v23 =	vmul.f32 v23, v8;
	v28 =	vperm.xlane v27, v1  }
0x192: {  	v22 =	vld [tilespmem:s31+$0xFFFFFF90];
	v29 =	vmax.f32 v21, $0.0e+00;
	v21 =	vadd.f32 v26, v24  }
0x193: {  	s3 =	sadd.s32 $0x1, s3;
	v25 =	vld [tilespmem:s0+$0xFFFFFF90];
	v23 =	vadd.f32 v23, v16;
	v24 =	vmul.f32 v29, v9;
	v16 =	vadd.f32 v27, v28  }
0x194: {  	_ =	sdelay $0x1  }
0x195: {  	v26 =	vld [tilespmem:s31+$0xFFFFFFB0]  }
0x196: {  	v27 =	vld [tilespmem:s0+$0xFFFFFFB0]  }
0x197: {  	v28 =	vld [tilespmem:s0+$0xFFFFFFC0];
	v22 =	vadd.f32 v25, v22  }
0x198: {  	v25 =	vld [tilespmem:s31+$0xFFFFFFC0]  }
0x199: {  	v29 =	vld [tilespmem:s0+$0xFFFFFFD0];
	v19 =	vadd.f32 v20, v19;
	v20 =	vmax.f32 v22, $0.0e+00  }
0x19a: {  	v22 =	vld [tilespmem:s31+$0xFFFFFFD0];
	v20 =	vmul.f32 v20, v5  }
0x19b: {  	v30 =	vld [tilespmem:s0+$0xFFFFFFE0];
	v19 =	vmax.f32 v19, $0.0e+00;
	v26 =	vadd.f32 v27, v26  }
0x19c: {  	v27 =	vld [tilespmem:s31+$0xFFFFFFE0];
	v19 =	vmul.f32 v19, v6;
	v20 =	vadd.f32 $0.0e+00, v20  }
0x19d: {  	v63 =	vld [tilespmem:s31+$0xFFFFFFF0];
	v26 =	vmax.f32 v26, $0.0e+00;
	v25 =	vadd.f32 v28, v25  }
0x19e: {  	v17 =	vadd.f32 v18, v17;
	v18 =	vadd.f32 v19, v20;
	v19 =	vmul.f32 v26, v7;
	v20 =	vld [tilespmem:s0+$0xFFFFFFF0]  }
0x19f: {  	v23 =	vadd.f32 v24, v23;
	v24 =	vld [tilespmem:s31+$0x0];
	v22 =	vadd.f32 v29, v22;
	v25 =	vmax.f32 v25, $0.0e+00  }
0x1a0: {  	v21 =	vmax.f32 v21, $0.0e+00;
	v25 =	vmul.f32 v25, v8;
	v18 =	vadd.f32 v19, v18;
	v19 =	vld [tilespmem:s0+$0x0]  }
0x1a1: {  	v14 =	vadd.f32 v15, v14;
	v26 =	vadd.f32 v30, v27;
	v22 =	vmax.f32 v22, $0.0e+00  }
0x1a2: {  	v21 =	vmul.f32 v21, v10;
	v22 =	vmul.f32 v22, v9;
	v18 =	vadd.f32 v25, v18  }
0x1a3: {  	v17 =	vmax.f32 v17, $0.0e+00;
	v15 =	vmax.f32 v26, $0.0e+00;
	v20 =	vadd.f32 v20, v63  }
0x1a4: {  	v21 =	vadd.f32 v21, v23;
	v15 =	vmul.f32 v15, v10;
	v18 =	vadd.f32 v22, v18  }
0x1a5: {  	v17 =	vmul.f32 v17, v11;
	v20 =	vmax.f32 v20, $0.0e+00;
	v19 =	vadd.f32 v19, v24  }
0x1a6: {  	v14 =	vmax.f32 v14, $0.0e+00;
	v15 =	vadd.f32 v15, v18;
	v18 =	vmul.f32 v20, v11  }
0x1a7: {  	v14 =	vmul.f32 v14, v12;
	v17 =	vadd.f32 v17, v21;
	v19 =	vmax.f32 v19, $0.0e+00  }
0x1a8: {  	v15 =	vadd.f32 v18, v15;
	v18 =	vmul.f32 v19, v12  }
0x1a9: {  	v14 =	vadd.f32 v14, v17  }
0x1aa: {  	v15 =	vadd.f32 v18, v15  }
0x1ab: {  	v17 =	vperm.xlane v14, v0  }
0x1ac: {  	v18 =	vperm.xlane v15, v0  }
0x1ad: {  	v14 =	vadd.f32 v14, v17  }
0x1ae: {  	v15 =	vadd.f32 v15, v18  }
0x1af: {  	v17 =	vperm.xlane v14, v1  }
0x1b0: {  	v18 =	vperm.xlane v15, v1  }
0x1b1: {  	v14 =	vadd.f32 v14, v17;
	v19 =	vperm.xlane v16, v2  }
0x1b2: {  	v15 =	vadd.f32 v15, v18  }
0x1b3: {  	v17 =	vperm.xlane v14, v2;
	v16 =	vadd.f32 v16, v19  }
0x1b4: {  	v18 =	vperm.xlane v15, v2  }
0x1b5: {  	v14 =	vadd.f32 v14, v17;
	v19 =	vperm.xlane v16, v3  }
0x1b6: {  	v15 =	vadd.f32 v15, v18  }
0x1b7: {  	v17 =	vmov s30;
	v16 =	vadd.f32 v16, v19;
	v18 =	vperm.xlane v14, v3  }
0x1b8: {  	vm0 =	veq.s32 v17, v4;
	v19 =	vld [tilespmem:$0x12080];
	v17 =	vperm.xlane v15, v3  }
0x1b9: {  	v13 =	vsel vm0, v16, v13;
	v16 =	vmov s29;
	v14 =	vadd.f32 v14, v18  }
0x1ba: {  	vm14 =	veq.s32 v16, v4;
	v16 =	vmov s28;
	v15 =	vadd.f32 v15, v17  }
0x1bb: {  	vm15 =	veq.s32 v16, v4;
	v13 =	vsel vm14, v14, v13  }
0x1bc: {  	v13 =	vsel vm15, v15, v13  }
0x1bd: {  	v13 =	vadd.f32 v19, v13;
	_ =	sdelay $0x1  }
0x1be: {  	s0 =	simm.s32 $0xA070;
	[tilespmem:s26+$0x12130] =	vst v13  }
0x1bf: {  	s3 =	simm.s32 $0xC870;
	v13 =	vld [tilespmem:s0+$0xFFFFFFA0]  }
0x1c0: {  	v14 =	vld [tilespmem:s3+$0xFFFFFFA0]  }
0x1c1: {  	v15 =	vld [tilespmem:s0+$0xFFFFFF90]  }
0x1c2: {  	v16 =	vld [tilespmem:s3+$0xFFFFFF90]  }
0x1c3: {  	v17 =	vld [tilespmem:s0+$0x0]  }
0x1c4: {  	v18 =	vld [tilespmem:s3+$0x0]  }
0x1c5: {  	v19 =	vld [tilespmem:s0+$0xFFFFFFB0]  }
0x1c6: {  	v20 =	vld [tilespmem:s3+$0xFFFFFFB0]  }
0x1c7: {  	v21 =	vld [tilespmem:s3+$0xFFFFFFC0];
	v15 =	vadd.f32 v16, v15  }
0x1c8: {  	v16 =	vld [tilespmem:s0+$0xFFFFFFC0]  }
0x1c9: {  	v22 =	vld [tilespmem:s3+$0xFFFFFFD0];
	v13 =	vadd.f32 v14, v13;
	v14 =	vmax.f32 v15, $0.0e+00  }
0x1ca: {  	v15 =	vld [tilespmem:s0+$0xFFFFFFD0];
	v14 =	vmul.f32 v14, v5  }
0x1cb: {  	v23 =	vld [tilespmem:s3+$0xFFFFFFE0];
	v19 =	vadd.f32 v20, v19;
	v13 =	vmax.f32 v13, $0.0e+00  }
0x1cc: {  	v20 =	vld [tilespmem:s0+$0xFFFFFFE0];
	v13 =	vmul.f32 v13, v6;
	v14 =	vadd.f32 $0.0e+00, v14  }
0x1cd: {  	v19 =	vmax.f32 v19, $0.0e+00;
	v16 =	vadd.f32 v21, v16;
	v21 =	vld [tilespmem:s0+$0xFFFFFFF0]  }
0x1ce: {  	s0 =	simm.s32 $0xA0F0;
	v13 =	vadd.f32 v13, v14;
	v14 =	vmul.f32 v19, v7;
	v19 =	vld [tilespmem:s3+$0xFFFFFFF0]  }
0x1cf: {  	v24 =	vld [tilespmem:s0+$0xFFFFFFA0];
	v16 =	vmax.f32 v16, $0.0e+00;
	v15 =	vadd.f32 v22, v15;
	s3 =	simm.s32 $0xC8F0  }
0x1d0: {  	v22 =	vld [tilespmem:s3+$0xFFFFFFA0];
	v13 =	vadd.f32 v14, v13;
	v14 =	vmul.f32 v16, v8  }
0x1d1: {  	v20 =	vadd.f32 v23, v20;
	v23 =	vld [tilespmem:s3+$0xFFFFFF90];
	v15 =	vmax.f32 v15, $0.0e+00  }
0x1d2: {  	v16 =	vld [tilespmem:s0+$0xFFFFFF90];
	v25 =	vmul.f32 v15, v9;
	v13 =	vadd.f32 v14, v13  }
0x1d3: {  	v17 =	vadd.f32 v18, v17;
	v20 =	vmax.f32 v20, $0.0e+00;
	v18 =	vld [tilespmem:s3+$0xFFFFFFB0];
	v19 =	vadd.f32 v19, v21  }
0x1d4: {  	v20 =	vmul.f32 v20, v10;
	v15 =	vld [tilespmem:s3+$0x0];
	v13 =	vadd.f32 v25, v13  }
0x1d5: {  	v14 =	vld [tilespmem:s0+$0x0];
	v19 =	vmax.f32 v19, $0.0e+00  }
0x1d6: {  	v21 =	vld [tilespmem:s0+$0xFFFFFFB0];
	v13 =	vadd.f32 v20, v13;
	v19 =	vmul.f32 v19, v11  }
0x1d7: {  	v17 =	vmax.f32 v17, $0.0e+00;
	v16 =	vadd.f32 v23, v16;
	v23 =	vld [tilespmem:s3+$0xFFFFFFC0]  }
0x1d8: {  	v17 =	vmul.f32 v17, v12;
	v20 =	vld [tilespmem:s0+$0xFFFFFFC0];
	v13 =	vadd.f32 v19, v13  }
0x1d9: {  	v16 =	vmax.f32 v16, $0.0e+00;
	v19 =	vadd.f32 v22, v24;
	v22 =	vld [tilespmem:s0+$0xFFFFFFD0]  }
0x1da: {  	v16 =	vmul.f32 v16, v5;
	v24 =	vld [tilespmem:s3+$0xFFFFFFD0];
	v13 =	vadd.f32 v17, v13  }
0x1db: {  	v25 =	vld [tilespmem:s3+$0xFFFFFFE0];
	v18 =	vadd.f32 v18, v21;
	v17 =	vmax.f32 v19, $0.0e+00  }
0x1dc: {  	v21 =	vld [tilespmem:s0+$0xFFFFFFE0];
	v16 =	vadd.f32 $0.0e+00, v16;
	v19 =	vmul.f32 v17, v6;
	v26 =	vperm.xlane v13, v0  }
0x1dd: {  	v18 =	vmax.f32 v18, $0.0e+00;
	v20 =	vadd.f32 v23, v20;
	v17 =	vld [tilespmem:s0+$0xFFFFFFF0]  }
0x1de: {  	s31 =	simm.s32 $0xA170;
	v23 =	vmul.f32 v18, v7;
	v18 =	vld [tilespmem:s3+$0xFFFFFFF0];
	v16 =	vadd.f32 v19, v16;
	v26 =	vadd.f32 v13, v26  }
0x1df: {  	v19 =	vld [tilespmem:s31+$0xFFFFFFA0];
	v24 =	vadd.f32 v24, v22;
	v13 =	vmax.f32 v20, $0.0e+00  }
0x1e0: {  	s0 =	simm.s32 $0xC970;
	v22 =	vld [tilespmem:s31+$0xFFFFFF90];
	v16 =	vadd.f32 v23, v16;
	v23 =	vmul.f32 v13, v8;
	v27 =	vperm.xlane v26, v1  }
0x1e1: {  	s30 =	simm.s32 $0x0;
	v21 =	vadd.f32 v25, v21;
	v25 =	vld [tilespmem:s0+$0xFFFFFF90];
	v13 =	vimm.f32 $0.0e+00;
	v24 =	vmax.f32 v24, $0.0e+00  }
0x1e2: {  	s29 =	simm.s32 $0x1;
	s28 =	simm.s32 $0x2;
	s3 =	simm.s32 $0x3;
	v20 =	vld [tilespmem:s0+$0xFFFFFFA0];
	v24 =	vmul.f32 v24, v9;
	v23 =	vadd.f32 v23, v16;
	v16 =	vadd.f32 v26, v27  }
.LBB2_12:
0x1e3: {  	p0 =	sne.s32 s3, $0xF;
	v26 =	vld [tilespmem:s31+$0x0];
	v21 =	vmax.f32 v21, $0.0e+00;
	v17 =	vadd.f32 v18, v17  }
0x1e4: {  	v18 =	vld [tilespmem:s0+$0x0];
	v23 =	vadd.f32 v24, v23;
	v21 =	vmul.f32 v21, v10;
	v24 =	vperm.xlane v16, v2  }
0x1e5: {  	v15 =	vadd.f32 v15, v14;
	v27 =	vld [tilespmem:s31+$0xFFFFFFB0];
	v17 =	vmax.f32 v17, $0.0e+00  }
0x1e6: {  	v28 =	vld [tilespmem:s0+$0xFFFFFFB0];
	v29 =	vadd.f32 v21, v23;
	v17 =	vmul.f32 v17, v11;
	v16 =	vadd.f32 v16, v24  }
0x1e7: {  	v19 =	vadd.f32 v20, v19;
	v21 =	vadd.f32 v25, v22;
	v20 =	vld [tilespmem:s31+$0xFFFFFFC0];
	v25 =	vmax.f32 v15, $0.0e+00  }
0x1e8: {  	v22 =	vld [tilespmem:s0+$0xFFFFFFC0];
	v17 =	vadd.f32 v17, v29;
	v23 =	vmul.f32 v25, v12;
	v24 =	vperm.xlane v16, v3;
	v14 =	vmovc v26  }
0x1e9: {  	v19 =	vmax.f32 v19, $0.0e+00;
	v26 =	vmov s30;
	s30 =	smov.u32 s29;
	s29 =	smov.u32 s28;
	s28 =	smov.u32 s3;
	v21 =	vmax.f32 v21, $0.0e+00;
	v25 =	vld [tilespmem:s31+$0xFFFFFFD0];
	v15 =	vmovc v18  }
0x1ea: {  	v18 =	vmul.f32 v21, v5;
	v21 =	vld [tilespmem:s0+$0xFFFFFFD0];
	v23 =	vadd.f32 v23, v17;
	v16 =	vadd.f32 v16, v24  }
0x1eb: {  	v19 =	vmul.f32 v19, v6;
	vm0 =	veq.s32 v26, v4;
	v17 =	vadd.f32 v28, v27;
	v24 =	vld [tilespmem:s31+$0xFFFFFFE0]  }
0x1ec: {  	v18 =	vadd.f32 $0.0e+00, v18;
	v26 =	vld [tilespmem:s0+$0xFFFFFFE0];
	v27 =	vperm.xlane v23, v0;
	v13 =	vsel vm0, v16, v13  }
0x1ed: {  	v16 =	vmax.f32 v17, $0.0e+00;
	v20 =	vadd.f32 v22, v20;
	v17 =	vld [tilespmem:s31+$0xFFFFFFF0]  }
.Ltmp9:
0x1ee: {  	s31 =	sadd.s32 $0x80, s31;
	v22 =	vadd.f32 v19, v18;
	v16 =	vmul.f32 v16, v7;
	v18 =	vld [tilespmem:s0+$0xFFFFFFF0];
	v27 =	vadd.f32 v23, v27;
	(pc) =	sbr.rel @p0 .LBB2_12-.Ltmp9, $4  }
0x1ef: {  	s0 =	sadd.s32 $0x80, s0;
	v19 =	vld [tilespmem:s31+$0xFFFFFFA0];
	v23 =	vmax.f32 v20, $0.0e+00;
	v21 =	vadd.f32 v21, v25  }
0x1f0: {  	v20 =	vld [tilespmem:s0+$0xFFFFFFA0];
	v16 =	vadd.f32 v16, v22;
	v23 =	vmul.f32 v23, v8;
	v28 =	vperm.xlane v27, v1  }
0x1f1: {  	v22 =	vld [tilespmem:s31+$0xFFFFFF90];
	v29 =	vmax.f32 v21, $0.0e+00;
	v21 =	vadd.f32 v26, v24  }
0x1f2: {  	s3 =	sadd.s32 $0x1, s3;
	v25 =	vld [tilespmem:s0+$0xFFFFFF90];
	v23 =	vadd.f32 v23, v16;
	v24 =	vmul.f32 v29, v9;
	v16 =	vadd.f32 v27, v28  }
0x1f3: {  	_ =	sdelay $0x1  }
0x1f4: {  	v26 =	vld [tilespmem:s31+$0xFFFFFFB0]  }
0x1f5: {  	v27 =	vld [tilespmem:s0+$0xFFFFFFB0]  }
0x1f6: {  	v44 =	vld [tilespmem:s31+$0xFFFFFFC0];
	v22 =	vadd.f32 v25, v22  }
0x1f7: {  	v28 =	vld [tilespmem:s0+$0xFFFFFFC0]  }
0x1f8: {  	v46 =	vld [tilespmem:s31+$0xFFFFFFD0];
	v19 =	vadd.f32 v20, v19;
	v45 =	vmax.f32 v22, $0.0e+00  }
0x1f9: {  	v29 =	vld [tilespmem:s0+$0xFFFFFFD0];
	v20 =	vmul.f32 v45, v5  }
0x1fa: {  	v47 =	vld [tilespmem:s31+$0xFFFFFFE0];
	v19 =	vmax.f32 v19, $0.0e+00;
	v26 =	vadd.f32 v27, v26  }
0x1fb: {  	v30 =	vld [tilespmem:s0+$0xFFFFFFE0];
	v19 =	vmul.f32 v19, v6;
	v20 =	vadd.f32 $0.0e+00, v20  }
0x1fc: {  	v48 =	vld [tilespmem:s31+$0xFFFFFFF0];
	v25 =	vadd.f32 v28, v44;
	v26 =	vmax.f32 v26, $0.0e+00  }
0x1fd: {  	v17 =	vadd.f32 v18, v17;
	v51 =	vld [tilespmem:s0+$0xFFFFFFF0];
	v50 =	vmul.f32 v26, v7;
	v49 =	vadd.f32 v19, v20  }
0x1fe: {  	v52 =	vld [tilespmem:s31+$0x0];
	v21 =	vmax.f32 v21, $0.0e+00;
	v22 =	vadd.f32 v29, v46;
	v25 =	vmax.f32 v25, $0.0e+00  }
0x1ff: {  	v53 =	vld [tilespmem:s0+$0x0];
	v14 =	vadd.f32 v15, v14;
	v25 =	vmul.f32 v25, v8;
	v18 =	vadd.f32 v50, v49  }
0x200: {  	v23 =	vadd.f32 v24, v23;
	v54 =	vadd.f32 v30, v47;
	v22 =	vmax.f32 v22, $0.0e+00  }
0x201: {  	v21 =	vmul.f32 v21, v10;
	v22 =	vmul.f32 v22, v9;
	v18 =	vadd.f32 v25, v18  }
0x202: {  	v17 =	vmax.f32 v17, $0.0e+00;
	v15 =	vmax.f32 v54, $0.0e+00;
	v20 =	vadd.f32 v51, v48  }
0x203: {  	v21 =	vadd.f32 v21, v23;
	v15 =	vmul.f32 v15, v10;
	v18 =	vadd.f32 v22, v18  }
0x204: {  	v17 =	vmul.f32 v17, v11;
	v19 =	vadd.f32 v53, v52;
	v20 =	vmax.f32 v20, $0.0e+00  }
0x205: {  	v14 =	vmax.f32 v14, $0.0e+00;
	v55 =	vmul.f32 v20, v11;
	v15 =	vadd.f32 v15, v18  }
0x206: {  	v14 =	vmul.f32 v14, v12;
	v17 =	vadd.f32 v17, v21;
	v19 =	vmax.f32 v19, $0.0e+00  }
0x207: {  	v56 =	vmul.f32 v19, v12;
	v15 =	vadd.f32 v55, v15  }
0x208: {  	v14 =	vadd.f32 v14, v17  }
0x209: {  	v15 =	vadd.f32 v56, v15  }
0x20a: {  	v17 =	vperm.xlane v14, v0  }
0x20b: {  	v18 =	vperm.xlane v15, v0  }
0x20c: {  	v14 =	vadd.f32 v14, v17  }
0x20d: {  	v15 =	vadd.f32 v15, v18  }
0x20e: {  	v17 =	vperm.xlane v14, v1  }
0x20f: {  	v18 =	vperm.xlane v15, v1  }
0x210: {  	v14 =	vadd.f32 v14, v17  }
0x211: {  	v57 =	vperm.xlane v16, v2;
	v15 =	vadd.f32 v15, v18  }
0x212: {  	v17 =	vperm.xlane v14, v2  }
0x213: {  	v16 =	vadd.f32 v16, v57;
	v18 =	vperm.xlane v15, v2  }
0x214: {  	v14 =	vadd.f32 v14, v17  }
0x215: {  	v19 =	vperm.xlane v16, v3;
	v15 =	vadd.f32 v15, v18  }
0x216: {  	v58 =	vmov s30;
	v59 =	vperm.xlane v14, v3  }
0x217: {  	v61 =	vld [tilespmem:$0x12080];
	v62 =	vmov s29;
	v16 =	vadd.f32 v16, v19;
	v60 =	vperm.xlane v15, v3  }
0x218: {  	v63 =	vmov s28;
	vm0 =	veq.s32 v58, v4;
	v14 =	vadd.f32 v14, v59  }
0x219: {  	p0 =	seq.s32 s25, $0x0;
	vm14 =	veq.s32 v62, v4;
	v13 =	vsel vm0, v16, v13;
	v15 =	vadd.f32 v15, v60  }
.Ltmp10:
0x21a: {  	vm15 =	veq.s32 v63, v4;
	v13 =	vsel vm14, v14, v13;
	(pc) =	sbr.rel @p0 .LBB2_25-.Ltmp10, $3  }
0x21b: {  	v13 =	vsel vm15, v15, v13  }
0x21c: {  	v13 =	vadd.f32 v61, v13;
	_ =	sdelay $0x1  }
0x21d: {  	[tilespmem:s26+$0x12140] =	vst v13  }
.LBB2_14:
0x21e: {  	_ =	swait.ge [sflag:s18], $0x2800  }
0x21f: {  	[sflag:s18] =	ssyncset.done $0x0  }
0x220: {  	[sflag:s18] =	ssyncadd.s32 $0xFFFFD800  }
0x221: {  	p0 =	seq.s32 s24, $0x7C;
	_ =	swait.ge [sflag:s19], $0x2800  }
0x222: {  	s0 =	sshll.u32 @!p0 s24, $0x7;
	s25 =	simm.s32 @!p0 $0x50;
	[sflag:s19] =	ssyncset.done $0x0  }
0x223: {  	s26 =	simm.s32 @!p0 $0x8000;
	s3 =	sadd.s32 @!p0 $0x80, s0;
	[sflag:s19] =	ssyncadd.s32 $0xFFFFD800  }
0x224: {  	[tilespmem:s26], [sflag:$0x1] =	stream.indirect.gather @!p0 [hbm4b:s4+s25], $0x80, s3, s25, $0xb8;
	[tilespmem:$0x14880] =	vst v63  }
0x225: {  	s0 =	sadd.s32 @!p0 $0x4080, s0;
	s3 =	simm.s32 @!p0 $0xA800  }
0x226: {  	[tilespmem:s3], [sflag:$0x2] =	stream.indirect.gather @!p0 [hbm4b:s5+s25], $0x80, s0, s25, $0xb8;
	[tilespmem:$0x14880] =	vst v63  }
0x227: {  	s25 =	simm.s32 $0xD040  }
0x228: {  	s26 =	simm.s32 $0xF840;
	v13 =	vld [tilespmem:s25+$0xFFFFFFD0]  }
0x229: {  	v14 =	vld [tilespmem:s26+$0xFFFFFFD0]  }
0x22a: {  	v15 =	vld [tilespmem:s25+$0xFFFFFFC0]  }
0x22b: {  	v16 =	vld [tilespmem:s26+$0xFFFFFFC0]  }
0x22c: {  	v17 =	vld [tilespmem:s25+$0x30]  }
0x22d: {  	v18 =	vld [tilespmem:s26+$0x30]  }
0x22e: {  	v19 =	vld [tilespmem:s25+$0xFFFFFFE0]  }
0x22f: {  	v20 =	vld [tilespmem:s26+$0xFFFFFFE0]  }
0x230: {  	v21 =	vld [tilespmem:s26+$0xFFFFFFF0];
	v15 =	vadd.f32 v16, v15  }
0x231: {  	v16 =	vld [tilespmem:s25+$0xFFFFFFF0]  }
0x232: {  	v22 =	vld [tilespmem:s26+$0x0];
	v13 =	vadd.f32 v14, v13;
	v14 =	vmax.f32 v15, $0.0e+00  }
0x233: {  	v15 =	vld [tilespmem:s25+$0x0];
	v14 =	vmul.f32 v14, v5  }
0x234: {  	v23 =	vld [tilespmem:s26+$0x10];
	v19 =	vadd.f32 v20, v19;
	v13 =	vmax.f32 v13, $0.0e+00  }
0x235: {  	v20 =	vld [tilespmem:s25+$0x10];
	v13 =	vmul.f32 v13, v6;
	v14 =	vadd.f32 $0.0e+00, v14  }
0x236: {  	v19 =	vmax.f32 v19, $0.0e+00;
	v16 =	vadd.f32 v21, v16;
	v21 =	vld [tilespmem:s25+$0x20]  }
0x237: {  	s30 =	simm.s32 $0xD0C0;
	v13 =	vadd.f32 v13, v14;
	v14 =	vmul.f32 v19, v7;
	v19 =	vld [tilespmem:s26+$0x20]  }
0x238: {  	s31 =	simm.s32 $0xF8C0;
	v24 =	vld [tilespmem:s30+$0xFFFFFFD0];
	v16 =	vmax.f32 v16, $0.0e+00;
	v15 =	vadd.f32 v22, v15  }
0x239: {  	v17 =	vadd.f32 v18, v17;
	v18 =	vld [tilespmem:s31+$0xFFFFFFE0];
	v13 =	vadd.f32 v14, v13;
	v14 =	vmul.f32 v16, v8  }
0x23a: {  	v20 =	vadd.f32 v23, v20;
	v23 =	vld [tilespmem:s31+$0xFFFFFFC0];
	v15 =	vmax.f32 v15, $0.0e+00  }
0x23b: {  	v16 =	vld [tilespmem:s30+$0xFFFFFFC0];
	v25 =	vmul.f32 v15, v9;
	v13 =	vadd.f32 v14, v13  }
0x23c: {  	v22 =	vld [tilespmem:s31+$0xFFFFFFD0];
	v20 =	vmax.f32 v20, $0.0e+00;
	v19 =	vadd.f32 v19, v21  }
0x23d: {  	v20 =	vmul.f32 v20, v10;
	v15 =	vld [tilespmem:s31+$0x30];
	v13 =	vadd.f32 v25, v13  }
0x23e: {  	v14 =	vld [tilespmem:s30+$0x30];
	v19 =	vmax.f32 v19, $0.0e+00  }
0x23f: {  	v21 =	vld [tilespmem:s30+$0xFFFFFFE0];
	v13 =	vadd.f32 v20, v13;
	v19 =	vmul.f32 v19, v11  }
0x240: {  	v17 =	vmax.f32 v17, $0.0e+00;
	v16 =	vadd.f32 v23, v16;
	v23 =	vld [tilespmem:s31+$0xFFFFFFF0]  }
0x241: {  	v17 =	vmul.f32 v17, v12;
	v20 =	vld [tilespmem:s30+$0xFFFFFFF0];
	v13 =	vadd.f32 v19, v13  }
0x242: {  	v16 =	vmax.f32 v16, $0.0e+00;
	v19 =	vadd.f32 v22, v24;
	v22 =	vld [tilespmem:s30+$0x0]  }
0x243: {  	v16 =	vmul.f32 v16, v5;
	v24 =	vld [tilespmem:s31+$0x0];
	v13 =	vadd.f32 v17, v13  }
0x244: {  	v25 =	vld [tilespmem:s31+$0x10];
	v18 =	vadd.f32 v18, v21;
	v17 =	vmax.f32 v19, $0.0e+00  }
0x245: {  	v21 =	vld [tilespmem:s30+$0x10];
	v16 =	vadd.f32 $0.0e+00, v16;
	v19 =	vmul.f32 v17, v6;
	v26 =	vperm.xlane v13, v0  }
0x246: {  	v18 =	vmax.f32 v18, $0.0e+00;
	v20 =	vadd.f32 v23, v20;
	v17 =	vld [tilespmem:s30+$0x20]  }
0x247: {  	s29 =	simm.s32 $0xD140;
	v23 =	vmul.f32 v18, v7;
	v18 =	vld [tilespmem:s31+$0x20];
	v16 =	vadd.f32 v19, v16;
	v26 =	vadd.f32 v13, v26  }
0x248: {  	v19 =	vld [tilespmem:s29+$0xFFFFFFD0];
	v24 =	vadd.f32 v24, v22;
	v13 =	vmax.f32 v20, $0.0e+00  }
0x249: {  	s0 =	simm.s32 $0xF940;
	v22 =	vld [tilespmem:s29+$0xFFFFFFC0];
	v16 =	vadd.f32 v23, v16;
	v23 =	vmul.f32 v13, v8;
	v27 =	vperm.xlane v26, v1  }
0x24a: {  	s28 =	simm.s32 $0x0;
	v21 =	vadd.f32 v25, v21;
	v25 =	vld [tilespmem:s0+$0xFFFFFFC0];
	v13 =	vimm.f32 $0.0e+00;
	v24 =	vmax.f32 v24, $0.0e+00  }
0x24b: {  	s3 =	simm.s32 $0x3;
	s25 =	simm.s32 $0x2;
	s26 =	simm.s32 $0x1;
	v20 =	vld [tilespmem:s0+$0xFFFFFFD0];
	v24 =	vmul.f32 v24, v9;
	v23 =	vadd.f32 v23, v16;
	v16 =	vadd.f32 v26, v27  }
.LBB2_15:
0x24c: {  	p0 =	sne.s32 s3, $0xF;
	v26 =	vld [tilespmem:s29+$0x30];
	v21 =	vmax.f32 v21, $0.0e+00;
	v17 =	vadd.f32 v18, v17  }
0x24d: {  	v18 =	vld [tilespmem:s0+$0x30];
	v23 =	vadd.f32 v24, v23;
	v21 =	vmul.f32 v21, v10;
	v24 =	vperm.xlane v16, v2  }
0x24e: {  	v15 =	vadd.f32 v15, v14;
	v27 =	vld [tilespmem:s29+$0xFFFFFFE0];
	v17 =	vmax.f32 v17, $0.0e+00  }
0x24f: {  	v28 =	vld [tilespmem:s0+$0xFFFFFFE0];
	v29 =	vadd.f32 v21, v23;
	v17 =	vmul.f32 v17, v11;
	v16 =	vadd.f32 v16, v24  }
0x250: {  	v19 =	vadd.f32 v20, v19;
	v21 =	vadd.f32 v25, v22;
	v20 =	vld [tilespmem:s29+$0xFFFFFFF0];
	v25 =	vmax.f32 v15, $0.0e+00  }
0x251: {  	v22 =	vld [tilespmem:s0+$0xFFFFFFF0];
	v17 =	vadd.f32 v17, v29;
	v23 =	vmul.f32 v25, v12;
	v24 =	vperm.xlane v16, v3;
	v14 =	vmovc v26  }
0x252: {  	v19 =	vmax.f32 v19, $0.0e+00;
	v26 =	vmov s28;
	s28 =	smov.u32 s26;
	s26 =	smov.u32 s25;
	s25 =	smov.u32 s3;
	v21 =	vmax.f32 v21, $0.0e+00;
	v25 =	vld [tilespmem:s29+$0x0];
	v15 =	vmovc v18  }
0x253: {  	v18 =	vmul.f32 v21, v5;
	v21 =	vld [tilespmem:s0+$0x0];
	v23 =	vadd.f32 v23, v17;
	v16 =	vadd.f32 v16, v24  }
0x254: {  	v19 =	vmul.f32 v19, v6;
	vm0 =	veq.s32 v26, v4;
	v17 =	vadd.f32 v28, v27;
	v24 =	vld [tilespmem:s29+$0x10]  }
0x255: {  	v18 =	vadd.f32 $0.0e+00, v18;
	v26 =	vld [tilespmem:s0+$0x10];
	v27 =	vperm.xlane v23, v0;
	v13 =	vsel vm0, v16, v13  }
0x256: {  	v16 =	vmax.f32 v17, $0.0e+00;
	v20 =	vadd.f32 v22, v20;
	v17 =	vld [tilespmem:s29+$0x20]  }
.Ltmp11:
0x257: {  	s29 =	sadd.s32 $0x80, s29;
	v22 =	vadd.f32 v19, v18;
	v16 =	vmul.f32 v16, v7;
	v18 =	vld [tilespmem:s0+$0x20];
	v27 =	vadd.f32 v23, v27;
	(pc) =	sbr.rel @p0 .LBB2_15-.Ltmp11, $4  }
0x258: {  	s0 =	sadd.s32 $0x80, s0;
	v19 =	vld [tilespmem:s29+$0xFFFFFFD0];
	v23 =	vmax.f32 v20, $0.0e+00;
	v21 =	vadd.f32 v21, v25  }
0x259: {  	v20 =	vld [tilespmem:s0+$0xFFFFFFD0];
	v16 =	vadd.f32 v16, v22;
	v23 =	vmul.f32 v23, v8;
	v28 =	vperm.xlane v27, v1  }
0x25a: {  	v22 =	vld [tilespmem:s29+$0xFFFFFFC0];
	v29 =	vmax.f32 v21, $0.0e+00;
	v21 =	vadd.f32 v26, v24  }
0x25b: {  	s3 =	sadd.s32 $0x1, s3;
	v25 =	vld [tilespmem:s0+$0xFFFFFFC0];
	v23 =	vadd.f32 v23, v16;
	v24 =	vmul.f32 v29, v9;
	v16 =	vadd.f32 v27, v28  }
0x25c: {  	_ =	sdelay $0x1  }
0x25d: {  	v26 =	vld [tilespmem:s29+$0xFFFFFFE0]  }
0x25e: {  	v27 =	vld [tilespmem:s0+$0xFFFFFFE0]  }
0x25f: {  	v28 =	vld [tilespmem:s0+$0xFFFFFFF0];
	v22 =	vadd.f32 v25, v22  }
0x260: {  	v25 =	vld [tilespmem:s29+$0xFFFFFFF0]  }
0x261: {  	v29 =	vld [tilespmem:s0+$0x0];
	v19 =	vadd.f32 v20, v19;
	v20 =	vmax.f32 v22, $0.0e+00  }
0x262: {  	v22 =	vld [tilespmem:s29+$0x0];
	v20 =	vmul.f32 v20, v5  }
0x263: {  	v30 =	vld [tilespmem:s0+$0x10];
	v19 =	vmax.f32 v19, $0.0e+00;
	v26 =	vadd.f32 v27, v26  }
0x264: {  	v27 =	vld [tilespmem:s29+$0x10];
	v19 =	vmul.f32 v19, v6;
	v20 =	vadd.f32 $0.0e+00, v20  }
0x265: {  	v63 =	vld [tilespmem:s29+$0x20];
	v26 =	vmax.f32 v26, $0.0e+00;
	v25 =	vadd.f32 v28, v25  }
0x266: {  	v17 =	vadd.f32 v18, v17;
	v18 =	vadd.f32 v19, v20;
	v19 =	vmul.f32 v26, v7;
	v20 =	vld [tilespmem:s0+$0x20]  }
0x267: {  	v23 =	vadd.f32 v24, v23;
	v24 =	vld [tilespmem:s29+$0x30];
	v22 =	vadd.f32 v29, v22;
	v25 =	vmax.f32 v25, $0.0e+00  }
0x268: {  	v21 =	vmax.f32 v21, $0.0e+00;
	v25 =	vmul.f32 v25, v8;
	v18 =	vadd.f32 v19, v18;
	v19 =	vld [tilespmem:s0+$0x30]  }
0x269: {  	v14 =	vadd.f32 v15, v14;
	v26 =	vadd.f32 v30, v27;
	v22 =	vmax.f32 v22, $0.0e+00  }
0x26a: {  	v21 =	vmul.f32 v21, v10;
	v22 =	vmul.f32 v22, v9;
	v18 =	vadd.f32 v25, v18  }
0x26b: {  	v17 =	vmax.f32 v17, $0.0e+00;
	v15 =	vmax.f32 v26, $0.0e+00;
	v20 =	vadd.f32 v20, v63  }
0x26c: {  	v21 =	vadd.f32 v21, v23;
	v15 =	vmul.f32 v15, v10;
	v18 =	vadd.f32 v22, v18  }
0x26d: {  	v17 =	vmul.f32 v17, v11;
	v20 =	vmax.f32 v20, $0.0e+00;
	v19 =	vadd.f32 v19, v24  }
0x26e: {  	v14 =	vmax.f32 v14, $0.0e+00;
	v15 =	vadd.f32 v15, v18;
	v18 =	vmul.f32 v20, v11  }
0x26f: {  	v14 =	vmul.f32 v14, v12;
	v17 =	vadd.f32 v17, v21;
	v19 =	vmax.f32 v19, $0.0e+00  }
0x270: {  	v15 =	vadd.f32 v18, v15;
	v18 =	vmul.f32 v19, v12  }
0x271: {  	v14 =	vadd.f32 v14, v17  }
0x272: {  	v15 =	vadd.f32 v18, v15  }
0x273: {  	v17 =	vperm.xlane v14, v0  }
0x274: {  	v18 =	vperm.xlane v15, v0  }
0x275: {  	v14 =	vadd.f32 v14, v17  }
0x276: {  	v15 =	vadd.f32 v15, v18  }
0x277: {  	v17 =	vperm.xlane v14, v1  }
0x278: {  	v18 =	vperm.xlane v15, v1  }
0x279: {  	v14 =	vadd.f32 v14, v17;
	v19 =	vperm.xlane v16, v2  }
0x27a: {  	v15 =	vadd.f32 v15, v18  }
0x27b: {  	v17 =	vperm.xlane v14, v2;
	v16 =	vadd.f32 v16, v19  }
0x27c: {  	v18 =	vperm.xlane v15, v2  }
0x27d: {  	v14 =	vadd.f32 v14, v17;
	v19 =	vperm.xlane v16, v3  }
0x27e: {  	v15 =	vadd.f32 v15, v18  }
0x27f: {  	v17 =	vmov s28;
	v16 =	vadd.f32 v16, v19;
	v18 =	vperm.xlane v14, v3  }
0x280: {  	vm0 =	veq.s32 v17, v4;
	v19 =	vld [tilespmem:$0x12080];
	v17 =	vperm.xlane v15, v3  }
0x281: {  	v13 =	vsel vm0, v16, v13;
	v16 =	vmov s26;
	v14 =	vadd.f32 v14, v18  }
0x282: {  	vm14 =	veq.s32 v16, v4;
	v16 =	vmov s25;
	v15 =	vadd.f32 v15, v17  }
0x283: {  	vm15 =	veq.s32 v16, v4;
	v13 =	vsel vm14, v14, v13  }
0x284: {  	s26 =	smul.u32 $0x140, s24;
	v13 =	vsel vm15, v15, v13  }
0x285: {  	v13 =	vadd.f32 v19, v13  }
0x286: {  	s25 =	sshra.s32 s26, $0x2  }
0x287: {  	s31 =	simm.s32 $0xD870;
	[tilespmem:s25+$0x12100] =	vst v13  }
0x288: {  	s3 =	simm.s32 $0x10070;
	v13 =	vld [tilespmem:s31+$0xFFFFFFA0]  }
0x289: {  	v14 =	vld [tilespmem:s3+$0xFFFFFFA0]  }
0x28a: {  	v15 =	vld [tilespmem:s31+$0xFFFFFF90]  }
0x28b: {  	v16 =	vld [tilespmem:s3+$0xFFFFFF90]  }
0x28c: {  	v17 =	vld [tilespmem:s31+$0x0]  }
0x28d: {  	v19 =	vld [tilespmem:s31+$0xFFFFFFB0]  }
0x28e: {  	v20 =	vld [tilespmem:s3+$0xFFFFFFB0]  }
0x28f: {  	v21 =	vld [tilespmem:s3+$0xFFFFFFC0]  }
0x290: {  	v22 =	vld [tilespmem:s3+$0xFFFFFFD0];
	v15 =	vadd.f32 v16, v15  }
0x291: {  	v16 =	vld [tilespmem:s31+$0xFFFFFFC0]  }
0x292: {  	v23 =	vld [tilespmem:s3+$0xFFFFFFE0];
	v13 =	vadd.f32 v14, v13;
	v14 =	vmax.f32 v15, $0.0e+00  }
0x293: {  	v15 =	vld [tilespmem:s31+$0xFFFFFFD0];
	v14 =	vmul.f32 v14, v5  }
0x294: {  	v19 =	vadd.f32 v20, v19;
	v20 =	vld [tilespmem:s31+$0xFFFFFFE0];
	v13 =	vmax.f32 v13, $0.0e+00  }
0x295: {  	v18 =	vld [tilespmem:s3+$0x0];
	v13 =	vmul.f32 v13, v6;
	v14 =	vadd.f32 $0.0e+00, v14  }
0x296: {  	v19 =	vmax.f32 v19, $0.0e+00;
	v16 =	vadd.f32 v21, v16;
	v21 =	vld [tilespmem:s31+$0xFFFFFFF0]  }
0x297: {  	s26 =	simm.s32 $0xD8F0;
	v13 =	vadd.f32 v13, v14;
	v14 =	vmul.f32 v19, v7;
	v19 =	vld [tilespmem:s3+$0xFFFFFFF0]  }
0x298: {  	v24 =	vld [tilespmem:s26+$0xFFFFFFA0];
	s31 =	simm.s32 $0x100F0;
	v16 =	vmax.f32 v16, $0.0e+00;
	v15 =	vadd.f32 v22, v15  }
0x299: {  	v20 =	vadd.f32 v23, v20;
	v23 =	vld [tilespmem:s31+$0xFFFFFF90];
	v13 =	vadd.f32 v14, v13;
	v14 =	vmul.f32 v16, v8  }
0x29a: {  	v17 =	vadd.f32 v18, v17;
	v18 =	vld [tilespmem:s31+$0xFFFFFFB0];
	v15 =	vmax.f32 v15, $0.0e+00  }
0x29b: {  	v16 =	vld [tilespmem:s26+$0xFFFFFF90];
	v25 =	vmul.f32 v15, v9;
	v13 =	vadd.f32 v14, v13  }
0x29c: {  	v22 =	vld [tilespmem:s31+$0xFFFFFFA0];
	v20 =	vmax.f32 v20, $0.0e+00;
	v19 =	vadd.f32 v19, v21  }
0x29d: {  	v20 =	vmul.f32 v20, v10;
	v15 =	vld [tilespmem:s31+$0x0];
	v13 =	vadd.f32 v25, v13  }
0x29e: {  	v14 =	vld [tilespmem:s26+$0x0];
	v19 =	vmax.f32 v19, $0.0e+00  }
0x29f: {  	v21 =	vld [tilespmem:s26+$0xFFFFFFB0];
	v13 =	vadd.f32 v20, v13;
	v19 =	vmul.f32 v19, v11  }
0x2a0: {  	v17 =	vmax.f32 v17, $0.0e+00;
	v16 =	vadd.f32 v23, v16;
	v23 =	vld [tilespmem:s31+$0xFFFFFFC0]  }
0x2a1: {  	v17 =	vmul.f32 v17, v12;
	v20 =	vld [tilespmem:s26+$0xFFFFFFC0];
	v13 =	vadd.f32 v19, v13  }
0x2a2: {  	v16 =	vmax.f32 v16, $0.0e+00;
	v19 =	vadd.f32 v22, v24;
	v22 =	vld [tilespmem:s26+$0xFFFFFFD0]  }
0x2a3: {  	v16 =	vmul.f32 v16, v5;
	v24 =	vld [tilespmem:s31+$0xFFFFFFD0];
	v13 =	vadd.f32 v17, v13  }
0x2a4: {  	v25 =	vld [tilespmem:s31+$0xFFFFFFE0];
	v18 =	vadd.f32 v18, v21;
	v17 =	vmax.f32 v19, $0.0e+00  }
0x2a5: {  	v21 =	vld [tilespmem:s26+$0xFFFFFFE0];
	v16 =	vadd.f32 $0.0e+00, v16;
	v19 =	vmul.f32 v17, v6;
	v26 =	vperm.xlane v13, v0  }
0x2a6: {  	v18 =	vmax.f32 v18, $0.0e+00;
	v20 =	vadd.f32 v23, v20;
	v17 =	vld [tilespmem:s26+$0xFFFFFFF0]  }
0x2a7: {  	s30 =	simm.s32 $0xD970;
	v23 =	vmul.f32 v18, v7;
	v18 =	vld [tilespmem:s31+$0xFFFFFFF0];
	v16 =	vadd.f32 v19, v16;
	v26 =	vadd.f32 v13, v26  }
0x2a8: {  	v19 =	vld [tilespmem:s30+$0xFFFFFFA0];
	v24 =	vadd.f32 v24, v22;
	v13 =	vmax.f32 v20, $0.0e+00  }
0x2a9: {  	s0 =	simm.s32 $0x10170;
	v22 =	vld [tilespmem:s30+$0xFFFFFF90];
	v16 =	vadd.f32 v23, v16;
	v23 =	vmul.f32 v13, v8;
	v27 =	vperm.xlane v26, v1  }
0x2aa: {  	s29 =	simm.s32 $0x0;
	v21 =	vadd.f32 v25, v21;
	v25 =	vld [tilespmem:s0+$0xFFFFFF90];
	v13 =	vimm.f32 $0.0e+00;
	v24 =	vmax.f32 v24, $0.0e+00  }
0x2ab: {  	s28 =	simm.s32 $0x1;
	s3 =	simm.s32 $0x3;
	s26 =	simm.s32 $0x2;
	v20 =	vld [tilespmem:s0+$0xFFFFFFA0];
	v24 =	vmul.f32 v24, v9;
	v23 =	vadd.f32 v23, v16;
	v16 =	vadd.f32 v26, v27  }
.LBB2_17:
0x2ac: {  	p0 =	sne.s32 s3, $0xF;
	v26 =	vld [tilespmem:s30+$0x0];
	v21 =	vmax.f32 v21, $0.0e+00;
	v17 =	vadd.f32 v18, v17  }
0x2ad: {  	v18 =	vld [tilespmem:s0+$0x0];
	v23 =	vadd.f32 v24, v23;
	v21 =	vmul.f32 v21, v10;
	v24 =	vperm.xlane v16, v2  }
0x2ae: {  	v15 =	vadd.f32 v15, v14;
	v27 =	vld [tilespmem:s30+$0xFFFFFFB0];
	v17 =	vmax.f32 v17, $0.0e+00  }
0x2af: {  	v28 =	vld [tilespmem:s0+$0xFFFFFFB0];
	v29 =	vadd.f32 v21, v23;
	v17 =	vmul.f32 v17, v11;
	v16 =	vadd.f32 v16, v24  }
0x2b0: {  	v19 =	vadd.f32 v20, v19;
	v21 =	vadd.f32 v25, v22;
	v20 =	vld [tilespmem:s30+$0xFFFFFFC0];
	v25 =	vmax.f32 v15, $0.0e+00  }
0x2b1: {  	v22 =	vld [tilespmem:s0+$0xFFFFFFC0];
	v17 =	vadd.f32 v17, v29;
	v23 =	vmul.f32 v25, v12;
	v24 =	vperm.xlane v16, v3;
	v14 =	vmovc v26  }
0x2b2: {  	v19 =	vmax.f32 v19, $0.0e+00;
	v26 =	vmov s29;
	s29 =	smov.u32 s28;
	s28 =	smov.u32 s26;
	s26 =	smov.u32 s3;
	v21 =	vmax.f32 v21, $0.0e+00;
	v25 =	vld [tilespmem:s30+$0xFFFFFFD0];
	v15 =	vmovc v18  }
0x2b3: {  	v18 =	vmul.f32 v21, v5;
	v21 =	vld [tilespmem:s0+$0xFFFFFFD0];
	v23 =	vadd.f32 v23, v17;
	v16 =	vadd.f32 v16, v24  }
0x2b4: {  	v19 =	vmul.f32 v19, v6;
	vm0 =	veq.s32 v26, v4;
	v17 =	vadd.f32 v28, v27;
	v24 =	vld [tilespmem:s30+$0xFFFFFFE0]  }
0x2b5: {  	v18 =	vadd.f32 $0.0e+00, v18;
	v26 =	vld [tilespmem:s0+$0xFFFFFFE0];
	v27 =	vperm.xlane v23, v0;
	v13 =	vsel vm0, v16, v13  }
0x2b6: {  	v16 =	vmax.f32 v17, $0.0e+00;
	v20 =	vadd.f32 v22, v20;
	v17 =	vld [tilespmem:s30+$0xFFFFFFF0]  }
.Ltmp12:
0x2b7: {  	s30 =	sadd.s32 $0x80, s30;
	v22 =	vadd.f32 v19, v18;
	v16 =	vmul.f32 v16, v7;
	v18 =	vld [tilespmem:s0+$0xFFFFFFF0];
	v27 =	vadd.f32 v23, v27;
	(pc) =	sbr.rel @p0 .LBB2_17-.Ltmp12, $4  }
0x2b8: {  	s0 =	sadd.s32 $0x80, s0;
	v19 =	vld [tilespmem:s30+$0xFFFFFFA0];
	v23 =	vmax.f32 v20, $0.0e+00;
	v21 =	vadd.f32 v21, v25  }
0x2b9: {  	v20 =	vld [tilespmem:s0+$0xFFFFFFA0];
	v16 =	vadd.f32 v16, v22;
	v23 =	vmul.f32 v23, v8;
	v28 =	vperm.xlane v27, v1  }
0x2ba: {  	v22 =	vld [tilespmem:s30+$0xFFFFFF90];
	v29 =	vmax.f32 v21, $0.0e+00;
	v21 =	vadd.f32 v26, v24  }
0x2bb: {  	s3 =	sadd.s32 $0x1, s3;
	v25 =	vld [tilespmem:s0+$0xFFFFFF90];
	v23 =	vadd.f32 v23, v16;
	v24 =	vmul.f32 v29, v9;
	v16 =	vadd.f32 v27, v28  }
0x2bc: {  	_ =	sdelay $0x1  }
0x2bd: {  	v26 =	vld [tilespmem:s30+$0xFFFFFFB0]  }
0x2be: {  	v27 =	vld [tilespmem:s0+$0xFFFFFFB0]  }
0x2bf: {  	v28 =	vld [tilespmem:s0+$0xFFFFFFC0];
	v22 =	vadd.f32 v25, v22  }
0x2c0: {  	v25 =	vld [tilespmem:s30+$0xFFFFFFC0]  }
0x2c1: {  	v29 =	vld [tilespmem:s0+$0xFFFFFFD0];
	v19 =	vadd.f32 v20, v19;
	v20 =	vmax.f32 v22, $0.0e+00  }
0x2c2: {  	v22 =	vld [tilespmem:s30+$0xFFFFFFD0];
	v20 =	vmul.f32 v20, v5  }
0x2c3: {  	v30 =	vld [tilespmem:s0+$0xFFFFFFE0];
	v19 =	vmax.f32 v19, $0.0e+00;
	v26 =	vadd.f32 v27, v26  }
0x2c4: {  	v27 =	vld [tilespmem:s30+$0xFFFFFFE0];
	v19 =	vmul.f32 v19, v6;
	v20 =	vadd.f32 $0.0e+00, v20  }
0x2c5: {  	v63 =	vld [tilespmem:s30+$0xFFFFFFF0];
	v26 =	vmax.f32 v26, $0.0e+00;
	v25 =	vadd.f32 v28, v25  }
0x2c6: {  	v17 =	vadd.f32 v18, v17;
	v18 =	vadd.f32 v19, v20;
	v19 =	vmul.f32 v26, v7;
	v20 =	vld [tilespmem:s0+$0xFFFFFFF0]  }
0x2c7: {  	v23 =	vadd.f32 v24, v23;
	v24 =	vld [tilespmem:s30+$0x0];
	v22 =	vadd.f32 v29, v22;
	v25 =	vmax.f32 v25, $0.0e+00  }
0x2c8: {  	v21 =	vmax.f32 v21, $0.0e+00;
	v25 =	vmul.f32 v25, v8;
	v18 =	vadd.f32 v19, v18;
	v19 =	vld [tilespmem:s0+$0x0]  }
0x2c9: {  	v14 =	vadd.f32 v15, v14;
	v26 =	vadd.f32 v30, v27;
	v22 =	vmax.f32 v22, $0.0e+00  }
0x2ca: {  	v21 =	vmul.f32 v21, v10;
	v22 =	vmul.f32 v22, v9;
	v18 =	vadd.f32 v25, v18  }
0x2cb: {  	v17 =	vmax.f32 v17, $0.0e+00;
	v15 =	vmax.f32 v26, $0.0e+00;
	v20 =	vadd.f32 v20, v63  }
0x2cc: {  	v21 =	vadd.f32 v21, v23;
	v15 =	vmul.f32 v15, v10;
	v18 =	vadd.f32 v22, v18  }
0x2cd: {  	v17 =	vmul.f32 v17, v11;
	v20 =	vmax.f32 v20, $0.0e+00;
	v19 =	vadd.f32 v19, v24  }
0x2ce: {  	v14 =	vmax.f32 v14, $0.0e+00;
	v15 =	vadd.f32 v15, v18;
	v18 =	vmul.f32 v20, v11  }
0x2cf: {  	v14 =	vmul.f32 v14, v12;
	v17 =	vadd.f32 v17, v21;
	v19 =	vmax.f32 v19, $0.0e+00  }
0x2d0: {  	v15 =	vadd.f32 v18, v15;
	v18 =	vmul.f32 v19, v12  }
0x2d1: {  	v14 =	vadd.f32 v14, v17  }
0x2d2: {  	v15 =	vadd.f32 v18, v15  }
0x2d3: {  	v17 =	vperm.xlane v14, v0  }
0x2d4: {  	v18 =	vperm.xlane v15, v0  }
0x2d5: {  	v14 =	vadd.f32 v14, v17  }
0x2d6: {  	v15 =	vadd.f32 v15, v18  }
0x2d7: {  	v17 =	vperm.xlane v14, v1  }
0x2d8: {  	v18 =	vperm.xlane v15, v1  }
0x2d9: {  	v14 =	vadd.f32 v14, v17;
	v19 =	vperm.xlane v16, v2  }
0x2da: {  	v15 =	vadd.f32 v15, v18  }
0x2db: {  	v17 =	vperm.xlane v14, v2;
	v16 =	vadd.f32 v16, v19  }
0x2dc: {  	v18 =	vperm.xlane v15, v2  }
0x2dd: {  	v14 =	vadd.f32 v14, v17;
	v19 =	vperm.xlane v16, v3  }
0x2de: {  	v15 =	vadd.f32 v15, v18  }
0x2df: {  	v17 =	vmov s29;
	v16 =	vadd.f32 v16, v19;
	v18 =	vperm.xlane v14, v3  }
0x2e0: {  	vm0 =	veq.s32 v17, v4;
	v19 =	vld [tilespmem:$0x12080];
	v17 =	vperm.xlane v15, v3  }
0x2e1: {  	v13 =	vsel vm0, v16, v13;
	v16 =	vmov s28;
	v14 =	vadd.f32 v14, v18  }
0x2e2: {  	vm14 =	veq.s32 v16, v4;
	v16 =	vmov s26;
	v15 =	vadd.f32 v15, v17  }
0x2e3: {  	vm15 =	veq.s32 v16, v4;
	v13 =	vsel vm14, v14, v13  }
0x2e4: {  	v13 =	vsel vm15, v15, v13  }
0x2e5: {  	v13 =	vadd.f32 v19, v13;
	_ =	sdelay $0x1  }
0x2e6: {  	s31 =	simm.s32 $0xE070;
	[tilespmem:s25+$0x12110] =	vst v13  }
0x2e7: {  	s3 =	simm.s32 $0x10870;
	v13 =	vld [tilespmem:s31+$0xFFFFFFA0]  }
0x2e8: {  	v14 =	vld [tilespmem:s3+$0xFFFFFFA0]  }
0x2e9: {  	v15 =	vld [tilespmem:s31+$0xFFFFFF90]  }
0x2ea: {  	v16 =	vld [tilespmem:s3+$0xFFFFFF90]  }
0x2eb: {  	v17 =	vld [tilespmem:s31+$0x0]  }
0x2ec: {  	v19 =	vld [tilespmem:s31+$0xFFFFFFB0]  }
0x2ed: {  	v20 =	vld [tilespmem:s3+$0xFFFFFFB0]  }
0x2ee: {  	v21 =	vld [tilespmem:s3+$0xFFFFFFC0]  }
0x2ef: {  	v22 =	vld [tilespmem:s3+$0xFFFFFFD0];
	v15 =	vadd.f32 v16, v15  }
0x2f0: {  	v16 =	vld [tilespmem:s31+$0xFFFFFFC0]  }
0x2f1: {  	v23 =	vld [tilespmem:s3+$0xFFFFFFE0];
	v13 =	vadd.f32 v14, v13;
	v14 =	vmax.f32 v15, $0.0e+00  }
0x2f2: {  	v15 =	vld [tilespmem:s31+$0xFFFFFFD0];
	v14 =	vmul.f32 v14, v5  }
0x2f3: {  	v19 =	vadd.f32 v20, v19;
	v20 =	vld [tilespmem:s31+$0xFFFFFFE0];
	v13 =	vmax.f32 v13, $0.0e+00  }
0x2f4: {  	v18 =	vld [tilespmem:s3+$0x0];
	v13 =	vmul.f32 v13, v6;
	v14 =	vadd.f32 $0.0e+00, v14  }
0x2f5: {  	v19 =	vmax.f32 v19, $0.0e+00;
	v16 =	vadd.f32 v21, v16;
	v21 =	vld [tilespmem:s31+$0xFFFFFFF0]  }
0x2f6: {  	s26 =	simm.s32 $0xE0F0;
	v13 =	vadd.f32 v13, v14;
	v14 =	vmul.f32 v19, v7;
	v19 =	vld [tilespmem:s3+$0xFFFFFFF0]  }
0x2f7: {  	v24 =	vld [tilespmem:s26+$0xFFFFFFA0];
	s31 =	simm.s32 $0x108F0;
	v16 =	vmax.f32 v16, $0.0e+00;
	v15 =	vadd.f32 v22, v15  }
0x2f8: {  	v20 =	vadd.f32 v23, v20;
	v23 =	vld [tilespmem:s31+$0xFFFFFF90];
	v13 =	vadd.f32 v14, v13;
	v14 =	vmul.f32 v16, v8  }
0x2f9: {  	v17 =	vadd.f32 v18, v17;
	v18 =	vld [tilespmem:s31+$0xFFFFFFB0];
	v15 =	vmax.f32 v15, $0.0e+00  }
0x2fa: {  	v16 =	vld [tilespmem:s26+$0xFFFFFF90];
	v25 =	vmul.f32 v15, v9;
	v13 =	vadd.f32 v14, v13  }
0x2fb: {  	v22 =	vld [tilespmem:s31+$0xFFFFFFA0];
	v20 =	vmax.f32 v20, $0.0e+00;
	v19 =	vadd.f32 v19, v21  }
0x2fc: {  	v20 =	vmul.f32 v20, v10;
	v15 =	vld [tilespmem:s31+$0x0];
	v13 =	vadd.f32 v25, v13  }
0x2fd: {  	v14 =	vld [tilespmem:s26+$0x0];
	v19 =	vmax.f32 v19, $0.0e+00  }
0x2fe: {  	v21 =	vld [tilespmem:s26+$0xFFFFFFB0];
	v13 =	vadd.f32 v20, v13;
	v19 =	vmul.f32 v19, v11  }
0x2ff: {  	v17 =	vmax.f32 v17, $0.0e+00;
	v16 =	vadd.f32 v23, v16;
	v23 =	vld [tilespmem:s31+$0xFFFFFFC0]  }
0x300: {  	v17 =	vmul.f32 v17, v12;
	v20 =	vld [tilespmem:s26+$0xFFFFFFC0];
	v13 =	vadd.f32 v19, v13  }
0x301: {  	v16 =	vmax.f32 v16, $0.0e+00;
	v19 =	vadd.f32 v22, v24;
	v22 =	vld [tilespmem:s26+$0xFFFFFFD0]  }
0x302: {  	v16 =	vmul.f32 v16, v5;
	v24 =	vld [tilespmem:s31+$0xFFFFFFD0];
	v13 =	vadd.f32 v17, v13  }
0x303: {  	v25 =	vld [tilespmem:s31+$0xFFFFFFE0];
	v18 =	vadd.f32 v18, v21;
	v17 =	vmax.f32 v19, $0.0e+00  }
0x304: {  	v21 =	vld [tilespmem:s26+$0xFFFFFFE0];
	v16 =	vadd.f32 $0.0e+00, v16;
	v19 =	vmul.f32 v17, v6;
	v26 =	vperm.xlane v13, v0  }
0x305: {  	v18 =	vmax.f32 v18, $0.0e+00;
	v20 =	vadd.f32 v23, v20;
	v17 =	vld [tilespmem:s26+$0xFFFFFFF0]  }
0x306: {  	s30 =	simm.s32 $0xE170;
	v23 =	vmul.f32 v18, v7;
	v18 =	vld [tilespmem:s31+$0xFFFFFFF0];
	v16 =	vadd.f32 v19, v16;
	v26 =	vadd.f32 v13, v26  }
0x307: {  	v19 =	vld [tilespmem:s30+$0xFFFFFFA0];
	v24 =	vadd.f32 v24, v22;
	v13 =	vmax.f32 v20, $0.0e+00  }
0x308: {  	s0 =	simm.s32 $0x10970;
	v22 =	vld [tilespmem:s30+$0xFFFFFF90];
	v16 =	vadd.f32 v23, v16;
	v23 =	vmul.f32 v13, v8;
	v27 =	vperm.xlane v26, v1  }
0x309: {  	s29 =	simm.s32 $0x0;
	v21 =	vadd.f32 v25, v21;
	v25 =	vld [tilespmem:s0+$0xFFFFFF90];
	v13 =	vimm.f32 $0.0e+00;
	v24 =	vmax.f32 v24, $0.0e+00  }
0x30a: {  	s28 =	simm.s32 $0x1;
	s3 =	simm.s32 $0x3;
	s26 =	simm.s32 $0x2;
	v20 =	vld [tilespmem:s0+$0xFFFFFFA0];
	v24 =	vmul.f32 v24, v9;
	v23 =	vadd.f32 v23, v16;
	v16 =	vadd.f32 v26, v27  }
.LBB2_19:
0x30b: {  	p0 =	sne.s32 s3, $0xF;
	v26 =	vld [tilespmem:s30+$0x0];
	v21 =	vmax.f32 v21, $0.0e+00;
	v17 =	vadd.f32 v18, v17  }
0x30c: {  	v18 =	vld [tilespmem:s0+$0x0];
	v23 =	vadd.f32 v24, v23;
	v21 =	vmul.f32 v21, v10;
	v24 =	vperm.xlane v16, v2  }
0x30d: {  	v15 =	vadd.f32 v15, v14;
	v27 =	vld [tilespmem:s30+$0xFFFFFFB0];
	v17 =	vmax.f32 v17, $0.0e+00  }
0x30e: {  	v28 =	vld [tilespmem:s0+$0xFFFFFFB0];
	v29 =	vadd.f32 v21, v23;
	v17 =	vmul.f32 v17, v11;
	v16 =	vadd.f32 v16, v24  }
0x30f: {  	v19 =	vadd.f32 v20, v19;
	v21 =	vadd.f32 v25, v22;
	v20 =	vld [tilespmem:s30+$0xFFFFFFC0];
	v25 =	vmax.f32 v15, $0.0e+00  }
0x310: {  	v22 =	vld [tilespmem:s0+$0xFFFFFFC0];
	v17 =	vadd.f32 v17, v29;
	v23 =	vmul.f32 v25, v12;
	v24 =	vperm.xlane v16, v3;
	v14 =	vmovc v26  }
0x311: {  	v19 =	vmax.f32 v19, $0.0e+00;
	v26 =	vmov s29;
	s29 =	smov.u32 s28;
	s28 =	smov.u32 s26;
	s26 =	smov.u32 s3;
	v21 =	vmax.f32 v21, $0.0e+00;
	v25 =	vld [tilespmem:s30+$0xFFFFFFD0];
	v15 =	vmovc v18  }
0x312: {  	v18 =	vmul.f32 v21, v5;
	v21 =	vld [tilespmem:s0+$0xFFFFFFD0];
	v23 =	vadd.f32 v23, v17;
	v16 =	vadd.f32 v16, v24  }
0x313: {  	v19 =	vmul.f32 v19, v6;
	vm0 =	veq.s32 v26, v4;
	v17 =	vadd.f32 v28, v27;
	v24 =	vld [tilespmem:s30+$0xFFFFFFE0]  }
0x314: {  	v18 =	vadd.f32 $0.0e+00, v18;
	v26 =	vld [tilespmem:s0+$0xFFFFFFE0];
	v27 =	vperm.xlane v23, v0;
	v13 =	vsel vm0, v16, v13  }
0x315: {  	v16 =	vmax.f32 v17, $0.0e+00;
	v20 =	vadd.f32 v22, v20;
	v17 =	vld [tilespmem:s30+$0xFFFFFFF0]  }
.Ltmp13:
0x316: {  	s30 =	sadd.s32 $0x80, s30;
	v22 =	vadd.f32 v19, v18;
	v16 =	vmul.f32 v16, v7;
	v18 =	vld [tilespmem:s0+$0xFFFFFFF0];
	v27 =	vadd.f32 v23, v27;
	(pc) =	sbr.rel @p0 .LBB2_19-.Ltmp13, $4  }
0x317: {  	s0 =	sadd.s32 $0x80, s0;
	v19 =	vld [tilespmem:s30+$0xFFFFFFA0];
	v23 =	vmax.f32 v20, $0.0e+00;
	v21 =	vadd.f32 v21, v25  }
0x318: {  	v20 =	vld [tilespmem:s0+$0xFFFFFFA0];
	v16 =	vadd.f32 v16, v22;
	v23 =	vmul.f32 v23, v8;
	v28 =	vperm.xlane v27, v1  }
0x319: {  	v22 =	vld [tilespmem:s30+$0xFFFFFF90];
	v29 =	vmax.f32 v21, $0.0e+00;
	v21 =	vadd.f32 v26, v24  }
0x31a: {  	s3 =	sadd.s32 $0x1, s3;
	v25 =	vld [tilespmem:s0+$0xFFFFFF90];
	v23 =	vadd.f32 v23, v16;
	v24 =	vmul.f32 v29, v9;
	v16 =	vadd.f32 v27, v28  }
0x31b: {  	_ =	sdelay $0x1  }
0x31c: {  	v26 =	vld [tilespmem:s30+$0xFFFFFFB0]  }
0x31d: {  	v27 =	vld [tilespmem:s0+$0xFFFFFFB0]  }
0x31e: {  	v28 =	vld [tilespmem:s0+$0xFFFFFFC0];
	v22 =	vadd.f32 v25, v22  }
0x31f: {  	v25 =	vld [tilespmem:s30+$0xFFFFFFC0]  }
0x320: {  	v29 =	vld [tilespmem:s0+$0xFFFFFFD0];
	v19 =	vadd.f32 v20, v19;
	v20 =	vmax.f32 v22, $0.0e+00  }
0x321: {  	v22 =	vld [tilespmem:s30+$0xFFFFFFD0];
	v20 =	vmul.f32 v20, v5  }
0x322: {  	v30 =	vld [tilespmem:s0+$0xFFFFFFE0];
	v19 =	vmax.f32 v19, $0.0e+00;
	v26 =	vadd.f32 v27, v26  }
0x323: {  	v27 =	vld [tilespmem:s30+$0xFFFFFFE0];
	v19 =	vmul.f32 v19, v6;
	v20 =	vadd.f32 $0.0e+00, v20  }
0x324: {  	v63 =	vld [tilespmem:s30+$0xFFFFFFF0];
	v26 =	vmax.f32 v26, $0.0e+00;
	v25 =	vadd.f32 v28, v25  }
0x325: {  	v17 =	vadd.f32 v18, v17;
	v18 =	vadd.f32 v19, v20;
	v19 =	vmul.f32 v26, v7;
	v20 =	vld [tilespmem:s0+$0xFFFFFFF0]  }
0x326: {  	v23 =	vadd.f32 v24, v23;
	v24 =	vld [tilespmem:s30+$0x0];
	v22 =	vadd.f32 v29, v22;
	v25 =	vmax.f32 v25, $0.0e+00  }
0x327: {  	v21 =	vmax.f32 v21, $0.0e+00;
	v25 =	vmul.f32 v25, v8;
	v18 =	vadd.f32 v19, v18;
	v19 =	vld [tilespmem:s0+$0x0]  }
0x328: {  	v14 =	vadd.f32 v15, v14;
	v26 =	vadd.f32 v30, v27;
	v22 =	vmax.f32 v22, $0.0e+00  }
0x329: {  	v21 =	vmul.f32 v21, v10;
	v22 =	vmul.f32 v22, v9;
	v18 =	vadd.f32 v25, v18  }
0x32a: {  	v17 =	vmax.f32 v17, $0.0e+00;
	v15 =	vmax.f32 v26, $0.0e+00;
	v20 =	vadd.f32 v20, v63  }
0x32b: {  	v21 =	vadd.f32 v21, v23;
	v15 =	vmul.f32 v15, v10;
	v18 =	vadd.f32 v22, v18  }
0x32c: {  	v17 =	vmul.f32 v17, v11;
	v20 =	vmax.f32 v20, $0.0e+00;
	v19 =	vadd.f32 v19, v24  }
0x32d: {  	v14 =	vmax.f32 v14, $0.0e+00;
	v15 =	vadd.f32 v15, v18;
	v18 =	vmul.f32 v20, v11  }
0x32e: {  	v14 =	vmul.f32 v14, v12;
	v17 =	vadd.f32 v17, v21;
	v19 =	vmax.f32 v19, $0.0e+00  }
0x32f: {  	v15 =	vadd.f32 v18, v15;
	v18 =	vmul.f32 v19, v12  }
0x330: {  	v14 =	vadd.f32 v14, v17  }
0x331: {  	v15 =	vadd.f32 v18, v15  }
0x332: {  	v17 =	vperm.xlane v14, v0  }
0x333: {  	v18 =	vperm.xlane v15, v0  }
0x334: {  	v14 =	vadd.f32 v14, v17  }
0x335: {  	v15 =	vadd.f32 v15, v18  }
0x336: {  	v17 =	vperm.xlane v14, v1  }
0x337: {  	v18 =	vperm.xlane v15, v1  }
0x338: {  	v14 =	vadd.f32 v14, v17;
	v19 =	vperm.xlane v16, v2  }
0x339: {  	v15 =	vadd.f32 v15, v18  }
0x33a: {  	v17 =	vperm.xlane v14, v2;
	v16 =	vadd.f32 v16, v19  }
0x33b: {  	v18 =	vperm.xlane v15, v2  }
0x33c: {  	v14 =	vadd.f32 v14, v17;
	v19 =	vperm.xlane v16, v3  }
0x33d: {  	v15 =	vadd.f32 v15, v18  }
0x33e: {  	v17 =	vmov s29;
	v16 =	vadd.f32 v16, v19;
	v18 =	vperm.xlane v14, v3  }
0x33f: {  	vm0 =	veq.s32 v17, v4;
	v19 =	vld [tilespmem:$0x12080];
	v17 =	vperm.xlane v15, v3  }
0x340: {  	v13 =	vsel vm0, v16, v13;
	v16 =	vmov s28;
	v14 =	vadd.f32 v14, v18  }
0x341: {  	vm14 =	veq.s32 v16, v4;
	v16 =	vmov s26;
	v15 =	vadd.f32 v15, v17  }
0x342: {  	vm15 =	veq.s32 v16, v4;
	v13 =	vsel vm14, v14, v13  }
0x343: {  	v13 =	vsel vm15, v15, v13  }
0x344: {  	v13 =	vadd.f32 v19, v13;
	_ =	sdelay $0x1  }
0x345: {  	s31 =	simm.s32 $0xE870;
	[tilespmem:s25+$0x12120] =	vst v13  }
0x346: {  	s3 =	simm.s32 $0x11070;
	v13 =	vld [tilespmem:s31+$0xFFFFFFA0]  }
0x347: {  	v14 =	vld [tilespmem:s3+$0xFFFFFFA0]  }
0x348: {  	v15 =	vld [tilespmem:s31+$0xFFFFFF90]  }
0x349: {  	v16 =	vld [tilespmem:s3+$0xFFFFFF90]  }
0x34a: {  	v17 =	vld [tilespmem:s31+$0x0]  }
0x34b: {  	v19 =	vld [tilespmem:s31+$0xFFFFFFB0]  }
0x34c: {  	v20 =	vld [tilespmem:s3+$0xFFFFFFB0]  }
0x34d: {  	v21 =	vld [tilespmem:s3+$0xFFFFFFC0]  }
0x34e: {  	v22 =	vld [tilespmem:s3+$0xFFFFFFD0];
	v15 =	vadd.f32 v16, v15  }
0x34f: {  	v16 =	vld [tilespmem:s31+$0xFFFFFFC0]  }
0x350: {  	v23 =	vld [tilespmem:s3+$0xFFFFFFE0];
	v13 =	vadd.f32 v14, v13;
	v14 =	vmax.f32 v15, $0.0e+00  }
0x351: {  	v15 =	vld [tilespmem:s31+$0xFFFFFFD0];
	v14 =	vmul.f32 v14, v5  }
0x352: {  	v19 =	vadd.f32 v20, v19;
	v20 =	vld [tilespmem:s31+$0xFFFFFFE0];
	v13 =	vmax.f32 v13, $0.0e+00  }
0x353: {  	v18 =	vld [tilespmem:s3+$0x0];
	v13 =	vmul.f32 v13, v6;
	v14 =	vadd.f32 $0.0e+00, v14  }
0x354: {  	v19 =	vmax.f32 v19, $0.0e+00;
	v16 =	vadd.f32 v21, v16;
	v21 =	vld [tilespmem:s31+$0xFFFFFFF0]  }
0x355: {  	s26 =	simm.s32 $0xE8F0;
	v13 =	vadd.f32 v13, v14;
	v14 =	vmul.f32 v19, v7;
	v19 =	vld [tilespmem:s3+$0xFFFFFFF0]  }
0x356: {  	v24 =	vld [tilespmem:s26+$0xFFFFFFA0];
	s31 =	simm.s32 $0x110F0;
	v16 =	vmax.f32 v16, $0.0e+00;
	v15 =	vadd.f32 v22, v15  }
0x357: {  	v20 =	vadd.f32 v23, v20;
	v23 =	vld [tilespmem:s31+$0xFFFFFF90];
	v13 =	vadd.f32 v14, v13;
	v14 =	vmul.f32 v16, v8  }
0x358: {  	v17 =	vadd.f32 v18, v17;
	v18 =	vld [tilespmem:s31+$0xFFFFFFB0];
	v15 =	vmax.f32 v15, $0.0e+00  }
0x359: {  	v16 =	vld [tilespmem:s26+$0xFFFFFF90];
	v25 =	vmul.f32 v15, v9;
	v13 =	vadd.f32 v14, v13  }
0x35a: {  	v22 =	vld [tilespmem:s31+$0xFFFFFFA0];
	v20 =	vmax.f32 v20, $0.0e+00;
	v19 =	vadd.f32 v19, v21  }
0x35b: {  	v20 =	vmul.f32 v20, v10;
	v15 =	vld [tilespmem:s31+$0x0];
	v13 =	vadd.f32 v25, v13  }
0x35c: {  	v14 =	vld [tilespmem:s26+$0x0];
	v19 =	vmax.f32 v19, $0.0e+00  }
0x35d: {  	v21 =	vld [tilespmem:s26+$0xFFFFFFB0];
	v13 =	vadd.f32 v20, v13;
	v19 =	vmul.f32 v19, v11  }
0x35e: {  	v17 =	vmax.f32 v17, $0.0e+00;
	v16 =	vadd.f32 v23, v16;
	v23 =	vld [tilespmem:s31+$0xFFFFFFC0]  }
0x35f: {  	v17 =	vmul.f32 v17, v12;
	v20 =	vld [tilespmem:s26+$0xFFFFFFC0];
	v13 =	vadd.f32 v19, v13  }
0x360: {  	v16 =	vmax.f32 v16, $0.0e+00;
	v19 =	vadd.f32 v22, v24;
	v22 =	vld [tilespmem:s26+$0xFFFFFFD0]  }
0x361: {  	v16 =	vmul.f32 v16, v5;
	v24 =	vld [tilespmem:s31+$0xFFFFFFD0];
	v13 =	vadd.f32 v17, v13  }
0x362: {  	v25 =	vld [tilespmem:s31+$0xFFFFFFE0];
	v18 =	vadd.f32 v18, v21;
	v17 =	vmax.f32 v19, $0.0e+00  }
0x363: {  	v21 =	vld [tilespmem:s26+$0xFFFFFFE0];
	v16 =	vadd.f32 $0.0e+00, v16;
	v19 =	vmul.f32 v17, v6;
	v26 =	vperm.xlane v13, v0  }
0x364: {  	v18 =	vmax.f32 v18, $0.0e+00;
	v20 =	vadd.f32 v23, v20;
	v17 =	vld [tilespmem:s26+$0xFFFFFFF0]  }
0x365: {  	s30 =	simm.s32 $0xE970;
	v23 =	vmul.f32 v18, v7;
	v18 =	vld [tilespmem:s31+$0xFFFFFFF0];
	v16 =	vadd.f32 v19, v16;
	v26 =	vadd.f32 v13, v26  }
0x366: {  	v19 =	vld [tilespmem:s30+$0xFFFFFFA0];
	v24 =	vadd.f32 v24, v22;
	v13 =	vmax.f32 v20, $0.0e+00  }
0x367: {  	s0 =	simm.s32 $0x11170;
	v22 =	vld [tilespmem:s30+$0xFFFFFF90];
	v16 =	vadd.f32 v23, v16;
	v23 =	vmul.f32 v13, v8;
	v27 =	vperm.xlane v26, v1  }
0x368: {  	s29 =	simm.s32 $0x0;
	v21 =	vadd.f32 v25, v21;
	v25 =	vld [tilespmem:s0+$0xFFFFFF90];
	v13 =	vimm.f32 $0.0e+00;
	v24 =	vmax.f32 v24, $0.0e+00  }
0x369: {  	s28 =	simm.s32 $0x1;
	s3 =	simm.s32 $0x3;
	s26 =	simm.s32 $0x2;
	v20 =	vld [tilespmem:s0+$0xFFFFFFA0];
	v24 =	vmul.f32 v24, v9;
	v23 =	vadd.f32 v23, v16;
	v16 =	vadd.f32 v26, v27  }
.LBB2_21:
0x36a: {  	p0 =	sne.s32 s3, $0xF;
	v26 =	vld [tilespmem:s30+$0x0];
	v21 =	vmax.f32 v21, $0.0e+00;
	v17 =	vadd.f32 v18, v17  }
0x36b: {  	v18 =	vld [tilespmem:s0+$0x0];
	v23 =	vadd.f32 v24, v23;
	v21 =	vmul.f32 v21, v10;
	v24 =	vperm.xlane v16, v2  }
0x36c: {  	v15 =	vadd.f32 v15, v14;
	v27 =	vld [tilespmem:s30+$0xFFFFFFB0];
	v17 =	vmax.f32 v17, $0.0e+00  }
0x36d: {  	v28 =	vld [tilespmem:s0+$0xFFFFFFB0];
	v29 =	vadd.f32 v21, v23;
	v17 =	vmul.f32 v17, v11;
	v16 =	vadd.f32 v16, v24  }
0x36e: {  	v19 =	vadd.f32 v20, v19;
	v21 =	vadd.f32 v25, v22;
	v20 =	vld [tilespmem:s30+$0xFFFFFFC0];
	v25 =	vmax.f32 v15, $0.0e+00  }
0x36f: {  	v22 =	vld [tilespmem:s0+$0xFFFFFFC0];
	v17 =	vadd.f32 v17, v29;
	v23 =	vmul.f32 v25, v12;
	v24 =	vperm.xlane v16, v3;
	v14 =	vmovc v26  }
0x370: {  	v19 =	vmax.f32 v19, $0.0e+00;
	v26 =	vmov s29;
	s29 =	smov.u32 s28;
	s28 =	smov.u32 s26;
	s26 =	smov.u32 s3;
	v21 =	vmax.f32 v21, $0.0e+00;
	v25 =	vld [tilespmem:s30+$0xFFFFFFD0];
	v15 =	vmovc v18  }
0x371: {  	v18 =	vmul.f32 v21, v5;
	v21 =	vld [tilespmem:s0+$0xFFFFFFD0];
	v23 =	vadd.f32 v23, v17;
	v16 =	vadd.f32 v16, v24  }
0x372: {  	v19 =	vmul.f32 v19, v6;
	vm0 =	veq.s32 v26, v4;
	v17 =	vadd.f32 v28, v27;
	v24 =	vld [tilespmem:s30+$0xFFFFFFE0]  }
0x373: {  	v18 =	vadd.f32 $0.0e+00, v18;
	v26 =	vld [tilespmem:s0+$0xFFFFFFE0];
	v27 =	vperm.xlane v23, v0;
	v13 =	vsel vm0, v16, v13  }
0x374: {  	v16 =	vmax.f32 v17, $0.0e+00;
	v20 =	vadd.f32 v22, v20;
	v17 =	vld [tilespmem:s30+$0xFFFFFFF0]  }
.Ltmp14:
0x375: {  	s30 =	sadd.s32 $0x80, s30;
	v22 =	vadd.f32 v19, v18;
	v16 =	vmul.f32 v16, v7;
	v18 =	vld [tilespmem:s0+$0xFFFFFFF0];
	v27 =	vadd.f32 v23, v27;
	(pc) =	sbr.rel @p0 .LBB2_21-.Ltmp14, $4  }
0x376: {  	s0 =	sadd.s32 $0x80, s0;
	v19 =	vld [tilespmem:s30+$0xFFFFFFA0];
	v23 =	vmax.f32 v20, $0.0e+00;
	v21 =	vadd.f32 v21, v25  }
0x377: {  	v20 =	vld [tilespmem:s0+$0xFFFFFFA0];
	v16 =	vadd.f32 v16, v22;
	v23 =	vmul.f32 v23, v8;
	v28 =	vperm.xlane v27, v1  }
0x378: {  	v22 =	vld [tilespmem:s30+$0xFFFFFF90];
	v29 =	vmax.f32 v21, $0.0e+00;
	v21 =	vadd.f32 v26, v24  }
0x379: {  	s3 =	sadd.s32 $0x1, s3;
	v25 =	vld [tilespmem:s0+$0xFFFFFF90];
	v23 =	vadd.f32 v23, v16;
	v24 =	vmul.f32 v29, v9;
	v16 =	vadd.f32 v27, v28  }
0x37a: {  	_ =	sdelay $0x1  }
0x37b: {  	v26 =	vld [tilespmem:s30+$0xFFFFFFB0]  }
0x37c: {  	v27 =	vld [tilespmem:s0+$0xFFFFFFB0]  }
0x37d: {  	v28 =	vld [tilespmem:s0+$0xFFFFFFC0];
	v22 =	vadd.f32 v25, v22  }
0x37e: {  	v25 =	vld [tilespmem:s30+$0xFFFFFFC0]  }
0x37f: {  	v29 =	vld [tilespmem:s0+$0xFFFFFFD0];
	v19 =	vadd.f32 v20, v19;
	v20 =	vmax.f32 v22, $0.0e+00  }
0x380: {  	v22 =	vld [tilespmem:s30+$0xFFFFFFD0];
	v20 =	vmul.f32 v20, v5  }
0x381: {  	v30 =	vld [tilespmem:s0+$0xFFFFFFE0];
	v19 =	vmax.f32 v19, $0.0e+00;
	v26 =	vadd.f32 v27, v26  }
0x382: {  	v27 =	vld [tilespmem:s30+$0xFFFFFFE0];
	v19 =	vmul.f32 v19, v6;
	v20 =	vadd.f32 $0.0e+00, v20  }
0x383: {  	v63 =	vld [tilespmem:s30+$0xFFFFFFF0];
	v26 =	vmax.f32 v26, $0.0e+00;
	v25 =	vadd.f32 v28, v25  }
0x384: {  	v17 =	vadd.f32 v18, v17;
	v18 =	vadd.f32 v19, v20;
	v19 =	vmul.f32 v26, v7;
	v20 =	vld [tilespmem:s0+$0xFFFFFFF0]  }
0x385: {  	v23 =	vadd.f32 v24, v23;
	v24 =	vld [tilespmem:s30+$0x0];
	v22 =	vadd.f32 v29, v22;
	v25 =	vmax.f32 v25, $0.0e+00  }
0x386: {  	v21 =	vmax.f32 v21, $0.0e+00;
	v25 =	vmul.f32 v25, v8;
	v18 =	vadd.f32 v19, v18;
	v19 =	vld [tilespmem:s0+$0x0]  }
0x387: {  	v14 =	vadd.f32 v15, v14;
	v26 =	vadd.f32 v30, v27;
	v22 =	vmax.f32 v22, $0.0e+00  }
0x388: {  	v21 =	vmul.f32 v21, v10;
	v22 =	vmul.f32 v22, v9;
	v18 =	vadd.f32 v25, v18  }
0x389: {  	v17 =	vmax.f32 v17, $0.0e+00;
	v15 =	vmax.f32 v26, $0.0e+00;
	v20 =	vadd.f32 v20, v63  }
0x38a: {  	v21 =	vadd.f32 v21, v23;
	v15 =	vmul.f32 v15, v10;
	v18 =	vadd.f32 v22, v18  }
0x38b: {  	v17 =	vmul.f32 v17, v11;
	v20 =	vmax.f32 v20, $0.0e+00;
	v19 =	vadd.f32 v19, v24  }
0x38c: {  	v14 =	vmax.f32 v14, $0.0e+00;
	v15 =	vadd.f32 v15, v18;
	v18 =	vmul.f32 v20, v11  }
0x38d: {  	v14 =	vmul.f32 v14, v12;
	v17 =	vadd.f32 v17, v21;
	v19 =	vmax.f32 v19, $0.0e+00  }
0x38e: {  	v15 =	vadd.f32 v18, v15;
	v18 =	vmul.f32 v19, v12  }
0x38f: {  	v14 =	vadd.f32 v14, v17  }
0x390: {  	v15 =	vadd.f32 v18, v15  }
0x391: {  	v17 =	vperm.xlane v14, v0  }
0x392: {  	v18 =	vperm.xlane v15, v0  }
0x393: {  	v14 =	vadd.f32 v14, v17  }
0x394: {  	v15 =	vadd.f32 v15, v18  }
0x395: {  	v17 =	vperm.xlane v14, v1  }
0x396: {  	v18 =	vperm.xlane v15, v1  }
0x397: {  	v14 =	vadd.f32 v14, v17;
	v19 =	vperm.xlane v16, v2  }
0x398: {  	v15 =	vadd.f32 v15, v18  }
0x399: {  	v17 =	vperm.xlane v14, v2;
	v16 =	vadd.f32 v16, v19  }
0x39a: {  	v18 =	vperm.xlane v15, v2  }
0x39b: {  	v14 =	vadd.f32 v14, v17;
	v19 =	vperm.xlane v16, v3  }
0x39c: {  	v15 =	vadd.f32 v15, v18  }
0x39d: {  	v17 =	vmov s29;
	v16 =	vadd.f32 v16, v19;
	v18 =	vperm.xlane v14, v3  }
0x39e: {  	vm0 =	veq.s32 v17, v4;
	v19 =	vld [tilespmem:$0x12080];
	v17 =	vperm.xlane v15, v3  }
0x39f: {  	v13 =	vsel vm0, v16, v13;
	v16 =	vmov s28;
	v14 =	vadd.f32 v14, v18  }
0x3a0: {  	vm14 =	veq.s32 v16, v4;
	v16 =	vmov s26;
	v15 =	vadd.f32 v15, v17  }
0x3a1: {  	vm15 =	veq.s32 v16, v4;
	v13 =	vsel vm14, v14, v13  }
0x3a2: {  	v13 =	vsel vm15, v15, v13  }
0x3a3: {  	v13 =	vadd.f32 v19, v13;
	_ =	sdelay $0x1  }
0x3a4: {  	s31 =	simm.s32 $0xF070;
	[tilespmem:s25+$0x12130] =	vst v13  }
0x3a5: {  	s3 =	simm.s32 $0x11870;
	v13 =	vld [tilespmem:s31+$0xFFFFFFA0]  }
0x3a6: {  	v14 =	vld [tilespmem:s3+$0xFFFFFFA0]  }
0x3a7: {  	v15 =	vld [tilespmem:s31+$0xFFFFFF90]  }
0x3a8: {  	v16 =	vld [tilespmem:s3+$0xFFFFFF90]  }
0x3a9: {  	v17 =	vld [tilespmem:s31+$0x0]  }
0x3aa: {  	v19 =	vld [tilespmem:s31+$0xFFFFFFB0]  }
0x3ab: {  	v20 =	vld [tilespmem:s3+$0xFFFFFFB0]  }
0x3ac: {  	v21 =	vld [tilespmem:s3+$0xFFFFFFC0]  }
0x3ad: {  	v22 =	vld [tilespmem:s3+$0xFFFFFFD0];
	v15 =	vadd.f32 v16, v15  }
0x3ae: {  	v16 =	vld [tilespmem:s31+$0xFFFFFFC0]  }
0x3af: {  	v23 =	vld [tilespmem:s3+$0xFFFFFFE0];
	v13 =	vadd.f32 v14, v13;
	v14 =	vmax.f32 v15, $0.0e+00  }
0x3b0: {  	v15 =	vld [tilespmem:s31+$0xFFFFFFD0];
	v14 =	vmul.f32 v14, v5  }
0x3b1: {  	v19 =	vadd.f32 v20, v19;
	v20 =	vld [tilespmem:s31+$0xFFFFFFE0];
	v13 =	vmax.f32 v13, $0.0e+00  }
0x3b2: {  	v18 =	vld [tilespmem:s3+$0x0];
	v13 =	vmul.f32 v13, v6;
	v14 =	vadd.f32 $0.0e+00, v14  }
0x3b3: {  	v19 =	vmax.f32 v19, $0.0e+00;
	v16 =	vadd.f32 v21, v16;
	v21 =	vld [tilespmem:s31+$0xFFFFFFF0]  }
0x3b4: {  	s26 =	simm.s32 $0xF0F0;
	v13 =	vadd.f32 v13, v14;
	v14 =	vmul.f32 v19, v7;
	v19 =	vld [tilespmem:s3+$0xFFFFFFF0]  }
0x3b5: {  	v24 =	vld [tilespmem:s26+$0xFFFFFFA0];
	s31 =	simm.s32 $0x118F0;
	v16 =	vmax.f32 v16, $0.0e+00;
	v15 =	vadd.f32 v22, v15  }
0x3b6: {  	v20 =	vadd.f32 v23, v20;
	v23 =	vld [tilespmem:s31+$0xFFFFFF90];
	v13 =	vadd.f32 v14, v13;
	v14 =	vmul.f32 v16, v8  }
0x3b7: {  	v17 =	vadd.f32 v18, v17;
	v18 =	vld [tilespmem:s31+$0xFFFFFFB0];
	v15 =	vmax.f32 v15, $0.0e+00  }
0x3b8: {  	v16 =	vld [tilespmem:s26+$0xFFFFFF90];
	v25 =	vmul.f32 v15, v9;
	v13 =	vadd.f32 v14, v13  }
0x3b9: {  	v22 =	vld [tilespmem:s31+$0xFFFFFFA0];
	v20 =	vmax.f32 v20, $0.0e+00;
	v19 =	vadd.f32 v19, v21  }
0x3ba: {  	v20 =	vmul.f32 v20, v10;
	v15 =	vld [tilespmem:s31+$0x0];
	v13 =	vadd.f32 v25, v13  }
0x3bb: {  	v14 =	vld [tilespmem:s26+$0x0];
	v19 =	vmax.f32 v19, $0.0e+00  }
0x3bc: {  	v21 =	vld [tilespmem:s26+$0xFFFFFFB0];
	v13 =	vadd.f32 v20, v13;
	v19 =	vmul.f32 v19, v11  }
0x3bd: {  	v17 =	vmax.f32 v17, $0.0e+00;
	v16 =	vadd.f32 v23, v16;
	v23 =	vld [tilespmem:s31+$0xFFFFFFC0]  }
0x3be: {  	v17 =	vmul.f32 v17, v12;
	v20 =	vld [tilespmem:s26+$0xFFFFFFC0];
	v13 =	vadd.f32 v19, v13  }
0x3bf: {  	v16 =	vmax.f32 v16, $0.0e+00;
	v19 =	vadd.f32 v22, v24;
	v22 =	vld [tilespmem:s26+$0xFFFFFFD0]  }
0x3c0: {  	v16 =	vmul.f32 v16, v5;
	v24 =	vld [tilespmem:s31+$0xFFFFFFD0];
	v13 =	vadd.f32 v17, v13  }
0x3c1: {  	v25 =	vld [tilespmem:s31+$0xFFFFFFE0];
	v18 =	vadd.f32 v18, v21;
	v17 =	vmax.f32 v19, $0.0e+00  }
0x3c2: {  	v21 =	vld [tilespmem:s26+$0xFFFFFFE0];
	v16 =	vadd.f32 $0.0e+00, v16;
	v19 =	vmul.f32 v17, v6;
	v26 =	vperm.xlane v13, v0  }
0x3c3: {  	v18 =	vmax.f32 v18, $0.0e+00;
	v20 =	vadd.f32 v23, v20;
	v17 =	vld [tilespmem:s26+$0xFFFFFFF0]  }
0x3c4: {  	s30 =	simm.s32 $0xF170;
	v23 =	vmul.f32 v18, v7;
	v18 =	vld [tilespmem:s31+$0xFFFFFFF0];
	v16 =	vadd.f32 v19, v16;
	v26 =	vadd.f32 v13, v26  }
0x3c5: {  	v19 =	vld [tilespmem:s30+$0xFFFFFFA0];
	v24 =	vadd.f32 v24, v22;
	v13 =	vmax.f32 v20, $0.0e+00  }
0x3c6: {  	s0 =	simm.s32 $0x11970;
	v22 =	vld [tilespmem:s30+$0xFFFFFF90];
	v16 =	vadd.f32 v23, v16;
	v23 =	vmul.f32 v13, v8;
	v27 =	vperm.xlane v26, v1  }
0x3c7: {  	s29 =	simm.s32 $0x0;
	v21 =	vadd.f32 v25, v21;
	v25 =	vld [tilespmem:s0+$0xFFFFFF90];
	v13 =	vimm.f32 $0.0e+00;
	v24 =	vmax.f32 v24, $0.0e+00  }
0x3c8: {  	s28 =	simm.s32 $0x1;
	s3 =	simm.s32 $0x3;
	s26 =	simm.s32 $0x2;
	v20 =	vld [tilespmem:s0+$0xFFFFFFA0];
	v24 =	vmul.f32 v24, v9;
	v23 =	vadd.f32 v23, v16;
	v16 =	vadd.f32 v26, v27  }
.LBB2_23:
0x3c9: {  	p0 =	sne.s32 s3, $0xF;
	v26 =	vld [tilespmem:s30+$0x0];
	v21 =	vmax.f32 v21, $0.0e+00;
	v17 =	vadd.f32 v18, v17  }
0x3ca: {  	v18 =	vld [tilespmem:s0+$0x0];
	v23 =	vadd.f32 v24, v23;
	v21 =	vmul.f32 v21, v10;
	v24 =	vperm.xlane v16, v2  }
0x3cb: {  	v15 =	vadd.f32 v15, v14;
	v27 =	vld [tilespmem:s30+$0xFFFFFFB0];
	v17 =	vmax.f32 v17, $0.0e+00  }
0x3cc: {  	v28 =	vld [tilespmem:s0+$0xFFFFFFB0];
	v29 =	vadd.f32 v21, v23;
	v17 =	vmul.f32 v17, v11;
	v16 =	vadd.f32 v16, v24  }
0x3cd: {  	v19 =	vadd.f32 v20, v19;
	v21 =	vadd.f32 v25, v22;
	v20 =	vld [tilespmem:s30+$0xFFFFFFC0];
	v25 =	vmax.f32 v15, $0.0e+00  }
0x3ce: {  	v22 =	vld [tilespmem:s0+$0xFFFFFFC0];
	v17 =	vadd.f32 v17, v29;
	v23 =	vmul.f32 v25, v12;
	v24 =	vperm.xlane v16, v3;
	v14 =	vmovc v26  }
0x3cf: {  	v19 =	vmax.f32 v19, $0.0e+00;
	v26 =	vmov s29;
	s29 =	smov.u32 s28;
	s28 =	smov.u32 s26;
	s26 =	smov.u32 s3;
	v21 =	vmax.f32 v21, $0.0e+00;
	v25 =	vld [tilespmem:s30+$0xFFFFFFD0];
	v15 =	vmovc v18  }
0x3d0: {  	v18 =	vmul.f32 v21, v5;
	v21 =	vld [tilespmem:s0+$0xFFFFFFD0];
	v23 =	vadd.f32 v23, v17;
	v16 =	vadd.f32 v16, v24  }
0x3d1: {  	v19 =	vmul.f32 v19, v6;
	vm0 =	veq.s32 v26, v4;
	v17 =	vadd.f32 v28, v27;
	v24 =	vld [tilespmem:s30+$0xFFFFFFE0]  }
0x3d2: {  	v18 =	vadd.f32 $0.0e+00, v18;
	v26 =	vld [tilespmem:s0+$0xFFFFFFE0];
	v27 =	vperm.xlane v23, v0;
	v13 =	vsel vm0, v16, v13  }
0x3d3: {  	v16 =	vmax.f32 v17, $0.0e+00;
	v20 =	vadd.f32 v22, v20;
	v17 =	vld [tilespmem:s30+$0xFFFFFFF0]  }
.Ltmp15:
0x3d4: {  	s30 =	sadd.s32 $0x80, s30;
	v22 =	vadd.f32 v19, v18;
	v16 =	vmul.f32 v16, v7;
	v18 =	vld [tilespmem:s0+$0xFFFFFFF0];
	v27 =	vadd.f32 v23, v27;
	(pc) =	sbr.rel @p0 .LBB2_23-.Ltmp15, $4  }
0x3d5: {  	s0 =	sadd.s32 $0x80, s0;
	v19 =	vld [tilespmem:s30+$0xFFFFFFA0];
	v23 =	vmax.f32 v20, $0.0e+00;
	v21 =	vadd.f32 v21, v25  }
0x3d6: {  	v20 =	vld [tilespmem:s0+$0xFFFFFFA0];
	v16 =	vadd.f32 v16, v22;
	v23 =	vmul.f32 v23, v8;
	v28 =	vperm.xlane v27, v1  }
0x3d7: {  	v22 =	vld [tilespmem:s30+$0xFFFFFF90];
	v29 =	vmax.f32 v21, $0.0e+00;
	v21 =	vadd.f32 v26, v24  }
0x3d8: {  	s3 =	sadd.s32 $0x1, s3;
	v25 =	vld [tilespmem:s0+$0xFFFFFF90];
	v23 =	vadd.f32 v23, v16;
	v24 =	vmul.f32 v29, v9;
	v16 =	vadd.f32 v27, v28  }
0x3d9: {  	_ =	sdelay $0x1  }
0x3da: {  	v26 =	vld [tilespmem:s30+$0xFFFFFFB0]  }
0x3db: {  	v27 =	vld [tilespmem:s0+$0xFFFFFFB0]  }
0x3dc: {  	v44 =	vld [tilespmem:s30+$0xFFFFFFC0];
	v22 =	vadd.f32 v25, v22  }
0x3dd: {  	v28 =	vld [tilespmem:s0+$0xFFFFFFC0]  }
0x3de: {  	v46 =	vld [tilespmem:s30+$0xFFFFFFD0];
	v19 =	vadd.f32 v20, v19;
	v45 =	vmax.f32 v22, $0.0e+00  }
0x3df: {  	v29 =	vld [tilespmem:s0+$0xFFFFFFD0];
	v20 =	vmul.f32 v45, v5  }
0x3e0: {  	v47 =	vld [tilespmem:s30+$0xFFFFFFE0];
	v19 =	vmax.f32 v19, $0.0e+00;
	v26 =	vadd.f32 v27, v26  }
0x3e1: {  	v30 =	vld [tilespmem:s0+$0xFFFFFFE0];
	v19 =	vmul.f32 v19, v6;
	v20 =	vadd.f32 $0.0e+00, v20  }
0x3e2: {  	v48 =	vld [tilespmem:s30+$0xFFFFFFF0];
	v25 =	vadd.f32 v28, v44;
	v26 =	vmax.f32 v26, $0.0e+00  }
0x3e3: {  	v17 =	vadd.f32 v18, v17;
	v51 =	vld [tilespmem:s0+$0xFFFFFFF0];
	v50 =	vmul.f32 v26, v7;
	v49 =	vadd.f32 v19, v20  }
0x3e4: {  	v52 =	vld [tilespmem:s30+$0x0];
	v21 =	vmax.f32 v21, $0.0e+00;
	v22 =	vadd.f32 v29, v46;
	v25 =	vmax.f32 v25, $0.0e+00  }
0x3e5: {  	v53 =	vld [tilespmem:s0+$0x0];
	v14 =	vadd.f32 v15, v14;
	v25 =	vmul.f32 v25, v8;
	v18 =	vadd.f32 v50, v49  }
0x3e6: {  	v23 =	vadd.f32 v24, v23;
	v54 =	vadd.f32 v30, v47;
	v22 =	vmax.f32 v22, $0.0e+00  }
0x3e7: {  	v21 =	vmul.f32 v21, v10;
	v22 =	vmul.f32 v22, v9;
	v18 =	vadd.f32 v25, v18  }
0x3e8: {  	v17 =	vmax.f32 v17, $0.0e+00;
	v15 =	vmax.f32 v54, $0.0e+00;
	v20 =	vadd.f32 v51, v48  }
0x3e9: {  	v21 =	vadd.f32 v21, v23;
	v15 =	vmul.f32 v15, v10;
	v18 =	vadd.f32 v22, v18  }
0x3ea: {  	v17 =	vmul.f32 v17, v11;
	v19 =	vadd.f32 v53, v52;
	v20 =	vmax.f32 v20, $0.0e+00  }
0x3eb: {  	v14 =	vmax.f32 v14, $0.0e+00;
	v55 =	vmul.f32 v20, v11;
	v15 =	vadd.f32 v15, v18  }
0x3ec: {  	v14 =	vmul.f32 v14, v12;
	v17 =	vadd.f32 v17, v21;
	v19 =	vmax.f32 v19, $0.0e+00  }
0x3ed: {  	v56 =	vmul.f32 v19, v12;
	v15 =	vadd.f32 v55, v15  }
0x3ee: {  	v14 =	vadd.f32 v14, v17  }
0x3ef: {  	v15 =	vadd.f32 v56, v15  }
0x3f0: {  	v17 =	vperm.xlane v14, v0  }
0x3f1: {  	v18 =	vperm.xlane v15, v0  }
0x3f2: {  	v14 =	vadd.f32 v14, v17  }
0x3f3: {  	v15 =	vadd.f32 v15, v18  }
0x3f4: {  	v17 =	vperm.xlane v14, v1  }
0x3f5: {  	v18 =	vperm.xlane v15, v1  }
0x3f6: {  	v14 =	vadd.f32 v14, v17  }
0x3f7: {  	v57 =	vperm.xlane v16, v2;
	v15 =	vadd.f32 v15, v18  }
0x3f8: {  	v17 =	vperm.xlane v14, v2  }
0x3f9: {  	v16 =	vadd.f32 v16, v57;
	v18 =	vperm.xlane v15, v2  }
0x3fa: {  	v14 =	vadd.f32 v14, v17  }
0x3fb: {  	v19 =	vperm.xlane v16, v3;
	v15 =	vadd.f32 v15, v18  }
0x3fc: {  	v58 =	vmov s29;
	v59 =	vperm.xlane v14, v3  }
0x3fd: {  	v61 =	vld [tilespmem:$0x12080];
	v62 =	vmov s28;
	v16 =	vadd.f32 v16, v19;
	v60 =	vperm.xlane v15, v3  }
0x3fe: {  	v63 =	vmov s26;
	vm0 =	veq.s32 v58, v4;
	v14 =	vadd.f32 v14, v59  }
0x3ff: {  	vm14 =	veq.s32 v62, v4;
	v13 =	vsel vm0, v16, v13;
	v15 =	vadd.f32 v15, v60  }
.Ltmp16:
0x400: {  	vm15 =	veq.s32 v63, v4;
	v13 =	vsel vm14, v14, v13;
	(pc) =	sbr.rel .LBB2_25-.Ltmp16, $3  }
0x401: {  	v13 =	vsel vm15, v15, v13  }
0x402: {  	v13 =	vadd.f32 v61, v13;
	_ =	sdelay $0x1  }
0x403: {  	[tilespmem:s25+$0x12140] =	vst v13  }
.LBB2_27:
0x404: {  	_ =	sfence.sel $0x180000  }
0x405: {  	[bflag:$0x0] =	sbarrier.arrive $0xFFFF  }
0x406: {  	_ =	strace $0x90000053  }
0x407: {  	s0 =	stileid.u32;
	[bflag:$0x2] =	sbarrier.arrive $0xFFFF  }
0x408: {  	p0 =	sne.s32 s0, $0x0;
	s0 =	rddreg [dreg:$0x3]  }
0x409: {  	s0 =	sadd.s32 @!p0 $0x100000, s0  }
0x40a: {  	[sflag:s0] =	ssyncadd.tile.s32 @!p0 $0x1;
	_ =	shalt  }
.Lfunc_end2:
_tile_overlayer_lowered:
.L_overlay_start_2:
0x40b: {  	(tag) =	ssettag $0x2  }
0x40c: {  	s0 =	rddreg [dreg:$0x0];
	s2 =	stileid.u32  }
0x40d: {  	s1 =	rddreg [dreg:$0x1];
	p0 =	sne.s32 s2, $0x0  }
0x40e: {  	s3 =	rddreg [dreg:$0x2];
	[bflag:$0x3] =	sbarrier.arrive $0xFFFF;
	s2 =	simm.s32 @!p0 $0x1C05  }
0x40f: {  	[timem:s3], [sflag:s2] =	dma.local @!p0 [hbm:s0], s1  }
0x410: {  	s0 =	simm.s32 @!p0 $0x5  }
0x411: {  	_ =	swait.ge @!p0 [sflag:s0], s1  }
0x412: {  	s1 =	ssub.s32 @!p0 $0x0, s1;
	[sflag:s0] =	ssyncset.done @!p0 $0x0  }
0x413: {  	[sflag:s0] =	ssyncadd.s32 @!p0 s1  }
0x414: {  	[bflag:$0x3] =	sbarrier.arrive $0xFFFF  }
0x415: {  	_ =	shalt  }

</sc_bundles>
